<compile_context>
chip_gen: v7x
topology: tpu7x:2x2x1
jax: 0.10.2.dev20260603
libtpu: 0.0.44.dev20260713+nightly
codegen_flags: <defaults>
</compile_context>

<pallas_src>
import functools

import jax
import jax.numpy as jnp
from jax import lax
from jax.experimental import pallas as pl
from jax.experimental.pallas import tpu as pltpu
from jax.experimental.pallas import tpu_sc as plsc

N = 10000
D = 128
E = 320000
L = 3

NC = 2
NS = 16
NW = NC * NS

CHUNK = 64
CPW = 160
EPW = CHUNK * CPW
E_PAD = NW * EPW
N_PAD = 10240
ROWS_PER_TILE = N_PAD // NS
DUMMY_DST = N_PAD - 8
NBUF = 5
GLA = 4
NI = 7


def _sc_agg_body(h_hbm, ei_hbm, out_hbm, idx, rows, agg_sh,
                 sem_i, sem_g, sem_s, sem_o):
    c = lax.axis_index("c")
    s = lax.axis_index("s")
    wid = s * NC + c

    def _start_i(j):
        sl = lax.rem(j, NI)
        pltpu.async_copy(ei_hbm.at[wid, j], idx.at[sl], sem_i.at[sl])

    def _wait_i(j):
        sl = lax.rem(j, NI)
        pltpu.make_async_copy(ei_hbm.at[wid, j], idx.at[sl],
                              sem_i.at[sl]).wait()

    def _start_g(j):
        sl = lax.rem(j, NI)
        b = lax.rem(j, NBUF)
        pltpu.async_copy(h_hbm.at[idx.at[sl, 0]], rows.at[b], sem_g.at[b])

    def _wait_g(j):
        sl = lax.rem(j, NI)
        b = lax.rem(j, NBUF)
        pltpu.make_async_copy(h_hbm.at[idx.at[sl, 0]], rows.at[b],
                              sem_g.at[b]).wait()

    def _start_s(j):
        sl = lax.rem(j, NI)
        b = lax.rem(j, NBUF)
        pltpu.async_copy(rows.at[b], agg_sh.at[idx.at[sl, 1]], sem_s.at[b],
                         add=True)

    def _wait_s(j):
        sl = lax.rem(j, NI)
        b = lax.rem(j, NBUF)
        pltpu.make_async_copy(rows.at[b], agg_sh.at[idx.at[sl, 1]],
                              sem_s.at[b]).wait()

    for j in range(GLA + 1):
        _start_i(j)
    for j in range(GLA):
        _wait_i(j)
        _start_g(j)

    def _zrow(i, _):
        for j in range(D // 16):
            rows[NBUF - 1, i, pl.ds(j * 16, 16)] = jnp.zeros((16,), jnp.float32)
        return _

    lax.fori_loop(0, CHUNK, _zrow, None)
    for t in range(ROWS_PER_TILE // CHUNK):
        r = s * ROWS_PER_TILE + t * CHUNK
        pltpu.async_copy(rows.at[NBUF - 1], agg_sh.at[pl.ds(r, CHUNK)], sem_o)
    for t in range(ROWS_PER_TILE // CHUNK):
        r = s * ROWS_PER_TILE + t * CHUNK
        pltpu.make_async_copy(rows.at[NBUF - 1], agg_sh.at[pl.ds(r, CHUNK)],
                              sem_o).wait()
    plsc.subcore_barrier()

    def _iter(i, _):
        j2 = i + GLA + 1

        @pl.when(j2 < CPW)
        def _():
            _start_i(j2)
        _wait_g(i)
        _start_s(i)
        j = i + GLA

        @pl.when(j < CPW)
        def _():
            @pl.when(j >= NBUF)
            def _():
                _wait_s(j - NBUF)
            _wait_i(j)
            _start_g(j)
        return _

    lax.fori_loop(0, CPW, _iter, None)
    for j in range(CPW - NBUF, CPW):
        _wait_s(j)
    plsc.subcore_barrier()

    for t in range(ROWS_PER_TILE // CHUNK):
        r = s * ROWS_PER_TILE + t * CHUNK
        pltpu.async_copy(agg_sh.at[pl.ds(r, CHUNK)],
                         out_hbm.at[c, pl.ds(r, CHUNK)], sem_o)
    for t in range(ROWS_PER_TILE // CHUNK):
        r = s * ROWS_PER_TILE + t * CHUNK
        pltpu.make_async_copy(agg_sh.at[pl.ds(r, CHUNK)],
                              out_hbm.at[c, pl.ds(r, CHUNK)], sem_o).wait()


_sc_agg = pl.kernel(
    _sc_agg_body,
    out_type=jax.ShapeDtypeStruct((NC, N_PAD, D), jnp.float32),
    mesh=plsc.VectorSubcoreMesh(core_axis_name="c", subcore_axis_name="s"),
    scratch_types=[
        pltpu.VMEM((NI, 2, CHUNK), jnp.int32),
        pltpu.VMEM((NBUF, CHUNK, D), jnp.float32),
        pltpu.VMEM_SHARED((N_PAD, D), jnp.float32),
        pltpu.SemaphoreType.DMA((NI,)),
        pltpu.SemaphoreType.DMA((NBUF,)),
        pltpu.SemaphoreType.DMA((NBUF,)),
        pltpu.SemaphoreType.DMA,
    ],
)


BLK = 2000
GRID = N // BLK


def _fused_body(h_ref, a0_ref, a1_ref, w1_ref, b1_ref, w2_ref, b2_ref,
                g_ref, be_ref, o_ref, z_sc, s_sc, ss_sc):
    p = pl.program_id(0)
    i = pl.program_id(1)

    @pl.when(p == 0)
    def _mlp():
        zin = h_ref[...] + a0_ref[0] + a1_ref[0]
        t = jnp.dot(zin, w1_ref[...], preferred_element_type=jnp.float32)
        t = jnp.maximum(t + b1_ref[...], 0.0)
        z2 = jnp.dot(t, w2_ref[...], preferred_element_type=jnp.float32)
        z2 = jnp.maximum(z2 + b2_ref[...], 0.0)
        z_sc[pl.ds(i * BLK, BLK), :] = z2
        ps = jnp.sum(z2.reshape(BLK // 8, 8, D), axis=0)
        pss = jnp.sum((z2 * z2).reshape(BLK // 8, 8, D), axis=0)

        @pl.when(i == 0)
        def _init():
            s_sc[...] = ps
            ss_sc[...] = pss

        @pl.when(i > 0)
        def _acc():
            s_sc[...] += ps
            ss_sc[...] += pss

    @pl.when(p == 1)
    def _bn():
        mean = jnp.sum(s_sc[...], axis=0, keepdims=True) * (1.0 / N)
        msq = jnp.sum(ss_sc[...], axis=0, keepdims=True) * (1.0 / N)
        var = msq - mean * mean
        inv = lax.rsqrt(var + 1e-5)
        scale = g_ref[...] * inv
        shift = be_ref[...] - mean * scale
        o_ref[...] = z_sc[pl.ds(i * BLK, BLK), :] * scale + shift


_fused = pl.pallas_call(
    _fused_body,
    grid=(2, GRID),
    in_specs=[
        pl.BlockSpec((BLK, D), lambda p, i: (i * (1 - p), 0)),
        pl.BlockSpec((1, BLK, D), lambda p, i: (0, i * (1 - p), 0)),
        pl.BlockSpec((1, BLK, D), lambda p, i: (1, i * (1 - p), 0)),
        pl.BlockSpec((D, D), lambda p, i: (0, 0)),
        pl.BlockSpec((1, D), lambda p, i: (0, 0)),
        pl.BlockSpec((D, D), lambda p, i: (0, 0)),
        pl.BlockSpec((1, D), lambda p, i: (0, 0)),
        pl.BlockSpec((1, D), lambda p, i: (0, 0)),
        pl.BlockSpec((1, D), lambda p, i: (0, 0)),
    ],
    out_specs=pl.BlockSpec((BLK, D), lambda p, i: (i * p, 0)),
    out_shape=jax.ShapeDtypeStruct((N, D), jnp.float32),
    scratch_shapes=[
        pltpu.VMEM((N, D), jnp.float32),
        pltpu.VMEM((8, D), jnp.float32),
        pltpu.VMEM((8, D), jnp.float32),
    ],
)


def kernel(x, edge_index,
           W1_0, b1_0, W2_0, b2_0, gamma_0, beta_0,
           W1_1, b1_1, W2_1, b2_1, gamma_1, beta_1,
           W1_2, b1_2, W2_2, b2_2, gamma_2, beta_2):
    params = [
        (W1_0, b1_0, W2_0, b2_0, gamma_0, beta_0),
        (W1_1, b1_1, W2_1, b2_1, gamma_1, beta_1),
        (W1_2, b1_2, W2_2, b2_2, gamma_2, beta_2),
    ]
    npad = E_PAD - E
    pad = jnp.stack([
        jnp.arange(npad, dtype=jnp.int32) % N,
        N + (jnp.arange(npad, dtype=jnp.int32) % (N_PAD - N)),
    ])
    ei = jnp.concatenate([edge_index, pad], axis=1)
    ei = ei.reshape(2, NW, CPW, CHUNK).transpose(1, 2, 0, 3)

    h = x
    for (W1, b1, W2, b2, g, be) in params:
        agg = _sc_agg(h, ei)
        h = _fused(h, agg, agg, W1, b1.reshape(1, D), W2, b2.reshape(1, D),
                   g.reshape(1, D), be.reshape(1, D))
    return h

# --- scband reference (transcript-rebuilt; emitter-appended) ---
"""Pipeline reference for scband-gin-67018669687296 (READ-ONLY COPY).

The authoritative reference and input builder live on the scoring server;
editing this copy changes nothing except your own understanding.
"""

import jax, jax.numpy as jnp
import numpy as np

N = 10000
E = 320000
D = 128
L = 3

def setup_inputs(seed: int = 0) -> dict:
    key = jax.random.key(seed)
    ks = jax.random.split(key, 2 + 4 * L)
    inp = {}
    inp['x'] = jax.random.normal(ks[0], (N, D), dtype=jnp.float32)
    inp['edge_index'] = jax.random.randint(ks[1], (2, E), 0, N, dtype=jnp.int32)
    s = 1.0 / np.sqrt(D)
    for l in range(L):
        k0, k1, k2, k3 = ks[2 + 4 * l], ks[3 + 4 * l], ks[4 + 4 * l], ks[5 + 4 * l]
        inp['W1_%d' % l] = jax.random.uniform(k0, (D, D), jnp.float32, -s, s)
        inp['b1_%d' % l] = jax.random.uniform(k1, (D,), jnp.float32, -s, s)
        inp['W2_%d' % l] = jax.random.uniform(k2, (D, D), jnp.float32, -s, s)
        inp['b2_%d' % l] = jax.random.uniform(k3, (D,), jnp.float32, -s, s)
        inp['gamma_%d' % l] = jnp.ones((D,), jnp.float32)
        inp['beta_%d' % l] = jnp.zeros((D,), jnp.float32)
    return inp

def reference(x, edge_index,
              W1_0, b1_0, W2_0, b2_0, gamma_0, beta_0,
              W1_1, b1_1, W2_1, b2_1, gamma_1, beta_1,
              W1_2, b1_2, W2_2, b2_2, gamma_2, beta_2):
    params = [
        (W1_0, b1_0, W2_0, b2_0, gamma_0, beta_0),
        (W1_1, b1_1, W2_1, b2_1, gamma_1, beta_1),
        (W1_2, b1_2, W2_2, b2_2, gamma_2, beta_2),
    ]
    src = edge_index[0]
    dst = edge_index[1]
    h = x
    for (W1, b1, W2, b2, g, be) in params:
        # GINConv with eps=0: MLP((1+eps)*x + sum_{j->i} x_j)
        agg = jax.ops.segment_sum(h[src], dst, num_segments=N)
        z = h + agg
        z = jnp.maximum(z @ W1 + b1, 0.0)
        z = z @ W2 + b2
        z = jnp.maximum(z, 0.0)  # F.relu after conv
        # BatchNorm1d (training-mode batch statistics, biased var)
        mean = jnp.mean(z, axis=0)
        var = jnp.var(z, axis=0)
        h = g * (z - mean) / jnp.sqrt(var + 1e-5) + be
    # dropout is identity at inference (and deterministic reference)
    return h

if __name__ == "__main__":
    import jax
    _d = setup_inputs()
    print(jax.jit(kernel)(*tuple(_d.values())))

</pallas_src>

<mosaic_0001>
#map = affine_map<(d0, d1) -> (0, 0)>
#map1 = affine_map<(d0, d1) -> (0, 0, 0, 0)>
#map2 = affine_map<(d0, d1) -> (0, 0, 0)>
module attributes {stable_mosaic.version = 14 : i64} {
  func.func @_sc_agg_body(%arg0: i32, %arg1: i32, %arg2: memref<10000x128xf32, #tpu.memory_space<hbm>>, %arg3: memref<32x160x2x64xi32, #tpu.memory_space<hbm>>, %arg4: memref<2x10240x128xf32, #tpu.memory_space<hbm>>, %arg5: memref<7x2x64xi32, #tpu.memory_space<vmem>>, %arg6: memref<5x64x128xf32, #tpu.memory_space<vmem>>, %arg7: memref<10240x128xf32, #tpu.memory_space<vmem_shared>>, %arg8: memref<7x!tpu.dma_semaphore, #tpu.memory_space<semaphore_mem>>, %arg9: memref<5x!tpu.dma_semaphore, #tpu.memory_space<semaphore_mem>>, %arg10: memref<5x!tpu.dma_semaphore, #tpu.memory_space<semaphore_mem>>, %arg11: memref<!tpu.dma_semaphore, #tpu.memory_space<semaphore_mem>>) attributes {dimension_semantics = [#tpu.dimension_semantics<core_parallel>, #tpu.dimension_semantics<subcore_parallel>], iteration_bounds = array<i64: 2, 16>, scalar_prefetch = 0 : i64, scratch_operands = 7 : i64, tpu.core_type = #tpu.core_type<sc_vector_subcore>, window_params = [{transform_indices = #map}, {transform_indices = #map1}, {transform_indices = #map2}]} {
    %mul3A = arith.constant 2 : i32
    %mul3A_0 = arith.muli %arg1, %mul3A : i32
    %add3A = arith.addi %mul3A_0, %arg0 : i32
    %rem3A = arith.constant 0 : i32
    %rem3A_1 = arith.constant 7 : i32
    %rem3A_2 = arith.remsi %rem3A, %rem3A_1 : i32
    %dma_start3A = arith.constant 0 : i32
    %dma_start3A_3 = arith.constant 0 : i32
    %dma_start3A_4 = arith.constant 0 : i32
    %dma_start3A_5 = tpu.memref_slice %arg5[%rem3A_2, %dma_start3A_3, %dma_start3A_4] : memref<7x2x64xi32, #tpu.memory_space<vmem>> -> memref<1x2x64xi32, #tpu.memory_space<vmem>>
    %dma_start3A_6 = tpu.memref_squeeze %dma_start3A_5 : memref<1x2x64xi32, #tpu.memory_space<vmem>> -> memref<2x64xi32, #tpu.memory_space<vmem>>
    %dma_start3A_7 = arith.constant 0 : i32
    %dma_start3A_8 = arith.constant 0 : i32
    %dma_start3A_9 = tpu.memref_slice %arg3[%add3A, %dma_start3A, %dma_start3A_7, %dma_start3A_8] : memref<32x160x2x64xi32, #tpu.memory_space<hbm>> -> memref<1x1x2x64xi32, #tpu.memory_space<hbm>>
    %dma_start3A_10 = tpu.memref_squeeze %dma_start3A_9 : memref<1x1x2x64xi32, #tpu.memory_space<hbm>> -> memref<2x64xi32, #tpu.memory_space<hbm>>
    %dma_start3A_11 = tpu.memref_slice %arg8[%rem3A_2] : memref<7x!tpu.dma_semaphore, #tpu.memory_space<semaphore_mem>> -> memref<1x!tpu.dma_semaphore, #tpu.memory_space<semaphore_mem>>
    %dma_start3A_12 = tpu.memref_squeeze %dma_start3A_11 : memref<1x!tpu.dma_semaphore, #tpu.memory_space<semaphore_mem>> -> memref<!tpu.dma_semaphore, #tpu.memory_space<semaphore_mem>>
    %dma_start3A_13 = arith.constant 0 : i32
    %dma_start3A_14 = arith.constant 0 : i32
    %dma_start3A_15 = tpu.memref_slice %arg5[%rem3A_2, %dma_start3A_13, %dma_start3A_14] : memref<7x2x64xi32, #tpu.memory_space<vmem>> -> memref<1x2x64xi32, #tpu.memory_space<vmem>>
    %dma_start3A_16 = tpu.memref_squeeze %dma_start3A_15 : memref<1x2x64xi32, #tpu.memory_space<vmem>> -> memref<2x64xi32, #tpu.memory_space<vmem>>
    %dma_start3A_17 = arith.constant 0 : i32
    %dma_start3A_18 = arith.constant 0 : i32
    %dma_start3A_19 = tpu.memref_slice %arg3[%add3A, %dma_start3A, %dma_start3A_17, %dma_start3A_18] : memref<32x160x2x64xi32, #tpu.memory_space<hbm>> -> memref<1x1x2x64xi32, #tpu.memory_space<hbm>>
    %dma_start3A_20 = tpu.memref_squeeze %dma_start3A_19 : memref<1x1x2x64xi32, #tpu.memory_space<hbm>> -> memref<2x64xi32, #tpu.memory_space<hbm>>
    tpu.enqueue_dma source(%dma_start3A_20 : memref<2x64xi32, #tpu.memory_space<hbm>>) target(%dma_start3A_16 : memref<2x64xi32, #tpu.memory_space<vmem>>) target_semaphore(%dma_start3A_12 : memref<!tpu.dma_semaphore, #tpu.memory_space<semaphore_mem>>)
    %rem3A_21 = arith.constant 1 : i32
    %rem3A_22 = arith.constant 7 : i32
    %rem3A_23 = arith.remsi %rem3A_21, %rem3A_22 : i32
    %dma_start3A_24 = arith.constant 1 : i32
    %dma_start3A_25 = arith.constant 0 : i32
    %dma_start3A_26 = arith.constant 0 : i32
    %dma_start3A_27 = tpu.memref_slice %arg5[%rem3A_23, %dma_start3A_25, %dma_start3A_26] : memref<7x2x64xi32, #tpu.memory_space<vmem>> -> memref<1x2x64xi32, #tpu.memory_space<vmem>>
    %dma_start3A_28 = tpu.memref_squeeze %dma_start3A_27 : memref<1x2x64xi32, #tpu.memory_space<vmem>> -> memref<2x64xi32, #tpu.memory_space<vmem>>
    %dma_start3A_29 = arith.constant 0 : i32
    %dma_start3A_30 = arith.constant 0 : i32
    %dma_start3A_31 = tpu.memref_slice %arg3[%add3A, %dma_start3A_24, %dma_start3A_29, %dma_start3A_30] : memref<32x160x2x64xi32, #tpu.memory_space<hbm>> -> memref<1x1x2x64xi32, #tpu.memory_space<hbm>>
    %dma_start3A_32 = tpu.memref_squeeze %dma_start3A_31 : memref<1x1x2x64xi32, #tpu.memory_space<hbm>> -> memref<2x64xi32, #tpu.memory_space<hbm>>
    %dma_start3A_33 = tpu.memref_slice %arg8[%rem3A_23] : memref<7x!tpu.dma_semaphore, #tpu.memory_space<semaphore_mem>> -> memref<1x!tpu.dma_semaphore, #tpu.memory_space<semaphore_mem>>
    %dma_start3A_34 = tpu.memref_squeeze %dma_start3A_33 : memref<1x!tpu.dma_semaphore, #tpu.memory_space<semaphore_mem>> -> memref<!tpu.dma_semaphore, #tpu.memory_space<semaphore_mem>>
    %dma_start3A_35 = arith.constant 0 : i32
    %dma_start3A_36 = arith.constant 0 : i32
    %dma_start3A_37 = tpu.memref_slice %arg5[%rem3A_23, %dma_start3A_35, %dma_start3A_36] : memref<7x2x64xi32, #tpu.memory_space<vmem>> -> memref<1x2x64xi32, #tpu.memory_space<vmem>>
    %dma_start3A_38 = tpu.memref_squeeze %dma_start3A_37 : memref<1x2x64xi32, #tpu.memory_space<vmem>> -> memref<2x64xi32, #tpu.memory_space<vmem>>
    %dma_start3A_39 = arith.constant 0 : i32
    %dma_start3A_40 = arith.constant 0 : i32
    %dma_start3A_41 = tpu.memref_slice %arg3[%add3A, %dma_start3A_24, %dma_start3A_39, %dma_start3A_40] : memref<32x160x2x64xi32, #tpu.memory_space<hbm>> -> memref<1x1x2x64xi32, #tpu.memory_space<hbm>>
    %dma_start3A_42 = tpu.memref_squeeze %dma_start3A_41 : memref<1x1x2x64xi32, #tpu.memory_space<hbm>> -> memref<2x64xi32, #tpu.memory_space<hbm>>
    tpu.enqueue_dma source(%dma_start3A_42 : memref<2x64xi32, #tpu.memory_space<hbm>>) target(%dma_start3A_38 : memref<2x64xi32, #tpu.memory_space<vmem>>) target_semaphore(%dma_start3A_34 : memref<!tpu.dma_semaphore, #tpu.memory_space<semaphore_mem>>)
    %rem3A_43 = arith.constant 2 : i32
    %rem3A_44 = arith.constant 7 : i32
    %rem3A_45 = arith.remsi %rem3A_43, %rem3A_44 : i32
    %dma_start3A_46 = arith.constant 2 : i32
    %dma_start3A_47 = arith.constant 0 : i32
    %dma_start3A_48 = arith.constant 0 : i32
    %dma_start3A_49 = tpu.memref_slice %arg5[%rem3A_45, %dma_start3A_47, %dma_start3A_48] : memref<7x2x64xi32, #tpu.memory_space<vmem>> -> memref<1x2x64xi32, #tpu.memory_space<vmem>>
    %dma_start3A_50 = tpu.memref_squeeze %dma_start3A_49 : memref<1x2x64xi32, #tpu.memory_space<vmem>> -> memref<2x64xi32, #tpu.memory_space<vmem>>
    %dma_start3A_51 = arith.constant 0 : i32
    %dma_start3A_52 = arith.constant 0 : i32
    %dma_start3A_53 = tpu.memref_slice %arg3[%add3A, %dma_start3A_46, %dma_start3A_51, %dma_start3A_52] : memref<32x160x2x64xi32, #tpu.memory_space<hbm>> -> memref<1x1x2x64xi32, #tpu.memory_space<hbm>>
    %dma_start3A_54 = tpu.memref_squeeze %dma_start3A_53 : memref<1x1x2x64xi32, #tpu.memory_space<hbm>> -> memref<2x64xi32, #tpu.memory_space<hbm>>
    %dma_start3A_55 = tpu.memref_slice %arg8[%rem3A_45] : memref<7x!tpu.dma_semaphore, #tpu.memory_space<semaphore_mem>> -> memref<1x!tpu.dma_semaphore, #tpu.memory_space<semaphore_mem>>
    %dma_start3A_56 = tpu.memref_squeeze %dma_start3A_55 : memref<1x!tpu.dma_semaphore, #tpu.memory_space<semaphore_mem>> -> memref<!tpu.dma_semaphore, #tpu.memory_space<semaphore_mem>>
    %dma_start3A_57 = arith.constant 0 : i32
    %dma_start3A_58 = arith.constant 0 : i32
    %dma_start3A_59 = tpu.memref_slice %arg5[%rem3A_45, %dma_start3A_57, %dma_start3A_58] : memref<7x2x64xi32, #tpu.memory_space<vmem>> -> memref<1x2x64xi32, #tpu.memory_space<vmem>>
    %dma_start3A_60 = tpu.memref_squeeze %dma_start3A_59 : memref<1x2x64xi32, #tpu.memory_space<vmem>> -> memref<2x64xi32, #tpu.memory_space<vmem>>
    %dma_start3A_61 = arith.constant 0 : i32
    %dma_start3A_62 = arith.constant 0 : i32
    %dma_start3A_63 = tpu.memref_slice %arg3[%add3A, %dma_start3A_46, %dma_start3A_61, %dma_start3A_62] : memref<32x160x2x64xi32, #tpu.memory_space<hbm>> -> memref<1x1x2x64xi32, #tpu.memory_space<hbm>>
    %dma_start3A_64 = tpu.memref_squeeze %dma_start3A_63 : memref<1x1x2x64xi32, #tpu.memory_space<hbm>> -> memref<2x64xi32, #tpu.memory_space<hbm>>
    tpu.enqueue_dma source(%dma_start3A_64 : memref<2x64xi32, #tpu.memory_space<hbm>>) target(%dma_start3A_60 : memref<2x64xi32, #tpu.memory_space<vmem>>) target_semaphore(%dma_start3A_56 : memref<!tpu.dma_semaphore, #tpu.memory_space<semaphore_mem>>)
    %rem3A_65 = arith.constant 3 : i32
    %rem3A_66 = arith.constant 7 : i32
    %rem3A_67 = arith.remsi %rem3A_65, %rem3A_66 : i32
    %dma_start3A_68 = arith.constant 3 : i32
    %dma_start3A_69 = arith.constant 0 : i32
    %dma_start3A_70 = arith.constant 0 : i32
    %dma_start3A_71 = tpu.memref_slice %arg5[%rem3A_67, %dma_start3A_69, %dma_start3A_70] : memref<7x2x64xi32, #tpu.memory_space<vmem>> -> memref<1x2x64xi32, #tpu.memory_space<vmem>>
    %dma_start3A_72 = tpu.memref_squeeze %dma_start3A_71 : memref<1x2x64xi32, #tpu.memory_space<vmem>> -> memref<2x64xi32, #tpu.memory_space<vmem>>
    %dma_start3A_73 = arith.constant 0 : i32
    %dma_start3A_74 = arith.constant 0 : i32
    %dma_start3A_75 = tpu.memref_slice %arg3[%add3A, %dma_start3A_68, %dma_start3A_73, %dma_start3A_74] : memref<32x160x2x64xi32, #tpu.memory_space<hbm>> -> memref<1x1x2x64xi32, #tpu.memory_space<hbm>>
    %dma_start3A_76 = tpu.memref_squeeze %dma_start3A_75 : memref<1x1x2x64xi32, #tpu.memory_space<hbm>> -> memref<2x64xi32, #tpu.memory_space<hbm>>
    %dma_start3A_77 = tpu.memref_slice %arg8[%rem3A_67] : memref<7x!tpu.dma_semaphore, #tpu.memory_space<semaphore_mem>> -> memref<1x!tpu.dma_semaphore, #tpu.memory_space<semaphore_mem>>
    %dma_start3A_78 = tpu.memref_squeeze %dma_start3A_77 : memref<1x!tpu.dma_semaphore, #tpu.memory_space<semaphore_mem>> -> memref<!tpu.dma_semaphore, #tpu.memory_space<semaphore_mem>>
    %dma_start3A_79 = arith.constant 0 : i32
    %dma_start3A_80 = arith.constant 0 : i32
    %dma_start3A_81 = tpu.memref_slice %arg5[%rem3A_67, %dma_start3A_79, %dma_start3A_80] : memref<7x2x64xi32, #tpu.memory_space<vmem>> -> memref<1x2x64xi32, #tpu.memory_space<vmem>>
    %dma_start3A_82 = tpu.memref_squeeze %dma_start3A_81 : memref<1x2x64xi32, #tpu.memory_space<vmem>> -> memref<2x64xi32, #tpu.memory_space<vmem>>
    %dma_start3A_83 = arith.constant 0 : i32
    %dma_start3A_84 = arith.constant 0 : i32
    %dma_start3A_85 = tpu.memref_slice %arg3[%add3A, %dma_start3A_68, %dma_start3A_83, %dma_start3A_84] : memref<32x160x2x64xi32, #tpu.memory_space<hbm>> -> memref<1x1x2x64xi32, #tpu.memory_space<hbm>>
    %dma_start3A_86 = tpu.memref_squeeze %dma_start3A_85 : memref<1x1x2x64xi32, #tpu.memory_space<hbm>> -> memref<2x64xi32, #tpu.memory_space<hbm>>
    tpu.enqueue_dma source(%dma_start3A_86 : memref<2x64xi32, #tpu.memory_space<hbm>>) target(%dma_start3A_82 : memref<2x64xi32, #tpu.memory_space<vmem>>) target_semaphore(%dma_start3A_78 : memref<!tpu.dma_semaphore, #tpu.memory_space<semaphore_mem>>)
    %rem3A_87 = arith.constant 4 : i32
    %rem3A_88 = arith.constant 7 : i32
    %rem3A_89 = arith.remsi %rem3A_87, %rem3A_88 : i32
    %dma_start3A_90 = arith.constant 4 : i32
    %dma_start3A_91 = arith.constant 0 : i32
    %dma_start3A_92 = arith.constant 0 : i32
    %dma_start3A_93 = tpu.memref_slice %arg5[%rem3A_89, %dma_start3A_91, %dma_start3A_92] : memref<7x2x64xi32, #tpu.memory_space<vmem>> -> memref<1x2x64xi32, #tpu.memory_space<vmem>>
    %dma_start3A_94 = tpu.memref_squeeze %dma_start3A_93 : memref<1x2x64xi32, #tpu.memory_space<vmem>> -> memref<2x64xi32, #tpu.memory_space<vmem>>
    %dma_start3A_95 = arith.constant 0 : i32
    %dma_start3A_96 = arith.constant 0 : i32
    %dma_start3A_97 = tpu.memref_slice %arg3[%add3A, %dma_start3A_90, %dma_start3A_95, %dma_start3A_96] : memref<32x160x2x64xi32, #tpu.memory_space<hbm>> -> memref<1x1x2x64xi32, #tpu.memory_space<hbm>>
    %dma_start3A_98 = tpu.memref_squeeze %dma_start3A_97 : memref<1x1x2x64xi32, #tpu.memory_space<hbm>> -> memref<2x64xi32, #tpu.memory_space<hbm>>
    %dma_start3A_99 = tpu.memref_slice %arg8[%rem3A_89] : memref<7x!tpu.dma_semaphore, #tpu.memory_space<semaphore_mem>> -> memref<1x!tpu.dma_semaphore, #tpu.memory_space<semaphore_mem>>
    %dma_start3A_100 = tpu.memref_squeeze %dma_start3A_99 : memref<1x!tpu.dma_semaphore, #tpu.memory_space<semaphore_mem>> -> memref<!tpu.dma_semaphore, #tpu.memory_space<semaphore_mem>>
    %dma_start3A_101 = arith.constant 0 : i32
    %dma_start3A_102 = arith.constant 0 : i32
    %dma_start3A_103 = tpu.memref_slice %arg5[%rem3A_89, %dma_start3A_101, %dma_start3A_102] : memref<7x2x64xi32, #tpu.memory_space<vmem>> -> memref<1x2x64xi32, #tpu.memory_space<vmem>>
    %dma_start3A_104 = tpu.memref_squeeze %dma_start3A_103 : memref<1x2x64xi32, #tpu.memory_space<vmem>> -> memref<2x64xi32, #tpu.memory_space<vmem>>
    %dma_start3A_105 = arith.constant 0 : i32
    %dma_start3A_106 = arith.constant 0 : i32
    %dma_start3A_107 = tpu.memref_slice %arg3[%add3A, %dma_start3A_90, %dma_start3A_105, %dma_start3A_106] : memref<32x160x2x64xi32, #tpu.memory_space<hbm>> -> memref<1x1x2x64xi32, #tpu.memory_space<hbm>>
    %dma_start3A_108 = tpu.memref_squeeze %dma_start3A_107 : memref<1x1x2x64xi32, #tpu.memory_space<hbm>> -> memref<2x64xi32, #tpu.memory_space<hbm>>
    tpu.enqueue_dma source(%dma_start3A_108 : memref<2x64xi32, #tpu.memory_space<hbm>>) target(%dma_start3A_104 : memref<2x64xi32, #tpu.memory_space<vmem>>) target_semaphore(%dma_start3A_100 : memref<!tpu.dma_semaphore, #tpu.memory_space<semaphore_mem>>)
    %rem3A_109 = arith.constant 0 : i32
    %rem3A_110 = arith.constant 7 : i32
    %rem3A_111 = arith.remsi %rem3A_109, %rem3A_110 : i32
    %dma_wait3A = arith.constant 0 : i32
    %dma_wait3A_112 = arith.constant 0 : i32
    %dma_wait3A_113 = arith.constant 0 : i32
    %dma_wait3A_114 = tpu.memref_slice %arg5[%rem3A_111, %dma_wait3A_112, %dma_wait3A_113] : memref<7x2x64xi32, #tpu.memory_space<vmem>> -> memref<1x2x64xi32, #tpu.memory_space<vmem>>
    %dma_wait3A_115 = tpu.memref_squeeze %dma_wait3A_114 : memref<1x2x64xi32, #tpu.memory_space<vmem>> -> memref<2x64xi32, #tpu.memory_space<vmem>>
    %dma_wait3A_116 = arith.constant 0 : i32
    %dma_wait3A_117 = arith.constant 0 : i32
    %dma_wait3A_118 = tpu.memref_slice %arg3[%add3A, %dma_wait3A, %dma_wait3A_116, %dma_wait3A_117] : memref<32x160x2x64xi32, #tpu.memory_space<hbm>> -> memref<1x1x2x64xi32, #tpu.memory_space<hbm>>
    %dma_wait3A_119 = tpu.memref_squeeze %dma_wait3A_118 : memref<1x1x2x64xi32, #tpu.memory_space<hbm>> -> memref<2x64xi32, #tpu.memory_space<hbm>>
    %dma_wait3A_120 = tpu.memref_slice %arg8[%rem3A_111] : memref<7x!tpu.dma_semaphore, #tpu.memory_space<semaphore_mem>> -> memref<1x!tpu.dma_semaphore, #tpu.memory_space<semaphore_mem>>
    %dma_wait3A_121 = tpu.memref_squeeze %dma_wait3A_120 : memref<1x!tpu.dma_semaphore, #tpu.memory_space<semaphore_mem>> -> memref<!tpu.dma_semaphore, #tpu.memory_space<semaphore_mem>>
    %dma_wait3A_122 = arith.constant 0 : i32
    %dma_wait3A_123 = arith.constant 0 : i32
    %dma_wait3A_124 = tpu.memref_slice %arg5[%rem3A_111, %dma_wait3A_122, %dma_wait3A_123] : memref<7x2x64xi32, #tpu.memory_space<vmem>> -> memref<1x2x64xi32, #tpu.memory_space<vmem>>
    %dma_wait3A_125 = tpu.memref_squeeze %dma_wait3A_124 : memref<1x2x64xi32, #tpu.memory_space<vmem>> -> memref<2x64xi32, #tpu.memory_space<vmem>>
    %dma_wait3A_126 = arith.constant 0 : i32
    %dma_wait3A_127 = arith.constant 0 : i32
    %dma_wait3A_128 = tpu.memref_slice %arg3[%add3A, %dma_wait3A, %dma_wait3A_126, %dma_wait3A_127] : memref<32x160x2x64xi32, #tpu.memory_space<hbm>> -> memref<1x1x2x64xi32, #tpu.memory_space<hbm>>
    %dma_wait3A_129 = tpu.memref_squeeze %dma_wait3A_128 : memref<1x1x2x64xi32, #tpu.memory_space<hbm>> -> memref<2x64xi32, #tpu.memory_space<hbm>>
    tpu.wait_dma2 semaphore(%dma_wait3A_121 : memref<!tpu.dma_semaphore, #tpu.memory_space<semaphore_mem>>) src(%dma_wait3A_129 : memref<2x64xi32, #tpu.memory_space<hbm>>) dst(%dma_wait3A_125 : memref<2x64xi32, #tpu.memory_space<vmem>>)
    %rem3A_130 = arith.constant 0 : i32
    %rem3A_131 = arith.constant 7 : i32
    %rem3A_132 = arith.remsi %rem3A_130, %rem3A_131 : i32
    %rem3A_133 = arith.constant 0 : i32
    %rem3A_134 = arith.constant 5 : i32
    %rem3A_135 = arith.remsi %rem3A_133, %rem3A_134 : i32
    %dma_start3A_136 = arith.constant 0 : i32
    %dma_start3A_137 = arith.constant 0 : i32
    %dma_start3A_138 = arith.constant 0 : i32
    %dma_start3A_139 = tpu.memref_slice %arg6[%rem3A_135, %dma_start3A_137, %dma_start3A_138] : memref<5x64x128xf32, #tpu.memory_space<vmem>> -> memref<1x64x128xf32, #tpu.memory_space<vmem>>
    %dma_start3A_140 = tpu.memref_squeeze %dma_start3A_139 : memref<1x64x128xf32, #tpu.memory_space<vmem>> -> memref<64x128xf32, #tpu.memory_space<vmem>>
    %dma_start3A_141 = arith.constant 0 : i32
    %dma_start3A_142 = tpu.memref_slice %arg5[%rem3A_132, %dma_start3A_136, %dma_start3A_141] : memref<7x2x64xi32, #tpu.memory_space<vmem>> -> memref<1x1x64xi32, #tpu.memory_space<vmem>>
    %dma_start3A_143 = tpu.memref_squeeze %dma_start3A_142 : memref<1x1x64xi32, #tpu.memory_space<vmem>> -> memref<64xi32, #tpu.memory_space<vmem>>
    %dma_start3A_144 = arith.constant 0 : i32
    %dma_start3A_145 = arith.constant 0 : i32
    %dma_start3A_146 = tpu.memref_slice %arg2[%dma_start3A_144, %dma_start3A_145] : memref<10000x128xf32, #tpu.memory_space<hbm>> -> memref<10000x128xf32, #tpu.memory_space<hbm>>
    %dma_start3A_147 = tpu.memref_slice %arg9[%rem3A_135] : memref<5x!tpu.dma_semaphore, #tpu.memory_space<semaphore_mem>> -> memref<1x!tpu.dma_semaphore, #tpu.memory_space<semaphore_mem>>
    %dma_start3A_148 = tpu.memref_squeeze %dma_start3A_147 : memref<1x!tpu.dma_semaphore, #tpu.memory_space<semaphore_mem>> -> memref<!tpu.dma_semaphore, #tpu.memory_space<semaphore_mem>>
    tpu.enqueue_indirect_dma source(%dma_start3A_146 : memref<10000x128xf32, #tpu.memory_space<hbm>>) target(%dma_start3A_140 : memref<64x128xf32, #tpu.memory_space<vmem>>) offsets(%dma_start3A_143 : memref<64xi32, #tpu.memory_space<vmem>>) semaphore(%dma_start3A_148 : memref<!tpu.dma_semaphore, #tpu.memory_space<semaphore_mem>>)
    %rem3A_149 = arith.constant 1 : i32
    %rem3A_150 = arith.constant 7 : i32
    %rem3A_151 = arith.remsi %rem3A_149, %rem3A_150 : i32
    %dma_wait3A_152 = arith.constant 1 : i32
    %dma_wait3A_153 = arith.constant 0 : i32
    %dma_wait3A_154 = arith.constant 0 : i32
    %dma_wait3A_155 = tpu.memref_slice %arg5[%rem3A_151, %dma_wait3A_153, %dma_wait3A_154] : memref<7x2x64xi32, #tpu.memory_space<vmem>> -> memref<1x2x64xi32, #tpu.memory_space<vmem>>
    %dma_wait3A_156 = tpu.memref_squeeze %dma_wait3A_155 : memref<1x2x64xi32, #tpu.memory_space<vmem>> -> memref<2x64xi32, #tpu.memory_space<vmem>>
    %dma_wait3A_157 = arith.constant 0 : i32
    %dma_wait3A_158 = arith.constant 0 : i32
    %dma_wait3A_159 = tpu.memref_slice %arg3[%add3A, %dma_wait3A_152, %dma_wait3A_157, %dma_wait3A_158] : memref<32x160x2x64xi32, #tpu.memory_space<hbm>> -> memref<1x1x2x64xi32, #tpu.memory_space<hbm>>
    %dma_wait3A_160 = tpu.memref_squeeze %dma_wait3A_159 : memref<1x1x2x64xi32, #tpu.memory_space<hbm>> -> memref<2x64xi32, #tpu.memory_space<hbm>>
    %dma_wait3A_161 = tpu.memref_slice %arg8[%rem3A_151] : memref<7x!tpu.dma_semaphore, #tpu.memory_space<semaphore_mem>> -> memref<1x!tpu.dma_semaphore, #tpu.memory_space<semaphore_mem>>
    %dma_wait3A_162 = tpu.memref_squeeze %dma_wait3A_161 : memref<1x!tpu.dma_semaphore, #tpu.memory_space<semaphore_mem>> -> memref<!tpu.dma_semaphore, #tpu.memory_space<semaphore_mem>>
    %dma_wait3A_163 = arith.constant 0 : i32
    %dma_wait3A_164 = arith.constant 0 : i32
    %dma_wait3A_165 = tpu.memref_slice %arg5[%rem3A_151, %dma_wait3A_163, %dma_wait3A_164] : memref<7x2x64xi32, #tpu.memory_space<vmem>> -> memref<1x2x64xi32, #tpu.memory_space<vmem>>
    %dma_wait3A_166 = tpu.memref_squeeze %dma_wait3A_165 : memref<1x2x64xi32, #tpu.memory_space<vmem>> -> memref<2x64xi32, #tpu.memory_space<vmem>>
    %dma_wait3A_167 = arith.constant 0 : i32
    %dma_wait3A_168 = arith.constant 0 : i32
    %dma_wait3A_169 = tpu.memref_slice %arg3[%add3A, %dma_wait3A_152, %dma_wait3A_167, %dma_wait3A_168] : memref<32x160x2x64xi32, #tpu.memory_space<hbm>> -> memref<1x1x2x64xi32, #tpu.memory_space<hbm>>
    %dma_wait3A_170 = tpu.memref_squeeze %dma_wait3A_169 : memref<1x1x2x64xi32, #tpu.memory_space<hbm>> -> memref<2x64xi32, #tpu.memory_space<hbm>>
    tpu.wait_dma2 semaphore(%dma_wait3A_162 : memref<!tpu.dma_semaphore, #tpu.memory_space<semaphore_mem>>) src(%dma_wait3A_170 : memref<2x64xi32, #tpu.memory_space<hbm>>) dst(%dma_wait3A_166 : memref<2x64xi32, #tpu.memory_space<vmem>>)
    %rem3A_171 = arith.constant 1 : i32
    %rem3A_172 = arith.constant 7 : i32
    %rem3A_173 = arith.remsi %rem3A_171, %rem3A_172 : i32
    %rem3A_174 = arith.constant 1 : i32
    %rem3A_175 = arith.constant 5 : i32
    %rem3A_176 = arith.remsi %rem3A_174, %rem3A_175 : i32
    %dma_start3A_177 = arith.constant 0 : i32
    %dma_start3A_178 = arith.constant 0 : i32
    %dma_start3A_179 = arith.constant 0 : i32
    %dma_start3A_180 = tpu.memref_slice %arg6[%rem3A_176, %dma_start3A_178, %dma_start3A_179] : memref<5x64x128xf32, #tpu.memory_space<vmem>> -> memref<1x64x128xf32, #tpu.memory_space<vmem>>
    %dma_start3A_181 = tpu.memref_squeeze %dma_start3A_180 : memref<1x64x128xf32, #tpu.memory_space<vmem>> -> memref<64x128xf32, #tpu.memory_space<vmem>>
    %dma_start3A_182 = arith.constant 0 : i32
    %dma_start3A_183 = tpu.memref_slice %arg5[%rem3A_173, %dma_start3A_177, %dma_start3A_182] : memref<7x2x64xi32, #tpu.memory_space<vmem>> -> memref<1x1x64xi32, #tpu.memory_space<vmem>>
    %dma_start3A_184 = tpu.memref_squeeze %dma_start3A_183 : memref<1x1x64xi32, #tpu.memory_space<vmem>> -> memref<64xi32, #tpu.memory_space<vmem>>
    %dma_start3A_185 = arith.constant 0 : i32
    %dma_start3A_186 = arith.constant 0 : i32
    %dma_start3A_187 = tpu.memref_slice %arg2[%dma_start3A_185, %dma_start3A_186] : memref<10000x128xf32, #tpu.memory_space<hbm>> -> memref<10000x128xf32, #tpu.memory_space<hbm>>
    %dma_start3A_188 = tpu.memref_slice %arg9[%rem3A_176] : memref<5x!tpu.dma_semaphore, #tpu.memory_space<semaphore_mem>> -> memref<1x!tpu.dma_semaphore, #tpu.memory_space<semaphore_mem>>
    %dma_start3A_189 = tpu.memref_squeeze %dma_start3A_188 : memref<1x!tpu.dma_semaphore, #tpu.memory_space<semaphore_mem>> -> memref<!tpu.dma_semaphore, #tpu.memory_space<semaphore_mem>>
    tpu.enqueue_indirect_dma source(%dma_start3A_187 : memref<10000x128xf32, #tpu.memory_space<hbm>>) target(%dma_start3A_181 : memref<64x128xf32, #tpu.memory_space<vmem>>) offsets(%dma_start3A_184 : memref<64xi32, #tpu.memory_space<vmem>>) semaphore(%dma_start3A_189 : memref<!tpu.dma_semaphore, #tpu.memory_space<semaphore_mem>>)
    %rem3A_190 = arith.constant 2 : i32
    %rem3A_191 = arith.constant 7 : i32
    %rem3A_192 = arith.remsi %rem3A_190, %rem3A_191 : i32
    %dma_wait3A_193 = arith.constant 2 : i32
    %dma_wait3A_194 = arith.constant 0 : i32
    %dma_wait3A_195 = arith.constant 0 : i32
    %dma_wait3A_196 = tpu.memref_slice %arg5[%rem3A_192, %dma_wait3A_194, %dma_wait3A_195] : memref<7x2x64xi32, #tpu.memory_space<vmem>> -> memref<1x2x64xi32, #tpu.memory_space<vmem>>
    %dma_wait3A_197 = tpu.memref_squeeze %dma_wait3A_196 : memref<1x2x64xi32, #tpu.memory_space<vmem>> -> memref<2x64xi32, #tpu.memory_space<vmem>>
    %dma_wait3A_198 = arith.constant 0 : i32
    %dma_wait3A_199 = arith.constant 0 : i32
    %dma_wait3A_200 = tpu.memref_slice %arg3[%add3A, %dma_wait3A_193, %dma_wait3A_198, %dma_wait3A_199] : memref<32x160x2x64xi32, #tpu.memory_space<hbm>> -> memref<1x1x2x64xi32, #tpu.memory_space<hbm>>
    %dma_wait3A_201 = tpu.memref_squeeze %dma_wait3A_200 : memref<1x1x2x64xi32, #tpu.memory_space<hbm>> -> memref<2x64xi32, #tpu.memory_space<hbm>>
    %dma_wait3A_202 = tpu.memref_slice %arg8[%rem3A_192] : memref<7x!tpu.dma_semaphore, #tpu.memory_space<semaphore_mem>> -> memref<1x!tpu.dma_semaphore, #tpu.memory_space<semaphore_mem>>
    %dma_wait3A_203 = tpu.memref_squeeze %dma_wait3A_202 : memref<1x!tpu.dma_semaphore, #tpu.memory_space<semaphore_mem>> -> memref<!tpu.dma_semaphore, #tpu.memory_space<semaphore_mem>>
    %dma_wait3A_204 = arith.constant 0 : i32
    %dma_wait3A_205 = arith.constant 0 : i32
    %dma_wait3A_206 = tpu.memref_slice %arg5[%rem3A_192, %dma_wait3A_204, %dma_wait3A_205] : memref<7x2x64xi32, #tpu.memory_space<vmem>> -> memref<1x2x64xi32, #tpu.memory_space<vmem>>
    %dma_wait3A_207 = tpu.memref_squeeze %dma_wait3A_206 : memref<1x2x64xi32, #tpu.memory_space<vmem>> -> memref<2x64xi32, #tpu.memory_space<vmem>>
    %dma_wait3A_208 = arith.constant 0 : i32
    %dma_wait3A_209 = arith.constant 0 : i32
    %dma_wait3A_210 = tpu.memref_slice %arg3[%add3A, %dma_wait3A_193, %dma_wait3A_208, %dma_wait3A_209] : memref<32x160x2x64xi32, #tpu.memory_space<hbm>> -> memref<1x1x2x64xi32, #tpu.memory_space<hbm>>
    %dma_wait3A_211 = tpu.memref_squeeze %dma_wait3A_210 : memref<1x1x2x64xi32, #tpu.memory_space<hbm>> -> memref<2x64xi32, #tpu.memory_space<hbm>>
    tpu.wait_dma2 semaphore(%dma_wait3A_203 : memref<!tpu.dma_semaphore, #tpu.memory_space<semaphore_mem>>) src(%dma_wait3A_211 : memref<2x64xi32, #tpu.memory_space<hbm>>) dst(%dma_wait3A_207 : memref<2x64xi32, #tpu.memory_space<vmem>>)
    %rem3A_212 = arith.constant 2 : i32
    %rem3A_213 = arith.constant 7 : i32
    %rem3A_214 = arith.remsi %rem3A_212, %rem3A_213 : i32
    %rem3A_215 = arith.constant 2 : i32
    %rem3A_216 = arith.constant 5 : i32
    %rem3A_217 = arith.remsi %rem3A_215, %rem3A_216 : i32
    %dma_start3A_218 = arith.constant 0 : i32
    %dma_start3A_219 = arith.constant 0 : i32
    %dma_start3A_220 = arith.constant 0 : i32
    %dma_start3A_221 = tpu.memref_slice %arg6[%rem3A_217, %dma_start3A_219, %dma_start3A_220] : memref<5x64x128xf32, #tpu.memory_space<vmem>> -> memref<1x64x128xf32, #tpu.memory_space<vmem>>
    %dma_start3A_222 = tpu.memref_squeeze %dma_start3A_221 : memref<1x64x128xf32, #tpu.memory_space<vmem>> -> memref<64x128xf32, #tpu.memory_space<vmem>>
    %dma_start3A_223 = arith.constant 0 : i32
    %dma_start3A_224 = tpu.memref_slice %arg5[%rem3A_214, %dma_start3A_218, %dma_start3A_223] : memref<7x2x64xi32, #tpu.memory_space<vmem>> -> memref<1x1x64xi32, #tpu.memory_space<vmem>>
    %dma_start3A_225 = tpu.memref_squeeze %dma_start3A_224 : memref<1x1x64xi32, #tpu.memory_space<vmem>> -> memref<64xi32, #tpu.memory_space<vmem>>
    %dma_start3A_226 = arith.constant 0 : i32
    %dma_start3A_227 = arith.constant 0 : i32
    %dma_start3A_228 = tpu.memref_slice %arg2[%dma_start3A_226, %dma_start3A_227] : memref<10000x128xf32, #tpu.memory_space<hbm>> -> memref<10000x128xf32, #tpu.memory_space<hbm>>
    %dma_start3A_229 = tpu.memref_slice %arg9[%rem3A_217] : memref<5x!tpu.dma_semaphore, #tpu.memory_space<semaphore_mem>> -> memref<1x!tpu.dma_semaphore, #tpu.memory_space<semaphore_mem>>
    %dma_start3A_230 = tpu.memref_squeeze %dma_start3A_229 : memref<1x!tpu.dma_semaphore, #tpu.memory_space<semaphore_mem>> -> memref<!tpu.dma_semaphore, #tpu.memory_space<semaphore_mem>>
    tpu.enqueue_indirect_dma source(%dma_start3A_228 : memref<10000x128xf32, #tpu.memory_space<hbm>>) target(%dma_start3A_222 : memref<64x128xf32, #tpu.memory_space<vmem>>) offsets(%dma_start3A_225 : memref<64xi32, #tpu.memory_space<vmem>>) semaphore(%dma_start3A_230 : memref<!tpu.dma_semaphore, #tpu.memory_space<semaphore_mem>>)
    %rem3A_231 = arith.constant 3 : i32
    %rem3A_232 = arith.constant 7 : i32
    %rem3A_233 = arith.remsi %rem3A_231, %rem3A_232 : i32
    %dma_wait3A_234 = arith.constant 3 : i32
    %dma_wait3A_235 = arith.constant 0 : i32
    %dma_wait3A_236 = arith.constant 0 : i32
    %dma_wait3A_237 = tpu.memref_slice %arg5[%rem3A_233, %dma_wait3A_235, %dma_wait3A_236] : memref<7x2x64xi32, #tpu.memory_space<vmem>> -> memref<1x2x64xi32, #tpu.memory_space<vmem>>
    %dma_wait3A_238 = tpu.memref_squeeze %dma_wait3A_237 : memref<1x2x64xi32, #tpu.memory_space<vmem>> -> memref<2x64xi32, #tpu.memory_space<vmem>>
    %dma_wait3A_239 = arith.constant 0 : i32
    %dma_wait3A_240 = arith.constant 0 : i32
    %dma_wait3A_241 = tpu.memref_slice %arg3[%add3A, %dma_wait3A_234, %dma_wait3A_239, %dma_wait3A_240] : memref<32x160x2x64xi32, #tpu.memory_space<hbm>> -> memref<1x1x2x64xi32, #tpu.memory_space<hbm>>
    %dma_wait3A_242 = tpu.memref_squeeze %dma_wait3A_241 : memref<1x1x2x64xi32, #tpu.memory_space<hbm>> -> memref<2x64xi32, #tpu.memory_space<hbm>>
    %dma_wait3A_243 = tpu.memref_slice %arg8[%rem3A_233] : memref<7x!tpu.dma_semaphore, #tpu.memory_space<semaphore_mem>> -> memref<1x!tpu.dma_semaphore, #tpu.memory_space<semaphore_mem>>
    %dma_wait3A_244 = tpu.memref_squeeze %dma_wait3A_243 : memref<1x!tpu.dma_semaphore, #tpu.memory_space<semaphore_mem>> -> memref<!tpu.dma_semaphore, #tpu.memory_space<semaphore_mem>>
    %dma_wait3A_245 = arith.constant 0 : i32
    %dma_wait3A_246 = arith.constant 0 : i32
    %dma_wait3A_247 = tpu.memref_slice %arg5[%rem3A_233, %dma_wait3A_245, %dma_wait3A_246] : memref<7x2x64xi32, #tpu.memory_space<vmem>> -> memref<1x2x64xi32, #tpu.memory_space<vmem>>
    %dma_wait3A_248 = tpu.memref_squeeze %dma_wait3A_247 : memref<1x2x64xi32, #tpu.memory_space<vmem>> -> memref<2x64xi32, #tpu.memory_space<vmem>>
    %dma_wait3A_249 = arith.constant 0 : i32
    %dma_wait3A_250 = arith.constant 0 : i32
    %dma_wait3A_251 = tpu.memref_slice %arg3[%add3A, %dma_wait3A_234, %dma_wait3A_249, %dma_wait3A_250] : memref<32x160x2x64xi32, #tpu.memory_space<hbm>> -> memref<1x1x2x64xi32, #tpu.memory_space<hbm>>
    %dma_wait3A_252 = tpu.memref_squeeze %dma_wait3A_251 : memref<1x1x2x64xi32, #tpu.memory_space<hbm>> -> memref<2x64xi32, #tpu.memory_space<hbm>>
    tpu.wait_dma2 semaphore(%dma_wait3A_244 : memref<!tpu.dma_semaphore, #tpu.memory_space<semaphore_mem>>) src(%dma_wait3A_252 : memref<2x64xi32, #tpu.memory_space<hbm>>) dst(%dma_wait3A_248 : memref<2x64xi32, #tpu.memory_space<vmem>>)
    %rem3A_253 = arith.constant 3 : i32
    %rem3A_254 = arith.constant 7 : i32
    %rem3A_255 = arith.remsi %rem3A_253, %rem3A_254 : i32
    %rem3A_256 = arith.constant 3 : i32
    %rem3A_257 = arith.constant 5 : i32
    %rem3A_258 = arith.remsi %rem3A_256, %rem3A_257 : i32
    %dma_start3A_259 = arith.constant 0 : i32
    %dma_start3A_260 = arith.constant 0 : i32
    %dma_start3A_261 = arith.constant 0 : i32
    %dma_start3A_262 = tpu.memref_slice %arg6[%rem3A_258, %dma_start3A_260, %dma_start3A_261] : memref<5x64x128xf32, #tpu.memory_space<vmem>> -> memref<1x64x128xf32, #tpu.memory_space<vmem>>
    %dma_start3A_263 = tpu.memref_squeeze %dma_start3A_262 : memref<1x64x128xf32, #tpu.memory_space<vmem>> -> memref<64x128xf32, #tpu.memory_space<vmem>>
    %dma_start3A_264 = arith.constant 0 : i32
    %dma_start3A_265 = tpu.memref_slice %arg5[%rem3A_255, %dma_start3A_259, %dma_start3A_264] : memref<7x2x64xi32, #tpu.memory_space<vmem>> -> memref<1x1x64xi32, #tpu.memory_space<vmem>>
    %dma_start3A_266 = tpu.memref_squeeze %dma_start3A_265 : memref<1x1x64xi32, #tpu.memory_space<vmem>> -> memref<64xi32, #tpu.memory_space<vmem>>
    %dma_start3A_267 = arith.constant 0 : i32
    %dma_start3A_268 = arith.constant 0 : i32
    %dma_start3A_269 = tpu.memref_slice %arg2[%dma_start3A_267, %dma_start3A_268] : memref<10000x128xf32, #tpu.memory_space<hbm>> -> memref<10000x128xf32, #tpu.memory_space<hbm>>
    %dma_start3A_270 = tpu.memref_slice %arg9[%rem3A_258] : memref<5x!tpu.dma_semaphore, #tpu.memory_space<semaphore_mem>> -> memref<1x!tpu.dma_semaphore, #tpu.memory_space<semaphore_mem>>
    %dma_start3A_271 = tpu.memref_squeeze %dma_start3A_270 : memref<1x!tpu.dma_semaphore, #tpu.memory_space<semaphore_mem>> -> memref<!tpu.dma_semaphore, #tpu.memory_space<semaphore_mem>>
    tpu.enqueue_indirect_dma source(%dma_start3A_269 : memref<10000x128xf32, #tpu.memory_space<hbm>>) target(%dma_start3A_263 : memref<64x128xf32, #tpu.memory_space<vmem>>) offsets(%dma_start3A_266 : memref<64xi32, #tpu.memory_space<vmem>>) semaphore(%dma_start3A_271 : memref<!tpu.dma_semaphore, #tpu.memory_space<semaphore_mem>>)
    %scan3A = arith.constant 0 : i32
    %scan3A_272 = arith.constant 64 : i32
    %scan3A_273 = arith.addi %scan3A, %scan3A_272 : i32
    %scan3A_274 = arith.constant 1 : i32
    scf.for %scan3A_897 = %scan3A to %scan3A_273 step %scan3A_274  : i32 {
      %broadcast_in_dim3A = arith.constant 0.000000e+00 : f32
      %broadcast_in_dim3A_898 = vector.broadcast %broadcast_in_dim3A : f32 to vector<16xf32>
      %swap3A = arith.constant 4 : i32
      %swap3A_899 = arith.index_cast %swap3A : i32 to index
      %swap3A_900 = arith.index_cast %scan3A_897 : i32 to index
      %swap3A_901 = arith.constant 0 : index
      %swap3A_902 = tpu.vector_load %arg6[%swap3A_899, %swap3A_900, %swap3A_901] {strides = array<i32>} : memref<5x64x128xf32, #tpu.memory_space<vmem>>, vector<1x1x16xf32>,
      %swap3A_903 = vector.shape_cast %swap3A_902 : vector<1x1x16xf32> to vector<16xf32>
      %swap3A_904 = vector.shape_cast %broadcast_in_dim3A_898 : vector<16xf32> to vector<1x1x16xf32>
      tpu.vector_store %arg6[%swap3A_899, %swap3A_900, %swap3A_901], %swap3A_904 {strides = array<i32>} : memref<5x64x128xf32, #tpu.memory_space<vmem>>, vector<1x1x16xf32>,
      %broadcast_in_dim3A_905 = arith.constant 0.000000e+00 : f32
      %broadcast_in_dim3A_906 = vector.broadcast %broadcast_in_dim3A_905 : f32 to vector<16xf32>
      %swap3A_907 = arith.constant 4 : i32
      %swap3A_908 = arith.index_cast %swap3A_907 : i32 to index
      %swap3A_909 = arith.index_cast %scan3A_897 : i32 to index
      %swap3A_910 = arith.constant 16 : index
      %swap3A_911 = tpu.vector_load %arg6[%swap3A_908, %swap3A_909, %swap3A_910] {strides = array<i32>} : memref<5x64x128xf32, #tpu.memory_space<vmem>>, vector<1x1x16xf32>,
      %swap3A_912 = vector.shape_cast %swap3A_911 : vector<1x1x16xf32> to vector<16xf32>
      %swap3A_913 = vector.shape_cast %broadcast_in_dim3A_906 : vector<16xf32> to vector<1x1x16xf32>
      tpu.vector_store %arg6[%swap3A_908, %swap3A_909, %swap3A_910], %swap3A_913 {strides = array<i32>} : memref<5x64x128xf32, #tpu.memory_space<vmem>>, vector<1x1x16xf32>,
      %broadcast_in_dim3A_914 = arith.constant 0.000000e+00 : f32
      %broadcast_in_dim3A_915 = vector.broadcast %broadcast_in_dim3A_914 : f32 to vector<16xf32>
      %swap3A_916 = arith.constant 4 : i32
      %swap3A_917 = arith.index_cast %swap3A_916 : i32 to index
      %swap3A_918 = arith.index_cast %scan3A_897 : i32 to index
      %swap3A_919 = arith.constant 32 : index
      %swap3A_920 = tpu.vector_load %arg6[%swap3A_917, %swap3A_918, %swap3A_919] {strides = array<i32>} : memref<5x64x128xf32, #tpu.memory_space<vmem>>, vector<1x1x16xf32>,
      %swap3A_921 = vector.shape_cast %swap3A_920 : vector<1x1x16xf32> to vector<16xf32>
      %swap3A_922 = vector.shape_cast %broadcast_in_dim3A_915 : vector<16xf32> to vector<1x1x16xf32>
      tpu.vector_store %arg6[%swap3A_917, %swap3A_918, %swap3A_919], %swap3A_922 {strides = array<i32>} : memref<5x64x128xf32, #tpu.memory_space<vmem>>, vector<1x1x16xf32>,
      %broadcast_in_dim3A_923 = arith.constant 0.000000e+00 : f32
      %broadcast_in_dim3A_924 = vector.broadcast %broadcast_in_dim3A_923 : f32 to vector<16xf32>
      %swap3A_925 = arith.constant 4 : i32
      %swap3A_926 = arith.index_cast %swap3A_925 : i32 to index
      %swap3A_927 = arith.index_cast %scan3A_897 : i32 to index
      %swap3A_928 = arith.constant 48 : index
      %swap3A_929 = tpu.vector_load %arg6[%swap3A_926, %swap3A_927, %swap3A_928] {strides = array<i32>} : memref<5x64x128xf32, #tpu.memory_space<vmem>>, vector<1x1x16xf32>,
      %swap3A_930 = vector.shape_cast %swap3A_929 : vector<1x1x16xf32> to vector<16xf32>
      %swap3A_931 = vector.shape_cast %broadcast_in_dim3A_924 : vector<16xf32> to vector<1x1x16xf32>
      tpu.vector_store %arg6[%swap3A_926, %swap3A_927, %swap3A_928], %swap3A_931 {strides = array<i32>} : memref<5x64x128xf32, #tpu.memory_space<vmem>>, vector<1x1x16xf32>,
      %broadcast_in_dim3A_932 = arith.constant 0.000000e+00 : f32
      %broadcast_in_dim3A_933 = vector.broadcast %broadcast_in_dim3A_932 : f32 to vector<16xf32>
      %swap3A_934 = arith.constant 4 : i32
      %swap3A_935 = arith.index_cast %swap3A_934 : i32 to index
      %swap3A_936 = arith.index_cast %scan3A_897 : i32 to index
      %swap3A_937 = arith.constant 64 : index
      %swap3A_938 = tpu.vector_load %arg6[%swap3A_935, %swap3A_936, %swap3A_937] {strides = array<i32>} : memref<5x64x128xf32, #tpu.memory_space<vmem>>, vector<1x1x16xf32>,
      %swap3A_939 = vector.shape_cast %swap3A_938 : vector<1x1x16xf32> to vector<16xf32>
      %swap3A_940 = vector.shape_cast %broadcast_in_dim3A_933 : vector<16xf32> to vector<1x1x16xf32>
      tpu.vector_store %arg6[%swap3A_935, %swap3A_936, %swap3A_937], %swap3A_940 {strides = array<i32>} : memref<5x64x128xf32, #tpu.memory_space<vmem>>, vector<1x1x16xf32>,
      %broadcast_in_dim3A_941 = arith.constant 0.000000e+00 : f32
      %broadcast_in_dim3A_942 = vector.broadcast %broadcast_in_dim3A_941 : f32 to vector<16xf32>
      %swap3A_943 = arith.constant 4 : i32
      %swap3A_944 = arith.index_cast %swap3A_943 : i32 to index
      %swap3A_945 = arith.index_cast %scan3A_897 : i32 to index
      %swap3A_946 = arith.constant 80 : index
      %swap3A_947 = tpu.vector_load %arg6[%swap3A_944, %swap3A_945, %swap3A_946] {strides = array<i32>} : memref<5x64x128xf32, #tpu.memory_space<vmem>>, vector<1x1x16xf32>,
      %swap3A_948 = vector.shape_cast %swap3A_947 : vector<1x1x16xf32> to vector<16xf32>
      %swap3A_949 = vector.shape_cast %broadcast_in_dim3A_942 : vector<16xf32> to vector<1x1x16xf32>
      tpu.vector_store %arg6[%swap3A_944, %swap3A_945, %swap3A_946], %swap3A_949 {strides = array<i32>} : memref<5x64x128xf32, #tpu.memory_space<vmem>>, vector<1x1x16xf32>,
      %broadcast_in_dim3A_950 = arith.constant 0.000000e+00 : f32
      %broadcast_in_dim3A_951 = vector.broadcast %broadcast_in_dim3A_950 : f32 to vector<16xf32>
      %swap3A_952 = arith.constant 4 : i32
      %swap3A_953 = arith.index_cast %swap3A_952 : i32 to index
      %swap3A_954 = arith.index_cast %scan3A_897 : i32 to index
      %swap3A_955 = arith.constant 96 : index
      %swap3A_956 = tpu.vector_load %arg6[%swap3A_953, %swap3A_954, %swap3A_955] {strides = array<i32>} : memref<5x64x128xf32, #tpu.memory_space<vmem>>, vector<1x1x16xf32>,
      %swap3A_957 = vector.shape_cast %swap3A_956 : vector<1x1x16xf32> to vector<16xf32>
      %swap3A_958 = vector.shape_cast %broadcast_in_dim3A_951 : vector<16xf32> to vector<1x1x16xf32>
      tpu.vector_store %arg6[%swap3A_953, %swap3A_954, %swap3A_955], %swap3A_958 {strides = array<i32>} : memref<5x64x128xf32, #tpu.memory_space<vmem>>, vector<1x1x16xf32>,
      %broadcast_in_dim3A_959 = arith.constant 0.000000e+00 : f32
      %broadcast_in_dim3A_960 = vector.broadcast %broadcast_in_dim3A_959 : f32 to vector<16xf32>
      %swap3A_961 = arith.constant 4 : i32
      %swap3A_962 = arith.index_cast %swap3A_961 : i32 to index
      %swap3A_963 = arith.index_cast %scan3A_897 : i32 to index
      %swap3A_964 = arith.constant 112 : index
      %swap3A_965 = tpu.vector_load %arg6[%swap3A_962, %swap3A_963, %swap3A_964] {strides = array<i32>} : memref<5x64x128xf32, #tpu.memory_space<vmem>>, vector<1x1x16xf32>,
      %swap3A_966 = vector.shape_cast %swap3A_965 : vector<1x1x16xf32> to vector<16xf32>
      %swap3A_967 = vector.shape_cast %broadcast_in_dim3A_960 : vector<16xf32> to vector<1x1x16xf32>
      tpu.vector_store %arg6[%swap3A_962, %swap3A_963, %swap3A_964], %swap3A_967 {strides = array<i32>} : memref<5x64x128xf32, #tpu.memory_space<vmem>>, vector<1x1x16xf32>,
    }
    %scan3A_275 = arith.constant 64 : i32
    %mul3A_276 = arith.constant 640 : i32
    %mul3A_277 = arith.muli %arg1, %mul3A_276 : i32
    %add3A_278 = arith.constant 0 : i32
    %add3A_279 = arith.addi %mul3A_277, %add3A_278 : i32
    %dma_start3A_280 = arith.constant 4 : i32
    %dma_start3A_281 = arith.constant 0 : i32
    %dma_start3A_282 = arith.constant 0 : i32
    %dma_start3A_283 = tpu.memref_slice %arg6[%dma_start3A_280, %dma_start3A_281, %dma_start3A_282] : memref<5x64x128xf32, #tpu.memory_space<vmem>> -> memref<1x64x128xf32, #tpu.memory_space<vmem>>
    %dma_start3A_284 = tpu.memref_squeeze %dma_start3A_283 : memref<1x64x128xf32, #tpu.memory_space<vmem>> -> memref<64x128xf32, #tpu.memory_space<vmem>>
    %dma_start3A_285 = arith.constant 0 : i32
    %dma_start3A_286 = tpu.memref_slice %arg7[%add3A_279, %dma_start3A_285] : memref<10240x128xf32, #tpu.memory_space<vmem_shared>> -> memref<64x128xf32, #tpu.memory_space<vmem_shared>>
    %dma_start3A_287 = arith.constant 0 : i32
    %dma_start3A_288 = tpu.memref_slice %arg7[%add3A_279, %dma_start3A_287] : memref<10240x128xf32, #tpu.memory_space<vmem_shared>> -> memref<64x128xf32, #tpu.memory_space<vmem_shared>>
    %dma_start3A_289 = arith.constant 0 : i32
    %dma_start3A_290 = arith.constant 0 : i32
    %dma_start3A_291 = tpu.memref_slice %arg6[%dma_start3A_280, %dma_start3A_289, %dma_start3A_290] : memref<5x64x128xf32, #tpu.memory_space<vmem>> -> memref<1x64x128xf32, #tpu.memory_space<vmem>>
    %dma_start3A_292 = tpu.memref_squeeze %dma_start3A_291 : memref<1x64x128xf32, #tpu.memory_space<vmem>> -> memref<64x128xf32, #tpu.memory_space<vmem>>
    tpu.enqueue_dma source(%dma_start3A_292 : memref<64x128xf32, #tpu.memory_space<vmem>>) target(%dma_start3A_288 : memref<64x128xf32, #tpu.memory_space<vmem_shared>>) target_semaphore(%arg11 : memref<!tpu.dma_semaphore, #tpu.memory_space<semaphore_mem>>)
    %mul3A_293 = arith.constant 640 : i32
    %mul3A_294 = arith.muli %arg1, %mul3A_293 : i32
    %add3A_295 = arith.constant 64 : i32
    %add3A_296 = arith.addi %mul3A_294, %add3A_295 : i32
    %dma_start3A_297 = arith.constant 4 : i32
    %dma_start3A_298 = arith.constant 0 : i32
    %dma_start3A_299 = arith.constant 0 : i32
    %dma_start3A_300 = tpu.memref_slice %arg6[%dma_start3A_297, %dma_start3A_298, %dma_start3A_299] : memref<5x64x128xf32, #tpu.memory_space<vmem>> -> memref<1x64x128xf32, #tpu.memory_space<vmem>>
    %dma_start3A_301 = tpu.memref_squeeze %dma_start3A_300 : memref<1x64x128xf32, #tpu.memory_space<vmem>> -> memref<64x128xf32, #tpu.memory_space<vmem>>
    %dma_start3A_302 = arith.constant 0 : i32
    %dma_start3A_303 = tpu.memref_slice %arg7[%add3A_296, %dma_start3A_302] : memref<10240x128xf32, #tpu.memory_space<vmem_shared>> -> memref<64x128xf32, #tpu.memory_space<vmem_shared>>
    %dma_start3A_304 = arith.constant 0 : i32
    %dma_start3A_305 = tpu.memref_slice %arg7[%add3A_296, %dma_start3A_304] : memref<10240x128xf32, #tpu.memory_space<vmem_shared>> -> memref<64x128xf32, #tpu.memory_space<vmem_shared>>
    %dma_start3A_306 = arith.constant 0 : i32
    %dma_start3A_307 = arith.constant 0 : i32
    %dma_start3A_308 = tpu.memref_slice %arg6[%dma_start3A_297, %dma_start3A_306, %dma_start3A_307] : memref<5x64x128xf32, #tpu.memory_space<vmem>> -> memref<1x64x128xf32, #tpu.memory_space<vmem>>
    %dma_start3A_309 = tpu.memref_squeeze %dma_start3A_308 : memref<1x64x128xf32, #tpu.memory_space<vmem>> -> memref<64x128xf32, #tpu.memory_space<vmem>>
    tpu.enqueue_dma source(%dma_start3A_309 : memref<64x128xf32, #tpu.memory_space<vmem>>) target(%dma_start3A_305 : memref<64x128xf32, #tpu.memory_space<vmem_shared>>) target_semaphore(%arg11 : memref<!tpu.dma_semaphore, #tpu.memory_space<semaphore_mem>>)
    %mul3A_310 = arith.constant 640 : i32
    %mul3A_311 = arith.muli %arg1, %mul3A_310 : i32
    %add3A_312 = arith.constant 128 : i32
    %add3A_313 = arith.addi %mul3A_311, %add3A_312 : i32
    %dma_start3A_314 = arith.constant 4 : i32
    %dma_start3A_315 = arith.constant 0 : i32
    %dma_start3A_316 = arith.constant 0 : i32
    %dma_start3A_317 = tpu.memref_slice %arg6[%dma_start3A_314, %dma_start3A_315, %dma_start3A_316] : memref<5x64x128xf32, #tpu.memory_space<vmem>> -> memref<1x64x128xf32, #tpu.memory_space<vmem>>
    %dma_start3A_318 = tpu.memref_squeeze %dma_start3A_317 : memref<1x64x128xf32, #tpu.memory_space<vmem>> -> memref<64x128xf32, #tpu.memory_space<vmem>>
    %dma_start3A_319 = arith.constant 0 : i32
    %dma_start3A_320 = tpu.memref_slice %arg7[%add3A_313, %dma_start3A_319] : memref<10240x128xf32, #tpu.memory_space<vmem_shared>> -> memref<64x128xf32, #tpu.memory_space<vmem_shared>>
    %dma_start3A_321 = arith.constant 0 : i32
    %dma_start3A_322 = tpu.memref_slice %arg7[%add3A_313, %dma_start3A_321] : memref<10240x128xf32, #tpu.memory_space<vmem_shared>> -> memref<64x128xf32, #tpu.memory_space<vmem_shared>>
    %dma_start3A_323 = arith.constant 0 : i32
    %dma_start3A_324 = arith.constant 0 : i32
    %dma_start3A_325 = tpu.memref_slice %arg6[%dma_start3A_314, %dma_start3A_323, %dma_start3A_324] : memref<5x64x128xf32, #tpu.memory_space<vmem>> -> memref<1x64x128xf32, #tpu.memory_space<vmem>>
    %dma_start3A_326 = tpu.memref_squeeze %dma_start3A_325 : memref<1x64x128xf32, #tpu.memory_space<vmem>> -> memref<64x128xf32, #tpu.memory_space<vmem>>
    tpu.enqueue_dma source(%dma_start3A_326 : memref<64x128xf32, #tpu.memory_space<vmem>>) target(%dma_start3A_322 : memref<64x128xf32, #tpu.memory_space<vmem_shared>>) target_semaphore(%arg11 : memref<!tpu.dma_semaphore, #tpu.memory_space<semaphore_mem>>)
    %mul3A_327 = arith.constant 640 : i32
    %mul3A_328 = arith.muli %arg1, %mul3A_327 : i32
    %add3A_329 = arith.constant 192 : i32
    %add3A_330 = arith.addi %mul3A_328, %add3A_329 : i32
    %dma_start3A_331 = arith.constant 4 : i32
    %dma_start3A_332 = arith.constant 0 : i32
    %dma_start3A_333 = arith.constant 0 : i32
    %dma_start3A_334 = tpu.memref_slice %arg6[%dma_start3A_331, %dma_start3A_332, %dma_start3A_333] : memref<5x64x128xf32, #tpu.memory_space<vmem>> -> memref<1x64x128xf32, #tpu.memory_space<vmem>>
    %dma_start3A_335 = tpu.memref_squeeze %dma_start3A_334 : memref<1x64x128xf32, #tpu.memory_space<vmem>> -> memref<64x128xf32, #tpu.memory_space<vmem>>
    %dma_start3A_336 = arith.constant 0 : i32
    %dma_start3A_337 = tpu.memref_slice %arg7[%add3A_330, %dma_start3A_336] : memref<10240x128xf32, #tpu.memory_space<vmem_shared>> -> memref<64x128xf32, #tpu.memory_space<vmem_shared>>
    %dma_start3A_338 = arith.constant 0 : i32
    %dma_start3A_339 = tpu.memref_slice %arg7[%add3A_330, %dma_start3A_338] : memref<10240x128xf32, #tpu.memory_space<vmem_shared>> -> memref<64x128xf32, #tpu.memory_space<vmem_shared>>
    %dma_start3A_340 = arith.constant 0 : i32
    %dma_start3A_341 = arith.constant 0 : i32
    %dma_start3A_342 = tpu.memref_slice %arg6[%dma_start3A_331, %dma_start3A_340, %dma_start3A_341] : memref<5x64x128xf32, #tpu.memory_space<vmem>> -> memref<1x64x128xf32, #tpu.memory_space<vmem>>
    %dma_start3A_343 = tpu.memref_squeeze %dma_start3A_342 : memref<1x64x128xf32, #tpu.memory_space<vmem>> -> memref<64x128xf32, #tpu.memory_space<vmem>>
    tpu.enqueue_dma source(%dma_start3A_343 : memref<64x128xf32, #tpu.memory_space<vmem>>) target(%dma_start3A_339 : memref<64x128xf32, #tpu.memory_space<vmem_shared>>) target_semaphore(%arg11 : memref<!tpu.dma_semaphore, #tpu.memory_space<semaphore_mem>>)
    %mul3A_344 = arith.constant 640 : i32
    %mul3A_345 = arith.muli %arg1, %mul3A_344 : i32
    %add3A_346 = arith.constant 256 : i32
    %add3A_347 = arith.addi %mul3A_345, %add3A_346 : i32
    %dma_start3A_348 = arith.constant 4 : i32
    %dma_start3A_349 = arith.constant 0 : i32
    %dma_start3A_350 = arith.constant 0 : i32
    %dma_start3A_351 = tpu.memref_slice %arg6[%dma_start3A_348, %dma_start3A_349, %dma_start3A_350] : memref<5x64x128xf32, #tpu.memory_space<vmem>> -> memref<1x64x128xf32, #tpu.memory_space<vmem>>
    %dma_start3A_352 = tpu.memref_squeeze %dma_start3A_351 : memref<1x64x128xf32, #tpu.memory_space<vmem>> -> memref<64x128xf32, #tpu.memory_space<vmem>>
    %dma_start3A_353 = arith.constant 0 : i32
    %dma_start3A_354 = tpu.memref_slice %arg7[%add3A_347, %dma_start3A_353] : memref<10240x128xf32, #tpu.memory_space<vmem_shared>> -> memref<64x128xf32, #tpu.memory_space<vmem_shared>>
    %dma_start3A_355 = arith.constant 0 : i32
    %dma_start3A_356 = tpu.memref_slice %arg7[%add3A_347, %dma_start3A_355] : memref<10240x128xf32, #tpu.memory_space<vmem_shared>> -> memref<64x128xf32, #tpu.memory_space<vmem_shared>>
    %dma_start3A_357 = arith.constant 0 : i32
    %dma_start3A_358 = arith.constant 0 : i32
    %dma_start3A_359 = tpu.memref_slice %arg6[%dma_start3A_348, %dma_start3A_357, %dma_start3A_358] : memref<5x64x128xf32, #tpu.memory_space<vmem>> -> memref<1x64x128xf32, #tpu.memory_space<vmem>>
    %dma_start3A_360 = tpu.memref_squeeze %dma_start3A_359 : memref<1x64x128xf32, #tpu.memory_space<vmem>> -> memref<64x128xf32, #tpu.memory_space<vmem>>
    tpu.enqueue_dma source(%dma_start3A_360 : memref<64x128xf32, #tpu.memory_space<vmem>>) target(%dma_start3A_356 : memref<64x128xf32, #tpu.memory_space<vmem_shared>>) target_semaphore(%arg11 : memref<!tpu.dma_semaphore, #tpu.memory_space<semaphore_mem>>)
    %mul3A_361 = arith.constant 640 : i32
    %mul3A_362 = arith.muli %arg1, %mul3A_361 : i32
    %add3A_363 = arith.constant 320 : i32
    %add3A_364 = arith.addi %mul3A_362, %add3A_363 : i32
    %dma_start3A_365 = arith.constant 4 : i32
    %dma_start3A_366 = arith.constant 0 : i32
    %dma_start3A_367 = arith.constant 0 : i32
    %dma_start3A_368 = tpu.memref_slice %arg6[%dma_start3A_365, %dma_start3A_366, %dma_start3A_367] : memref<5x64x128xf32, #tpu.memory_space<vmem>> -> memref<1x64x128xf32, #tpu.memory_space<vmem>>
    %dma_start3A_369 = tpu.memref_squeeze %dma_start3A_368 : memref<1x64x128xf32, #tpu.memory_space<vmem>> -> memref<64x128xf32, #tpu.memory_space<vmem>>
    %dma_start3A_370 = arith.constant 0 : i32
    %dma_start3A_371 = tpu.memref_slice %arg7[%add3A_364, %dma_start3A_370] : memref<10240x128xf32, #tpu.memory_space<vmem_shared>> -> memref<64x128xf32, #tpu.memory_space<vmem_shared>>
    %dma_start3A_372 = arith.constant 0 : i32
    %dma_start3A_373 = tpu.memref_slice %arg7[%add3A_364, %dma_start3A_372] : memref<10240x128xf32, #tpu.memory_space<vmem_shared>> -> memref<64x128xf32, #tpu.memory_space<vmem_shared>>
    %dma_start3A_374 = arith.constant 0 : i32
    %dma_start3A_375 = arith.constant 0 : i32
    %dma_start3A_376 = tpu.memref_slice %arg6[%dma_start3A_365, %dma_start3A_374, %dma_start3A_375] : memref<5x64x128xf32, #tpu.memory_space<vmem>> -> memref<1x64x128xf32, #tpu.memory_space<vmem>>
    %dma_start3A_377 = tpu.memref_squeeze %dma_start3A_376 : memref<1x64x128xf32, #tpu.memory_space<vmem>> -> memref<64x128xf32, #tpu.memory_space<vmem>>
    tpu.enqueue_dma source(%dma_start3A_377 : memref<64x128xf32, #tpu.memory_space<vmem>>) target(%dma_start3A_373 : memref<64x128xf32, #tpu.memory_space<vmem_shared>>) target_semaphore(%arg11 : memref<!tpu.dma_semaphore, #tpu.memory_space<semaphore_mem>>)
    %mul3A_378 = arith.constant 640 : i32
    %mul3A_379 = arith.muli %arg1, %mul3A_378 : i32
    %add3A_380 = arith.constant 384 : i32
    %add3A_381 = arith.addi %mul3A_379, %add3A_380 : i32
    %dma_start3A_382 = arith.constant 4 : i32
    %dma_start3A_383 = arith.constant 0 : i32
    %dma_start3A_384 = arith.constant 0 : i32
    %dma_start3A_385 = tpu.memref_slice %arg6[%dma_start3A_382, %dma_start3A_383, %dma_start3A_384] : memref<5x64x128xf32, #tpu.memory_space<vmem>> -> memref<1x64x128xf32, #tpu.memory_space<vmem>>
    %dma_start3A_386 = tpu.memref_squeeze %dma_start3A_385 : memref<1x64x128xf32, #tpu.memory_space<vmem>> -> memref<64x128xf32, #tpu.memory_space<vmem>>
    %dma_start3A_387 = arith.constant 0 : i32
    %dma_start3A_388 = tpu.memref_slice %arg7[%add3A_381, %dma_start3A_387] : memref<10240x128xf32, #tpu.memory_space<vmem_shared>> -> memref<64x128xf32, #tpu.memory_space<vmem_shared>>
    %dma_start3A_389 = arith.constant 0 : i32
    %dma_start3A_390 = tpu.memref_slice %arg7[%add3A_381, %dma_start3A_389] : memref<10240x128xf32, #tpu.memory_space<vmem_shared>> -> memref<64x128xf32, #tpu.memory_space<vmem_shared>>
    %dma_start3A_391 = arith.constant 0 : i32
    %dma_start3A_392 = arith.constant 0 : i32
    %dma_start3A_393 = tpu.memref_slice %arg6[%dma_start3A_382, %dma_start3A_391, %dma_start3A_392] : memref<5x64x128xf32, #tpu.memory_space<vmem>> -> memref<1x64x128xf32, #tpu.memory_space<vmem>>
    %dma_start3A_394 = tpu.memref_squeeze %dma_start3A_393 : memref<1x64x128xf32, #tpu.memory_space<vmem>> -> memref<64x128xf32, #tpu.memory_space<vmem>>
    tpu.enqueue_dma source(%dma_start3A_394 : memref<64x128xf32, #tpu.memory_space<vmem>>) target(%dma_start3A_390 : memref<64x128xf32, #tpu.memory_space<vmem_shared>>) target_semaphore(%arg11 : memref<!tpu.dma_semaphore, #tpu.memory_space<semaphore_mem>>)
    %mul3A_395 = arith.constant 640 : i32
    %mul3A_396 = arith.muli %arg1, %mul3A_395 : i32
    %add3A_397 = arith.constant 448 : i32
    %add3A_398 = arith.addi %mul3A_396, %add3A_397 : i32
    %dma_start3A_399 = arith.constant 4 : i32
    %dma_start3A_400 = arith.constant 0 : i32
    %dma_start3A_401 = arith.constant 0 : i32
    %dma_start3A_402 = tpu.memref_slice %arg6[%dma_start3A_399, %dma_start3A_400, %dma_start3A_401] : memref<5x64x128xf32, #tpu.memory_space<vmem>> -> memref<1x64x128xf32, #tpu.memory_space<vmem>>
    %dma_start3A_403 = tpu.memref_squeeze %dma_start3A_402 : memref<1x64x128xf32, #tpu.memory_space<vmem>> -> memref<64x128xf32, #tpu.memory_space<vmem>>
    %dma_start3A_404 = arith.constant 0 : i32
    %dma_start3A_405 = tpu.memref_slice %arg7[%add3A_398, %dma_start3A_404] : memref<10240x128xf32, #tpu.memory_space<vmem_shared>> -> memref<64x128xf32, #tpu.memory_space<vmem_shared>>
    %dma_start3A_406 = arith.constant 0 : i32
    %dma_start3A_407 = tpu.memref_slice %arg7[%add3A_398, %dma_start3A_406] : memref<10240x128xf32, #tpu.memory_space<vmem_shared>> -> memref<64x128xf32, #tpu.memory_space<vmem_shared>>
    %dma_start3A_408 = arith.constant 0 : i32
    %dma_start3A_409 = arith.constant 0 : i32
    %dma_start3A_410 = tpu.memref_slice %arg6[%dma_start3A_399, %dma_start3A_408, %dma_start3A_409] : memref<5x64x128xf32, #tpu.memory_space<vmem>> -> memref<1x64x128xf32, #tpu.memory_space<vmem>>
    %dma_start3A_411 = tpu.memref_squeeze %dma_start3A_410 : memref<1x64x128xf32, #tpu.memory_space<vmem>> -> memref<64x128xf32, #tpu.memory_space<vmem>>
    tpu.enqueue_dma source(%dma_start3A_411 : memref<64x128xf32, #tpu.memory_space<vmem>>) target(%dma_start3A_407 : memref<64x128xf32, #tpu.memory_space<vmem_shared>>) target_semaphore(%arg11 : memref<!tpu.dma_semaphore, #tpu.memory_space<semaphore_mem>>)
    %mul3A_412 = arith.constant 640 : i32
    %mul3A_413 = arith.muli %arg1, %mul3A_412 : i32
    %add3A_414 = arith.constant 512 : i32
    %add3A_415 = arith.addi %mul3A_413, %add3A_414 : i32
    %dma_start3A_416 = arith.constant 4 : i32
    %dma_start3A_417 = arith.constant 0 : i32
    %dma_start3A_418 = arith.constant 0 : i32
    %dma_start3A_419 = tpu.memref_slice %arg6[%dma_start3A_416, %dma_start3A_417, %dma_start3A_418] : memref<5x64x128xf32, #tpu.memory_space<vmem>> -> memref<1x64x128xf32, #tpu.memory_space<vmem>>
    %dma_start3A_420 = tpu.memref_squeeze %dma_start3A_419 : memref<1x64x128xf32, #tpu.memory_space<vmem>> -> memref<64x128xf32, #tpu.memory_space<vmem>>
    %dma_start3A_421 = arith.constant 0 : i32
    %dma_start3A_422 = tpu.memref_slice %arg7[%add3A_415, %dma_start3A_421] : memref<10240x128xf32, #tpu.memory_space<vmem_shared>> -> memref<64x128xf32, #tpu.memory_space<vmem_shared>>
    %dma_start3A_423 = arith.constant 0 : i32
    %dma_start3A_424 = tpu.memref_slice %arg7[%add3A_415, %dma_start3A_423] : memref<10240x128xf32, #tpu.memory_space<vmem_shared>> -> memref<64x128xf32, #tpu.memory_space<vmem_shared>>
    %dma_start3A_425 = arith.constant 0 : i32
    %dma_start3A_426 = arith.constant 0 : i32
    %dma_start3A_427 = tpu.memref_slice %arg6[%dma_start3A_416, %dma_start3A_425, %dma_start3A_426] : memref<5x64x128xf32, #tpu.memory_space<vmem>> -> memref<1x64x128xf32, #tpu.memory_space<vmem>>
    %dma_start3A_428 = tpu.memref_squeeze %dma_start3A_427 : memref<1x64x128xf32, #tpu.memory_space<vmem>> -> memref<64x128xf32, #tpu.memory_space<vmem>>
    tpu.enqueue_dma source(%dma_start3A_428 : memref<64x128xf32, #tpu.memory_space<vmem>>) target(%dma_start3A_424 : memref<64x128xf32, #tpu.memory_space<vmem_shared>>) target_semaphore(%arg11 : memref<!tpu.dma_semaphore, #tpu.memory_space<semaphore_mem>>)
    %mul3A_429 = arith.constant 640 : i32
    %mul3A_430 = arith.muli %arg1, %mul3A_429 : i32
    %add3A_431 = arith.constant 576 : i32
    %add3A_432 = arith.addi %mul3A_430, %add3A_431 : i32
    %dma_start3A_433 = arith.constant 4 : i32
    %dma_start3A_434 = arith.constant 0 : i32
    %dma_start3A_435 = arith.constant 0 : i32
    %dma_start3A_436 = tpu.memref_slice %arg6[%dma_start3A_433, %dma_start3A_434, %dma_start3A_435] : memref<5x64x128xf32, #tpu.memory_space<vmem>> -> memref<1x64x128xf32, #tpu.memory_space<vmem>>
    %dma_start3A_437 = tpu.memref_squeeze %dma_start3A_436 : memref<1x64x128xf32, #tpu.memory_space<vmem>> -> memref<64x128xf32, #tpu.memory_space<vmem>>
    %dma_start3A_438 = arith.constant 0 : i32
    %dma_start3A_439 = tpu.memref_slice %arg7[%add3A_432, %dma_start3A_438] : memref<10240x128xf32, #tpu.memory_space<vmem_shared>> -> memref<64x128xf32, #tpu.memory_space<vmem_shared>>
    %dma_start3A_440 = arith.constant 0 : i32
    %dma_start3A_441 = tpu.memref_slice %arg7[%add3A_432, %dma_start3A_440] : memref<10240x128xf32, #tpu.memory_space<vmem_shared>> -> memref<64x128xf32, #tpu.memory_space<vmem_shared>>
    %dma_start3A_442 = arith.constant 0 : i32
    %dma_start3A_443 = arith.constant 0 : i32
    %dma_start3A_444 = tpu.memref_slice %arg6[%dma_start3A_433, %dma_start3A_442, %dma_start3A_443] : memref<5x64x128xf32, #tpu.memory_space<vmem>> -> memref<1x64x128xf32, #tpu.memory_space<vmem>>
    %dma_start3A_445 = tpu.memref_squeeze %dma_start3A_444 : memref<1x64x128xf32, #tpu.memory_space<vmem>> -> memref<64x128xf32, #tpu.memory_space<vmem>>
    tpu.enqueue_dma source(%dma_start3A_445 : memref<64x128xf32, #tpu.memory_space<vmem>>) target(%dma_start3A_441 : memref<64x128xf32, #tpu.memory_space<vmem_shared>>) target_semaphore(%arg11 : memref<!tpu.dma_semaphore, #tpu.memory_space<semaphore_mem>>)
    %mul3A_446 = arith.constant 640 : i32
    %mul3A_447 = arith.muli %arg1, %mul3A_446 : i32
    %add3A_448 = arith.constant 0 : i32
    %add3A_449 = arith.addi %mul3A_447, %add3A_448 : i32
    %dma_wait3A_450 = arith.constant 4 : i32
    %dma_wait3A_451 = arith.constant 0 : i32
    %dma_wait3A_452 = arith.constant 0 : i32
    %dma_wait3A_453 = tpu.memref_slice %arg6[%dma_wait3A_450, %dma_wait3A_451, %dma_wait3A_452] : memref<5x64x128xf32, #tpu.memory_space<vmem>> -> memref<1x64x128xf32, #tpu.memory_space<vmem>>
    %dma_wait3A_454 = tpu.memref_squeeze %dma_wait3A_453 : memref<1x64x128xf32, #tpu.memory_space<vmem>> -> memref<64x128xf32, #tpu.memory_space<vmem>>
    %dma_wait3A_455 = arith.constant 0 : i32
    %dma_wait3A_456 = tpu.memref_slice %arg7[%add3A_449, %dma_wait3A_455] : memref<10240x128xf32, #tpu.memory_space<vmem_shared>> -> memref<64x128xf32, #tpu.memory_space<vmem_shared>>
    %dma_wait3A_457 = arith.constant 0 : i32
    %dma_wait3A_458 = tpu.memref_slice %arg7[%add3A_449, %dma_wait3A_457] : memref<10240x128xf32, #tpu.memory_space<vmem_shared>> -> memref<64x128xf32, #tpu.memory_space<vmem_shared>>
    %dma_wait3A_459 = arith.constant 0 : i32
    %dma_wait3A_460 = arith.constant 0 : i32
    %dma_wait3A_461 = tpu.memref_slice %arg6[%dma_wait3A_450, %dma_wait3A_459, %dma_wait3A_460] : memref<5x64x128xf32, #tpu.memory_space<vmem>> -> memref<1x64x128xf32, #tpu.memory_space<vmem>>
    %dma_wait3A_462 = tpu.memref_squeeze %dma_wait3A_461 : memref<1x64x128xf32, #tpu.memory_space<vmem>> -> memref<64x128xf32, #tpu.memory_space<vmem>>
    tpu.wait_dma2 semaphore(%arg11 : memref<!tpu.dma_semaphore, #tpu.memory_space<semaphore_mem>>) src(%dma_wait3A_462 : memref<64x128xf32, #tpu.memory_space<vmem>>) dst(%dma_wait3A_458 : memref<64x128xf32, #tpu.memory_space<vmem_shared>>)
    %mul3A_463 = arith.constant 640 : i32
    %mul3A_464 = arith.muli %arg1, %mul3A_463 : i32
    %add3A_465 = arith.constant 64 : i32
    %add3A_466 = arith.addi %mul3A_464, %add3A_465 : i32
    %dma_wait3A_467 = arith.constant 4 : i32
    %dma_wait3A_468 = arith.constant 0 : i32
    %dma_wait3A_469 = arith.constant 0 : i32
    %dma_wait3A_470 = tpu.memref_slice %arg6[%dma_wait3A_467, %dma_wait3A_468, %dma_wait3A_469] : memref<5x64x128xf32, #tpu.memory_space<vmem>> -> memref<1x64x128xf32, #tpu.memory_space<vmem>>
    %dma_wait3A_471 = tpu.memref_squeeze %dma_wait3A_470 : memref<1x64x128xf32, #tpu.memory_space<vmem>> -> memref<64x128xf32, #tpu.memory_space<vmem>>
    %dma_wait3A_472 = arith.constant 0 : i32
    %dma_wait3A_473 = tpu.memref_slice %arg7[%add3A_466, %dma_wait3A_472] : memref<10240x128xf32, #tpu.memory_space<vmem_shared>> -> memref<64x128xf32, #tpu.memory_space<vmem_shared>>
    %dma_wait3A_474 = arith.constant 0 : i32
    %dma_wait3A_475 = tpu.memref_slice %arg7[%add3A_466, %dma_wait3A_474] : memref<10240x128xf32, #tpu.memory_space<vmem_shared>> -> memref<64x128xf32, #tpu.memory_space<vmem_shared>>
    %dma_wait3A_476 = arith.constant 0 : i32
    %dma_wait3A_477 = arith.constant 0 : i32
    %dma_wait3A_478 = tpu.memref_slice %arg6[%dma_wait3A_467, %dma_wait3A_476, %dma_wait3A_477] : memref<5x64x128xf32, #tpu.memory_space<vmem>> -> memref<1x64x128xf32, #tpu.memory_space<vmem>>
    %dma_wait3A_479 = tpu.memref_squeeze %dma_wait3A_478 : memref<1x64x128xf32, #tpu.memory_space<vmem>> -> memref<64x128xf32, #tpu.memory_space<vmem>>
    tpu.wait_dma2 semaphore(%arg11 : memref<!tpu.dma_semaphore, #tpu.memory_space<semaphore_mem>>) src(%dma_wait3A_479 : memref<64x128xf32, #tpu.memory_space<vmem>>) dst(%dma_wait3A_475 : memref<64x128xf32, #tpu.memory_space<vmem_shared>>)
    %mul3A_480 = arith.constant 640 : i32
    %mul3A_481 = arith.muli %arg1, %mul3A_480 : i32
    %add3A_482 = arith.constant 128 : i32
    %add3A_483 = arith.addi %mul3A_481, %add3A_482 : i32
    %dma_wait3A_484 = arith.constant 4 : i32
    %dma_wait3A_485 = arith.constant 0 : i32
    %dma_wait3A_486 = arith.constant 0 : i32
    %dma_wait3A_487 = tpu.memref_slice %arg6[%dma_wait3A_484, %dma_wait3A_485, %dma_wait3A_486] : memref<5x64x128xf32, #tpu.memory_space<vmem>> -> memref<1x64x128xf32, #tpu.memory_space<vmem>>
    %dma_wait3A_488 = tpu.memref_squeeze %dma_wait3A_487 : memref<1x64x128xf32, #tpu.memory_space<vmem>> -> memref<64x128xf32, #tpu.memory_space<vmem>>
    %dma_wait3A_489 = arith.constant 0 : i32
    %dma_wait3A_490 = tpu.memref_slice %arg7[%add3A_483, %dma_wait3A_489] : memref<10240x128xf32, #tpu.memory_space<vmem_shared>> -> memref<64x128xf32, #tpu.memory_space<vmem_shared>>
    %dma_wait3A_491 = arith.constant 0 : i32
    %dma_wait3A_492 = tpu.memref_slice %arg7[%add3A_483, %dma_wait3A_491] : memref<10240x128xf32, #tpu.memory_space<vmem_shared>> -> memref<64x128xf32, #tpu.memory_space<vmem_shared>>
    %dma_wait3A_493 = arith.constant 0 : i32
    %dma_wait3A_494 = arith.constant 0 : i32
    %dma_wait3A_495 = tpu.memref_slice %arg6[%dma_wait3A_484, %dma_wait3A_493, %dma_wait3A_494] : memref<5x64x128xf32, #tpu.memory_space<vmem>> -> memref<1x64x128xf32, #tpu.memory_space<vmem>>
    %dma_wait3A_496 = tpu.memref_squeeze %dma_wait3A_495 : memref<1x64x128xf32, #tpu.memory_space<vmem>> -> memref<64x128xf32, #tpu.memory_space<vmem>>
    tpu.wait_dma2 semaphore(%arg11 : memref<!tpu.dma_semaphore, #tpu.memory_space<semaphore_mem>>) src(%dma_wait3A_496 : memref<64x128xf32, #tpu.memory_space<vmem>>) dst(%dma_wait3A_492 : memref<64x128xf32, #tpu.memory_space<vmem_shared>>)
    %mul3A_497 = arith.constant 640 : i32
    %mul3A_498 = arith.muli %arg1, %mul3A_497 : i32
    %add3A_499 = arith.constant 192 : i32
    %add3A_500 = arith.addi %mul3A_498, %add3A_499 : i32
    %dma_wait3A_501 = arith.constant 4 : i32
    %dma_wait3A_502 = arith.constant 0 : i32
    %dma_wait3A_503 = arith.constant 0 : i32
    %dma_wait3A_504 = tpu.memref_slice %arg6[%dma_wait3A_501, %dma_wait3A_502, %dma_wait3A_503] : memref<5x64x128xf32, #tpu.memory_space<vmem>> -> memref<1x64x128xf32, #tpu.memory_space<vmem>>
    %dma_wait3A_505 = tpu.memref_squeeze %dma_wait3A_504 : memref<1x64x128xf32, #tpu.memory_space<vmem>> -> memref<64x128xf32, #tpu.memory_space<vmem>>
    %dma_wait3A_506 = arith.constant 0 : i32
    %dma_wait3A_507 = tpu.memref_slice %arg7[%add3A_500, %dma_wait3A_506] : memref<10240x128xf32, #tpu.memory_space<vmem_shared>> -> memref<64x128xf32, #tpu.memory_space<vmem_shared>>
    %dma_wait3A_508 = arith.constant 0 : i32
    %dma_wait3A_509 = tpu.memref_slice %arg7[%add3A_500, %dma_wait3A_508] : memref<10240x128xf32, #tpu.memory_space<vmem_shared>> -> memref<64x128xf32, #tpu.memory_space<vmem_shared>>
    %dma_wait3A_510 = arith.constant 0 : i32
    %dma_wait3A_511 = arith.constant 0 : i32
    %dma_wait3A_512 = tpu.memref_slice %arg6[%dma_wait3A_501, %dma_wait3A_510, %dma_wait3A_511] : memref<5x64x128xf32, #tpu.memory_space<vmem>> -> memref<1x64x128xf32, #tpu.memory_space<vmem>>
    %dma_wait3A_513 = tpu.memref_squeeze %dma_wait3A_512 : memref<1x64x128xf32, #tpu.memory_space<vmem>> -> memref<64x128xf32, #tpu.memory_space<vmem>>
    tpu.wait_dma2 semaphore(%arg11 : memref<!tpu.dma_semaphore, #tpu.memory_space<semaphore_mem>>) src(%dma_wait3A_513 : memref<64x128xf32, #tpu.memory_space<vmem>>) dst(%dma_wait3A_509 : memref<64x128xf32, #tpu.memory_space<vmem_shared>>)
    %mul3A_514 = arith.constant 640 : i32
    %mul3A_515 = arith.muli %arg1, %mul3A_514 : i32
    %add3A_516 = arith.constant 256 : i32
    %add3A_517 = arith.addi %mul3A_515, %add3A_516 : i32
    %dma_wait3A_518 = arith.constant 4 : i32
    %dma_wait3A_519 = arith.constant 0 : i32
    %dma_wait3A_520 = arith.constant 0 : i32
    %dma_wait3A_521 = tpu.memref_slice %arg6[%dma_wait3A_518, %dma_wait3A_519, %dma_wait3A_520] : memref<5x64x128xf32, #tpu.memory_space<vmem>> -> memref<1x64x128xf32, #tpu.memory_space<vmem>>
    %dma_wait3A_522 = tpu.memref_squeeze %dma_wait3A_521 : memref<1x64x128xf32, #tpu.memory_space<vmem>> -> memref<64x128xf32, #tpu.memory_space<vmem>>
    %dma_wait3A_523 = arith.constant 0 : i32
    %dma_wait3A_524 = tpu.memref_slice %arg7[%add3A_517, %dma_wait3A_523] : memref<10240x128xf32, #tpu.memory_space<vmem_shared>> -> memref<64x128xf32, #tpu.memory_space<vmem_shared>>
    %dma_wait3A_525 = arith.constant 0 : i32
    %dma_wait3A_526 = tpu.memref_slice %arg7[%add3A_517, %dma_wait3A_525] : memref<10240x128xf32, #tpu.memory_space<vmem_shared>> -> memref<64x128xf32, #tpu.memory_space<vmem_shared>>
    %dma_wait3A_527 = arith.constant 0 : i32
    %dma_wait3A_528 = arith.constant 0 : i32
    %dma_wait3A_529 = tpu.memref_slice %arg6[%dma_wait3A_518, %dma_wait3A_527, %dma_wait3A_528] : memref<5x64x128xf32, #tpu.memory_space<vmem>> -> memref<1x64x128xf32, #tpu.memory_space<vmem>>
    %dma_wait3A_530 = tpu.memref_squeeze %dma_wait3A_529 : memref<1x64x128xf32, #tpu.memory_space<vmem>> -> memref<64x128xf32, #tpu.memory_space<vmem>>
    tpu.wait_dma2 semaphore(%arg11 : memref<!tpu.dma_semaphore, #tpu.memory_space<semaphore_mem>>) src(%dma_wait3A_530 : memref<64x128xf32, #tpu.memory_space<vmem>>) dst(%dma_wait3A_526 : memref<64x128xf32, #tpu.memory_space<vmem_shared>>)
    %mul3A_531 = arith.constant 640 : i32
    %mul3A_532 = arith.muli %arg1, %mul3A_531 : i32
    %add3A_533 = arith.constant 320 : i32
    %add3A_534 = arith.addi %mul3A_532, %add3A_533 : i32
    %dma_wait3A_535 = arith.constant 4 : i32
    %dma_wait3A_536 = arith.constant 0 : i32
    %dma_wait3A_537 = arith.constant 0 : i32
    %dma_wait3A_538 = tpu.memref_slice %arg6[%dma_wait3A_535, %dma_wait3A_536, %dma_wait3A_537] : memref<5x64x128xf32, #tpu.memory_space<vmem>> -> memref<1x64x128xf32, #tpu.memory_space<vmem>>
    %dma_wait3A_539 = tpu.memref_squeeze %dma_wait3A_538 : memref<1x64x128xf32, #tpu.memory_space<vmem>> -> memref<64x128xf32, #tpu.memory_space<vmem>>
    %dma_wait3A_540 = arith.constant 0 : i32
    %dma_wait3A_541 = tpu.memref_slice %arg7[%add3A_534, %dma_wait3A_540] : memref<10240x128xf32, #tpu.memory_space<vmem_shared>> -> memref<64x128xf32, #tpu.memory_space<vmem_shared>>
    %dma_wait3A_542 = arith.constant 0 : i32
    %dma_wait3A_543 = tpu.memref_slice %arg7[%add3A_534, %dma_wait3A_542] : memref<10240x128xf32, #tpu.memory_space<vmem_shared>> -> memref<64x128xf32, #tpu.memory_space<vmem_shared>>
    %dma_wait3A_544 = arith.constant 0 : i32
    %dma_wait3A_545 = arith.constant 0 : i32
    %dma_wait3A_546 = tpu.memref_slice %arg6[%dma_wait3A_535, %dma_wait3A_544, %dma_wait3A_545] : memref<5x64x128xf32, #tpu.memory_space<vmem>> -> memref<1x64x128xf32, #tpu.memory_space<vmem>>
    %dma_wait3A_547 = tpu.memref_squeeze %dma_wait3A_546 : memref<1x64x128xf32, #tpu.memory_space<vmem>> -> memref<64x128xf32, #tpu.memory_space<vmem>>
    tpu.wait_dma2 semaphore(%arg11 : memref<!tpu.dma_semaphore, #tpu.memory_space<semaphore_mem>>) src(%dma_wait3A_547 : memref<64x128xf32, #tpu.memory_space<vmem>>) dst(%dma_wait3A_543 : memref<64x128xf32, #tpu.memory_space<vmem_shared>>)
    %mul3A_548 = arith.constant 640 : i32
    %mul3A_549 = arith.muli %arg1, %mul3A_548 : i32
    %add3A_550 = arith.constant 384 : i32
    %add3A_551 = arith.addi %mul3A_549, %add3A_550 : i32
    %dma_wait3A_552 = arith.constant 4 : i32
    %dma_wait3A_553 = arith.constant 0 : i32
    %dma_wait3A_554 = arith.constant 0 : i32
    %dma_wait3A_555 = tpu.memref_slice %arg6[%dma_wait3A_552, %dma_wait3A_553, %dma_wait3A_554] : memref<5x64x128xf32, #tpu.memory_space<vmem>> -> memref<1x64x128xf32, #tpu.memory_space<vmem>>
    %dma_wait3A_556 = tpu.memref_squeeze %dma_wait3A_555 : memref<1x64x128xf32, #tpu.memory_space<vmem>> -> memref<64x128xf32, #tpu.memory_space<vmem>>
    %dma_wait3A_557 = arith.constant 0 : i32
    %dma_wait3A_558 = tpu.memref_slice %arg7[%add3A_551, %dma_wait3A_557] : memref<10240x128xf32, #tpu.memory_space<vmem_shared>> -> memref<64x128xf32, #tpu.memory_space<vmem_shared>>
    %dma_wait3A_559 = arith.constant 0 : i32
    %dma_wait3A_560 = tpu.memref_slice %arg7[%add3A_551, %dma_wait3A_559] : memref<10240x128xf32, #tpu.memory_space<vmem_shared>> -> memref<64x128xf32, #tpu.memory_space<vmem_shared>>
    %dma_wait3A_561 = arith.constant 0 : i32
    %dma_wait3A_562 = arith.constant 0 : i32
    %dma_wait3A_563 = tpu.memref_slice %arg6[%dma_wait3A_552, %dma_wait3A_561, %dma_wait3A_562] : memref<5x64x128xf32, #tpu.memory_space<vmem>> -> memref<1x64x128xf32, #tpu.memory_space<vmem>>
    %dma_wait3A_564 = tpu.memref_squeeze %dma_wait3A_563 : memref<1x64x128xf32, #tpu.memory_space<vmem>> -> memref<64x128xf32, #tpu.memory_space<vmem>>
    tpu.wait_dma2 semaphore(%arg11 : memref<!tpu.dma_semaphore, #tpu.memory_space<semaphore_mem>>) src(%dma_wait3A_564 : memref<64x128xf32, #tpu.memory_space<vmem>>) dst(%dma_wait3A_560 : memref<64x128xf32, #tpu.memory_space<vmem_shared>>)
    %mul3A_565 = arith.constant 640 : i32
    %mul3A_566 = arith.muli %arg1, %mul3A_565 : i32
    %add3A_567 = arith.constant 448 : i32
    %add3A_568 = arith.addi %mul3A_566, %add3A_567 : i32
    %dma_wait3A_569 = arith.constant 4 : i32
    %dma_wait3A_570 = arith.constant 0 : i32
    %dma_wait3A_571 = arith.constant 0 : i32
    %dma_wait3A_572 = tpu.memref_slice %arg6[%dma_wait3A_569, %dma_wait3A_570, %dma_wait3A_571] : memref<5x64x128xf32, #tpu.memory_space<vmem>> -> memref<1x64x128xf32, #tpu.memory_space<vmem>>
    %dma_wait3A_573 = tpu.memref_squeeze %dma_wait3A_572 : memref<1x64x128xf32, #tpu.memory_space<vmem>> -> memref<64x128xf32, #tpu.memory_space<vmem>>
    %dma_wait3A_574 = arith.constant 0 : i32
    %dma_wait3A_575 = tpu.memref_slice %arg7[%add3A_568, %dma_wait3A_574] : memref<10240x128xf32, #tpu.memory_space<vmem_shared>> -> memref<64x128xf32, #tpu.memory_space<vmem_shared>>
    %dma_wait3A_576 = arith.constant 0 : i32
    %dma_wait3A_577 = tpu.memref_slice %arg7[%add3A_568, %dma_wait3A_576] : memref<10240x128xf32, #tpu.memory_space<vmem_shared>> -> memref<64x128xf32, #tpu.memory_space<vmem_shared>>
    %dma_wait3A_578 = arith.constant 0 : i32
    %dma_wait3A_579 = arith.constant 0 : i32
    %dma_wait3A_580 = tpu.memref_slice %arg6[%dma_wait3A_569, %dma_wait3A_578, %dma_wait3A_579] : memref<5x64x128xf32, #tpu.memory_space<vmem>> -> memref<1x64x128xf32, #tpu.memory_space<vmem>>
    %dma_wait3A_581 = tpu.memref_squeeze %dma_wait3A_580 : memref<1x64x128xf32, #tpu.memory_space<vmem>> -> memref<64x128xf32, #tpu.memory_space<vmem>>
    tpu.wait_dma2 semaphore(%arg11 : memref<!tpu.dma_semaphore, #tpu.memory_space<semaphore_mem>>) src(%dma_wait3A_581 : memref<64x128xf32, #tpu.memory_space<vmem>>) dst(%dma_wait3A_577 : memref<64x128xf32, #tpu.memory_space<vmem_shared>>)
    %mul3A_582 = arith.constant 640 : i32
    %mul3A_583 = arith.muli %arg1, %mul3A_582 : i32
    %add3A_584 = arith.constant 512 : i32
    %add3A_585 = arith.addi %mul3A_583, %add3A_584 : i32
    %dma_wait3A_586 = arith.constant 4 : i32
    %dma_wait3A_587 = arith.constant 0 : i32
    %dma_wait3A_588 = arith.constant 0 : i32
    %dma_wait3A_589 = tpu.memref_slice %arg6[%dma_wait3A_586, %dma_wait3A_587, %dma_wait3A_588] : memref<5x64x128xf32, #tpu.memory_space<vmem>> -> memref<1x64x128xf32, #tpu.memory_space<vmem>>
    %dma_wait3A_590 = tpu.memref_squeeze %dma_wait3A_589 : memref<1x64x128xf32, #tpu.memory_space<vmem>> -> memref<64x128xf32, #tpu.memory_space<vmem>>
    %dma_wait3A_591 = arith.constant 0 : i32
    %dma_wait3A_592 = tpu.memref_slice %arg7[%add3A_585, %dma_wait3A_591] : memref<10240x128xf32, #tpu.memory_space<vmem_shared>> -> memref<64x128xf32, #tpu.memory_space<vmem_shared>>
    %dma_wait3A_593 = arith.constant 0 : i32
    %dma_wait3A_594 = tpu.memref_slice %arg7[%add3A_585, %dma_wait3A_593] : memref<10240x128xf32, #tpu.memory_space<vmem_shared>> -> memref<64x128xf32, #tpu.memory_space<vmem_shared>>
    %dma_wait3A_595 = arith.constant 0 : i32
    %dma_wait3A_596 = arith.constant 0 : i32
    %dma_wait3A_597 = tpu.memref_slice %arg6[%dma_wait3A_586, %dma_wait3A_595, %dma_wait3A_596] : memref<5x64x128xf32, #tpu.memory_space<vmem>> -> memref<1x64x128xf32, #tpu.memory_space<vmem>>
    %dma_wait3A_598 = tpu.memref_squeeze %dma_wait3A_597 : memref<1x64x128xf32, #tpu.memory_space<vmem>> -> memref<64x128xf32, #tpu.memory_space<vmem>>
    tpu.wait_dma2 semaphore(%arg11 : memref<!tpu.dma_semaphore, #tpu.memory_space<semaphore_mem>>) src(%dma_wait3A_598 : memref<64x128xf32, #tpu.memory_space<vmem>>) dst(%dma_wait3A_594 : memref<64x128xf32, #tpu.memory_space<vmem_shared>>)
    %mul3A_599 = arith.constant 640 : i32
    %mul3A_600 = arith.muli %arg1, %mul3A_599 : i32
    %add3A_601 = arith.constant 576 : i32
    %add3A_602 = arith.addi %mul3A_600, %add3A_601 : i32
    %dma_wait3A_603 = arith.constant 4 : i32
    %dma_wait3A_604 = arith.constant 0 : i32
    %dma_wait3A_605 = arith.constant 0 : i32
    %dma_wait3A_606 = tpu.memref_slice %arg6[%dma_wait3A_603, %dma_wait3A_604, %dma_wait3A_605] : memref<5x64x128xf32, #tpu.memory_space<vmem>> -> memref<1x64x128xf32, #tpu.memory_space<vmem>>
    %dma_wait3A_607 = tpu.memref_squeeze %dma_wait3A_606 : memref<1x64x128xf32, #tpu.memory_space<vmem>> -> memref<64x128xf32, #tpu.memory_space<vmem>>
    %dma_wait3A_608 = arith.constant 0 : i32
    %dma_wait3A_609 = tpu.memref_slice %arg7[%add3A_602, %dma_wait3A_608] : memref<10240x128xf32, #tpu.memory_space<vmem_shared>> -> memref<64x128xf32, #tpu.memory_space<vmem_shared>>
    %dma_wait3A_610 = arith.constant 0 : i32
    %dma_wait3A_611 = tpu.memref_slice %arg7[%add3A_602, %dma_wait3A_610] : memref<10240x128xf32, #tpu.memory_space<vmem_shared>> -> memref<64x128xf32, #tpu.memory_space<vmem_shared>>
    %dma_wait3A_612 = arith.constant 0 : i32
    %dma_wait3A_613 = arith.constant 0 : i32
    %dma_wait3A_614 = tpu.memref_slice %arg6[%dma_wait3A_603, %dma_wait3A_612, %dma_wait3A_613] : memref<5x64x128xf32, #tpu.memory_space<vmem>> -> memref<1x64x128xf32, #tpu.memory_space<vmem>>
    %dma_wait3A_615 = tpu.memref_squeeze %dma_wait3A_614 : memref<1x64x128xf32, #tpu.memory_space<vmem>> -> memref<64x128xf32, #tpu.memory_space<vmem>>
    tpu.wait_dma2 semaphore(%arg11 : memref<!tpu.dma_semaphore, #tpu.memory_space<semaphore_mem>>) src(%dma_wait3A_615 : memref<64x128xf32, #tpu.memory_space<vmem>>) dst(%dma_wait3A_611 : memref<64x128xf32, #tpu.memory_space<vmem_shared>>)
    %barrier3A = arith.constant 0 : index
    tpu.barrier barrier_id(%barrier3A)
    %scan3A_616 = arith.constant 0 : i32
    %scan3A_617 = arith.constant 160 : i32
    %scan3A_618 = arith.addi %scan3A_616, %scan3A_617 : i32
    %scan3A_619 = arith.constant 1 : i32
    scf.for %scan3A_897 = %scan3A_616 to %scan3A_618 step %scan3A_619  : i32 {
      %add3A_898 = arith.constant 4 : i32
      %add3A_899 = arith.addi %scan3A_897, %add3A_898 : i32
      %add3A_900 = arith.constant 1 : i32
      %add3A_901 = arith.addi %add3A_899, %add3A_900 : i32
      %lt3A = arith.constant 160 : i32
      %lt3A_902 = arith.cmpi slt, %add3A_901, %lt3A : i32
      %convert_element_type3A = arith.extui %lt3A_902 : i1 to i32
      %cond3A = arith.constant 0 : i32
      %cond3A_903 = arith.cmpi ne, %convert_element_type3A, %cond3A : i32
      scf.if %cond3A_903 {
        %rem3A_945 = arith.constant 7 : i32
        %rem3A_946 = arith.remsi %add3A_901, %rem3A_945 : i32
        %dma_start3A_947 = arith.constant 0 : i32
        %dma_start3A_948 = arith.constant 0 : i32
        %dma_start3A_949 = tpu.memref_slice %arg5[%rem3A_946, %dma_start3A_947, %dma_start3A_948] : memref<7x2x64xi32, #tpu.memory_space<vmem>> -> memref<1x2x64xi32, #tpu.memory_space<vmem>>
        %dma_start3A_950 = tpu.memref_squeeze %dma_start3A_949 : memref<1x2x64xi32, #tpu.memory_space<vmem>> -> memref<2x64xi32, #tpu.memory_space<vmem>>
        %dma_start3A_951 = arith.constant 0 : i32
        %dma_start3A_952 = arith.constant 0 : i32
        %dma_start3A_953 = tpu.memref_slice %arg3[%add3A, %add3A_901, %dma_start3A_951, %dma_start3A_952] : memref<32x160x2x64xi32, #tpu.memory_space<hbm>> -> memref<1x1x2x64xi32, #tpu.memory_space<hbm>>
        %dma_start3A_954 = tpu.memref_squeeze %dma_start3A_953 : memref<1x1x2x64xi32, #tpu.memory_space<hbm>> -> memref<2x64xi32, #tpu.memory_space<hbm>>
        %dma_start3A_955 = tpu.memref_slice %arg8[%rem3A_946] : memref<7x!tpu.dma_semaphore, #tpu.memory_space<semaphore_mem>> -> memref<1x!tpu.dma_semaphore, #tpu.memory_space<semaphore_mem>>
        %dma_start3A_956 = tpu.memref_squeeze %dma_start3A_955 : memref<1x!tpu.dma_semaphore, #tpu.memory_space<semaphore_mem>> -> memref<!tpu.dma_semaphore, #tpu.memory_space<semaphore_mem>>
        %dma_start3A_957 = arith.constant 0 : i32
        %dma_start3A_958 = arith.constant 0 : i32
        %dma_start3A_959 = tpu.memref_slice %arg5[%rem3A_946, %dma_start3A_957, %dma_start3A_958] : memref<7x2x64xi32, #tpu.memory_space<vmem>> -> memref<1x2x64xi32, #tpu.memory_space<vmem>>
        %dma_start3A_960 = tpu.memref_squeeze %dma_start3A_959 : memref<1x2x64xi32, #tpu.memory_space<vmem>> -> memref<2x64xi32, #tpu.memory_space<vmem>>
        %dma_start3A_961 = arith.constant 0 : i32
        %dma_start3A_962 = arith.constant 0 : i32
        %dma_start3A_963 = tpu.memref_slice %arg3[%add3A, %add3A_901, %dma_start3A_961, %dma_start3A_962] : memref<32x160x2x64xi32, #tpu.memory_space<hbm>> -> memref<1x1x2x64xi32, #tpu.memory_space<hbm>>
        %dma_start3A_964 = tpu.memref_squeeze %dma_start3A_963 : memref<1x1x2x64xi32, #tpu.memory_space<hbm>> -> memref<2x64xi32, #tpu.memory_space<hbm>>
        tpu.enqueue_dma source(%dma_start3A_964 : memref<2x64xi32, #tpu.memory_space<hbm>>) target(%dma_start3A_960 : memref<2x64xi32, #tpu.memory_space<vmem>>) target_semaphore(%dma_start3A_956 : memref<!tpu.dma_semaphore, #tpu.memory_space<semaphore_mem>>)
      } else {
      }
      %rem3A_904 = arith.constant 7 : i32
      %rem3A_905 = arith.remsi %scan3A_897, %rem3A_904 : i32
      %rem3A_906 = arith.constant 5 : i32
      %rem3A_907 = arith.remsi %scan3A_897, %rem3A_906 : i32
      %dma_wait3A_908 = arith.constant 0 : i32
      %dma_wait3A_909 = arith.constant 0 : i32
      %dma_wait3A_910 = arith.constant 0 : i32
      %dma_wait3A_911 = tpu.memref_slice %arg6[%rem3A_907, %dma_wait3A_909, %dma_wait3A_910] : memref<5x64x128xf32, #tpu.memory_space<vmem>> -> memref<1x64x128xf32, #tpu.memory_space<vmem>>
      %dma_wait3A_912 = tpu.memref_squeeze %dma_wait3A_911 : memref<1x64x128xf32, #tpu.memory_space<vmem>> -> memref<64x128xf32, #tpu.memory_space<vmem>>
      %dma_wait3A_913 = arith.constant 0 : i32
      %dma_wait3A_914 = tpu.memref_slice %arg5[%rem3A_905, %dma_wait3A_908, %dma_wait3A_913] : memref<7x2x64xi32, #tpu.memory_space<vmem>> -> memref<1x1x64xi32, #tpu.memory_space<vmem>>
      %dma_wait3A_915 = tpu.memref_squeeze %dma_wait3A_914 : memref<1x1x64xi32, #tpu.memory_space<vmem>> -> memref<64xi32, #tpu.memory_space<vmem>>
      %dma_wait3A_916 = arith.constant 0 : i32
      %dma_wait3A_917 = arith.constant 0 : i32
      %dma_wait3A_918 = tpu.memref_slice %arg2[%dma_wait3A_916, %dma_wait3A_917] : memref<10000x128xf32, #tpu.memory_space<hbm>> -> memref<10000x128xf32, #tpu.memory_space<hbm>>
      %dma_wait3A_919 = tpu.memref_slice %arg9[%rem3A_907] : memref<5x!tpu.dma_semaphore, #tpu.memory_space<semaphore_mem>> -> memref<1x!tpu.dma_semaphore, #tpu.memory_space<semaphore_mem>>
      %dma_wait3A_920 = tpu.memref_squeeze %dma_wait3A_919 : memref<1x!tpu.dma_semaphore, #tpu.memory_space<semaphore_mem>> -> memref<!tpu.dma_semaphore, #tpu.memory_space<semaphore_mem>>
      tpu.wait_indirect_dma semaphore(%dma_wait3A_920 : memref<!tpu.dma_semaphore, #tpu.memory_space<semaphore_mem>>) src(%dma_wait3A_918 : memref<10000x128xf32, #tpu.memory_space<hbm>>) dst(%dma_wait3A_912 : memref<64x128xf32, #tpu.memory_space<vmem>>)
      %rem3A_921 = arith.constant 7 : i32
      %rem3A_922 = arith.remsi %scan3A_897, %rem3A_921 : i32
      %rem3A_923 = arith.constant 5 : i32
      %rem3A_924 = arith.remsi %scan3A_897, %rem3A_923 : i32
      %dma_start3A_925 = arith.constant 1 : i32
      %dma_start3A_926 = arith.constant 0 : i32
      %dma_start3A_927 = arith.constant 0 : i32
      %dma_start3A_928 = tpu.memref_slice %arg6[%rem3A_924, %dma_start3A_926, %dma_start3A_927] : memref<5x64x128xf32, #tpu.memory_space<vmem>> -> memref<1x64x128xf32, #tpu.memory_space<vmem>>
      %dma_start3A_929 = tpu.memref_squeeze %dma_start3A_928 : memref<1x64x128xf32, #tpu.memory_space<vmem>> -> memref<64x128xf32, #tpu.memory_space<vmem>>
      %dma_start3A_930 = arith.constant 0 : i32
      %dma_start3A_931 = tpu.memref_slice %arg5[%rem3A_922, %dma_start3A_925, %dma_start3A_930] : memref<7x2x64xi32, #tpu.memory_space<vmem>> -> memref<1x1x64xi32, #tpu.memory_space<vmem>>
      %dma_start3A_932 = tpu.memref_squeeze %dma_start3A_931 : memref<1x1x64xi32, #tpu.memory_space<vmem>> -> memref<64xi32, #tpu.memory_space<vmem>>
      %dma_start3A_933 = arith.constant 0 : i32
      %dma_start3A_934 = arith.constant 0 : i32
      %dma_start3A_935 = tpu.memref_slice %arg7[%dma_start3A_933, %dma_start3A_934] : memref<10240x128xf32, #tpu.memory_space<vmem_shared>> -> memref<10240x128xf32, #tpu.memory_space<vmem_shared>>
      %dma_start3A_936 = tpu.memref_slice %arg10[%rem3A_924] : memref<5x!tpu.dma_semaphore, #tpu.memory_space<semaphore_mem>> -> memref<1x!tpu.dma_semaphore, #tpu.memory_space<semaphore_mem>>
      %dma_start3A_937 = tpu.memref_squeeze %dma_start3A_936 : memref<1x!tpu.dma_semaphore, #tpu.memory_space<semaphore_mem>> -> memref<!tpu.dma_semaphore, #tpu.memory_space<semaphore_mem>>
      tpu.enqueue_indirect_dma source(%dma_start3A_929 : memref<64x128xf32, #tpu.memory_space<vmem>>) target(%dma_start3A_935 : memref<10240x128xf32, #tpu.memory_space<vmem_shared>>) offsets(%dma_start3A_932 : memref<64xi32, #tpu.memory_space<vmem>>) semaphore(%dma_start3A_937 : memref<!tpu.dma_semaphore, #tpu.memory_space<semaphore_mem>>) {add = true}
      %add3A_938 = arith.constant 4 : i32
      %add3A_939 = arith.addi %scan3A_897, %add3A_938 : i32
      %lt3A_940 = arith.constant 160 : i32
      %lt3A_941 = arith.cmpi slt, %add3A_939, %lt3A_940 : i32
      %convert_element_type3A_942 = arith.extui %lt3A_941 : i1 to i32
      %cond3A_943 = arith.constant 0 : i32
      %cond3A_944 = arith.cmpi ne, %convert_element_type3A_942, %cond3A_943 : i32
      scf.if %cond3A_944 {
        %ge3A = arith.constant 5 : i32
        %ge3A_945 = arith.cmpi sge, %add3A_939, %ge3A : i32
        %convert_element_type3A_946 = arith.extui %ge3A_945 : i1 to i32
        %cond3A_947 = arith.constant 0 : i32
        %cond3A_948 = arith.cmpi ne, %convert_element_type3A_946, %cond3A_947 : i32
        scf.if %cond3A_948 {
          %sub3A = arith.constant 5 : i32
          %sub3A_986 = arith.subi %add3A_939, %sub3A : i32
          %rem3A_987 = arith.constant 7 : i32
          %rem3A_988 = arith.remsi %sub3A_986, %rem3A_987 : i32
          %rem3A_989 = arith.constant 5 : i32
          %rem3A_990 = arith.remsi %sub3A_986, %rem3A_989 : i32
          %dma_wait3A_991 = arith.constant 1 : i32
          %dma_wait3A_992 = arith.constant 0 : i32
          %dma_wait3A_993 = arith.constant 0 : i32
          %dma_wait3A_994 = tpu.memref_slice %arg6[%rem3A_990, %dma_wait3A_992, %dma_wait3A_993] : memref<5x64x128xf32, #tpu.memory_space<vmem>> -> memref<1x64x128xf32, #tpu.memory_space<vmem>>
          %dma_wait3A_995 = tpu.memref_squeeze %dma_wait3A_994 : memref<1x64x128xf32, #tpu.memory_space<vmem>> -> memref<64x128xf32, #tpu.memory_space<vmem>>
          %dma_wait3A_996 = arith.constant 0 : i32
          %dma_wait3A_997 = tpu.memref_slice %arg5[%rem3A_988, %dma_wait3A_991, %dma_wait3A_996] : memref<7x2x64xi32, #tpu.memory_space<vmem>> -> memref<1x1x64xi32, #tpu.memory_space<vmem>>
          %dma_wait3A_998 = tpu.memref_squeeze %dma_wait3A_997 : memref<1x1x64xi32, #tpu.memory_space<vmem>> -> memref<64xi32, #tpu.memory_space<vmem>>
          %dma_wait3A_999 = arith.constant 0 : i32
          %dma_wait3A_1000 = arith.constant 0 : i32
          %dma_wait3A_1001 = tpu.memref_slice %arg7[%dma_wait3A_999, %dma_wait3A_1000] : memref<10240x128xf32, #tpu.memory_space<vmem_shared>> -> memref<10240x128xf32, #tpu.memory_space<vmem_shared>>
          %dma_wait3A_1002 = tpu.memref_slice %arg10[%rem3A_990] : memref<5x!tpu.dma_semaphore, #tpu.memory_space<semaphore_mem>> -> memref<1x!tpu.dma_semaphore, #tpu.memory_space<semaphore_mem>>
          %dma_wait3A_1003 = tpu.memref_squeeze %dma_wait3A_1002 : memref<1x!tpu.dma_semaphore, #tpu.memory_space<semaphore_mem>> -> memref<!tpu.dma_semaphore, #tpu.memory_space<semaphore_mem>>
          tpu.wait_indirect_dma semaphore(%dma_wait3A_1003 : memref<!tpu.dma_semaphore, #tpu.memory_space<semaphore_mem>>) src(%dma_wait3A_995 : memref<64x128xf32, #tpu.memory_space<vmem>>) dst(%dma_wait3A_1001 : memref<10240x128xf32, #tpu.memory_space<vmem_shared>>)
        } else {
        }
        %rem3A_949 = arith.constant 7 : i32
        %rem3A_950 = arith.remsi %add3A_939, %rem3A_949 : i32
        %dma_wait3A_951 = arith.constant 0 : i32
        %dma_wait3A_952 = arith.constant 0 : i32
        %dma_wait3A_953 = tpu.memref_slice %arg5[%rem3A_950, %dma_wait3A_951, %dma_wait3A_952] : memref<7x2x64xi32, #tpu.memory_space<vmem>> -> memref<1x2x64xi32, #tpu.memory_space<vmem>>
        %dma_wait3A_954 = tpu.memref_squeeze %dma_wait3A_953 : memref<1x2x64xi32, #tpu.memory_space<vmem>> -> memref<2x64xi32, #tpu.memory_space<vmem>>
        %dma_wait3A_955 = arith.constant 0 : i32
        %dma_wait3A_956 = arith.constant 0 : i32
        %dma_wait3A_957 = tpu.memref_slice %arg3[%add3A, %add3A_939, %dma_wait3A_955, %dma_wait3A_956] : memref<32x160x2x64xi32, #tpu.memory_space<hbm>> -> memref<1x1x2x64xi32, #tpu.memory_space<hbm>>
        %dma_wait3A_958 = tpu.memref_squeeze %dma_wait3A_957 : memref<1x1x2x64xi32, #tpu.memory_space<hbm>> -> memref<2x64xi32, #tpu.memory_space<hbm>>
        %dma_wait3A_959 = tpu.memref_slice %arg8[%rem3A_950] : memref<7x!tpu.dma_semaphore, #tpu.memory_space<semaphore_mem>> -> memref<1x!tpu.dma_semaphore, #tpu.memory_space<semaphore_mem>>
        %dma_wait3A_960 = tpu.memref_squeeze %dma_wait3A_959 : memref<1x!tpu.dma_semaphore, #tpu.memory_space<semaphore_mem>> -> memref<!tpu.dma_semaphore, #tpu.memory_space<semaphore_mem>>
        %dma_wait3A_961 = arith.constant 0 : i32
        %dma_wait3A_962 = arith.constant 0 : i32
        %dma_wait3A_963 = tpu.memref_slice %arg5[%rem3A_950, %dma_wait3A_961, %dma_wait3A_962] : memref<7x2x64xi32, #tpu.memory_space<vmem>> -> memref<1x2x64xi32, #tpu.memory_space<vmem>>
        %dma_wait3A_964 = tpu.memref_squeeze %dma_wait3A_963 : memref<1x2x64xi32, #tpu.memory_space<vmem>> -> memref<2x64xi32, #tpu.memory_space<vmem>>
        %dma_wait3A_965 = arith.constant 0 : i32
        %dma_wait3A_966 = arith.constant 0 : i32
        %dma_wait3A_967 = tpu.memref_slice %arg3[%add3A, %add3A_939, %dma_wait3A_965, %dma_wait3A_966] : memref<32x160x2x64xi32, #tpu.memory_space<hbm>> -> memref<1x1x2x64xi32, #tpu.memory_space<hbm>>
        %dma_wait3A_968 = tpu.memref_squeeze %dma_wait3A_967 : memref<1x1x2x64xi32, #tpu.memory_space<hbm>> -> memref<2x64xi32, #tpu.memory_space<hbm>>
        tpu.wait_dma2 semaphore(%dma_wait3A_960 : memref<!tpu.dma_semaphore, #tpu.memory_space<semaphore_mem>>) src(%dma_wait3A_968 : memref<2x64xi32, #tpu.memory_space<hbm>>) dst(%dma_wait3A_964 : memref<2x64xi32, #tpu.memory_space<vmem>>)
        %rem3A_969 = arith.constant 7 : i32
        %rem3A_970 = arith.remsi %add3A_939, %rem3A_969 : i32
        %rem3A_971 = arith.constant 5 : i32
        %rem3A_972 = arith.remsi %add3A_939, %rem3A_971 : i32
        %dma_start3A_973 = arith.constant 0 : i32
        %dma_start3A_974 = arith.constant 0 : i32
        %dma_start3A_975 = arith.constant 0 : i32
        %dma_start3A_976 = tpu.memref_slice %arg6[%rem3A_972, %dma_start3A_974, %dma_start3A_975] : memref<5x64x128xf32, #tpu.memory_space<vmem>> -> memref<1x64x128xf32, #tpu.memory_space<vmem>>
        %dma_start3A_977 = tpu.memref_squeeze %dma_start3A_976 : memref<1x64x128xf32, #tpu.memory_space<vmem>> -> memref<64x128xf32, #tpu.memory_space<vmem>>
        %dma_start3A_978 = arith.constant 0 : i32
        %dma_start3A_979 = tpu.memref_slice %arg5[%rem3A_970, %dma_start3A_973, %dma_start3A_978] : memref<7x2x64xi32, #tpu.memory_space<vmem>> -> memref<1x1x64xi32, #tpu.memory_space<vmem>>
        %dma_start3A_980 = tpu.memref_squeeze %dma_start3A_979 : memref<1x1x64xi32, #tpu.memory_space<vmem>> -> memref<64xi32, #tpu.memory_space<vmem>>
        %dma_start3A_981 = arith.constant 0 : i32
        %dma_start3A_982 = arith.constant 0 : i32
        %dma_start3A_983 = tpu.memref_slice %arg2[%dma_start3A_981, %dma_start3A_982] : memref<10000x128xf32, #tpu.memory_space<hbm>> -> memref<10000x128xf32, #tpu.memory_space<hbm>>
        %dma_start3A_984 = tpu.memref_slice %arg9[%rem3A_972] : memref<5x!tpu.dma_semaphore, #tpu.memory_space<semaphore_mem>> -> memref<1x!tpu.dma_semaphore, #tpu.memory_space<semaphore_mem>>
        %dma_start3A_985 = tpu.memref_squeeze %dma_start3A_984 : memref<1x!tpu.dma_semaphore, #tpu.memory_space<semaphore_mem>> -> memref<!tpu.dma_semaphore, #tpu.memory_space<semaphore_mem>>
        tpu.enqueue_indirect_dma source(%dma_start3A_983 : memref<10000x128xf32, #tpu.memory_space<hbm>>) target(%dma_start3A_977 : memref<64x128xf32, #tpu.memory_space<vmem>>) offsets(%dma_start3A_980 : memref<64xi32, #tpu.memory_space<vmem>>) semaphore(%dma_start3A_985 : memref<!tpu.dma_semaphore, #tpu.memory_space<semaphore_mem>>)
      } else {
      }
    }
    %scan3A_620 = arith.constant 160 : i32
    %rem3A_621 = arith.constant 155 : i32
    %rem3A_622 = arith.constant 7 : i32
    %rem3A_623 = arith.remsi %rem3A_621, %rem3A_622 : i32
    %rem3A_624 = arith.constant 155 : i32
    %rem3A_625 = arith.constant 5 : i32
    %rem3A_626 = arith.remsi %rem3A_624, %rem3A_625 : i32
    %dma_wait3A_627 = arith.constant 1 : i32
    %dma_wait3A_628 = arith.constant 0 : i32
    %dma_wait3A_629 = arith.constant 0 : i32
    %dma_wait3A_630 = tpu.memref_slice %arg6[%rem3A_626, %dma_wait3A_628, %dma_wait3A_629] : memref<5x64x128xf32, #tpu.memory_space<vmem>> -> memref<1x64x128xf32, #tpu.memory_space<vmem>>
    %dma_wait3A_631 = tpu.memref_squeeze %dma_wait3A_630 : memref<1x64x128xf32, #tpu.memory_space<vmem>> -> memref<64x128xf32, #tpu.memory_space<vmem>>
    %dma_wait3A_632 = arith.constant 0 : i32
    %dma_wait3A_633 = tpu.memref_slice %arg5[%rem3A_623, %dma_wait3A_627, %dma_wait3A_632] : memref<7x2x64xi32, #tpu.memory_space<vmem>> -> memref<1x1x64xi32, #tpu.memory_space<vmem>>
    %dma_wait3A_634 = tpu.memref_squeeze %dma_wait3A_633 : memref<1x1x64xi32, #tpu.memory_space<vmem>> -> memref<64xi32, #tpu.memory_space<vmem>>
    %dma_wait3A_635 = arith.constant 0 : i32
    %dma_wait3A_636 = arith.constant 0 : i32
    %dma_wait3A_637 = tpu.memref_slice %arg7[%dma_wait3A_635, %dma_wait3A_636] : memref<10240x128xf32, #tpu.memory_space<vmem_shared>> -> memref<10240x128xf32, #tpu.memory_space<vmem_shared>>
    %dma_wait3A_638 = tpu.memref_slice %arg10[%rem3A_626] : memref<5x!tpu.dma_semaphore, #tpu.memory_space<semaphore_mem>> -> memref<1x!tpu.dma_semaphore, #tpu.memory_space<semaphore_mem>>
    %dma_wait3A_639 = tpu.memref_squeeze %dma_wait3A_638 : memref<1x!tpu.dma_semaphore, #tpu.memory_space<semaphore_mem>> -> memref<!tpu.dma_semaphore, #tpu.memory_space<semaphore_mem>>
    tpu.wait_indirect_dma semaphore(%dma_wait3A_639 : memref<!tpu.dma_semaphore, #tpu.memory_space<semaphore_mem>>) src(%dma_wait3A_631 : memref<64x128xf32, #tpu.memory_space<vmem>>) dst(%dma_wait3A_637 : memref<10240x128xf32, #tpu.memory_space<vmem_shared>>)
    %rem3A_640 = arith.constant 156 : i32
    %rem3A_641 = arith.constant 7 : i32
    %rem3A_642 = arith.remsi %rem3A_640, %rem3A_641 : i32
    %rem3A_643 = arith.constant 156 : i32
    %rem3A_644 = arith.constant 5 : i32
    %rem3A_645 = arith.remsi %rem3A_643, %rem3A_644 : i32
    %dma_wait3A_646 = arith.constant 1 : i32
    %dma_wait3A_647 = arith.constant 0 : i32
    %dma_wait3A_648 = arith.constant 0 : i32
    %dma_wait3A_649 = tpu.memref_slice %arg6[%rem3A_645, %dma_wait3A_647, %dma_wait3A_648] : memref<5x64x128xf32, #tpu.memory_space<vmem>> -> memref<1x64x128xf32, #tpu.memory_space<vmem>>
    %dma_wait3A_650 = tpu.memref_squeeze %dma_wait3A_649 : memref<1x64x128xf32, #tpu.memory_space<vmem>> -> memref<64x128xf32, #tpu.memory_space<vmem>>
    %dma_wait3A_651 = arith.constant 0 : i32
    %dma_wait3A_652 = tpu.memref_slice %arg5[%rem3A_642, %dma_wait3A_646, %dma_wait3A_651] : memref<7x2x64xi32, #tpu.memory_space<vmem>> -> memref<1x1x64xi32, #tpu.memory_space<vmem>>
    %dma_wait3A_653 = tpu.memref_squeeze %dma_wait3A_652 : memref<1x1x64xi32, #tpu.memory_space<vmem>> -> memref<64xi32, #tpu.memory_space<vmem>>
    %dma_wait3A_654 = arith.constant 0 : i32
    %dma_wait3A_655 = arith.constant 0 : i32
    %dma_wait3A_656 = tpu.memref_slice %arg7[%dma_wait3A_654, %dma_wait3A_655] : memref<10240x128xf32, #tpu.memory_space<vmem_shared>> -> memref<10240x128xf32, #tpu.memory_space<vmem_shared>>
    %dma_wait3A_657 = tpu.memref_slice %arg10[%rem3A_645] : memref<5x!tpu.dma_semaphore, #tpu.memory_space<semaphore_mem>> -> memref<1x!tpu.dma_semaphore, #tpu.memory_space<semaphore_mem>>
    %dma_wait3A_658 = tpu.memref_squeeze %dma_wait3A_657 : memref<1x!tpu.dma_semaphore, #tpu.memory_space<semaphore_mem>> -> memref<!tpu.dma_semaphore, #tpu.memory_space<semaphore_mem>>
    tpu.wait_indirect_dma semaphore(%dma_wait3A_658 : memref<!tpu.dma_semaphore, #tpu.memory_space<semaphore_mem>>) src(%dma_wait3A_650 : memref<64x128xf32, #tpu.memory_space<vmem>>) dst(%dma_wait3A_656 : memref<10240x128xf32, #tpu.memory_space<vmem_shared>>)
    %rem3A_659 = arith.constant 157 : i32
    %rem3A_660 = arith.constant 7 : i32
    %rem3A_661 = arith.remsi %rem3A_659, %rem3A_660 : i32
    %rem3A_662 = arith.constant 157 : i32
    %rem3A_663 = arith.constant 5 : i32
    %rem3A_664 = arith.remsi %rem3A_662, %rem3A_663 : i32
    %dma_wait3A_665 = arith.constant 1 : i32
    %dma_wait3A_666 = arith.constant 0 : i32
    %dma_wait3A_667 = arith.constant 0 : i32
    %dma_wait3A_668 = tpu.memref_slice %arg6[%rem3A_664, %dma_wait3A_666, %dma_wait3A_667] : memref<5x64x128xf32, #tpu.memory_space<vmem>> -> memref<1x64x128xf32, #tpu.memory_space<vmem>>
    %dma_wait3A_669 = tpu.memref_squeeze %dma_wait3A_668 : memref<1x64x128xf32, #tpu.memory_space<vmem>> -> memref<64x128xf32, #tpu.memory_space<vmem>>
    %dma_wait3A_670 = arith.constant 0 : i32
    %dma_wait3A_671 = tpu.memref_slice %arg5[%rem3A_661, %dma_wait3A_665, %dma_wait3A_670] : memref<7x2x64xi32, #tpu.memory_space<vmem>> -> memref<1x1x64xi32, #tpu.memory_space<vmem>>
    %dma_wait3A_672 = tpu.memref_squeeze %dma_wait3A_671 : memref<1x1x64xi32, #tpu.memory_space<vmem>> -> memref<64xi32, #tpu.memory_space<vmem>>
    %dma_wait3A_673 = arith.constant 0 : i32
    %dma_wait3A_674 = arith.constant 0 : i32
    %dma_wait3A_675 = tpu.memref_slice %arg7[%dma_wait3A_673, %dma_wait3A_674] : memref<10240x128xf32, #tpu.memory_space<vmem_shared>> -> memref<10240x128xf32, #tpu.memory_space<vmem_shared>>
    %dma_wait3A_676 = tpu.memref_slice %arg10[%rem3A_664] : memref<5x!tpu.dma_semaphore, #tpu.memory_space<semaphore_mem>> -> memref<1x!tpu.dma_semaphore, #tpu.memory_space<semaphore_mem>>
    %dma_wait3A_677 = tpu.memref_squeeze %dma_wait3A_676 : memref<1x!tpu.dma_semaphore, #tpu.memory_space<semaphore_mem>> -> memref<!tpu.dma_semaphore, #tpu.memory_space<semaphore_mem>>
    tpu.wait_indirect_dma semaphore(%dma_wait3A_677 : memref<!tpu.dma_semaphore, #tpu.memory_space<semaphore_mem>>) src(%dma_wait3A_669 : memref<64x128xf32, #tpu.memory_space<vmem>>) dst(%dma_wait3A_675 : memref<10240x128xf32, #tpu.memory_space<vmem_shared>>)
    %rem3A_678 = arith.constant 158 : i32
    %rem3A_679 = arith.constant 7 : i32
    %rem3A_680 = arith.remsi %rem3A_678, %rem3A_679 : i32
    %rem3A_681 = arith.constant 158 : i32
    %rem3A_682 = arith.constant 5 : i32
    %rem3A_683 = arith.remsi %rem3A_681, %rem3A_682 : i32
    %dma_wait3A_684 = arith.constant 1 : i32
    %dma_wait3A_685 = arith.constant 0 : i32
    %dma_wait3A_686 = arith.constant 0 : i32
    %dma_wait3A_687 = tpu.memref_slice %arg6[%rem3A_683, %dma_wait3A_685, %dma_wait3A_686] : memref<5x64x128xf32, #tpu.memory_space<vmem>> -> memref<1x64x128xf32, #tpu.memory_space<vmem>>
    %dma_wait3A_688 = tpu.memref_squeeze %dma_wait3A_687 : memref<1x64x128xf32, #tpu.memory_space<vmem>> -> memref<64x128xf32, #tpu.memory_space<vmem>>
    %dma_wait3A_689 = arith.constant 0 : i32
    %dma_wait3A_690 = tpu.memref_slice %arg5[%rem3A_680, %dma_wait3A_684, %dma_wait3A_689] : memref<7x2x64xi32, #tpu.memory_space<vmem>> -> memref<1x1x64xi32, #tpu.memory_space<vmem>>
    %dma_wait3A_691 = tpu.memref_squeeze %dma_wait3A_690 : memref<1x1x64xi32, #tpu.memory_space<vmem>> -> memref<64xi32, #tpu.memory_space<vmem>>
    %dma_wait3A_692 = arith.constant 0 : i32
    %dma_wait3A_693 = arith.constant 0 : i32
    %dma_wait3A_694 = tpu.memref_slice %arg7[%dma_wait3A_692, %dma_wait3A_693] : memref<10240x128xf32, #tpu.memory_space<vmem_shared>> -> memref<10240x128xf32, #tpu.memory_space<vmem_shared>>
    %dma_wait3A_695 = tpu.memref_slice %arg10[%rem3A_683] : memref<5x!tpu.dma_semaphore, #tpu.memory_space<semaphore_mem>> -> memref<1x!tpu.dma_semaphore, #tpu.memory_space<semaphore_mem>>
    %dma_wait3A_696 = tpu.memref_squeeze %dma_wait3A_695 : memref<1x!tpu.dma_semaphore, #tpu.memory_space<semaphore_mem>> -> memref<!tpu.dma_semaphore, #tpu.memory_space<semaphore_mem>>
    tpu.wait_indirect_dma semaphore(%dma_wait3A_696 : memref<!tpu.dma_semaphore, #tpu.memory_space<semaphore_mem>>) src(%dma_wait3A_688 : memref<64x128xf32, #tpu.memory_space<vmem>>) dst(%dma_wait3A_694 : memref<10240x128xf32, #tpu.memory_space<vmem_shared>>)
    %rem3A_697 = arith.constant 159 : i32
    %rem3A_698 = arith.constant 7 : i32
    %rem3A_699 = arith.remsi %rem3A_697, %rem3A_698 : i32
    %rem3A_700 = arith.constant 159 : i32
    %rem3A_701 = arith.constant 5 : i32
    %rem3A_702 = arith.remsi %rem3A_700, %rem3A_701 : i32
    %dma_wait3A_703 = arith.constant 1 : i32
    %dma_wait3A_704 = arith.constant 0 : i32
    %dma_wait3A_705 = arith.constant 0 : i32
    %dma_wait3A_706 = tpu.memref_slice %arg6[%rem3A_702, %dma_wait3A_704, %dma_wait3A_705] : memref<5x64x128xf32, #tpu.memory_space<vmem>> -> memref<1x64x128xf32, #tpu.memory_space<vmem>>
    %dma_wait3A_707 = tpu.memref_squeeze %dma_wait3A_706 : memref<1x64x128xf32, #tpu.memory_space<vmem>> -> memref<64x128xf32, #tpu.memory_space<vmem>>
    %dma_wait3A_708 = arith.constant 0 : i32
    %dma_wait3A_709 = tpu.memref_slice %arg5[%rem3A_699, %dma_wait3A_703, %dma_wait3A_708] : memref<7x2x64xi32, #tpu.memory_space<vmem>> -> memref<1x1x64xi32, #tpu.memory_space<vmem>>
    %dma_wait3A_710 = tpu.memref_squeeze %dma_wait3A_709 : memref<1x1x64xi32, #tpu.memory_space<vmem>> -> memref<64xi32, #tpu.memory_space<vmem>>
    %dma_wait3A_711 = arith.constant 0 : i32
    %dma_wait3A_712 = arith.constant 0 : i32
    %dma_wait3A_713 = tpu.memref_slice %arg7[%dma_wait3A_711, %dma_wait3A_712] : memref<10240x128xf32, #tpu.memory_space<vmem_shared>> -> memref<10240x128xf32, #tpu.memory_space<vmem_shared>>
    %dma_wait3A_714 = tpu.memref_slice %arg10[%rem3A_702] : memref<5x!tpu.dma_semaphore, #tpu.memory_space<semaphore_mem>> -> memref<1x!tpu.dma_semaphore, #tpu.memory_space<semaphore_mem>>
    %dma_wait3A_715 = tpu.memref_squeeze %dma_wait3A_714 : memref<1x!tpu.dma_semaphore, #tpu.memory_space<semaphore_mem>> -> memref<!tpu.dma_semaphore, #tpu.memory_space<semaphore_mem>>
    tpu.wait_indirect_dma semaphore(%dma_wait3A_715 : memref<!tpu.dma_semaphore, #tpu.memory_space<semaphore_mem>>) src(%dma_wait3A_707 : memref<64x128xf32, #tpu.memory_space<vmem>>) dst(%dma_wait3A_713 : memref<10240x128xf32, #tpu.memory_space<vmem_shared>>)
    %barrier3A_716 = arith.constant 0 : index
    tpu.barrier barrier_id(%barrier3A_716)
    %mul3A_717 = arith.constant 640 : i32
    %mul3A_718 = arith.muli %arg1, %mul3A_717 : i32
    %add3A_719 = arith.constant 0 : i32
    %add3A_720 = arith.addi %mul3A_718, %add3A_719 : i32
    %dma_start3A_721 = arith.constant 0 : i32
    %dma_start3A_722 = tpu.memref_slice %arg4[%arg0, %add3A_720, %dma_start3A_721] : memref<2x10240x128xf32, #tpu.memory_space<hbm>> -> memref<1x64x128xf32, #tpu.memory_space<hbm>>
    %dma_start3A_723 = tpu.memref_squeeze %dma_start3A_722 : memref<1x64x128xf32, #tpu.memory_space<hbm>> -> memref<64x128xf32, #tpu.memory_space<hbm>>
    %dma_start3A_724 = arith.constant 0 : i32
    %dma_start3A_725 = tpu.memref_slice %arg7[%add3A_720, %dma_start3A_724] : memref<10240x128xf32, #tpu.memory_space<vmem_shared>> -> memref<64x128xf32, #tpu.memory_space<vmem_shared>>
    tpu.enqueue_dma source(%dma_start3A_725 : memref<64x128xf32, #tpu.memory_space<vmem_shared>>) target(%dma_start3A_723 : memref<64x128xf32, #tpu.memory_space<hbm>>) target_semaphore(%arg11 : memref<!tpu.dma_semaphore, #tpu.memory_space<semaphore_mem>>)
    %mul3A_726 = arith.constant 640 : i32
    %mul3A_727 = arith.muli %arg1, %mul3A_726 : i32
    %add3A_728 = arith.constant 64 : i32
    %add3A_729 = arith.addi %mul3A_727, %add3A_728 : i32
    %dma_start3A_730 = arith.constant 0 : i32
    %dma_start3A_731 = tpu.memref_slice %arg4[%arg0, %add3A_729, %dma_start3A_730] : memref<2x10240x128xf32, #tpu.memory_space<hbm>> -> memref<1x64x128xf32, #tpu.memory_space<hbm>>
    %dma_start3A_732 = tpu.memref_squeeze %dma_start3A_731 : memref<1x64x128xf32, #tpu.memory_space<hbm>> -> memref<64x128xf32, #tpu.memory_space<hbm>>
    %dma_start3A_733 = arith.constant 0 : i32
    %dma_start3A_734 = tpu.memref_slice %arg7[%add3A_729, %dma_start3A_733] : memref<10240x128xf32, #tpu.memory_space<vmem_shared>> -> memref<64x128xf32, #tpu.memory_space<vmem_shared>>
    tpu.enqueue_dma source(%dma_start3A_734 : memref<64x128xf32, #tpu.memory_space<vmem_shared>>) target(%dma_start3A_732 : memref<64x128xf32, #tpu.memory_space<hbm>>) target_semaphore(%arg11 : memref<!tpu.dma_semaphore, #tpu.memory_space<semaphore_mem>>)
    %mul3A_735 = arith.constant 640 : i32
    %mul3A_736 = arith.muli %arg1, %mul3A_735 : i32
    %add3A_737 = arith.constant 128 : i32
    %add3A_738 = arith.addi %mul3A_736, %add3A_737 : i32
    %dma_start3A_739 = arith.constant 0 : i32
    %dma_start3A_740 = tpu.memref_slice %arg4[%arg0, %add3A_738, %dma_start3A_739] : memref<2x10240x128xf32, #tpu.memory_space<hbm>> -> memref<1x64x128xf32, #tpu.memory_space<hbm>>
    %dma_start3A_741 = tpu.memref_squeeze %dma_start3A_740 : memref<1x64x128xf32, #tpu.memory_space<hbm>> -> memref<64x128xf32, #tpu.memory_space<hbm>>
    %dma_start3A_742 = arith.constant 0 : i32
    %dma_start3A_743 = tpu.memref_slice %arg7[%add3A_738, %dma_start3A_742] : memref<10240x128xf32, #tpu.memory_space<vmem_shared>> -> memref<64x128xf32, #tpu.memory_space<vmem_shared>>
    tpu.enqueue_dma source(%dma_start3A_743 : memref<64x128xf32, #tpu.memory_space<vmem_shared>>) target(%dma_start3A_741 : memref<64x128xf32, #tpu.memory_space<hbm>>) target_semaphore(%arg11 : memref<!tpu.dma_semaphore, #tpu.memory_space<semaphore_mem>>)
    %mul3A_744 = arith.constant 640 : i32
    %mul3A_745 = arith.muli %arg1, %mul3A_744 : i32
    %add3A_746 = arith.constant 192 : i32
    %add3A_747 = arith.addi %mul3A_745, %add3A_746 : i32
    %dma_start3A_748 = arith.constant 0 : i32
    %dma_start3A_749 = tpu.memref_slice %arg4[%arg0, %add3A_747, %dma_start3A_748] : memref<2x10240x128xf32, #tpu.memory_space<hbm>> -> memref<1x64x128xf32, #tpu.memory_space<hbm>>
    %dma_start3A_750 = tpu.memref_squeeze %dma_start3A_749 : memref<1x64x128xf32, #tpu.memory_space<hbm>> -> memref<64x128xf32, #tpu.memory_space<hbm>>
    %dma_start3A_751 = arith.constant 0 : i32
    %dma_start3A_752 = tpu.memref_slice %arg7[%add3A_747, %dma_start3A_751] : memref<10240x128xf32, #tpu.memory_space<vmem_shared>> -> memref<64x128xf32, #tpu.memory_space<vmem_shared>>
    tpu.enqueue_dma source(%dma_start3A_752 : memref<64x128xf32, #tpu.memory_space<vmem_shared>>) target(%dma_start3A_750 : memref<64x128xf32, #tpu.memory_space<hbm>>) target_semaphore(%arg11 : memref<!tpu.dma_semaphore, #tpu.memory_space<semaphore_mem>>)
    %mul3A_753 = arith.constant 640 : i32
    %mul3A_754 = arith.muli %arg1, %mul3A_753 : i32
    %add3A_755 = arith.constant 256 : i32
    %add3A_756 = arith.addi %mul3A_754, %add3A_755 : i32
    %dma_start3A_757 = arith.constant 0 : i32
    %dma_start3A_758 = tpu.memref_slice %arg4[%arg0, %add3A_756, %dma_start3A_757] : memref<2x10240x128xf32, #tpu.memory_space<hbm>> -> memref<1x64x128xf32, #tpu.memory_space<hbm>>
    %dma_start3A_759 = tpu.memref_squeeze %dma_start3A_758 : memref<1x64x128xf32, #tpu.memory_space<hbm>> -> memref<64x128xf32, #tpu.memory_space<hbm>>
    %dma_start3A_760 = arith.constant 0 : i32
    %dma_start3A_761 = tpu.memref_slice %arg7[%add3A_756, %dma_start3A_760] : memref<10240x128xf32, #tpu.memory_space<vmem_shared>> -> memref<64x128xf32, #tpu.memory_space<vmem_shared>>
    tpu.enqueue_dma source(%dma_start3A_761 : memref<64x128xf32, #tpu.memory_space<vmem_shared>>) target(%dma_start3A_759 : memref<64x128xf32, #tpu.memory_space<hbm>>) target_semaphore(%arg11 : memref<!tpu.dma_semaphore, #tpu.memory_space<semaphore_mem>>)
    %mul3A_762 = arith.constant 640 : i32
    %mul3A_763 = arith.muli %arg1, %mul3A_762 : i32
    %add3A_764 = arith.constant 320 : i32
    %add3A_765 = arith.addi %mul3A_763, %add3A_764 : i32
    %dma_start3A_766 = arith.constant 0 : i32
    %dma_start3A_767 = tpu.memref_slice %arg4[%arg0, %add3A_765, %dma_start3A_766] : memref<2x10240x128xf32, #tpu.memory_space<hbm>> -> memref<1x64x128xf32, #tpu.memory_space<hbm>>
    %dma_start3A_768 = tpu.memref_squeeze %dma_start3A_767 : memref<1x64x128xf32, #tpu.memory_space<hbm>> -> memref<64x128xf32, #tpu.memory_space<hbm>>
    %dma_start3A_769 = arith.constant 0 : i32
    %dma_start3A_770 = tpu.memref_slice %arg7[%add3A_765, %dma_start3A_769] : memref<10240x128xf32, #tpu.memory_space<vmem_shared>> -> memref<64x128xf32, #tpu.memory_space<vmem_shared>>
    tpu.enqueue_dma source(%dma_start3A_770 : memref<64x128xf32, #tpu.memory_space<vmem_shared>>) target(%dma_start3A_768 : memref<64x128xf32, #tpu.memory_space<hbm>>) target_semaphore(%arg11 : memref<!tpu.dma_semaphore, #tpu.memory_space<semaphore_mem>>)
    %mul3A_771 = arith.constant 640 : i32
    %mul3A_772 = arith.muli %arg1, %mul3A_771 : i32
    %add3A_773 = arith.constant 384 : i32
    %add3A_774 = arith.addi %mul3A_772, %add3A_773 : i32
    %dma_start3A_775 = arith.constant 0 : i32
    %dma_start3A_776 = tpu.memref_slice %arg4[%arg0, %add3A_774, %dma_start3A_775] : memref<2x10240x128xf32, #tpu.memory_space<hbm>> -> memref<1x64x128xf32, #tpu.memory_space<hbm>>
    %dma_start3A_777 = tpu.memref_squeeze %dma_start3A_776 : memref<1x64x128xf32, #tpu.memory_space<hbm>> -> memref<64x128xf32, #tpu.memory_space<hbm>>
    %dma_start3A_778 = arith.constant 0 : i32
    %dma_start3A_779 = tpu.memref_slice %arg7[%add3A_774, %dma_start3A_778] : memref<10240x128xf32, #tpu.memory_space<vmem_shared>> -> memref<64x128xf32, #tpu.memory_space<vmem_shared>>
    tpu.enqueue_dma source(%dma_start3A_779 : memref<64x128xf32, #tpu.memory_space<vmem_shared>>) target(%dma_start3A_777 : memref<64x128xf32, #tpu.memory_space<hbm>>) target_semaphore(%arg11 : memref<!tpu.dma_semaphore, #tpu.memory_space<semaphore_mem>>)
    %mul3A_780 = arith.constant 640 : i32
    %mul3A_781 = arith.muli %arg1, %mul3A_780 : i32
    %add3A_782 = arith.constant 448 : i32
    %add3A_783 = arith.addi %mul3A_781, %add3A_782 : i32
    %dma_start3A_784 = arith.constant 0 : i32
    %dma_start3A_785 = tpu.memref_slice %arg4[%arg0, %add3A_783, %dma_start3A_784] : memref<2x10240x128xf32, #tpu.memory_space<hbm>> -> memref<1x64x128xf32, #tpu.memory_space<hbm>>
    %dma_start3A_786 = tpu.memref_squeeze %dma_start3A_785 : memref<1x64x128xf32, #tpu.memory_space<hbm>> -> memref<64x128xf32, #tpu.memory_space<hbm>>
    %dma_start3A_787 = arith.constant 0 : i32
    %dma_start3A_788 = tpu.memref_slice %arg7[%add3A_783, %dma_start3A_787] : memref<10240x128xf32, #tpu.memory_space<vmem_shared>> -> memref<64x128xf32, #tpu.memory_space<vmem_shared>>
    tpu.enqueue_dma source(%dma_start3A_788 : memref<64x128xf32, #tpu.memory_space<vmem_shared>>) target(%dma_start3A_786 : memref<64x128xf32, #tpu.memory_space<hbm>>) target_semaphore(%arg11 : memref<!tpu.dma_semaphore, #tpu.memory_space<semaphore_mem>>)
    %mul3A_789 = arith.constant 640 : i32
    %mul3A_790 = arith.muli %arg1, %mul3A_789 : i32
    %add3A_791 = arith.constant 512 : i32
    %add3A_792 = arith.addi %mul3A_790, %add3A_791 : i32
    %dma_start3A_793 = arith.constant 0 : i32
    %dma_start3A_794 = tpu.memref_slice %arg4[%arg0, %add3A_792, %dma_start3A_793] : memref<2x10240x128xf32, #tpu.memory_space<hbm>> -> memref<1x64x128xf32, #tpu.memory_space<hbm>>
    %dma_start3A_795 = tpu.memref_squeeze %dma_start3A_794 : memref<1x64x128xf32, #tpu.memory_space<hbm>> -> memref<64x128xf32, #tpu.memory_space<hbm>>
    %dma_start3A_796 = arith.constant 0 : i32
    %dma_start3A_797 = tpu.memref_slice %arg7[%add3A_792, %dma_start3A_796] : memref<10240x128xf32, #tpu.memory_space<vmem_shared>> -> memref<64x128xf32, #tpu.memory_space<vmem_shared>>
    tpu.enqueue_dma source(%dma_start3A_797 : memref<64x128xf32, #tpu.memory_space<vmem_shared>>) target(%dma_start3A_795 : memref<64x128xf32, #tpu.memory_space<hbm>>) target_semaphore(%arg11 : memref<!tpu.dma_semaphore, #tpu.memory_space<semaphore_mem>>)
    %mul3A_798 = arith.constant 640 : i32
    %mul3A_799 = arith.muli %arg1, %mul3A_798 : i32
    %add3A_800 = arith.constant 576 : i32
    %add3A_801 = arith.addi %mul3A_799, %add3A_800 : i32
    %dma_start3A_802 = arith.constant 0 : i32
    %dma_start3A_803 = tpu.memref_slice %arg4[%arg0, %add3A_801, %dma_start3A_802] : memref<2x10240x128xf32, #tpu.memory_space<hbm>> -> memref<1x64x128xf32, #tpu.memory_space<hbm>>
    %dma_start3A_804 = tpu.memref_squeeze %dma_start3A_803 : memref<1x64x128xf32, #tpu.memory_space<hbm>> -> memref<64x128xf32, #tpu.memory_space<hbm>>
    %dma_start3A_805 = arith.constant 0 : i32
    %dma_start3A_806 = tpu.memref_slice %arg7[%add3A_801, %dma_start3A_805] : memref<10240x128xf32, #tpu.memory_space<vmem_shared>> -> memref<64x128xf32, #tpu.memory_space<vmem_shared>>
    tpu.enqueue_dma source(%dma_start3A_806 : memref<64x128xf32, #tpu.memory_space<vmem_shared>>) target(%dma_start3A_804 : memref<64x128xf32, #tpu.memory_space<hbm>>) target_semaphore(%arg11 : memref<!tpu.dma_semaphore, #tpu.memory_space<semaphore_mem>>)
    %mul3A_807 = arith.constant 640 : i32
    %mul3A_808 = arith.muli %arg1, %mul3A_807 : i32
    %add3A_809 = arith.constant 0 : i32
    %add3A_810 = arith.addi %mul3A_808, %add3A_809 : i32
    %dma_wait3A_811 = arith.constant 0 : i32
    %dma_wait3A_812 = tpu.memref_slice %arg4[%arg0, %add3A_810, %dma_wait3A_811] : memref<2x10240x128xf32, #tpu.memory_space<hbm>> -> memref<1x64x128xf32, #tpu.memory_space<hbm>>
    %dma_wait3A_813 = tpu.memref_squeeze %dma_wait3A_812 : memref<1x64x128xf32, #tpu.memory_space<hbm>> -> memref<64x128xf32, #tpu.memory_space<hbm>>
    %dma_wait3A_814 = arith.constant 0 : i32
    %dma_wait3A_815 = tpu.memref_slice %arg7[%add3A_810, %dma_wait3A_814] : memref<10240x128xf32, #tpu.memory_space<vmem_shared>> -> memref<64x128xf32, #tpu.memory_space<vmem_shared>>
    tpu.wait_dma2 semaphore(%arg11 : memref<!tpu.dma_semaphore, #tpu.memory_space<semaphore_mem>>) src(%dma_wait3A_815 : memref<64x128xf32, #tpu.memory_space<vmem_shared>>) dst(%dma_wait3A_813 : memref<64x128xf32, #tpu.memory_space<hbm>>)
    %mul3A_816 = arith.constant 640 : i32
    %mul3A_817 = arith.muli %arg1, %mul3A_816 : i32
    %add3A_818 = arith.constant 64 : i32
    %add3A_819 = arith.addi %mul3A_817, %add3A_818 : i32
    %dma_wait3A_820 = arith.constant 0 : i32
    %dma_wait3A_821 = tpu.memref_slice %arg4[%arg0, %add3A_819, %dma_wait3A_820] : memref<2x10240x128xf32, #tpu.memory_space<hbm>> -> memref<1x64x128xf32, #tpu.memory_space<hbm>>
    %dma_wait3A_822 = tpu.memref_squeeze %dma_wait3A_821 : memref<1x64x128xf32, #tpu.memory_space<hbm>> -> memref<64x128xf32, #tpu.memory_space<hbm>>
    %dma_wait3A_823 = arith.constant 0 : i32
    %dma_wait3A_824 = tpu.memref_slice %arg7[%add3A_819, %dma_wait3A_823] : memref<10240x128xf32, #tpu.memory_space<vmem_shared>> -> memref<64x128xf32, #tpu.memory_space<vmem_shared>>
    tpu.wait_dma2 semaphore(%arg11 : memref<!tpu.dma_semaphore, #tpu.memory_space<semaphore_mem>>) src(%dma_wait3A_824 : memref<64x128xf32, #tpu.memory_space<vmem_shared>>) dst(%dma_wait3A_822 : memref<64x128xf32, #tpu.memory_space<hbm>>)
    %mul3A_825 = arith.constant 640 : i32
    %mul3A_826 = arith.muli %arg1, %mul3A_825 : i32
    %add3A_827 = arith.constant 128 : i32
    %add3A_828 = arith.addi %mul3A_826, %add3A_827 : i32
    %dma_wait3A_829 = arith.constant 0 : i32
    %dma_wait3A_830 = tpu.memref_slice %arg4[%arg0, %add3A_828, %dma_wait3A_829] : memref<2x10240x128xf32, #tpu.memory_space<hbm>> -> memref<1x64x128xf32, #tpu.memory_space<hbm>>
    %dma_wait3A_831 = tpu.memref_squeeze %dma_wait3A_830 : memref<1x64x128xf32, #tpu.memory_space<hbm>> -> memref<64x128xf32, #tpu.memory_space<hbm>>
    %dma_wait3A_832 = arith.constant 0 : i32
    %dma_wait3A_833 = tpu.memref_slice %arg7[%add3A_828, %dma_wait3A_832] : memref<10240x128xf32, #tpu.memory_space<vmem_shared>> -> memref<64x128xf32, #tpu.memory_space<vmem_shared>>
    tpu.wait_dma2 semaphore(%arg11 : memref<!tpu.dma_semaphore, #tpu.memory_space<semaphore_mem>>) src(%dma_wait3A_833 : memref<64x128xf32, #tpu.memory_space<vmem_shared>>) dst(%dma_wait3A_831 : memref<64x128xf32, #tpu.memory_space<hbm>>)
    %mul3A_834 = arith.constant 640 : i32
    %mul3A_835 = arith.muli %arg1, %mul3A_834 : i32
    %add3A_836 = arith.constant 192 : i32
    %add3A_837 = arith.addi %mul3A_835, %add3A_836 : i32
    %dma_wait3A_838 = arith.constant 0 : i32
    %dma_wait3A_839 = tpu.memref_slice %arg4[%arg0, %add3A_837, %dma_wait3A_838] : memref<2x10240x128xf32, #tpu.memory_space<hbm>> -> memref<1x64x128xf32, #tpu.memory_space<hbm>>
    %dma_wait3A_840 = tpu.memref_squeeze %dma_wait3A_839 : memref<1x64x128xf32, #tpu.memory_space<hbm>> -> memref<64x128xf32, #tpu.memory_space<hbm>>
    %dma_wait3A_841 = arith.constant 0 : i32
    %dma_wait3A_842 = tpu.memref_slice %arg7[%add3A_837, %dma_wait3A_841] : memref<10240x128xf32, #tpu.memory_space<vmem_shared>> -> memref<64x128xf32, #tpu.memory_space<vmem_shared>>
    tpu.wait_dma2 semaphore(%arg11 : memref<!tpu.dma_semaphore, #tpu.memory_space<semaphore_mem>>) src(%dma_wait3A_842 : memref<64x128xf32, #tpu.memory_space<vmem_shared>>) dst(%dma_wait3A_840 : memref<64x128xf32, #tpu.memory_space<hbm>>)
    %mul3A_843 = arith.constant 640 : i32
    %mul3A_844 = arith.muli %arg1, %mul3A_843 : i32
    %add3A_845 = arith.constant 256 : i32
    %add3A_846 = arith.addi %mul3A_844, %add3A_845 : i32
    %dma_wait3A_847 = arith.constant 0 : i32
    %dma_wait3A_848 = tpu.memref_slice %arg4[%arg0, %add3A_846, %dma_wait3A_847] : memref<2x10240x128xf32, #tpu.memory_space<hbm>> -> memref<1x64x128xf32, #tpu.memory_space<hbm>>
    %dma_wait3A_849 = tpu.memref_squeeze %dma_wait3A_848 : memref<1x64x128xf32, #tpu.memory_space<hbm>> -> memref<64x128xf32, #tpu.memory_space<hbm>>
    %dma_wait3A_850 = arith.constant 0 : i32
    %dma_wait3A_851 = tpu.memref_slice %arg7[%add3A_846, %dma_wait3A_850] : memref<10240x128xf32, #tpu.memory_space<vmem_shared>> -> memref<64x128xf32, #tpu.memory_space<vmem_shared>>
    tpu.wait_dma2 semaphore(%arg11 : memref<!tpu.dma_semaphore, #tpu.memory_space<semaphore_mem>>) src(%dma_wait3A_851 : memref<64x128xf32, #tpu.memory_space<vmem_shared>>) dst(%dma_wait3A_849 : memref<64x128xf32, #tpu.memory_space<hbm>>)
    %mul3A_852 = arith.constant 640 : i32
    %mul3A_853 = arith.muli %arg1, %mul3A_852 : i32
    %add3A_854 = arith.constant 320 : i32
    %add3A_855 = arith.addi %mul3A_853, %add3A_854 : i32
    %dma_wait3A_856 = arith.constant 0 : i32
    %dma_wait3A_857 = tpu.memref_slice %arg4[%arg0, %add3A_855, %dma_wait3A_856] : memref<2x10240x128xf32, #tpu.memory_space<hbm>> -> memref<1x64x128xf32, #tpu.memory_space<hbm>>
    %dma_wait3A_858 = tpu.memref_squeeze %dma_wait3A_857 : memref<1x64x128xf32, #tpu.memory_space<hbm>> -> memref<64x128xf32, #tpu.memory_space<hbm>>
    %dma_wait3A_859 = arith.constant 0 : i32
    %dma_wait3A_860 = tpu.memref_slice %arg7[%add3A_855, %dma_wait3A_859] : memref<10240x128xf32, #tpu.memory_space<vmem_shared>> -> memref<64x128xf32, #tpu.memory_space<vmem_shared>>
    tpu.wait_dma2 semaphore(%arg11 : memref<!tpu.dma_semaphore, #tpu.memory_space<semaphore_mem>>) src(%dma_wait3A_860 : memref<64x128xf32, #tpu.memory_space<vmem_shared>>) dst(%dma_wait3A_858 : memref<64x128xf32, #tpu.memory_space<hbm>>)
    %mul3A_861 = arith.constant 640 : i32
    %mul3A_862 = arith.muli %arg1, %mul3A_861 : i32
    %add3A_863 = arith.constant 384 : i32
    %add3A_864 = arith.addi %mul3A_862, %add3A_863 : i32
    %dma_wait3A_865 = arith.constant 0 : i32
    %dma_wait3A_866 = tpu.memref_slice %arg4[%arg0, %add3A_864, %dma_wait3A_865] : memref<2x10240x128xf32, #tpu.memory_space<hbm>> -> memref<1x64x128xf32, #tpu.memory_space<hbm>>
    %dma_wait3A_867 = tpu.memref_squeeze %dma_wait3A_866 : memref<1x64x128xf32, #tpu.memory_space<hbm>> -> memref<64x128xf32, #tpu.memory_space<hbm>>
    %dma_wait3A_868 = arith.constant 0 : i32
    %dma_wait3A_869 = tpu.memref_slice %arg7[%add3A_864, %dma_wait3A_868] : memref<10240x128xf32, #tpu.memory_space<vmem_shared>> -> memref<64x128xf32, #tpu.memory_space<vmem_shared>>
    tpu.wait_dma2 semaphore(%arg11 : memref<!tpu.dma_semaphore, #tpu.memory_space<semaphore_mem>>) src(%dma_wait3A_869 : memref<64x128xf32, #tpu.memory_space<vmem_shared>>) dst(%dma_wait3A_867 : memref<64x128xf32, #tpu.memory_space<hbm>>)
    %mul3A_870 = arith.constant 640 : i32
    %mul3A_871 = arith.muli %arg1, %mul3A_870 : i32
    %add3A_872 = arith.constant 448 : i32
    %add3A_873 = arith.addi %mul3A_871, %add3A_872 : i32
    %dma_wait3A_874 = arith.constant 0 : i32
    %dma_wait3A_875 = tpu.memref_slice %arg4[%arg0, %add3A_873, %dma_wait3A_874] : memref<2x10240x128xf32, #tpu.memory_space<hbm>> -> memref<1x64x128xf32, #tpu.memory_space<hbm>>
    %dma_wait3A_876 = tpu.memref_squeeze %dma_wait3A_875 : memref<1x64x128xf32, #tpu.memory_space<hbm>> -> memref<64x128xf32, #tpu.memory_space<hbm>>
    %dma_wait3A_877 = arith.constant 0 : i32
    %dma_wait3A_878 = tpu.memref_slice %arg7[%add3A_873, %dma_wait3A_877] : memref<10240x128xf32, #tpu.memory_space<vmem_shared>> -> memref<64x128xf32, #tpu.memory_space<vmem_shared>>
    tpu.wait_dma2 semaphore(%arg11 : memref<!tpu.dma_semaphore, #tpu.memory_space<semaphore_mem>>) src(%dma_wait3A_878 : memref<64x128xf32, #tpu.memory_space<vmem_shared>>) dst(%dma_wait3A_876 : memref<64x128xf32, #tpu.memory_space<hbm>>)
    %mul3A_879 = arith.constant 640 : i32
    %mul3A_880 = arith.muli %arg1, %mul3A_879 : i32
    %add3A_881 = arith.constant 512 : i32
    %add3A_882 = arith.addi %mul3A_880, %add3A_881 : i32
    %dma_wait3A_883 = arith.constant 0 : i32
    %dma_wait3A_884 = tpu.memref_slice %arg4[%arg0, %add3A_882, %dma_wait3A_883] : memref<2x10240x128xf32, #tpu.memory_space<hbm>> -> memref<1x64x128xf32, #tpu.memory_space<hbm>>
    %dma_wait3A_885 = tpu.memref_squeeze %dma_wait3A_884 : memref<1x64x128xf32, #tpu.memory_space<hbm>> -> memref<64x128xf32, #tpu.memory_space<hbm>>
    %dma_wait3A_886 = arith.constant 0 : i32
    %dma_wait3A_887 = tpu.memref_slice %arg7[%add3A_882, %dma_wait3A_886] : memref<10240x128xf32, #tpu.memory_space<vmem_shared>> -> memref<64x128xf32, #tpu.memory_space<vmem_shared>>
    tpu.wait_dma2 semaphore(%arg11 : memref<!tpu.dma_semaphore, #tpu.memory_space<semaphore_mem>>) src(%dma_wait3A_887 : memref<64x128xf32, #tpu.memory_space<vmem_shared>>) dst(%dma_wait3A_885 : memref<64x128xf32, #tpu.memory_space<hbm>>)
    %mul3A_888 = arith.constant 640 : i32
    %mul3A_889 = arith.muli %arg1, %mul3A_888 : i32
    %add3A_890 = arith.constant 576 : i32
    %add3A_891 = arith.addi %mul3A_889, %add3A_890 : i32
    %dma_wait3A_892 = arith.constant 0 : i32
    %dma_wait3A_893 = tpu.memref_slice %arg4[%arg0, %add3A_891, %dma_wait3A_892] : memref<2x10240x128xf32, #tpu.memory_space<hbm>> -> memref<1x64x128xf32, #tpu.memory_space<hbm>>
    %dma_wait3A_894 = tpu.memref_squeeze %dma_wait3A_893 : memref<1x64x128xf32, #tpu.memory_space<hbm>> -> memref<64x128xf32, #tpu.memory_space<hbm>>
    %dma_wait3A_895 = arith.constant 0 : i32
    %dma_wait3A_896 = tpu.memref_slice %arg7[%add3A_891, %dma_wait3A_895] : memref<10240x128xf32, #tpu.memory_space<vmem_shared>> -> memref<64x128xf32, #tpu.memory_space<vmem_shared>>
    tpu.wait_dma2 semaphore(%arg11 : memref<!tpu.dma_semaphore, #tpu.memory_space<semaphore_mem>>) src(%dma_wait3A_896 : memref<64x128xf32, #tpu.memory_space<vmem_shared>>) dst(%dma_wait3A_894 : memref<64x128xf32, #tpu.memory_space<hbm>>)
    return
  }
}

#map = affine_map<(d0, d1) -> (0, 0)>
#map1 = affine_map<(d0, d1) -> (0, 0, 0, 0)>
#map2 = affine_map<(d0, d1) -> (0, 0, 0)>
module attributes {stable_mosaic.version = 14 : i64} {
  func.func @_sc_agg_body(%arg0: i32, %arg1: i32, %arg2: memref<10000x128xf32, #tpu.memory_space<hbm>>, %arg3: memref<32x160x2x64xi32, #tpu.memory_space<hbm>>, %arg4: memref<2x10240x128xf32, #tpu.memory_space<hbm>>, %arg5: memref<7x2x64xi32, #tpu.memory_space<vmem>>, %arg6: memref<5x64x128xf32, #tpu.memory_space<vmem>>, %arg7: memref<10240x128xf32, #tpu.memory_space<vmem_shared>>, %arg8: memref<7x!tpu.dma_semaphore, #tpu.memory_space<semaphore_mem>>, %arg9: memref<5x!tpu.dma_semaphore, #tpu.memory_space<semaphore_mem>>, %arg10: memref<5x!tpu.dma_semaphore, #tpu.memory_space<semaphore_mem>>, %arg11: memref<!tpu.dma_semaphore, #tpu.memory_space<semaphore_mem>>) attributes {dimension_semantics = [#tpu.dimension_semantics<core_parallel>, #tpu.dimension_semantics<subcore_parallel>], iteration_bounds = array<i64: 2, 16>, scalar_prefetch = 0 : i64, scratch_operands = 7 : i64, tpu.core_type = #tpu.core_type<sc_vector_subcore>, window_params = [{transform_indices = #map}, {transform_indices = #map1}, {transform_indices = #map2}]} {
    %mul3A = arith.constant 2 : i32
    %mul3A_0 = arith.muli %arg1, %mul3A : i32
    %add3A = arith.addi %mul3A_0, %arg0 : i32
    %rem3A = arith.constant 0 : i32
    %rem3A_1 = arith.constant 7 : i32
    %rem3A_2 = arith.remsi %rem3A, %rem3A_1 : i32
    %dma_start3A = arith.constant 0 : i32
    %dma_start3A_3 = arith.constant 0 : i32
    %dma_start3A_4 = arith.constant 0 : i32
    %dma_start3A_5 = tpu.memref_slice %arg5[%rem3A_2, %dma_start3A_3, %dma_start3A_4] : memref<7x2x64xi32, #tpu.memory_space<vmem>> -> memref<1x2x64xi32, #tpu.memory_space<vmem>>
    %dma_start3A_6 = tpu.memref_squeeze %dma_start3A_5 : memref<1x2x64xi32, #tpu.memory_space<vmem>> -> memref<2x64xi32, #tpu.memory_space<vmem>>
    %dma_start3A_7 = arith.constant 0 : i32
    %dma_start3A_8 = arith.constant 0 : i32
    %dma_start3A_9 = tpu.memref_slice %arg3[%add3A, %dma_start3A, %dma_start3A_7, %dma_start3A_8] : memref<32x160x2x64xi32, #tpu.memory_space<hbm>> -> memref<1x1x2x64xi32, #tpu.memory_space<hbm>>
    %dma_start3A_10 = tpu.memref_squeeze %dma_start3A_9 : memref<1x1x2x64xi32, #tpu.memory_space<hbm>> -> memref<2x64xi32, #tpu.memory_space<hbm>>
    %dma_start3A_11 = tpu.memref_slice %arg8[%rem3A_2] : memref<7x!tpu.dma_semaphore, #tpu.memory_space<semaphore_mem>> -> memref<1x!tpu.dma_semaphore, #tpu.memory_space<semaphore_mem>>
    %dma_start3A_12 = tpu.memref_squeeze %dma_start3A_11 : memref<1x!tpu.dma_semaphore, #tpu.memory_space<semaphore_mem>> -> memref<!tpu.dma_semaphore, #tpu.memory_space<semaphore_mem>>
    %dma_start3A_13 = arith.constant 0 : i32
    %dma_start3A_14 = arith.constant 0 : i32
    %dma_start3A_15 = tpu.memref_slice %arg5[%rem3A_2, %dma_start3A_13, %dma_start3A_14] : memref<7x2x64xi32, #tpu.memory_space<vmem>> -> memref<1x2x64xi32, #tpu.memory_space<vmem>>
    %dma_start3A_16 = tpu.memref_squeeze %dma_start3A_15 : memref<1x2x64xi32, #tpu.memory_space<vmem>> -> memref<2x64xi32, #tpu.memory_space<vmem>>
    %dma_start3A_17 = arith.constant 0 : i32
    %dma_start3A_18 = arith.constant 0 : i32
    %dma_start3A_19 = tpu.memref_slice %arg3[%add3A, %dma_start3A, %dma_start3A_17, %dma_start3A_18] : memref<32x160x2x64xi32, #tpu.memory_space<hbm>> -> memref<1x1x2x64xi32, #tpu.memory_space<hbm>>
    %dma_start3A_20 = tpu.memref_squeeze %dma_start3A_19 : memref<1x1x2x64xi32, #tpu.memory_space<hbm>> -> memref<2x64xi32, #tpu.memory_space<hbm>>
    tpu.enqueue_dma source(%dma_start3A_20 : memref<2x64xi32, #tpu.memory_space<hbm>>) target(%dma_start3A_16 : memref<2x64xi32, #tpu.memory_space<vmem>>) target_semaphore(%dma_start3A_12 : memref<!tpu.dma_semaphore, #tpu.memory_space<semaphore_mem>>)
    %rem3A_21 = arith.constant 1 : i32
    %rem3A_22 = arith.constant 7 : i32
    %rem3A_23 = arith.remsi %rem3A_21, %rem3A_22 : i32
    %dma_start3A_24 = arith.constant 1 : i32
    %dma_start3A_25 = arith.constant 0 : i32
    %dma_start3A_26 = arith.constant 0 : i32
    %dma_start3A_27 = tpu.memref_slice %arg5[%rem3A_23, %dma_start3A_25, %dma_start3A_26] : memref<7x2x64xi32, #tpu.memory_space<vmem>> -> memref<1x2x64xi32, #tpu.memory_space<vmem>>
    %dma_start3A_28 = tpu.memref_squeeze %dma_start3A_27 : memref<1x2x64xi32, #tpu.memory_space<vmem>> -> memref<2x64xi32, #tpu.memory_space<vmem>>
    %dma_start3A_29 = arith.constant 0 : i32
    %dma_start3A_30 = arith.constant 0 : i32
    %dma_start3A_31 = tpu.memref_slice %arg3[%add3A, %dma_start3A_24, %dma_start3A_29, %dma_start3A_30] : memref<32x160x2x64xi32, #tpu.memory_space<hbm>> -> memref<1x1x2x64xi32, #tpu.memory_space<hbm>>
    %dma_start3A_32 = tpu.memref_squeeze %dma_start3A_31 : memref<1x1x2x64xi32, #tpu.memory_space<hbm>> -> memref<2x64xi32, #tpu.memory_space<hbm>>
    %dma_start3A_33 = tpu.memref_slice %arg8[%rem3A_23] : memref<7x!tpu.dma_semaphore, #tpu.memory_space<semaphore_mem>> -> memref<1x!tpu.dma_semaphore, #tpu.memory_space<semaphore_mem>>
    %dma_start3A_34 = tpu.memref_squeeze %dma_start3A_33 : memref<1x!tpu.dma_semaphore, #tpu.memory_space<semaphore_mem>> -> memref<!tpu.dma_semaphore, #tpu.memory_space<semaphore_mem>>
    %dma_start3A_35 = arith.constant 0 : i32
    %dma_start3A_36 = arith.constant 0 : i32
    %dma_start3A_37 = tpu.memref_slice %arg5[%rem3A_23, %dma_start3A_35, %dma_start3A_36] : memref<7x2x64xi32, #tpu.memory_space<vmem>> -> memref<1x2x64xi32, #tpu.memory_space<vmem>>
    %dma_start3A_38 = tpu.memref_squeeze %dma_start3A_37 : memref<1x2x64xi32, #tpu.memory_space<vmem>> -> memref<2x64xi32, #tpu.memory_space<vmem>>
    %dma_start3A_39 = arith.constant 0 : i32
    %dma_start3A_40 = arith.constant 0 : i32
    %dma_start3A_41 = tpu.memref_slice %arg3[%add3A, %dma_start3A_24, %dma_start3A_39, %dma_start3A_40] : memref<32x160x2x64xi32, #tpu.memory_space<hbm>> -> memref<1x1x2x64xi32, #tpu.memory_space<hbm>>
    %dma_start3A_42 = tpu.memref_squeeze %dma_start3A_41 : memref<1x1x2x64xi32, #tpu.memory_space<hbm>> -> memref<2x64xi32, #tpu.memory_space<hbm>>
    tpu.enqueue_dma source(%dma_start3A_42 : memref<2x64xi32, #tpu.memory_space<hbm>>) target(%dma_start3A_38 : memref<2x64xi32, #tpu.memory_space<vmem>>) target_semaphore(%dma_start3A_34 : memref<!tpu.dma_semaphore, #tpu.memory_space<semaphore_mem>>)
    %rem3A_43 = arith.constant 2 : i32
    %rem3A_44 = arith.constant 7 : i32
    %rem3A_45 = arith.remsi %rem3A_43, %rem3A_44 : i32
    %dma_start3A_46 = arith.constant 2 : i32
    %dma_start3A_47 = arith.constant 0 : i32
    %dma_start3A_48 = arith.constant 0 : i32
    %dma_start3A_49 = tpu.memref_slice %arg5[%rem3A_45, %dma_start3A_47, %dma_start3A_48] : memref<7x2x64xi32, #tpu.memory_space<vmem>> -> memref<1x2x64xi32, #tpu.memory_space<vmem>>
    %dma_start3A_50 = tpu.memref_squeeze %dma_start3A_49 : memref<1x2x64xi32, #tpu.memory_space<vmem>> -> memref<2x64xi32, #tpu.memory_space<vmem>>
    %dma_start3A_51 = arith.constant 0 : i32
    %dma_start3A_52 = arith.constant 0 : i32
    %dma_start3A_53 = tpu.memref_slice %arg3[%add3A, %dma_start3A_46, %dma_start3A_51, %dma_start3A_52] : memref<32x160x2x64xi32, #tpu.memory_space<hbm>> -> memref<1x1x2x64xi32, #tpu.memory_space<hbm>>
    %dma_start3A_54 = tpu.memref_squeeze %dma_start3A_53 : memref<1x1x2x64xi32, #tpu.memory_space<hbm>> -> memref<2x64xi32, #tpu.memory_space<hbm>>
    %dma_start3A_55 = tpu.memref_slice %arg8[%rem3A_45] : memref<7x!tpu.dma_semaphore, #tpu.memory_space<semaphore_mem>> -> memref<1x!tpu.dma_semaphore, #tpu.memory_space<semaphore_mem>>
    %dma_start3A_56 = tpu.memref_squeeze %dma_start3A_55 : memref<1x!tpu.dma_semaphore, #tpu.memory_space<semaphore_mem>> -> memref<!tpu.dma_semaphore, #tpu.memory_space<semaphore_mem>>
    %dma_start3A_57 = arith.constant 0 : i32
    %dma_start3A_58 = arith.constant 0 : i32
    %dma_start3A_59 = tpu.memref_slice %arg5[%rem3A_45, %dma_start3A_57, %dma_start3A_58] : memref<7x2x64xi32, #tpu.memory_space<vmem>> -> memref<1x2x64xi32, #tpu.memory_space<vmem>>
    %dma_start3A_60 = tpu.memref_squeeze %dma_start3A_59 : memref<1x2x64xi32, #tpu.memory_space<vmem>> -> memref<2x64xi32, #tpu.memory_space<vmem>>
    %dma_start3A_61 = arith.constant 0 : i32
    %dma_start3A_62 = arith.constant 0 : i32
    %dma_start3A_63 = tpu.memref_slice %arg3[%add3A, %dma_start3A_46, %dma_start3A_61, %dma_start3A_62] : memref<32x160x2x64xi32, #tpu.memory_space<hbm>> -> memref<1x1x2x64xi32, #tpu.memory_space<hbm>>
    %dma_start3A_64 = tpu.memref_squeeze %dma_start3A_63 : memref<1x1x2x64xi32, #tpu.memory_space<hbm>> -> memref<2x64xi32, #tpu.memory_space<hbm>>
    tpu.enqueue_dma source(%dma_start3A_64 : memref<2x64xi32, #tpu.memory_space<hbm>>) target(%dma_start3A_60 : memref<2x64xi32, #tpu.memory_space<vmem>>) target_semaphore(%dma_start3A_56 : memref<!tpu.dma_semaphore, #tpu.memory_space<semaphore_mem>>)
    %rem3A_65 = arith.constant 3 : i32
    %rem3A_66 = arith.constant 7 : i32
    %rem3A_67 = arith.remsi %rem3A_65, %rem3A_66 : i32
    %dma_start3A_68 = arith.constant 3 : i32
    %dma_start3A_69 = arith.constant 0 : i32
    %dma_start3A_70 = arith.constant 0 : i32
    %dma_start3A_71 = tpu.memref_slice %arg5[%rem3A_67, %dma_start3A_69, %dma_start3A_70] : memref<7x2x64xi32, #tpu.memory_space<vmem>> -> memref<1x2x64xi32, #tpu.memory_space<vmem>>
    %dma_start3A_72 = tpu.memref_squeeze %dma_start3A_71 : memref<1x2x64xi32, #tpu.memory_space<vmem>> -> memref<2x64xi32, #tpu.memory_space<vmem>>
    %dma_start3A_73 = arith.constant 0 : i32
    %dma_start3A_74 = arith.constant 0 : i32
    %dma_start3A_75 = tpu.memref_slice %arg3[%add3A, %dma_start3A_68, %dma_start3A_73, %dma_start3A_74] : memref<32x160x2x64xi32, #tpu.memory_space<hbm>> -> memref<1x1x2x64xi32, #tpu.memory_space<hbm>>
    %dma_start3A_76 = tpu.memref_squeeze %dma_start3A_75 : memref<1x1x2x64xi32, #tpu.memory_space<hbm>> -> memref<2x64xi32, #tpu.memory_space<hbm>>
    %dma_start3A_77 = tpu.memref_slice %arg8[%rem3A_67] : memref<7x!tpu.dma_semaphore, #tpu.memory_space<semaphore_mem>> -> memref<1x!tpu.dma_semaphore, #tpu.memory_space<semaphore_mem>>
    %dma_start3A_78 = tpu.memref_squeeze %dma_start3A_77 : memref<1x!tpu.dma_semaphore, #tpu.memory_space<semaphore_mem>> -> memref<!tpu.dma_semaphore, #tpu.memory_space<semaphore_mem>>
    %dma_start3A_79 = arith.constant 0 : i32
    %dma_start3A_80 = arith.constant 0 : i32
    %dma_start3A_81 = tpu.memref_slice %arg5[%rem3A_67, %dma_start3A_79, %dma_start3A_80] : memref<7x2x64xi32, #tpu.memory_space<vmem>> -> memref<1x2x64xi32, #tpu.memory_space<vmem>>
    %dma_start3A_82 = tpu.memref_squeeze %dma_start3A_81 : memref<1x2x64xi32, #tpu.memory_space<vmem>> -> memref<2x64xi32, #tpu.memory_space<vmem>>
    %dma_start3A_83 = arith.constant 0 : i32
    %dma_start3A_84 = arith.constant 0 : i32
    %dma_start3A_85 = tpu.memref_slice %arg3[%add3A, %dma_start3A_68, %dma_start3A_83, %dma_start3A_84] : memref<32x160x2x64xi32, #tpu.memory_space<hbm>> -> memref<1x1x2x64xi32, #tpu.memory_space<hbm>>
    %dma_start3A_86 = tpu.memref_squeeze %dma_start3A_85 : memref<1x1x2x64xi32, #tpu.memory_space<hbm>> -> memref<2x64xi32, #tpu.memory_space<hbm>>
    tpu.enqueue_dma source(%dma_start3A_86 : memref<2x64xi32, #tpu.memory_space<hbm>>) target(%dma_start3A_82 : memref<2x64xi32, #tpu.memory_space<vmem>>) target_semaphore(%dma_start3A_78 : memref<!tpu.dma_semaphore, #tpu.memory_space<semaphore_mem>>)
    %rem3A_87 = arith.constant 4 : i32
    %rem3A_88 = arith.constant 7 : i32
    %rem3A_89 = arith.remsi %rem3A_87, %rem3A_88 : i32
    %dma_start3A_90 = arith.constant 4 : i32
    %dma_start3A_91 = arith.constant 0 : i32
    %dma_start3A_92 = arith.constant 0 : i32
    %dma_start3A_93 = tpu.memref_slice %arg5[%rem3A_89, %dma_start3A_91, %dma_start3A_92] : memref<7x2x64xi32, #tpu.memory_space<vmem>> -> memref<1x2x64xi32, #tpu.memory_space<vmem>>
    %dma_start3A_94 = tpu.memref_squeeze %dma_start3A_93 : memref<1x2x64xi32, #tpu.memory_space<vmem>> -> memref<2x64xi32, #tpu.memory_space<vmem>>
    %dma_start3A_95 = arith.constant 0 : i32
    %dma_start3A_96 = arith.constant 0 : i32
    %dma_start3A_97 = tpu.memref_slice %arg3[%add3A, %dma_start3A_90, %dma_start3A_95, %dma_start3A_96] : memref<32x160x2x64xi32, #tpu.memory_space<hbm>> -> memref<1x1x2x64xi32, #tpu.memory_space<hbm>>
    %dma_start3A_98 = tpu.memref_squeeze %dma_start3A_97 : memref<1x1x2x64xi32, #tpu.memory_space<hbm>> -> memref<2x64xi32, #tpu.memory_space<hbm>>
    %dma_start3A_99 = tpu.memref_slice %arg8[%rem3A_89] : memref<7x!tpu.dma_semaphore, #tpu.memory_space<semaphore_mem>> -> memref<1x!tpu.dma_semaphore, #tpu.memory_space<semaphore_mem>>
    %dma_start3A_100 = tpu.memref_squeeze %dma_start3A_99 : memref<1x!tpu.dma_semaphore, #tpu.memory_space<semaphore_mem>> -> memref<!tpu.dma_semaphore, #tpu.memory_space<semaphore_mem>>
    %dma_start3A_101 = arith.constant 0 : i32
    %dma_start3A_102 = arith.constant 0 : i32
    %dma_start3A_103 = tpu.memref_slice %arg5[%rem3A_89, %dma_start3A_101, %dma_start3A_102] : memref<7x2x64xi32, #tpu.memory_space<vmem>> -> memref<1x2x64xi32, #tpu.memory_space<vmem>>
    %dma_start3A_104 = tpu.memref_squeeze %dma_start3A_103 : memref<1x2x64xi32, #tpu.memory_space<vmem>> -> memref<2x64xi32, #tpu.memory_space<vmem>>
    %dma_start3A_105 = arith.constant 0 : i32
    %dma_start3A_106 = arith.constant 0 : i32
    %dma_start3A_107 = tpu.memref_slice %arg3[%add3A, %dma_start3A_90, %dma_start3A_105, %dma_start3A_106] : memref<32x160x2x64xi32, #tpu.memory_space<hbm>> -> memref<1x1x2x64xi32, #tpu.memory_space<hbm>>
    %dma_start3A_108 = tpu.memref_squeeze %dma_start3A_107 : memref<1x1x2x64xi32, #tpu.memory_space<hbm>> -> memref<2x64xi32, #tpu.memory_space<hbm>>
    tpu.enqueue_dma source(%dma_start3A_108 : memref<2x64xi32, #tpu.memory_space<hbm>>) target(%dma_start3A_104 : memref<2x64xi32, #tpu.memory_space<vmem>>) target_semaphore(%dma_start3A_100 : memref<!tpu.dma_semaphore, #tpu.memory_space<semaphore_mem>>)
    %rem3A_109 = arith.constant 0 : i32
    %rem3A_110 = arith.constant 7 : i32
    %rem3A_111 = arith.remsi %rem3A_109, %rem3A_110 : i32
    %dma_wait3A = arith.constant 0 : i32
    %dma_wait3A_112 = arith.constant 0 : i32
    %dma_wait3A_113 = arith.constant 0 : i32
    %dma_wait3A_114 = tpu.memref_slice %arg5[%rem3A_111, %dma_wait3A_112, %dma_wait3A_113] : memref<7x2x64xi32, #tpu.memory_space<vmem>> -> memref<1x2x64xi32, #tpu.memory_space<vmem>>
    %dma_wait3A_115 = tpu.memref_squeeze %dma_wait3A_114 : memref<1x2x64xi32, #tpu.memory_space<vmem>> -> memref<2x64xi32, #tpu.memory_space<vmem>>
    %dma_wait3A_116 = arith.constant 0 : i32
    %dma_wait3A_117 = arith.constant 0 : i32
    %dma_wait3A_118 = tpu.memref_slice %arg3[%add3A, %dma_wait3A, %dma_wait3A_116, %dma_wait3A_117] : memref<32x160x2x64xi32, #tpu.memory_space<hbm>> -> memref<1x1x2x64xi32, #tpu.memory_space<hbm>>
    %dma_wait3A_119 = tpu.memref_squeeze %dma_wait3A_118 : memref<1x1x2x64xi32, #tpu.memory_space<hbm>> -> memref<2x64xi32, #tpu.memory_space<hbm>>
    %dma_wait3A_120 = tpu.memref_slice %arg8[%rem3A_111] : memref<7x!tpu.dma_semaphore, #tpu.memory_space<semaphore_mem>> -> memref<1x!tpu.dma_semaphore, #tpu.memory_space<semaphore_mem>>
    %dma_wait3A_121 = tpu.memref_squeeze %dma_wait3A_120 : memref<1x!tpu.dma_semaphore, #tpu.memory_space<semaphore_mem>> -> memref<!tpu.dma_semaphore, #tpu.memory_space<semaphore_mem>>
    %dma_wait3A_122 = arith.constant 0 : i32
    %dma_wait3A_123 = arith.constant 0 : i32
    %dma_wait3A_124 = tpu.memref_slice %arg5[%rem3A_111, %dma_wait3A_122, %dma_wait3A_123] : memref<7x2x64xi32, #tpu.memory_space<vmem>> -> memref<1x2x64xi32, #tpu.memory_space<vmem>>
    %dma_wait3A_125 = tpu.memref_squeeze %dma_wait3A_124 : memref<1x2x64xi32, #tpu.memory_space<vmem>> -> memref<2x64xi32, #tpu.memory_space<vmem>>
    %dma_wait3A_126 = arith.constant 0 : i32
    %dma_wait3A_127 = arith.constant 0 : i32
    %dma_wait3A_128 = tpu.memref_slice %arg3[%add3A, %dma_wait3A, %dma_wait3A_126, %dma_wait3A_127] : memref<32x160x2x64xi32, #tpu.memory_space<hbm>> -> memref<1x1x2x64xi32, #tpu.memory_space<hbm>>
    %dma_wait3A_129 = tpu.memref_squeeze %dma_wait3A_128 : memref<1x1x2x64xi32, #tpu.memory_space<hbm>> -> memref<2x64xi32, #tpu.memory_space<hbm>>
    tpu.wait_dma2 semaphore(%dma_wait3A_121 : memref<!tpu.dma_semaphore, #tpu.memory_space<semaphore_mem>>) src(%dma_wait3A_129 : memref<2x64xi32, #tpu.memory_space<hbm>>) dst(%dma_wait3A_125 : memref<2x64xi32, #tpu.memory_space<vmem>>)
    %rem3A_130 = arith.constant 0 : i32
    %rem3A_131 = arith.constant 7 : i32
    %rem3A_132 = arith.remsi %rem3A_130, %rem3A_131 : i32
    %rem3A_133 = arith.constant 0 : i32
    %rem3A_134 = arith.constant 5 : i32
    %rem3A_135 = arith.remsi %rem3A_133, %rem3A_134 : i32
    %dma_start3A_136 = arith.constant 0 : i32
    %dma_start3A_137 = arith.constant 0 : i32
    %dma_start3A_138 = arith.constant 0 : i32
    %dma_start3A_139 = tpu.memref_slice %arg6[%rem3A_135, %dma_start3A_137, %dma_start3A_138] : memref<5x64x128xf32, #tpu.memory_space<vmem>> -> memref<1x64x128xf32, #tpu.memory_space<vmem>>
    %dma_start3A_140 = tpu.memref_squeeze %dma_start3A_139 : memref<1x64x128xf32, #tpu.memory_space<vmem>> -> memref<64x128xf32, #tpu.memory_space<vmem>>
    %dma_start3A_141 = arith.constant 0 : i32
    %dma_start3A_142 = tpu.memref_slice %arg5[%rem3A_132, %dma_start3A_136, %dma_start3A_141] : memref<7x2x64xi32, #tpu.memory_space<vmem>> -> memref<1x1x64xi32, #tpu.memory_space<vmem>>
    %dma_start3A_143 = tpu.memref_squeeze %dma_start3A_142 : memref<1x1x64xi32, #tpu.memory_space<vmem>> -> memref<64xi32, #tpu.memory_space<vmem>>
    %dma_start3A_144 = arith.constant 0 : i32
    %dma_start3A_145 = arith.constant 0 : i32
    %dma_start3A_146 = tpu.memref_slice %arg2[%dma_start3A_144, %dma_start3A_145] : memref<10000x128xf32, #tpu.memory_space<hbm>> -> memref<10000x128xf32, #tpu.memory_space<hbm>>
    %dma_start3A_147 = tpu.memref_slice %arg9[%rem3A_135] : memref<5x!tpu.dma_semaphore, #tpu.memory_space<semaphore_mem>> -> memref<1x!tpu.dma_semaphore, #tpu.memory_space<semaphore_mem>>
    %dma_start3A_148 = tpu.memref_squeeze %dma_start3A_147 : memref<1x!tpu.dma_semaphore, #tpu.memory_space<semaphore_mem>> -> memref<!tpu.dma_semaphore, #tpu.memory_space<semaphore_mem>>
    tpu.enqueue_indirect_dma source(%dma_start3A_146 : memref<10000x128xf32, #tpu.memory_space<hbm>>) target(%dma_start3A_140 : memref<64x128xf32, #tpu.memory_space<vmem>>) offsets(%dma_start3A_143 : memref<64xi32, #tpu.memory_space<vmem>>) semaphore(%dma_start3A_148 : memref<!tpu.dma_semaphore, #tpu.memory_space<semaphore_mem>>)
    %rem3A_149 = arith.constant 1 : i32
    %rem3A_150 = arith.constant 7 : i32
    %rem3A_151 = arith.remsi %rem3A_149, %rem3A_150 : i32
    %dma_wait3A_152 = arith.constant 1 : i32
    %dma_wait3A_153 = arith.constant 0 : i32
    %dma_wait3A_154 = arith.constant 0 : i32
    %dma_wait3A_155 = tpu.memref_slice %arg5[%rem3A_151, %dma_wait3A_153, %dma_wait3A_154] : memref<7x2x64xi32, #tpu.memory_space<vmem>> -> memref<1x2x64xi32, #tpu.memory_space<vmem>>
    %dma_wait3A_156 = tpu.memref_squeeze %dma_wait3A_155 : memref<1x2x64xi32, #tpu.memory_space<vmem>> -> memref<2x64xi32, #tpu.memory_space<vmem>>
    %dma_wait3A_157 = arith.constant 0 : i32
    %dma_wait3A_158 = arith.constant 0 : i32
    %dma_wait3A_159 = tpu.memref_slice %arg3[%add3A, %dma_wait3A_152, %dma_wait3A_157, %dma_wait3A_158] : memref<32x160x2x64xi32, #tpu.memory_space<hbm>> -> memref<1x1x2x64xi32, #tpu.memory_space<hbm>>
    %dma_wait3A_160 = tpu.memref_squeeze %dma_wait3A_159 : memref<1x1x2x64xi32, #tpu.memory_space<hbm>> -> memref<2x64xi32, #tpu.memory_space<hbm>>
    %dma_wait3A_161 = tpu.memref_slice %arg8[%rem3A_151] : memref<7x!tpu.dma_semaphore, #tpu.memory_space<semaphore_mem>> -> memref<1x!tpu.dma_semaphore, #tpu.memory_space<semaphore_mem>>
    %dma_wait3A_162 = tpu.memref_squeeze %dma_wait3A_161 : memref<1x!tpu.dma_semaphore, #tpu.memory_space<semaphore_mem>> -> memref<!tpu.dma_semaphore, #tpu.memory_space<semaphore_mem>>
    %dma_wait3A_163 = arith.constant 0 : i32
    %dma_wait3A_164 = arith.constant 0 : i32
    %dma_wait3A_165 = tpu.memref_slice %arg5[%rem3A_151, %dma_wait3A_163, %dma_wait3A_164] : memref<7x2x64xi32, #tpu.memory_space<vmem>> -> memref<1x2x64xi32, #tpu.memory_space<vmem>>
    %dma_wait3A_166 = tpu.memref_squeeze %dma_wait3A_165 : memref<1x2x64xi32, #tpu.memory_space<vmem>> -> memref<2x64xi32, #tpu.memory_space<vmem>>
    %dma_wait3A_167 = arith.constant 0 : i32
    %dma_wait3A_168 = arith.constant 0 : i32
    %dma_wait3A_169 = tpu.memref_slice %arg3[%add3A, %dma_wait3A_152, %dma_wait3A_167, %dma_wait3A_168] : memref<32x160x2x64xi32, #tpu.memory_space<hbm>> -> memref<1x1x2x64xi32, #tpu.memory_space<hbm>>
    %dma_wait3A_170 = tpu.memref_squeeze %dma_wait3A_169 : memref<1x1x2x64xi32, #tpu.memory_space<hbm>> -> memref<2x64xi32, #tpu.memory_space<hbm>>
    tpu.wait_dma2 semaphore(%dma_wait3A_162 : memref<!tpu.dma_semaphore, #tpu.memory_space<semaphore_mem>>) src(%dma_wait3A_170 : memref<2x64xi32, #tpu.memory_space<hbm>>) dst(%dma_wait3A_166 : memref<2x64xi32, #tpu.memory_space<vmem>>)
    %rem3A_171 = arith.constant 1 : i32
    %rem3A_172 = arith.constant 7 : i32
    %rem3A_173 = arith.remsi %rem3A_171, %rem3A_172 : i32
    %rem3A_174 = arith.constant 1 : i32
    %rem3A_175 = arith.constant 5 : i32
    %rem3A_176 = arith.remsi %rem3A_174, %rem3A_175 : i32
    %dma_start3A_177 = arith.constant 0 : i32
    %dma_start3A_178 = arith.constant 0 : i32
    %dma_start3A_179 = arith.constant 0 : i32
    %dma_start3A_180 = tpu.memref_slice %arg6[%rem3A_176, %dma_start3A_178, %dma_start3A_179] : memref<5x64x128xf32, #tpu.memory_space<vmem>> -> memref<1x64x128xf32, #tpu.memory_space<vmem>>
    %dma_start3A_181 = tpu.memref_squeeze %dma_start3A_180 : memref<1x64x128xf32, #tpu.memory_space<vmem>> -> memref<64x128xf32, #tpu.memory_space<vmem>>
    %dma_start3A_182 = arith.constant 0 : i32
    %dma_start3A_183 = tpu.memref_slice %arg5[%rem3A_173, %dma_start3A_177, %dma_start3A_182] : memref<7x2x64xi32, #tpu.memory_space<vmem>> -> memref<1x1x64xi32, #tpu.memory_space<vmem>>
    %dma_start3A_184 = tpu.memref_squeeze %dma_start3A_183 : memref<1x1x64xi32, #tpu.memory_space<vmem>> -> memref<64xi32, #tpu.memory_space<vmem>>
    %dma_start3A_185 = arith.constant 0 : i32
    %dma_start3A_186 = arith.constant 0 : i32
    %dma_start3A_187 = tpu.memref_slice %arg2[%dma_start3A_185, %dma_start3A_186] : memref<10000x128xf32, #tpu.memory_space<hbm>> -> memref<10000x128xf32, #tpu.memory_space<hbm>>
    %dma_start3A_188 = tpu.memref_slice %arg9[%rem3A_176] : memref<5x!tpu.dma_semaphore, #tpu.memory_space<semaphore_mem>> -> memref<1x!tpu.dma_semaphore, #tpu.memory_space<semaphore_mem>>
    %dma_start3A_189 = tpu.memref_squeeze %dma_start3A_188 : memref<1x!tpu.dma_semaphore, #tpu.memory_space<semaphore_mem>> -> memref<!tpu.dma_semaphore, #tpu.memory_space<semaphore_mem>>
    tpu.enqueue_indirect_dma source(%dma_start3A_187 : memref<10000x128xf32, #tpu.memory_space<hbm>>) target(%dma_start3A_181 : memref<64x128xf32, #tpu.memory_space<vmem>>) offsets(%dma_start3A_184 : memref<64xi32, #tpu.memory_space<vmem>>) semaphore(%dma_start3A_189 : memref<!tpu.dma_semaphore, #tpu.memory_space<semaphore_mem>>)
    %rem3A_190 = arith.constant 2 : i32
    %rem3A_191 = arith.constant 7 : i32
    %rem3A_192 = arith.remsi %rem3A_190, %rem3A_191 : i32
    %dma_wait3A_193 = arith.constant 2 : i32
    %dma_wait3A_194 = arith.constant 0 : i32
    %dma_wait3A_195 = arith.constant 0 : i32
    %dma_wait3A_196 = tpu.memref_slice %arg5[%rem3A_192, %dma_wait3A_194, %dma_wait3A_195] : memref<7x2x64xi32, #tpu.memory_space<vmem>> -> memref<1x2x64xi32, #tpu.memory_space<vmem>>
    %dma_wait3A_197 = tpu.memref_squeeze %dma_wait3A_196 : memref<1x2x64xi32, #tpu.memory_space<vmem>> -> memref<2x64xi32, #tpu.memory_space<vmem>>
    %dma_wait3A_198 = arith.constant 0 : i32
    %dma_wait3A_199 = arith.constant 0 : i32
    %dma_wait3A_200 = tpu.memref_slice %arg3[%add3A, %dma_wait3A_193, %dma_wait3A_198, %dma_wait3A_199] : memref<32x160x2x64xi32, #tpu.memory_space<hbm>> -> memref<1x1x2x64xi32, #tpu.memory_space<hbm>>
    %dma_wait3A_201 = tpu.memref_squeeze %dma_wait3A_200 : memref<1x1x2x64xi32, #tpu.memory_space<hbm>> -> memref<2x64xi32, #tpu.memory_space<hbm>>
    %dma_wait3A_202 = tpu.memref_slice %arg8[%rem3A_192] : memref<7x!tpu.dma_semaphore, #tpu.memory_space<semaphore_mem>> -> memref<1x!tpu.dma_semaphore, #tpu.memory_space<semaphore_mem>>
    %dma_wait3A_203 = tpu.memref_squeeze %dma_wait3A_202 : memref<1x!tpu.dma_semaphore, #tpu.memory_space<semaphore_mem>> -> memref<!tpu.dma_semaphore, #tpu.memory_space<semaphore_mem>>
    %dma_wait3A_204 = arith.constant 0 : i32
    %dma_wait3A_205 = arith.constant 0 : i32
    %dma_wait3A_206 = tpu.memref_slice %arg5[%rem3A_192, %dma_wait3A_204, %dma_wait3A_205] : memref<7x2x64xi32, #tpu.memory_space<vmem>> -> memref<1x2x64xi32, #tpu.memory_space<vmem>>
    %dma_wait3A_207 = tpu.memref_squeeze %dma_wait3A_206 : memref<1x2x64xi32, #tpu.memory_space<vmem>> -> memref<2x64xi32, #tpu.memory_space<vmem>>
    %dma_wait3A_208 = arith.constant 0 : i32
    %dma_wait3A_209 = arith.constant 0 : i32
    %dma_wait3A_210 = tpu.memref_slice %arg3[%add3A, %dma_wait3A_193, %dma_wait3A_208, %dma_wait3A_209] : memref<32x160x2x64xi32, #tpu.memory_space<hbm>> -> memref<1x1x2x64xi32, #tpu.memory_space<hbm>>
    %dma_wait3A_211 = tpu.memref_squeeze %dma_wait3A_210 : memref<1x1x2x64xi32, #tpu.memory_space<hbm>> -> memref<2x64xi32, #tpu.memory_space<hbm>>
    tpu.wait_dma2 semaphore(%dma_wait3A_203 : memref<!tpu.dma_semaphore, #tpu.memory_space<semaphore_mem>>) src(%dma_wait3A_211 : memref<2x64xi32, #tpu.memory_space<hbm>>) dst(%dma_wait3A_207 : memref<2x64xi32, #tpu.memory_space<vmem>>)
    %rem3A_212 = arith.constant 2 : i32
    %rem3A_213 = arith.constant 7 : i32
    %rem3A_214 = arith.remsi %rem3A_212, %rem3A_213 : i32
    %rem3A_215 = arith.constant 2 : i32
    %rem3A_216 = arith.constant 5 : i32
    %rem3A_217 = arith.remsi %rem3A_215, %rem3A_216 : i32
    %dma_start3A_218 = arith.constant 0 : i32
    %dma_start3A_219 = arith.constant 0 : i32
    %dma_start3A_220 = arith.constant 0 : i32
    %dma_start3A_221 = tpu.memref_slice %arg6[%rem3A_217, %dma_start3A_219, %dma_start3A_220] : memref<5x64x128xf32, #tpu.memory_space<vmem>> -> memref<1x64x128xf32, #tpu.memory_space<vmem>>
    %dma_start3A_222 = tpu.memref_squeeze %dma_start3A_221 : memref<1x64x128xf32, #tpu.memory_space<vmem>> -> memref<64x128xf32, #tpu.memory_space<vmem>>
    %dma_start3A_223 = arith.constant 0 : i32
    %dma_start3A_224 = tpu.memref_slice %arg5[%rem3A_214, %dma_start3A_218, %dma_start3A_223] : memref<7x2x64xi32, #tpu.memory_space<vmem>> -> memref<1x1x64xi32, #tpu.memory_space<vmem>>
    %dma_start3A_225 = tpu.memref_squeeze %dma_start3A_224 : memref<1x1x64xi32, #tpu.memory_space<vmem>> -> memref<64xi32, #tpu.memory_space<vmem>>
    %dma_start3A_226 = arith.constant 0 : i32
    %dma_start3A_227 = arith.constant 0 : i32
    %dma_start3A_228 = tpu.memref_slice %arg2[%dma_start3A_226, %dma_start3A_227] : memref<10000x128xf32, #tpu.memory_space<hbm>> -> memref<10000x128xf32, #tpu.memory_space<hbm>>
    %dma_start3A_229 = tpu.memref_slice %arg9[%rem3A_217] : memref<5x!tpu.dma_semaphore, #tpu.memory_space<semaphore_mem>> -> memref<1x!tpu.dma_semaphore, #tpu.memory_space<semaphore_mem>>
    %dma_start3A_230 = tpu.memref_squeeze %dma_start3A_229 : memref<1x!tpu.dma_semaphore, #tpu.memory_space<semaphore_mem>> -> memref<!tpu.dma_semaphore, #tpu.memory_space<semaphore_mem>>
    tpu.enqueue_indirect_dma source(%dma_start3A_228 : memref<10000x128xf32, #tpu.memory_space<hbm>>) target(%dma_start3A_222 : memref<64x128xf32, #tpu.memory_space<vmem>>) offsets(%dma_start3A_225 : memref<64xi32, #tpu.memory_space<vmem>>) semaphore(%dma_start3A_230 : memref<!tpu.dma_semaphore, #tpu.memory_space<semaphore_mem>>)
    %rem3A_231 = arith.constant 3 : i32
    %rem3A_232 = arith.constant 7 : i32
    %rem3A_233 = arith.remsi %rem3A_231, %rem3A_232 : i32
    %dma_wait3A_234 = arith.constant 3 : i32
    %dma_wait3A_235 = arith.constant 0 : i32
    %dma_wait3A_236 = arith.constant 0 : i32
    %dma_wait3A_237 = tpu.memref_slice %arg5[%rem3A_233, %dma_wait3A_235, %dma_wait3A_236] : memref<7x2x64xi32, #tpu.memory_space<vmem>> -> memref<1x2x64xi32, #tpu.memory_space<vmem>>
    %dma_wait3A_238 = tpu.memref_squeeze %dma_wait3A_237 : memref<1x2x64xi32, #tpu.memory_space<vmem>> -> memref<2x64xi32, #tpu.memory_space<vmem>>
    %dma_wait3A_239 = arith.constant 0 : i32
    %dma_wait3A_240 = arith.constant 0 : i32
    %dma_wait3A_241 = tpu.memref_slice %arg3[%add3A, %dma_wait3A_234, %dma_wait3A_239, %dma_wait3A_240] : memref<32x160x2x64xi32, #tpu.memory_space<hbm>> -> memref<1x1x2x64xi32, #tpu.memory_space<hbm>>
    %dma_wait3A_242 = tpu.memref_squeeze %dma_wait3A_241 : memref<1x1x2x64xi32, #tpu.memory_space<hbm>> -> memref<2x64xi32, #tpu.memory_space<hbm>>
    %dma_wait3A_243 = tpu.memref_slice %arg8[%rem3A_233] : memref<7x!tpu.dma_semaphore, #tpu.memory_space<semaphore_mem>> -> memref<1x!tpu.dma_semaphore, #tpu.memory_space<semaphore_mem>>
    %dma_wait3A_244 = tpu.memref_squeeze %dma_wait3A_243 : memref<1x!tpu.dma_semaphore, #tpu.memory_space<semaphore_mem>> -> memref<!tpu.dma_semaphore, #tpu.memory_space<semaphore_mem>>
    %dma_wait3A_245 = arith.constant 0 : i32
    %dma_wait3A_246 = arith.constant 0 : i32
    %dma_wait3A_247 = tpu.memref_slice %arg5[%rem3A_233, %dma_wait3A_245, %dma_wait3A_246] : memref<7x2x64xi32, #tpu.memory_space<vmem>> -> memref<1x2x64xi32, #tpu.memory_space<vmem>>
    %dma_wait3A_248 = tpu.memref_squeeze %dma_wait3A_247 : memref<1x2x64xi32, #tpu.memory_space<vmem>> -> memref<2x64xi32, #tpu.memory_space<vmem>>
    %dma_wait3A_249 = arith.constant 0 : i32
    %dma_wait3A_250 = arith.constant 0 : i32
    %dma_wait3A_251 = tpu.memref_slice %arg3[%add3A, %dma_wait3A_234, %dma_wait3A_249, %dma_wait3A_250] : memref<32x160x2x64xi32, #tpu.memory_space<hbm>> -> memref<1x1x2x64xi32, #tpu.memory_space<hbm>>
    %dma_wait3A_252 = tpu.memref_squeeze %dma_wait3A_251 : memref<1x1x2x64xi32, #tpu.memory_space<hbm>> -> memref<2x64xi32, #tpu.memory_space<hbm>>
    tpu.wait_dma2 semaphore(%dma_wait3A_244 : memref<!tpu.dma_semaphore, #tpu.memory_space<semaphore_mem>>) src(%dma_wait3A_252 : memref<2x64xi32, #tpu.memory_space<hbm>>) dst(%dma_wait3A_248 : memref<2x64xi32, #tpu.memory_space<vmem>>)
    %rem3A_253 = arith.constant 3 : i32
    %rem3A_254 = arith.constant 7 : i32
    %rem3A_255 = arith.remsi %rem3A_253, %rem3A_254 : i32
    %rem3A_256 = arith.constant 3 : i32
    %rem3A_257 = arith.constant 5 : i32
    %rem3A_258 = arith.remsi %rem3A_256, %rem3A_257 : i32
    %dma_start3A_259 = arith.constant 0 : i32
    %dma_start3A_260 = arith.constant 0 : i32
    %dma_start3A_261 = arith.constant 0 : i32
    %dma_start3A_262 = tpu.memref_slice %arg6[%rem3A_258, %dma_start3A_260, %dma_start3A_261] : memref<5x64x128xf32, #tpu.memory_space<vmem>> -> memref<1x64x128xf32, #tpu.memory_space<vmem>>
    %dma_start3A_263 = tpu.memref_squeeze %dma_start3A_262 : memref<1x64x128xf32, #tpu.memory_space<vmem>> -> memref<64x128xf32, #tpu.memory_space<vmem>>
    %dma_start3A_264 = arith.constant 0 : i32
    %dma_start3A_265 = tpu.memref_slice %arg5[%rem3A_255, %dma_start3A_259, %dma_start3A_264] : memref<7x2x64xi32, #tpu.memory_space<vmem>> -> memref<1x1x64xi32, #tpu.memory_space<vmem>>
    %dma_start3A_266 = tpu.memref_squeeze %dma_start3A_265 : memref<1x1x64xi32, #tpu.memory_space<vmem>> -> memref<64xi32, #tpu.memory_space<vmem>>
    %dma_start3A_267 = arith.constant 0 : i32
    %dma_start3A_268 = arith.constant 0 : i32
    %dma_start3A_269 = tpu.memref_slice %arg2[%dma_start3A_267, %dma_start3A_268] : memref<10000x128xf32, #tpu.memory_space<hbm>> -> memref<10000x128xf32, #tpu.memory_space<hbm>>
    %dma_start3A_270 = tpu.memref_slice %arg9[%rem3A_258] : memref<5x!tpu.dma_semaphore, #tpu.memory_space<semaphore_mem>> -> memref<1x!tpu.dma_semaphore, #tpu.memory_space<semaphore_mem>>
    %dma_start3A_271 = tpu.memref_squeeze %dma_start3A_270 : memref<1x!tpu.dma_semaphore, #tpu.memory_space<semaphore_mem>> -> memref<!tpu.dma_semaphore, #tpu.memory_space<semaphore_mem>>
    tpu.enqueue_indirect_dma source(%dma_start3A_269 : memref<10000x128xf32, #tpu.memory_space<hbm>>) target(%dma_start3A_263 : memref<64x128xf32, #tpu.memory_space<vmem>>) offsets(%dma_start3A_266 : memref<64xi32, #tpu.memory_space<vmem>>) semaphore(%dma_start3A_271 : memref<!tpu.dma_semaphore, #tpu.memory_space<semaphore_mem>>)
    %scan3A = arith.constant 0 : i32
    %scan3A_272 = arith.constant 64 : i32
    %scan3A_273 = arith.addi %scan3A, %scan3A_272 : i32
    %scan3A_274 = arith.constant 1 : i32
    scf.for %scan3A_897 = %scan3A to %scan3A_273 step %scan3A_274  : i32 {
      %broadcast_in_dim3A = arith.constant 0.000000e+00 : f32
      %broadcast_in_dim3A_898 = vector.broadcast %broadcast_in_dim3A : f32 to vector<16xf32>
      %swap3A = arith.constant 4 : i32
      %swap3A_899 = arith.index_cast %swap3A : i32 to index
      %swap3A_900 = arith.index_cast %scan3A_897 : i32 to index
      %swap3A_901 = arith.constant 0 : index
      %swap3A_902 = tpu.vector_load %arg6[%swap3A_899, %swap3A_900, %swap3A_901] {strides = array<i32>} : memref<5x64x128xf32, #tpu.memory_space<vmem>>, vector<1x1x16xf32>,
      %swap3A_903 = vector.shape_cast %swap3A_902 : vector<1x1x16xf32> to vector<16xf32>
      %swap3A_904 = vector.shape_cast %broadcast_in_dim3A_898 : vector<16xf32> to vector<1x1x16xf32>
      tpu.vector_store %arg6[%swap3A_899, %swap3A_900, %swap3A_901], %swap3A_904 {strides = array<i32>} : memref<5x64x128xf32, #tpu.memory_space<vmem>>, vector<1x1x16xf32>,
      %broadcast_in_dim3A_905 = arith.constant 0.000000e+00 : f32
      %broadcast_in_dim3A_906 = vector.broadcast %broadcast_in_dim3A_905 : f32 to vector<16xf32>
      %swap3A_907 = arith.constant 4 : i32
      %swap3A_908 = arith.index_cast %swap3A_907 : i32 to index
      %swap3A_909 = arith.index_cast %scan3A_897 : i32 to index
      %swap3A_910 = arith.constant 16 : index
      %swap3A_911 = tpu.vector_load %arg6[%swap3A_908, %swap3A_909, %swap3A_910] {strides = array<i32>} : memref<5x64x128xf32, #tpu.memory_space<vmem>>, vector<1x1x16xf32>,
      %swap3A_912 = vector.shape_cast %swap3A_911 : vector<1x1x16xf32> to vector<16xf32>
      %swap3A_913 = vector.shape_cast %broadcast_in_dim3A_906 : vector<16xf32> to vector<1x1x16xf32>
      tpu.vector_store %arg6[%swap3A_908, %swap3A_909, %swap3A_910], %swap3A_913 {strides = array<i32>} : memref<5x64x128xf32, #tpu.memory_space<vmem>>, vector<1x1x16xf32>,
      %broadcast_in_dim3A_914 = arith.constant 0.000000e+00 : f32
      %broadcast_in_dim3A_915 = vector.broadcast %broadcast_in_dim3A_914 : f32 to vector<16xf32>
      %swap3A_916 = arith.constant 4 : i32
      %swap3A_917 = arith.index_cast %swap3A_916 : i32 to index
      %swap3A_918 = arith.index_cast %scan3A_897 : i32 to index
      %swap3A_919 = arith.constant 32 : index
      %swap3A_920 = tpu.vector_load %arg6[%swap3A_917, %swap3A_918, %swap3A_919] {strides = array<i32>} : memref<5x64x128xf32, #tpu.memory_space<vmem>>, vector<1x1x16xf32>,
      %swap3A_921 = vector.shape_cast %swap3A_920 : vector<1x1x16xf32> to vector<16xf32>
      %swap3A_922 = vector.shape_cast %broadcast_in_dim3A_915 : vector<16xf32> to vector<1x1x16xf32>
      tpu.vector_store %arg6[%swap3A_917, %swap3A_918, %swap3A_919], %swap3A_922 {strides = array<i32>} : memref<5x64x128xf32, #tpu.memory_space<vmem>>, vector<1x1x16xf32>,
      %broadcast_in_dim3A_923 = arith.constant 0.000000e+00 : f32
      %broadcast_in_dim3A_924 = vector.broadcast %broadcast_in_dim3A_923 : f32 to vector<16xf32>
      %swap3A_925 = arith.constant 4 : i32
      %swap3A_926 = arith.index_cast %swap3A_925 : i32 to index
      %swap3A_927 = arith.index_cast %scan3A_897 : i32 to index
      %swap3A_928 = arith.constant 48 : index
      %swap3A_929 = tpu.vector_load %arg6[%swap3A_926, %swap3A_927, %swap3A_928] {strides = array<i32>} : memref<5x64x128xf32, #tpu.memory_space<vmem>>, vector<1x1x16xf32>,
      %swap3A_930 = vector.shape_cast %swap3A_929 : vector<1x1x16xf32> to vector<16xf32>
      %swap3A_931 = vector.shape_cast %broadcast_in_dim3A_924 : vector<16xf32> to vector<1x1x16xf32>
      tpu.vector_store %arg6[%swap3A_926, %swap3A_927, %swap3A_928], %swap3A_931 {strides = array<i32>} : memref<5x64x128xf32, #tpu.memory_space<vmem>>, vector<1x1x16xf32>,
      %broadcast_in_dim3A_932 = arith.constant 0.000000e+00 : f32
      %broadcast_in_dim3A_933 = vector.broadcast %broadcast_in_dim3A_932 : f32 to vector<16xf32>
      %swap3A_934 = arith.constant 4 : i32
      %swap3A_935 = arith.index_cast %swap3A_934 : i32 to index
      %swap3A_936 = arith.index_cast %scan3A_897 : i32 to index
      %swap3A_937 = arith.constant 64 : index
      %swap3A_938 = tpu.vector_load %arg6[%swap3A_935, %swap3A_936, %swap3A_937] {strides = array<i32>} : memref<5x64x128xf32, #tpu.memory_space<vmem>>, vector<1x1x16xf32>,
      %swap3A_939 = vector.shape_cast %swap3A_938 : vector<1x1x16xf32> to vector<16xf32>
      %swap3A_940 = vector.shape_cast %broadcast_in_dim3A_933 : vector<16xf32> to vector<1x1x16xf32>
      tpu.vector_store %arg6[%swap3A_935, %swap3A_936, %swap3A_937], %swap3A_940 {strides = array<i32>} : memref<5x64x128xf32, #tpu.memory_space<vmem>>, vector<1x1x16xf32>,
      %broadcast_in_dim3A_941 = arith.constant 0.000000e+00 : f32
      %broadcast_in_dim3A_942 = vector.broadcast %broadcast_in_dim3A_941 : f32 to vector<16xf32>
      %swap3A_943 = arith.constant 4 : i32
      %swap3A_944 = arith.index_cast %swap3A_943 : i32 to index
      %swap3A_945 = arith.index_cast %scan3A_897 : i32 to index
      %swap3A_946 = arith.constant 80 : index
      %swap3A_947 = tpu.vector_load %arg6[%swap3A_944, %swap3A_945, %swap3A_946] {strides = array<i32>} : memref<5x64x128xf32, #tpu.memory_space<vmem>>, vector<1x1x16xf32>,
      %swap3A_948 = vector.shape_cast %swap3A_947 : vector<1x1x16xf32> to vector<16xf32>
      %swap3A_949 = vector.shape_cast %broadcast_in_dim3A_942 : vector<16xf32> to vector<1x1x16xf32>
      tpu.vector_store %arg6[%swap3A_944, %swap3A_945, %swap3A_946], %swap3A_949 {strides = array<i32>} : memref<5x64x128xf32, #tpu.memory_space<vmem>>, vector<1x1x16xf32>,
      %broadcast_in_dim3A_950 = arith.constant 0.000000e+00 : f32
      %broadcast_in_dim3A_951 = vector.broadcast %broadcast_in_dim3A_950 : f32 to vector<16xf32>
      %swap3A_952 = arith.constant 4 : i32
      %swap3A_953 = arith.index_cast %swap3A_952 : i32 to index
      %swap3A_954 = arith.index_cast %scan3A_897 : i32 to index
      %swap3A_955 = arith.constant 96 : index
      %swap3A_956 = tpu.vector_load %arg6[%swap3A_953, %swap3A_954, %swap3A_955] {strides = array<i32>} : memref<5x64x128xf32, #tpu.memory_space<vmem>>, vector<1x1x16xf32>,
      %swap3A_957 = vector.shape_cast %swap3A_956 : vector<1x1x16xf32> to vector<16xf32>
      %swap3A_958 = vector.shape_cast %broadcast_in_dim3A_951 : vector<16xf32> to vector<1x1x16xf32>
      tpu.vector_store %arg6[%swap3A_953, %swap3A_954, %swap3A_955], %swap3A_958 {strides = array<i32>} : memref<5x64x128xf32, #tpu.memory_space<vmem>>, vector<1x1x16xf32>,
      %broadcast_in_dim3A_959 = arith.constant 0.000000e+00 : f32
      %broadcast_in_dim3A_960 = vector.broadcast %broadcast_in_dim3A_959 : f32 to vector<16xf32>
      %swap3A_961 = arith.constant 4 : i32
      %swap3A_962 = arith.index_cast %swap3A_961 : i32 to index
      %swap3A_963 = arith.index_cast %scan3A_897 : i32 to index
      %swap3A_964 = arith.constant 112 : index
      %swap3A_965 = tpu.vector_load %arg6[%swap3A_962, %swap3A_963, %swap3A_964] {strides = array<i32>} : memref<5x64x128xf32, #tpu.memory_space<vmem>>, vector<1x1x16xf32>,
      %swap3A_966 = vector.shape_cast %swap3A_965 : vector<1x1x16xf32> to vector<16xf32>
      %swap3A_967 = vector.shape_cast %broadcast_in_dim3A_960 : vector<16xf32> to vector<1x1x16xf32>
      tpu.vector_store %arg6[%swap3A_962, %swap3A_963, %swap3A_964], %swap3A_967 {strides = array<i32>} : memref<5x64x128xf32, #tpu.memory_space<vmem>>, vector<1x1x16xf32>,
    }
    %scan3A_275 = arith.constant 64 : i32
    %mul3A_276 = arith.constant 640 : i32
    %mul3A_277 = arith.muli %arg1, %mul3A_276 : i32
    %add3A_278 = arith.constant 0 : i32
    %add3A_279 = arith.addi %mul3A_277, %add3A_278 : i32
    %dma_start3A_280 = arith.constant 4 : i32
    %dma_start3A_281 = arith.constant 0 : i32
    %dma_start3A_282 = arith.constant 0 : i32
    %dma_start3A_283 = tpu.memref_slice %arg6[%dma_start3A_280, %dma_start3A_281, %dma_start3A_282] : memref<5x64x128xf32, #tpu.memory_space<vmem>> -> memref<1x64x128xf32, #tpu.memory_space<vmem>>
    %dma_start3A_284 = tpu.memref_squeeze %dma_start3A_283 : memref<1x64x128xf32, #tpu.memory_space<vmem>> -> memref<64x128xf32, #tpu.memory_space<vmem>>
    %dma_start3A_285 = arith.constant 0 : i32
    %dma_start3A_286 = tpu.memref_slice %arg7[%add3A_279, %dma_start3A_285] : memref<10240x128xf32, #tpu.memory_space<vmem_shared>> -> memref<64x128xf32, #tpu.memory_space<vmem_shared>>
    %dma_start3A_287 = arith.constant 0 : i32
    %dma_start3A_288 = tpu.memref_slice %arg7[%add3A_279, %dma_start3A_287] : memref<10240x128xf32, #tpu.memory_space<vmem_shared>> -> memref<64x128xf32, #tpu.memory_space<vmem_shared>>
    %dma_start3A_289 = arith.constant 0 : i32
    %dma_start3A_290 = arith.constant 0 : i32
    %dma_start3A_291 = tpu.memref_slice %arg6[%dma_start3A_280, %dma_start3A_289, %dma_start3A_290] : memref<5x64x128xf32, #tpu.memory_space<vmem>> -> memref<1x64x128xf32, #tpu.memory_space<vmem>>
    %dma_start3A_292 = tpu.memref_squeeze %dma_start3A_291 : memref<1x64x128xf32, #tpu.memory_space<vmem>> -> memref<64x128xf32, #tpu.memory_space<vmem>>
    tpu.enqueue_dma source(%dma_start3A_292 : memref<64x128xf32, #tpu.memory_space<vmem>>) target(%dma_start3A_288 : memref<64x128xf32, #tpu.memory_space<vmem_shared>>) target_semaphore(%arg11 : memref<!tpu.dma_semaphore, #tpu.memory_space<semaphore_mem>>)
    %mul3A_293 = arith.constant 640 : i32
    %mul3A_294 = arith.muli %arg1, %mul3A_293 : i32
    %add3A_295 = arith.constant 64 : i32
    %add3A_296 = arith.addi %mul3A_294, %add3A_295 : i32
    %dma_start3A_297 = arith.constant 4 : i32
    %dma_start3A_298 = arith.constant 0 : i32
    %dma_start3A_299 = arith.constant 0 : i32
    %dma_start3A_300 = tpu.memref_slice %arg6[%dma_start3A_297, %dma_start3A_298, %dma_start3A_299] : memref<5x64x128xf32, #tpu.memory_space<vmem>> -> memref<1x64x128xf32, #tpu.memory_space<vmem>>
    %dma_start3A_301 = tpu.memref_squeeze %dma_start3A_300 : memref<1x64x128xf32, #tpu.memory_space<vmem>> -> memref<64x128xf32, #tpu.memory_space<vmem>>
    %dma_start3A_302 = arith.constant 0 : i32
    %dma_start3A_303 = tpu.memref_slice %arg7[%add3A_296, %dma_start3A_302] : memref<10240x128xf32, #tpu.memory_space<vmem_shared>> -> memref<64x128xf32, #tpu.memory_space<vmem_shared>>
    %dma_start3A_304 = arith.constant 0 : i32
    %dma_start3A_305 = tpu.memref_slice %arg7[%add3A_296, %dma_start3A_304] : memref<10240x128xf32, #tpu.memory_space<vmem_shared>> -> memref<64x128xf32, #tpu.memory_space<vmem_shared>>
    %dma_start3A_306 = arith.constant 0 : i32
    %dma_start3A_307 = arith.constant 0 : i32
    %dma_start3A_308 = tpu.memref_slice %arg6[%dma_start3A_297, %dma_start3A_306, %dma_start3A_307] : memref<5x64x128xf32, #tpu.memory_space<vmem>> -> memref<1x64x128xf32, #tpu.memory_space<vmem>>
    %dma_start3A_309 = tpu.memref_squeeze %dma_start3A_308 : memref<1x64x128xf32, #tpu.memory_space<vmem>> -> memref<64x128xf32, #tpu.memory_space<vmem>>
    tpu.enqueue_dma source(%dma_start3A_309 : memref<64x128xf32, #tpu.memory_space<vmem>>) target(%dma_start3A_305 : memref<64x128xf32, #tpu.memory_space<vmem_shared>>) target_semaphore(%arg11 : memref<!tpu.dma_semaphore, #tpu.memory_space<semaphore_mem>>)
    %mul3A_310 = arith.constant 640 : i32
    %mul3A_311 = arith.muli %arg1, %mul3A_310 : i32
    %add3A_312 = arith.constant 128 : i32
    %add3A_313 = arith.addi %mul3A_311, %add3A_312 : i32
    %dma_start3A_314 = arith.constant 4 : i32
    %dma_start3A_315 = arith.constant 0 : i32
    %dma_start3A_316 = arith.constant 0 : i32
    %dma_start3A_317 = tpu.memref_slice %arg6[%dma_start3A_314, %dma_start3A_315, %dma_start3A_316] : memref<5x64x128xf32, #tpu.memory_space<vmem>> -> memref<1x64x128xf32, #tpu.memory_space<vmem>>
    %dma_start3A_318 = tpu.memref_squeeze %dma_start3A_317 : memref<1x64x128xf32, #tpu.memory_space<vmem>> -> memref<64x128xf32, #tpu.memory_space<vmem>>
    %dma_start3A_319 = arith.constant 0 : i32
    %dma_start3A_320 = tpu.memref_slice %arg7[%add3A_313, %dma_start3A_319] : memref<10240x128xf32, #tpu.memory_space<vmem_shared>> -> memref<64x128xf32, #tpu.memory_space<vmem_shared>>
    %dma_start3A_321 = arith.constant 0 : i32
    %dma_start3A_322 = tpu.memref_slice %arg7[%add3A_313, %dma_start3A_321] : memref<10240x128xf32, #tpu.memory_space<vmem_shared>> -> memref<64x128xf32, #tpu.memory_space<vmem_shared>>
    %dma_start3A_323 = arith.constant 0 : i32
    %dma_start3A_324 = arith.constant 0 : i32
    %dma_start3A_325 = tpu.memref_slice %arg6[%dma_start3A_314, %dma_start3A_323, %dma_start3A_324] : memref<5x64x128xf32, #tpu.memory_space<vmem>> -> memref<1x64x128xf32, #tpu.memory_space<vmem>>
    %dma_start3A_326 = tpu.memref_squeeze %dma_start3A_325 : memref<1x64x128xf32, #tpu.memory_space<vmem>> -> memref<64x128xf32, #tpu.memory_space<vmem>>
    tpu.enqueue_dma source(%dma_start3A_326 : memref<64x128xf32, #tpu.memory_space<vmem>>) target(%dma_start3A_322 : memref<64x128xf32, #tpu.memory_space<vmem_shared>>) target_semaphore(%arg11 : memref<!tpu.dma_semaphore, #tpu.memory_space<semaphore_mem>>)
    %mul3A_327 = arith.constant 640 : i32
    %mul3A_328 = arith.muli %arg1, %mul3A_327 : i32
    %add3A_329 = arith.constant 192 : i32
    %add3A_330 = arith.addi %mul3A_328, %add3A_329 : i32
    %dma_start3A_331 = arith.constant 4 : i32
    %dma_start3A_332 = arith.constant 0 : i32
    %dma_start3A_333 = arith.constant 0 : i32
    %dma_start3A_334 = tpu.memref_slice %arg6[%dma_start3A_331, %dma_start3A_332, %dma_start3A_333] : memref<5x64x128xf32, #tpu.memory_space<vmem>> -> memref<1x64x128xf32, #tpu.memory_space<vmem>>
    %dma_start3A_335 = tpu.memref_squeeze %dma_start3A_334 : memref<1x64x128xf32, #tpu.memory_space<vmem>> -> memref<64x128xf32, #tpu.memory_space<vmem>>
    %dma_start3A_336 = arith.constant 0 : i32
    %dma_start3A_337 = tpu.memref_slice %arg7[%add3A_330, %dma_start3A_336] : memref<10240x128xf32, #tpu.memory_space<vmem_shared>> -> memref<64x128xf32, #tpu.memory_space<vmem_shared>>
    %dma_start3A_338 = arith.constant 0 : i32
    %dma_start3A_339 = tpu.memref_slice %arg7[%add3A_330, %dma_start3A_338] : memref<10240x128xf32, #tpu.memory_space<vmem_shared>> -> memref<64x128xf32, #tpu.memory_space<vmem_shared>>
    %dma_start3A_340 = arith.constant 0 : i32
    %dma_start3A_341 = arith.constant 0 : i32
    %dma_start3A_342 = tpu.memref_slice %arg6[%dma_start3A_331, %dma_start3A_340, %dma_start3A_341] : memref<5x64x128xf32, #tpu.memory_space<vmem>> -> memref<1x64x128xf32, #tpu.memory_space<vmem>>
    %dma_start3A_343 = tpu.memref_squeeze %dma_start3A_342 : memref<1x64x128xf32, #tpu.memory_space<vmem>> -> memref<64x128xf32, #tpu.memory_space<vmem>>
    tpu.enqueue_dma source(%dma_start3A_343 : memref<64x128xf32, #tpu.memory_space<vmem>>) target(%dma_start3A_339 : memref<64x128xf32, #tpu.memory_space<vmem_shared>>) target_semaphore(%arg11 : memref<!tpu.dma_semaphore, #tpu.memory_space<semaphore_mem>>)
    %mul3A_344 = arith.constant 640 : i32
    %mul3A_345 = arith.muli %arg1, %mul3A_344 : i32
    %add3A_346 = arith.constant 256 : i32
    %add3A_347 = arith.addi %mul3A_345, %add3A_346 : i32
    %dma_start3A_348 = arith.constant 4 : i32
    %dma_start3A_349 = arith.constant 0 : i32
    %dma_start3A_350 = arith.constant 0 : i32
    %dma_start3A_351 = tpu.memref_slice %arg6[%dma_start3A_348, %dma_start3A_349, %dma_start3A_350] : memref<5x64x128xf32, #tpu.memory_space<vmem>> -> memref<1x64x128xf32, #tpu.memory_space<vmem>>
    %dma_start3A_352 = tpu.memref_squeeze %dma_start3A_351 : memref<1x64x128xf32, #tpu.memory_space<vmem>> -> memref<64x128xf32, #tpu.memory_space<vmem>>
    %dma_start3A_353 = arith.constant 0 : i32
    %dma_start3A_354 = tpu.memref_slice %arg7[%add3A_347, %dma_start3A_353] : memref<10240x128xf32, #tpu.memory_space<vmem_shared>> -> memref<64x128xf32, #tpu.memory_space<vmem_shared>>
    %dma_start3A_355 = arith.constant 0 : i32
    %dma_start3A_356 = tpu.memref_slice %arg7[%add3A_347, %dma_start3A_355] : memref<10240x128xf32, #tpu.memory_space<vmem_shared>> -> memref<64x128xf32, #tpu.memory_space<vmem_shared>>
    %dma_start3A_357 = arith.constant 0 : i32
    %dma_start3A_358 = arith.constant 0 : i32
    %dma_start3A_359 = tpu.memref_slice %arg6[%dma_start3A_348, %dma_start3A_357, %dma_start3A_358] : memref<5x64x128xf32, #tpu.memory_space<vmem>> -> memref<1x64x128xf32, #tpu.memory_space<vmem>>
    %dma_start3A_360 = tpu.memref_squeeze %dma_start3A_359 : memref<1x64x128xf32, #tpu.memory_space<vmem>> -> memref<64x128xf32, #tpu.memory_space<vmem>>
    tpu.enqueue_dma source(%dma_start3A_360 : memref<64x128xf32, #tpu.memory_space<vmem>>) target(%dma_start3A_356 : memref<64x128xf32, #tpu.memory_space<vmem_shared>>) target_semaphore(%arg11 : memref<!tpu.dma_semaphore, #tpu.memory_space<semaphore_mem>>)
    %mul3A_361 = arith.constant 640 : i32
    %mul3A_362 = arith.muli %arg1, %mul3A_361 : i32
    %add3A_363 = arith.constant 320 : i32
    %add3A_364 = arith.addi %mul3A_362, %add3A_363 : i32
    %dma_start3A_365 = arith.constant 4 : i32
    %dma_start3A_366 = arith.constant 0 : i32
    %dma_start3A_367 = arith.constant 0 : i32
    %dma_start3A_368 = tpu.memref_slice %arg6[%dma_start3A_365, %dma_start3A_366, %dma_start3A_367] : memref<5x64x128xf32, #tpu.memory_space<vmem>> -> memref<1x64x128xf32, #tpu.memory_space<vmem>>
    %dma_start3A_369 = tpu.memref_squeeze %dma_start3A_368 : memref<1x64x128xf32, #tpu.memory_space<vmem>> -> memref<64x128xf32, #tpu.memory_space<vmem>>
    %dma_start3A_370 = arith.constant 0 : i32
    %dma_start3A_371 = tpu.memref_slice %arg7[%add3A_364, %dma_start3A_370] : memref<10240x128xf32, #tpu.memory_space<vmem_shared>> -> memref<64x128xf32, #tpu.memory_space<vmem_shared>>
    %dma_start3A_372 = arith.constant 0 : i32
    %dma_start3A_373 = tpu.memref_slice %arg7[%add3A_364, %dma_start3A_372] : memref<10240x128xf32, #tpu.memory_space<vmem_shared>> -> memref<64x128xf32, #tpu.memory_space<vmem_shared>>
    %dma_start3A_374 = arith.constant 0 : i32
    %dma_start3A_375 = arith.constant 0 : i32
    %dma_start3A_376 = tpu.memref_slice %arg6[%dma_start3A_365, %dma_start3A_374, %dma_start3A_375] : memref<5x64x128xf32, #tpu.memory_space<vmem>> -> memref<1x64x128xf32, #tpu.memory_space<vmem>>
    %dma_start3A_377 = tpu.memref_squeeze %dma_start3A_376 : memref<1x64x128xf32, #tpu.memory_space<vmem>> -> memref<64x128xf32, #tpu.memory_space<vmem>>
    tpu.enqueue_dma source(%dma_start3A_377 : memref<64x128xf32, #tpu.memory_space<vmem>>) target(%dma_start3A_373 : memref<64x128xf32, #tpu.memory_space<vmem_shared>>) target_semaphore(%arg11 : memref<!tpu.dma_semaphore, #tpu.memory_space<semaphore_mem>>)
    %mul3A_378 = arith.constant 640 : i32
    %mul3A_379 = arith.muli %arg1, %mul3A_378 : i32
    %add3A_380 = arith.constant 384 : i32
    %add3A_381 = arith.addi %mul3A_379, %add3A_380 : i32
    %dma_start3A_382 = arith.constant 4 : i32
    %dma_start3A_383 = arith.constant 0 : i32
    %dma_start3A_384 = arith.constant 0 : i32
    %dma_start3A_385 = tpu.memref_slice %arg6[%dma_start3A_382, %dma_start3A_383, %dma_start3A_384] : memref<5x64x128xf32, #tpu.memory_space<vmem>> -> memref<1x64x128xf32, #tpu.memory_space<vmem>>
    %dma_start3A_386 = tpu.memref_squeeze %dma_start3A_385 : memref<1x64x128xf32, #tpu.memory_space<vmem>> -> memref<64x128xf32, #tpu.memory_space<vmem>>
    %dma_start3A_387 = arith.constant 0 : i32
    %dma_start3A_388 = tpu.memref_slice %arg7[%add3A_381, %dma_start3A_387] : memref<10240x128xf32, #tpu.memory_space<vmem_shared>> -> memref<64x128xf32, #tpu.memory_space<vmem_shared>>
    %dma_start3A_389 = arith.constant 0 : i32
    %dma_start3A_390 = tpu.memref_slice %arg7[%add3A_381, %dma_start3A_389] : memref<10240x128xf32, #tpu.memory_space<vmem_shared>> -> memref<64x128xf32, #tpu.memory_space<vmem_shared>>
    %dma_start3A_391 = arith.constant 0 : i32
    %dma_start3A_392 = arith.constant 0 : i32
    %dma_start3A_393 = tpu.memref_slice %arg6[%dma_start3A_382, %dma_start3A_391, %dma_start3A_392] : memref<5x64x128xf32, #tpu.memory_space<vmem>> -> memref<1x64x128xf32, #tpu.memory_space<vmem>>
    %dma_start3A_394 = tpu.memref_squeeze %dma_start3A_393 : memref<1x64x128xf32, #tpu.memory_space<vmem>> -> memref<64x128xf32, #tpu.memory_space<vmem>>
    tpu.enqueue_dma source(%dma_start3A_394 : memref<64x128xf32, #tpu.memory_space<vmem>>) target(%dma_start3A_390 : memref<64x128xf32, #tpu.memory_space<vmem_shared>>) target_semaphore(%arg11 : memref<!tpu.dma_semaphore, #tpu.memory_space<semaphore_mem>>)
    %mul3A_395 = arith.constant 640 : i32
    %mul3A_396 = arith.muli %arg1, %mul3A_395 : i32
    %add3A_397 = arith.constant 448 : i32
    %add3A_398 = arith.addi %mul3A_396, %add3A_397 : i32
    %dma_start3A_399 = arith.constant 4 : i32
    %dma_start3A_400 = arith.constant 0 : i32
    %dma_start3A_401 = arith.constant 0 : i32
    %dma_start3A_402 = tpu.memref_slice %arg6[%dma_start3A_399, %dma_start3A_400, %dma_start3A_401] : memref<5x64x128xf32, #tpu.memory_space<vmem>> -> memref<1x64x128xf32, #tpu.memory_space<vmem>>
    %dma_start3A_403 = tpu.memref_squeeze %dma_start3A_402 : memref<1x64x128xf32, #tpu.memory_space<vmem>> -> memref<64x128xf32, #tpu.memory_space<vmem>>
    %dma_start3A_404 = arith.constant 0 : i32
    %dma_start3A_405 = tpu.memref_slice %arg7[%add3A_398, %dma_start3A_404] : memref<10240x128xf32, #tpu.memory_space<vmem_shared>> -> memref<64x128xf32, #tpu.memory_space<vmem_shared>>
    %dma_start3A_406 = arith.constant 0 : i32
    %dma_start3A_407 = tpu.memref_slice %arg7[%add3A_398, %dma_start3A_406] : memref<10240x128xf32, #tpu.memory_space<vmem_shared>> -> memref<64x128xf32, #tpu.memory_space<vmem_shared>>
    %dma_start3A_408 = arith.constant 0 : i32
    %dma_start3A_409 = arith.constant 0 : i32
    %dma_start3A_410 = tpu.memref_slice %arg6[%dma_start3A_399, %dma_start3A_408, %dma_start3A_409] : memref<5x64x128xf32, #tpu.memory_space<vmem>> -> memref<1x64x128xf32, #tpu.memory_space<vmem>>
    %dma_start3A_411 = tpu.memref_squeeze %dma_start3A_410 : memref<1x64x128xf32, #tpu.memory_space<vmem>> -> memref<64x128xf32, #tpu.memory_space<vmem>>
    tpu.enqueue_dma source(%dma_start3A_411 : memref<64x128xf32, #tpu.memory_space<vmem>>) target(%dma_start3A_407 : memref<64x128xf32, #tpu.memory_space<vmem_shared>>) target_semaphore(%arg11 : memref<!tpu.dma_semaphore, #tpu.memory_space<semaphore_mem>>)
    %mul3A_412 = arith.constant 640 : i32
    %mul3A_413 = arith.muli %arg1, %mul3A_412 : i32
    %add3A_414 = arith.constant 512 : i32
    %add3A_415 = arith.addi %mul3A_413, %add3A_414 : i32
    %dma_start3A_416 = arith.constant 4 : i32
    %dma_start3A_417 = arith.constant 0 : i32
    %dma_start3A_418 = arith.constant 0 : i32
    %dma_start3A_419 = tpu.memref_slice %arg6[%dma_start3A_416, %dma_start3A_417, %dma_start3A_418] : memref<5x64x128xf32, #tpu.memory_space<vmem>> -> memref<1x64x128xf32, #tpu.memory_space<vmem>>
    %dma_start3A_420 = tpu.memref_squeeze %dma_start3A_419 : memref<1x64x128xf32, #tpu.memory_space<vmem>> -> memref<64x128xf32, #tpu.memory_space<vmem>>
    %dma_start3A_421 = arith.constant 0 : i32
    %dma_start3A_422 = tpu.memref_slice %arg7[%add3A_415, %dma_start3A_421] : memref<10240x128xf32, #tpu.memory_space<vmem_shared>> -> memref<64x128xf32, #tpu.memory_space<vmem_shared>>
    %dma_start3A_423 = arith.constant 0 : i32
    %dma_start3A_424 = tpu.memref_slice %arg7[%add3A_415, %dma_start3A_423] : memref<10240x128xf32, #tpu.memory_space<vmem_shared>> -> memref<64x128xf32, #tpu.memory_space<vmem_shared>>
    %dma_start3A_425 = arith.constant 0 : i32
    %dma_start3A_426 = arith.constant 0 : i32
    %dma_start3A_427 = tpu.memref_slice %arg6[%dma_start3A_416, %dma_start3A_425, %dma_start3A_426] : memref<5x64x128xf32, #tpu.memory_space<vmem>> -> memref<1x64x128xf32, #tpu.memory_space<vmem>>
    %dma_start3A_428 = tpu.memref_squeeze %dma_start3A_427 : memref<1x64x128xf32, #tpu.memory_space<vmem>> -> memref<64x128xf32, #tpu.memory_space<vmem>>
    tpu.enqueue_dma source(%dma_start3A_428 : memref<64x128xf32, #tpu.memory_space<vmem>>) target(%dma_start3A_424 : memref<64x128xf32, #tpu.memory_space<vmem_shared>>) target_semaphore(%arg11 : memref<!tpu.dma_semaphore, #tpu.memory_space<semaphore_mem>>)
    %mul3A_429 = arith.constant 640 : i32
    %mul3A_430 = arith.muli %arg1, %mul3A_429 : i32
    %add3A_431 = arith.constant 576 : i32
    %add3A_432 = arith.addi %mul3A_430, %add3A_431 : i32
    %dma_start3A_433 = arith.constant 4 : i32
    %dma_start3A_434 = arith.constant 0 : i32
    %dma_start3A_435 = arith.constant 0 : i32
    %dma_start3A_436 = tpu.memref_slice %arg6[%dma_start3A_433, %dma_start3A_434, %dma_start3A_435] : memref<5x64x128xf32, #tpu.memory_space<vmem>> -> memref<1x64x128xf32, #tpu.memory_space<vmem>>
    %dma_start3A_437 = tpu.memref_squeeze %dma_start3A_436 : memref<1x64x128xf32, #tpu.memory_space<vmem>> -> memref<64x128xf32, #tpu.memory_space<vmem>>
    %dma_start3A_438 = arith.constant 0 : i32
    %dma_start3A_439 = tpu.memref_slice %arg7[%add3A_432, %dma_start3A_438] : memref<10240x128xf32, #tpu.memory_space<vmem_shared>> -> memref<64x128xf32, #tpu.memory_space<vmem_shared>>
    %dma_start3A_440 = arith.constant 0 : i32
    %dma_start3A_441 = tpu.memref_slice %arg7[%add3A_432, %dma_start3A_440] : memref<10240x128xf32, #tpu.memory_space<vmem_shared>> -> memref<64x128xf32, #tpu.memory_space<vmem_shared>>
    %dma_start3A_442 = arith.constant 0 : i32
    %dma_start3A_443 = arith.constant 0 : i32
    %dma_start3A_444 = tpu.memref_slice %arg6[%dma_start3A_433, %dma_start3A_442, %dma_start3A_443] : memref<5x64x128xf32, #tpu.memory_space<vmem>> -> memref<1x64x128xf32, #tpu.memory_space<vmem>>
    %dma_start3A_445 = tpu.memref_squeeze %dma_start3A_444 : memref<1x64x128xf32, #tpu.memory_space<vmem>> -> memref<64x128xf32, #tpu.memory_space<vmem>>
    tpu.enqueue_dma source(%dma_start3A_445 : memref<64x128xf32, #tpu.memory_space<vmem>>) target(%dma_start3A_441 : memref<64x128xf32, #tpu.memory_space<vmem_shared>>) target_semaphore(%arg11 : memref<!tpu.dma_semaphore, #tpu.memory_space<semaphore_mem>>)
    %mul3A_446 = arith.constant 640 : i32
    %mul3A_447 = arith.muli %arg1, %mul3A_446 : i32
    %add3A_448 = arith.constant 0 : i32
    %add3A_449 = arith.addi %mul3A_447, %add3A_448 : i32
    %dma_wait3A_450 = arith.constant 4 : i32
    %dma_wait3A_451 = arith.constant 0 : i32
    %dma_wait3A_452 = arith.constant 0 : i32
    %dma_wait3A_453 = tpu.memref_slice %arg6[%dma_wait3A_450, %dma_wait3A_451, %dma_wait3A_452] : memref<5x64x128xf32, #tpu.memory_space<vmem>> -> memref<1x64x128xf32, #tpu.memory_space<vmem>>
    %dma_wait3A_454 = tpu.memref_squeeze %dma_wait3A_453 : memref<1x64x128xf32, #tpu.memory_space<vmem>> -> memref<64x128xf32, #tpu.memory_space<vmem>>
    %dma_wait3A_455 = arith.constant 0 : i32
    %dma_wait3A_456 = tpu.memref_slice %arg7[%add3A_449, %dma_wait3A_455] : memref<10240x128xf32, #tpu.memory_space<vmem_shared>> -> memref<64x128xf32, #tpu.memory_space<vmem_shared>>
    %dma_wait3A_457 = arith.constant 0 : i32
    %dma_wait3A_458 = tpu.memref_slice %arg7[%add3A_449, %dma_wait3A_457] : memref<10240x128xf32, #tpu.memory_space<vmem_shared>> -> memref<64x128xf32, #tpu.memory_space<vmem_shared>>
    %dma_wait3A_459 = arith.constant 0 : i32
    %dma_wait3A_460 = arith.constant 0 : i32
    %dma_wait3A_461 = tpu.memref_slice %arg6[%dma_wait3A_450, %dma_wait3A_459, %dma_wait3A_460] : memref<5x64x128xf32, #tpu.memory_space<vmem>> -> memref<1x64x128xf32, #tpu.memory_space<vmem>>
    %dma_wait3A_462 = tpu.memref_squeeze %dma_wait3A_461 : memref<1x64x128xf32, #tpu.memory_space<vmem>> -> memref<64x128xf32, #tpu.memory_space<vmem>>
    tpu.wait_dma2 semaphore(%arg11 : memref<!tpu.dma_semaphore, #tpu.memory_space<semaphore_mem>>) src(%dma_wait3A_462 : memref<64x128xf32, #tpu.memory_space<vmem>>) dst(%dma_wait3A_458 : memref<64x128xf32, #tpu.memory_space<vmem_shared>>)
    %mul3A_463 = arith.constant 640 : i32
    %mul3A_464 = arith.muli %arg1, %mul3A_463 : i32
    %add3A_465 = arith.constant 64 : i32
    %add3A_466 = arith.addi %mul3A_464, %add3A_465 : i32
    %dma_wait3A_467 = arith.constant 4 : i32
    %dma_wait3A_468 = arith.constant 0 : i32
    %dma_wait3A_469 = arith.constant 0 : i32
    %dma_wait3A_470 = tpu.memref_slice %arg6[%dma_wait3A_467, %dma_wait3A_468, %dma_wait3A_469] : memref<5x64x128xf32, #tpu.memory_space<vmem>> -> memref<1x64x128xf32, #tpu.memory_space<vmem>>
    %dma_wait3A_471 = tpu.memref_squeeze %dma_wait3A_470 : memref<1x64x128xf32, #tpu.memory_space<vmem>> -> memref<64x128xf32, #tpu.memory_space<vmem>>
    %dma_wait3A_472 = arith.constant 0 : i32
    %dma_wait3A_473 = tpu.memref_slice %arg7[%add3A_466, %dma_wait3A_472] : memref<10240x128xf32, #tpu.memory_space<vmem_shared>> -> memref<64x128xf32, #tpu.memory_space<vmem_shared>>
    %dma_wait3A_474 = arith.constant 0 : i32
    %dma_wait3A_475 = tpu.memref_slice %arg7[%add3A_466, %dma_wait3A_474] : memref<10240x128xf32, #tpu.memory_space<vmem_shared>> -> memref<64x128xf32, #tpu.memory_space<vmem_shared>>
    %dma_wait3A_476 = arith.constant 0 : i32
    %dma_wait3A_477 = arith.constant 0 : i32
    %dma_wait3A_478 = tpu.memref_slice %arg6[%dma_wait3A_467, %dma_wait3A_476, %dma_wait3A_477] : memref<5x64x128xf32, #tpu.memory_space<vmem>> -> memref<1x64x128xf32, #tpu.memory_space<vmem>>
    %dma_wait3A_479 = tpu.memref_squeeze %dma_wait3A_478 : memref<1x64x128xf32, #tpu.memory_space<vmem>> -> memref<64x128xf32, #tpu.memory_space<vmem>>
    tpu.wait_dma2 semaphore(%arg11 : memref<!tpu.dma_semaphore, #tpu.memory_space<semaphore_mem>>) src(%dma_wait3A_479 : memref<64x128xf32, #tpu.memory_space<vmem>>) dst(%dma_wait3A_475 : memref<64x128xf32, #tpu.memory_space<vmem_shared>>)
    %mul3A_480 = arith.constant 640 : i32
    %mul3A_481 = arith.muli %arg1, %mul3A_480 : i32
    %add3A_482 = arith.constant 128 : i32
    %add3A_483 = arith.addi %mul3A_481, %add3A_482 : i32
    %dma_wait3A_484 = arith.constant 4 : i32
    %dma_wait3A_485 = arith.constant 0 : i32
    %dma_wait3A_486 = arith.constant 0 : i32
    %dma_wait3A_487 = tpu.memref_slice %arg6[%dma_wait3A_484, %dma_wait3A_485, %dma_wait3A_486] : memref<5x64x128xf32, #tpu.memory_space<vmem>> -> memref<1x64x128xf32, #tpu.memory_space<vmem>>
    %dma_wait3A_488 = tpu.memref_squeeze %dma_wait3A_487 : memref<1x64x128xf32, #tpu.memory_space<vmem>> -> memref<64x128xf32, #tpu.memory_space<vmem>>
    %dma_wait3A_489 = arith.constant 0 : i32
    %dma_wait3A_490 = tpu.memref_slice %arg7[%add3A_483, %dma_wait3A_489] : memref<10240x128xf32, #tpu.memory_space<vmem_shared>> -> memref<64x128xf32, #tpu.memory_space<vmem_shared>>
    %dma_wait3A_491 = arith.constant 0 : i32
    %dma_wait3A_492 = tpu.memref_slice %arg7[%add3A_483, %dma_wait3A_491] : memref<10240x128xf32, #tpu.memory_space<vmem_shared>> -> memref<64x128xf32, #tpu.memory_space<vmem_shared>>
    %dma_wait3A_493 = arith.constant 0 : i32
    %dma_wait3A_494 = arith.constant 0 : i32
    %dma_wait3A_495 = tpu.memref_slice %arg6[%dma_wait3A_484, %dma_wait3A_493, %dma_wait3A_494] : memref<5x64x128xf32, #tpu.memory_space<vmem>> -> memref<1x64x128xf32, #tpu.memory_space<vmem>>
    %dma_wait3A_496 = tpu.memref_squeeze %dma_wait3A_495 : memref<1x64x128xf32, #tpu.memory_space<vmem>> -> memref<64x128xf32, #tpu.memory_space<vmem>>
    tpu.wait_dma2 semaphore(%arg11 : memref<!tpu.dma_semaphore, #tpu.memory_space<semaphore_mem>>) src(%dma_wait3A_496 : memref<64x128xf32, #tpu.memory_space<vmem>>) dst(%dma_wait3A_492 : memref<64x128xf32, #tpu.memory_space<vmem_shared>>)
    %mul3A_497 = arith.constant 640 : i32
    %mul3A_498 = arith.muli %arg1, %mul3A_497 : i32
    %add3A_499 = arith.constant 192 : i32
    %add3A_500 = arith.addi %mul3A_498, %add3A_499 : i32
    %dma_wait3A_501 = arith.constant 4 : i32
    %dma_wait3A_502 = arith.constant 0 : i32
    %dma_wait3A_503 = arith.constant 0 : i32
    %dma_wait3A_504 = tpu.memref_slice %arg6[%dma_wait3A_501, %dma_wait3A_502, %dma_wait3A_503] : memref<5x64x128xf32, #tpu.memory_space<vmem>> -> memref<1x64x128xf32, #tpu.memory_space<vmem>>
    %dma_wait3A_505 = tpu.memref_squeeze %dma_wait3A_504 : memref<1x64x128xf32, #tpu.memory_space<vmem>> -> memref<64x128xf32, #tpu.memory_space<vmem>>
    %dma_wait3A_506 = arith.constant 0 : i32
    %dma_wait3A_507 = tpu.memref_slice %arg7[%add3A_500, %dma_wait3A_506] : memref<10240x128xf32, #tpu.memory_space<vmem_shared>> -> memref<64x128xf32, #tpu.memory_space<vmem_shared>>
    %dma_wait3A_508 = arith.constant 0 : i32
    %dma_wait3A_509 = tpu.memref_slice %arg7[%add3A_500, %dma_wait3A_508] : memref<10240x128xf32, #tpu.memory_space<vmem_shared>> -> memref<64x128xf32, #tpu.memory_space<vmem_shared>>
    %dma_wait3A_510 = arith.constant 0 : i32
    %dma_wait3A_511 = arith.constant 0 : i32
    %dma_wait3A_512 = tpu.memref_slice %arg6[%dma_wait3A_501, %dma_wait3A_510, %dma_wait3A_511] : memref<5x64x128xf32, #tpu.memory_space<vmem>> -> memref<1x64x128xf32, #tpu.memory_space<vmem>>
    %dma_wait3A_513 = tpu.memref_squeeze %dma_wait3A_512 : memref<1x64x128xf32, #tpu.memory_space<vmem>> -> memref<64x128xf32, #tpu.memory_space<vmem>>
    tpu.wait_dma2 semaphore(%arg11 : memref<!tpu.dma_semaphore, #tpu.memory_space<semaphore_mem>>) src(%dma_wait3A_513 : memref<64x128xf32, #tpu.memory_space<vmem>>) dst(%dma_wait3A_509 : memref<64x128xf32, #tpu.memory_space<vmem_shared>>)
    %mul3A_514 = arith.constant 640 : i32
    %mul3A_515 = arith.muli %arg1, %mul3A_514 : i32
    %add3A_516 = arith.constant 256 : i32
    %add3A_517 = arith.addi %mul3A_515, %add3A_516 : i32
    %dma_wait3A_518 = arith.constant 4 : i32
    %dma_wait3A_519 = arith.constant 0 : i32
    %dma_wait3A_520 = arith.constant 0 : i32
    %dma_wait3A_521 = tpu.memref_slice %arg6[%dma_wait3A_518, %dma_wait3A_519, %dma_wait3A_520] : memref<5x64x128xf32, #tpu.memory_space<vmem>> -> memref<1x64x128xf32, #tpu.memory_space<vmem>>
    %dma_wait3A_522 = tpu.memref_squeeze %dma_wait3A_521 : memref<1x64x128xf32, #tpu.memory_space<vmem>> -> memref<64x128xf32, #tpu.memory_space<vmem>>
    %dma_wait3A_523 = arith.constant 0 : i32
    %dma_wait3A_524 = tpu.memref_slice %arg7[%add3A_517, %dma_wait3A_523] : memref<10240x128xf32, #tpu.memory_space<vmem_shared>> -> memref<64x128xf32, #tpu.memory_space<vmem_shared>>
    %dma_wait3A_525 = arith.constant 0 : i32
    %dma_wait3A_526 = tpu.memref_slice %arg7[%add3A_517, %dma_wait3A_525] : memref<10240x128xf32, #tpu.memory_space<vmem_shared>> -> memref<64x128xf32, #tpu.memory_space<vmem_shared>>
    %dma_wait3A_527 = arith.constant 0 : i32
    %dma_wait3A_528 = arith.constant 0 : i32
    %dma_wait3A_529 = tpu.memref_slice %arg6[%dma_wait3A_518, %dma_wait3A_527, %dma_wait3A_528] : memref<5x64x128xf32, #tpu.memory_space<vmem>> -> memref<1x64x128xf32, #tpu.memory_space<vmem>>
    %dma_wait3A_530 = tpu.memref_squeeze %dma_wait3A_529 : memref<1x64x128xf32, #tpu.memory_space<vmem>> -> memref<64x128xf32, #tpu.memory_space<vmem>>
    tpu.wait_dma2 semaphore(%arg11 : memref<!tpu.dma_semaphore, #tpu.memory_space<semaphore_mem>>) src(%dma_wait3A_530 : memref<64x128xf32, #tpu.memory_space<vmem>>) dst(%dma_wait3A_526 : memref<64x128xf32, #tpu.memory_space<vmem_shared>>)
    %mul3A_531 = arith.constant 640 : i32
    %mul3A_532 = arith.muli %arg1, %mul3A_531 : i32
    %add3A_533 = arith.constant 320 : i32
    %add3A_534 = arith.addi %mul3A_532, %add3A_533 : i32
    %dma_wait3A_535 = arith.constant 4 : i32
    %dma_wait3A_536 = arith.constant 0 : i32
    %dma_wait3A_537 = arith.constant 0 : i32
    %dma_wait3A_538 = tpu.memref_slice %arg6[%dma_wait3A_535, %dma_wait3A_536, %dma_wait3A_537] : memref<5x64x128xf32, #tpu.memory_space<vmem>> -> memref<1x64x128xf32, #tpu.memory_space<vmem>>
    %dma_wait3A_539 = tpu.memref_squeeze %dma_wait3A_538 : memref<1x64x128xf32, #tpu.memory_space<vmem>> -> memref<64x128xf32, #tpu.memory_space<vmem>>
    %dma_wait3A_540 = arith.constant 0 : i32
    %dma_wait3A_541 = tpu.memref_slice %arg7[%add3A_534, %dma_wait3A_540] : memref<10240x128xf32, #tpu.memory_space<vmem_shared>> -> memref<64x128xf32, #tpu.memory_space<vmem_shared>>
    %dma_wait3A_542 = arith.constant 0 : i32
    %dma_wait3A_543 = tpu.memref_slice %arg7[%add3A_534, %dma_wait3A_542] : memref<10240x128xf32, #tpu.memory_space<vmem_shared>> -> memref<64x128xf32, #tpu.memory_space<vmem_shared>>
    %dma_wait3A_544 = arith.constant 0 : i32
    %dma_wait3A_545 = arith.constant 0 : i32
    %dma_wait3A_546 = tpu.memref_slice %arg6[%dma_wait3A_535, %dma_wait3A_544, %dma_wait3A_545] : memref<5x64x128xf32, #tpu.memory_space<vmem>> -> memref<1x64x128xf32, #tpu.memory_space<vmem>>
    %dma_wait3A_547 = tpu.memref_squeeze %dma_wait3A_546 : memref<1x64x128xf32, #tpu.memory_space<vmem>> -> memref<64x128xf32, #tpu.memory_space<vmem>>
    tpu.wait_dma2 semaphore(%arg11 : memref<!tpu.dma_semaphore, #tpu.memory_space<semaphore_mem>>) src(%dma_wait3A_547 : memref<64x128xf32, #tpu.memory_space<vmem>>) dst(%dma_wait3A_543 : memref<64x128xf32, #tpu.memory_space<vmem_shared>>)
    %mul3A_548 = arith.constant 640 : i32
    %mul3A_549 = arith.muli %arg1, %mul3A_548 : i32
    %add3A_550 = arith.constant 384 : i32
    %add3A_551 = arith.addi %mul3A_549, %add3A_550 : i32
    %dma_wait3A_552 = arith.constant 4 : i32
    %dma_wait3A_553 = arith.constant 0 : i32
    %dma_wait3A_554 = arith.constant 0 : i32
    %dma_wait3A_555 = tpu.memref_slice %arg6[%dma_wait3A_552, %dma_wait3A_553, %dma_wait3A_554] : memref<5x64x128xf32, #tpu.memory_space<vmem>> -> memref<1x64x128xf32, #tpu.memory_space<vmem>>
    %dma_wait3A_556 = tpu.memref_squeeze %dma_wait3A_555 : memref<1x64x128xf32, #tpu.memory_space<vmem>> -> memref<64x128xf32, #tpu.memory_space<vmem>>
    %dma_wait3A_557 = arith.constant 0 : i32
    %dma_wait3A_558 = tpu.memref_slice %arg7[%add3A_551, %dma_wait3A_557] : memref<10240x128xf32, #tpu.memory_space<vmem_shared>> -> memref<64x128xf32, #tpu.memory_space<vmem_shared>>
    %dma_wait3A_559 = arith.constant 0 : i32
    %dma_wait3A_560 = tpu.memref_slice %arg7[%add3A_551, %dma_wait3A_559] : memref<10240x128xf32, #tpu.memory_space<vmem_shared>> -> memref<64x128xf32, #tpu.memory_space<vmem_shared>>
    %dma_wait3A_561 = arith.constant 0 : i32
    %dma_wait3A_562 = arith.constant 0 : i32
    %dma_wait3A_563 = tpu.memref_slice %arg6[%dma_wait3A_552, %dma_wait3A_561, %dma_wait3A_562] : memref<5x64x128xf32, #tpu.memory_space<vmem>> -> memref<1x64x128xf32, #tpu.memory_space<vmem>>
    %dma_wait3A_564 = tpu.memref_squeeze %dma_wait3A_563 : memref<1x64x128xf32, #tpu.memory_space<vmem>> -> memref<64x128xf32, #tpu.memory_space<vmem>>
    tpu.wait_dma2 semaphore(%arg11 : memref<!tpu.dma_semaphore, #tpu.memory_space<semaphore_mem>>) src(%dma_wait3A_564 : memref<64x128xf32, #tpu.memory_space<vmem>>) dst(%dma_wait3A_560 : memref<64x128xf32, #tpu.memory_space<vmem_shared>>)
    %mul3A_565 = arith.constant 640 : i32
    %mul3A_566 = arith.muli %arg1, %mul3A_565 : i32
    %add3A_567 = arith.constant 448 : i32
    %add3A_568 = arith.addi %mul3A_566, %add3A_567 : i32
    %dma_wait3A_569 = arith.constant 4 : i32
    %dma_wait3A_570 = arith.constant 0 : i32
    %dma_wait3A_571 = arith.constant 0 : i32
    %dma_wait3A_572 = tpu.memref_slice %arg6[%dma_wait3A_569, %dma_wait3A_570, %dma_wait3A_571] : memref<5x64x128xf32, #tpu.memory_space<vmem>> -> memref<1x64x128xf32, #tpu.memory_space<vmem>>
    %dma_wait3A_573 = tpu.memref_squeeze %dma_wait3A_572 : memref<1x64x128xf32, #tpu.memory_space<vmem>> -> memref<64x128xf32, #tpu.memory_space<vmem>>
    %dma_wait3A_574 = arith.constant 0 : i32
    %dma_wait3A_575 = tpu.memref_slice %arg7[%add3A_568, %dma_wait3A_574] : memref<10240x128xf32, #tpu.memory_space<vmem_shared>> -> memref<64x128xf32, #tpu.memory_space<vmem_shared>>
    %dma_wait3A_576 = arith.constant 0 : i32
    %dma_wait3A_577 = tpu.memref_slice %arg7[%add3A_568, %dma_wait3A_576] : memref<10240x128xf32, #tpu.memory_space<vmem_shared>> -> memref<64x128xf32, #tpu.memory_space<vmem_shared>>
    %dma_wait3A_578 = arith.constant 0 : i32
    %dma_wait3A_579 = arith.constant 0 : i32
    %dma_wait3A_580 = tpu.memref_slice %arg6[%dma_wait3A_569, %dma_wait3A_578, %dma_wait3A_579] : memref<5x64x128xf32, #tpu.memory_space<vmem>> -> memref<1x64x128xf32, #tpu.memory_space<vmem>>
    %dma_wait3A_581 = tpu.memref_squeeze %dma_wait3A_580 : memref<1x64x128xf32, #tpu.memory_space<vmem>> -> memref<64x128xf32, #tpu.memory_space<vmem>>
    tpu.wait_dma2 semaphore(%arg11 : memref<!tpu.dma_semaphore, #tpu.memory_space<semaphore_mem>>) src(%dma_wait3A_581 : memref<64x128xf32, #tpu.memory_space<vmem>>) dst(%dma_wait3A_577 : memref<64x128xf32, #tpu.memory_space<vmem_shared>>)
    %mul3A_582 = arith.constant 640 : i32
    %mul3A_583 = arith.muli %arg1, %mul3A_582 : i32
    %add3A_584 = arith.constant 512 : i32
    %add3A_585 = arith.addi %mul3A_583, %add3A_584 : i32
    %dma_wait3A_586 = arith.constant 4 : i32
    %dma_wait3A_587 = arith.constant 0 : i32
    %dma_wait3A_588 = arith.constant 0 : i32
    %dma_wait3A_589 = tpu.memref_slice %arg6[%dma_wait3A_586, %dma_wait3A_587, %dma_wait3A_588] : memref<5x64x128xf32, #tpu.memory_space<vmem>> -> memref<1x64x128xf32, #tpu.memory_space<vmem>>
    %dma_wait3A_590 = tpu.memref_squeeze %dma_wait3A_589 : memref<1x64x128xf32, #tpu.memory_space<vmem>> -> memref<64x128xf32, #tpu.memory_space<vmem>>
    %dma_wait3A_591 = arith.constant 0 : i32
    %dma_wait3A_592 = tpu.memref_slice %arg7[%add3A_585, %dma_wait3A_591] : memref<10240x128xf32, #tpu.memory_space<vmem_shared>> -> memref<64x128xf32, #tpu.memory_space<vmem_shared>>
    %dma_wait3A_593 = arith.constant 0 : i32
    %dma_wait3A_594 = tpu.memref_slice %arg7[%add3A_585, %dma_wait3A_593] : memref<10240x128xf32, #tpu.memory_space<vmem_shared>> -> memref<64x128xf32, #tpu.memory_space<vmem_shared>>
    %dma_wait3A_595 = arith.constant 0 : i32
    %dma_wait3A_596 = arith.constant 0 : i32
    %dma_wait3A_597 = tpu.memref_slice %arg6[%dma_wait3A_586, %dma_wait3A_595, %dma_wait3A_596] : memref<5x64x128xf32, #tpu.memory_space<vmem>> -> memref<1x64x128xf32, #tpu.memory_space<vmem>>
    %dma_wait3A_598 = tpu.memref_squeeze %dma_wait3A_597 : memref<1x64x128xf32, #tpu.memory_space<vmem>> -> memref<64x128xf32, #tpu.memory_space<vmem>>
    tpu.wait_dma2 semaphore(%arg11 : memref<!tpu.dma_semaphore, #tpu.memory_space<semaphore_mem>>) src(%dma_wait3A_598 : memref<64x128xf32, #tpu.memory_space<vmem>>) dst(%dma_wait3A_594 : memref<64x128xf32, #tpu.memory_space<vmem_shared>>)
    %mul3A_599 = arith.constant 640 : i32
    %mul3A_600 = arith.muli %arg1, %mul3A_599 : i32
    %add3A_601 = arith.constant 576 : i32
    %add3A_602 = arith.addi %mul3A_600, %add3A_601 : i32
    %dma_wait3A_603 = arith.constant 4 : i32
    %dma_wait3A_604 = arith.constant 0 : i32
    %dma_wait3A_605 = arith.constant 0 : i32
    %dma_wait3A_606 = tpu.memref_slice %arg6[%dma_wait3A_603, %dma_wait3A_604, %dma_wait3A_605] : memref<5x64x128xf32, #tpu.memory_space<vmem>> -> memref<1x64x128xf32, #tpu.memory_space<vmem>>
    %dma_wait3A_607 = tpu.memref_squeeze %dma_wait3A_606 : memref<1x64x128xf32, #tpu.memory_space<vmem>> -> memref<64x128xf32, #tpu.memory_space<vmem>>
    %dma_wait3A_608 = arith.constant 0 : i32
    %dma_wait3A_609 = tpu.memref_slice %arg7[%add3A_602, %dma_wait3A_608] : memref<10240x128xf32, #tpu.memory_space<vmem_shared>> -> memref<64x128xf32, #tpu.memory_space<vmem_shared>>
    %dma_wait3A_610 = arith.constant 0 : i32
    %dma_wait3A_611 = tpu.memref_slice %arg7[%add3A_602, %dma_wait3A_610] : memref<10240x128xf32, #tpu.memory_space<vmem_shared>> -> memref<64x128xf32, #tpu.memory_space<vmem_shared>>
    %dma_wait3A_612 = arith.constant 0 : i32
    %dma_wait3A_613 = arith.constant 0 : i32
    %dma_wait3A_614 = tpu.memref_slice %arg6[%dma_wait3A_603, %dma_wait3A_612, %dma_wait3A_613] : memref<5x64x128xf32, #tpu.memory_space<vmem>> -> memref<1x64x128xf32, #tpu.memory_space<vmem>>
    %dma_wait3A_615 = tpu.memref_squeeze %dma_wait3A_614 : memref<1x64x128xf32, #tpu.memory_space<vmem>> -> memref<64x128xf32, #tpu.memory_space<vmem>>
    tpu.wait_dma2 semaphore(%arg11 : memref<!tpu.dma_semaphore, #tpu.memory_space<semaphore_mem>>) src(%dma_wait3A_615 : memref<64x128xf32, #tpu.memory_space<vmem>>) dst(%dma_wait3A_611 : memref<64x128xf32, #tpu.memory_space<vmem_shared>>)
    %barrier3A = arith.constant 0 : index
    tpu.barrier barrier_id(%barrier3A)
    %scan3A_616 = arith.constant 0 : i32
    %scan3A_617 = arith.constant 160 : i32
    %scan3A_618 = arith.addi %scan3A_616, %scan3A_617 : i32
    %scan3A_619 = arith.constant 1 : i32
    scf.for %scan3A_897 = %scan3A_616 to %scan3A_618 step %scan3A_619  : i32 {
      %add3A_898 = arith.constant 4 : i32
      %add3A_899 = arith.addi %scan3A_897, %add3A_898 : i32
      %add3A_900 = arith.constant 1 : i32
      %add3A_901 = arith.addi %add3A_899, %add3A_900 : i32
      %lt3A = arith.constant 160 : i32
      %lt3A_902 = arith.cmpi slt, %add3A_901, %lt3A : i32
      %convert_element_type3A = arith.extui %lt3A_902 : i1 to i32
      %cond3A = arith.constant 0 : i32
      %cond3A_903 = arith.cmpi ne, %convert_element_type3A, %cond3A : i32
      scf.if %cond3A_903 {
        %rem3A_945 = arith.constant 7 : i32
        %rem3A_946 = arith.remsi %add3A_901, %rem3A_945 : i32
        %dma_start3A_947 = arith.constant 0 : i32
        %dma_start3A_948 = arith.constant 0 : i32
        %dma_start3A_949 = tpu.memref_slice %arg5[%rem3A_946, %dma_start3A_947, %dma_start3A_948] : memref<7x2x64xi32, #tpu.memory_space<vmem>> -> memref<1x2x64xi32, #tpu.memory_space<vmem>>
        %dma_start3A_950 = tpu.memref_squeeze %dma_start3A_949 : memref<1x2x64xi32, #tpu.memory_space<vmem>> -> memref<2x64xi32, #tpu.memory_space<vmem>>
        %dma_start3A_951 = arith.constant 0 : i32
        %dma_start3A_952 = arith.constant 0 : i32
        %dma_start3A_953 = tpu.memref_slice %arg3[%add3A, %add3A_901, %dma_start3A_951, %dma_start3A_952] : memref<32x160x2x64xi32, #tpu.memory_space<hbm>> -> memref<1x1x2x64xi32, #tpu.memory_space<hbm>>
        %dma_start3A_954 = tpu.memref_squeeze %dma_start3A_953 : memref<1x1x2x64xi32, #tpu.memory_space<hbm>> -> memref<2x64xi32, #tpu.memory_space<hbm>>
        %dma_start3A_955 = tpu.memref_slice %arg8[%rem3A_946] : memref<7x!tpu.dma_semaphore, #tpu.memory_space<semaphore_mem>> -> memref<1x!tpu.dma_semaphore, #tpu.memory_space<semaphore_mem>>
        %dma_start3A_956 = tpu.memref_squeeze %dma_start3A_955 : memref<1x!tpu.dma_semaphore, #tpu.memory_space<semaphore_mem>> -> memref<!tpu.dma_semaphore, #tpu.memory_space<semaphore_mem>>
        %dma_start3A_957 = arith.constant 0 : i32
        %dma_start3A_958 = arith.constant 0 : i32
        %dma_start3A_959 = tpu.memref_slice %arg5[%rem3A_946, %dma_start3A_957, %dma_start3A_958] : memref<7x2x64xi32, #tpu.memory_space<vmem>> -> memref<1x2x64xi32, #tpu.memory_space<vmem>>
        %dma_start3A_960 = tpu.memref_squeeze %dma_start3A_959 : memref<1x2x64xi32, #tpu.memory_space<vmem>> -> memref<2x64xi32, #tpu.memory_space<vmem>>
        %dma_start3A_961 = arith.constant 0 : i32
        %dma_start3A_962 = arith.constant 0 : i32
        %dma_start3A_963 = tpu.memref_slice %arg3[%add3A, %add3A_901, %dma_start3A_961, %dma_start3A_962] : memref<32x160x2x64xi32, #tpu.memory_space<hbm>> -> memref<1x1x2x64xi32, #tpu.memory_space<hbm>>
        %dma_start3A_964 = tpu.memref_squeeze %dma_start3A_963 : memref<1x1x2x64xi32, #tpu.memory_space<hbm>> -> memref<2x64xi32, #tpu.memory_space<hbm>>
        tpu.enqueue_dma source(%dma_start3A_964 : memref<2x64xi32, #tpu.memory_space<hbm>>) target(%dma_start3A_960 : memref<2x64xi32, #tpu.memory_space<vmem>>) target_semaphore(%dma_start3A_956 : memref<!tpu.dma_semaphore, #tpu.memory_space<semaphore_mem>>)
      } else {
      }
      %rem3A_904 = arith.constant 7 : i32
      %rem3A_905 = arith.remsi %scan3A_897, %rem3A_904 : i32
      %rem3A_906 = arith.constant 5 : i32
      %rem3A_907 = arith.remsi %scan3A_897, %rem3A_906 : i32
      %dma_wait3A_908 = arith.constant 0 : i32
      %dma_wait3A_909 = arith.constant 0 : i32
      %dma_wait3A_910 = arith.constant 0 : i32
      %dma_wait3A_911 = tpu.memref_slice %arg6[%rem3A_907, %dma_wait3A_909, %dma_wait3A_910] : memref<5x64x128xf32, #tpu.memory_space<vmem>> -> memref<1x64x128xf32, #tpu.memory_space<vmem>>
      %dma_wait3A_912 = tpu.memref_squeeze %dma_wait3A_911 : memref<1x64x128xf32, #tpu.memory_space<vmem>> -> memref<64x128xf32, #tpu.memory_space<vmem>>
      %dma_wait3A_913 = arith.constant 0 : i32
      %dma_wait3A_914 = tpu.memref_slice %arg5[%rem3A_905, %dma_wait3A_908, %dma_wait3A_913] : memref<7x2x64xi32, #tpu.memory_space<vmem>> -> memref<1x1x64xi32, #tpu.memory_space<vmem>>
      %dma_wait3A_915 = tpu.memref_squeeze %dma_wait3A_914 : memref<1x1x64xi32, #tpu.memory_space<vmem>> -> memref<64xi32, #tpu.memory_space<vmem>>
      %dma_wait3A_916 = arith.constant 0 : i32
      %dma_wait3A_917 = arith.constant 0 : i32
      %dma_wait3A_918 = tpu.memref_slice %arg2[%dma_wait3A_916, %dma_wait3A_917] : memref<10000x128xf32, #tpu.memory_space<hbm>> -> memref<10000x128xf32, #tpu.memory_space<hbm>>
      %dma_wait3A_919 = tpu.memref_slice %arg9[%rem3A_907] : memref<5x!tpu.dma_semaphore, #tpu.memory_space<semaphore_mem>> -> memref<1x!tpu.dma_semaphore, #tpu.memory_space<semaphore_mem>>
      %dma_wait3A_920 = tpu.memref_squeeze %dma_wait3A_919 : memref<1x!tpu.dma_semaphore, #tpu.memory_space<semaphore_mem>> -> memref<!tpu.dma_semaphore, #tpu.memory_space<semaphore_mem>>
      tpu.wait_indirect_dma semaphore(%dma_wait3A_920 : memref<!tpu.dma_semaphore, #tpu.memory_space<semaphore_mem>>) src(%dma_wait3A_918 : memref<10000x128xf32, #tpu.memory_space<hbm>>) dst(%dma_wait3A_912 : memref<64x128xf32, #tpu.memory_space<vmem>>)
      %rem3A_921 = arith.constant 7 : i32
      %rem3A_922 = arith.remsi %scan3A_897, %rem3A_921 : i32
      %rem3A_923 = arith.constant 5 : i32
      %rem3A_924 = arith.remsi %scan3A_897, %rem3A_923 : i32
      %dma_start3A_925 = arith.constant 1 : i32
      %dma_start3A_926 = arith.constant 0 : i32
      %dma_start3A_927 = arith.constant 0 : i32
      %dma_start3A_928 = tpu.memref_slice %arg6[%rem3A_924, %dma_start3A_926, %dma_start3A_927] : memref<5x64x128xf32, #tpu.memory_space<vmem>> -> memref<1x64x128xf32, #tpu.memory_space<vmem>>
      %dma_start3A_929 = tpu.memref_squeeze %dma_start3A_928 : memref<1x64x128xf32, #tpu.memory_space<vmem>> -> memref<64x128xf32, #tpu.memory_space<vmem>>
      %dma_start3A_930 = arith.constant 0 : i32
      %dma_start3A_931 = tpu.memref_slice %arg5[%rem3A_922, %dma_start3A_925, %dma_start3A_930] : memref<7x2x64xi32, #tpu.memory_space<vmem>> -> memref<1x1x64xi32, #tpu.memory_space<vmem>>
      %dma_start3A_932 = tpu.memref_squeeze %dma_start3A_931 : memref<1x1x64xi32, #tpu.memory_space<vmem>> -> memref<64xi32, #tpu.memory_space<vmem>>
      %dma_start3A_933 = arith.constant 0 : i32
      %dma_start3A_934 = arith.constant 0 : i32
      %dma_start3A_935 = tpu.memref_slice %arg7[%dma_start3A_933, %dma_start3A_934] : memref<10240x128xf32, #tpu.memory_space<vmem_shared>> -> memref<10240x128xf32, #tpu.memory_space<vmem_shared>>
      %dma_start3A_936 = tpu.memref_slice %arg10[%rem3A_924] : memref<5x!tpu.dma_semaphore, #tpu.memory_space<semaphore_mem>> -> memref<1x!tpu.dma_semaphore, #tpu.memory_space<semaphore_mem>>
      %dma_start3A_937 = tpu.memref_squeeze %dma_start3A_936 : memref<1x!tpu.dma_semaphore, #tpu.memory_space<semaphore_mem>> -> memref<!tpu.dma_semaphore, #tpu.memory_space<semaphore_mem>>
      tpu.enqueue_indirect_dma source(%dma_start3A_929 : memref<64x128xf32, #tpu.memory_space<vmem>>) target(%dma_start3A_935 : memref<10240x128xf32, #tpu.memory_space<vmem_shared>>) offsets(%dma_start3A_932 : memref<64xi32, #tpu.memory_space<vmem>>) semaphore(%dma_start3A_937 : memref<!tpu.dma_semaphore, #tpu.memory_space<semaphore_mem>>) {add = true}
      %add3A_938 = arith.constant 4 : i32
      %add3A_939 = arith.addi %scan3A_897, %add3A_938 : i32
      %lt3A_940 = arith.constant 160 : i32
      %lt3A_941 = arith.cmpi slt, %add3A_939, %lt3A_940 : i32
      %convert_element_type3A_942 = arith.extui %lt3A_941 : i1 to i32
      %cond3A_943 = arith.constant 0 : i32
      %cond3A_944 = arith.cmpi ne, %convert_element_type3A_942, %cond3A_943 : i32
      scf.if %cond3A_944 {
        %ge3A = arith.constant 5 : i32
        %ge3A_945 = arith.cmpi sge, %add3A_939, %ge3A : i32
        %convert_element_type3A_946 = arith.extui %ge3A_945 : i1 to i32
        %cond3A_947 = arith.constant 0 : i32
        %cond3A_948 = arith.cmpi ne, %convert_element_type3A_946, %cond3A_947 : i32
        scf.if %cond3A_948 {
          %sub3A = arith.constant 5 : i32
          %sub3A_986 = arith.subi %add3A_939, %sub3A : i32
          %rem3A_987 = arith.constant 7 : i32
          %rem3A_988 = arith.remsi %sub3A_986, %rem3A_987 : i32
          %rem3A_989 = arith.constant 5 : i32
          %rem3A_990 = arith.remsi %sub3A_986, %rem3A_989 : i32
          %dma_wait3A_991 = arith.constant 1 : i32
          %dma_wait3A_992 = arith.constant 0 : i32
          %dma_wait3A_993 = arith.constant 0 : i32
          %dma_wait3A_994 = tpu.memref_slice %arg6[%rem3A_990, %dma_wait3A_992, %dma_wait3A_993] : memref<5x64x128xf32, #tpu.memory_space<vmem>> -> memref<1x64x128xf32, #tpu.memory_space<vmem>>
          %dma_wait3A_995 = tpu.memref_squeeze %dma_wait3A_994 : memref<1x64x128xf32, #tpu.memory_space<vmem>> -> memref<64x128xf32, #tpu.memory_space<vmem>>
          %dma_wait3A_996 = arith.constant 0 : i32
          %dma_wait3A_997 = tpu.memref_slice %arg5[%rem3A_988, %dma_wait3A_991, %dma_wait3A_996] : memref<7x2x64xi32, #tpu.memory_space<vmem>> -> memref<1x1x64xi32, #tpu.memory_space<vmem>>
          %dma_wait3A_998 = tpu.memref_squeeze %dma_wait3A_997 : memref<1x1x64xi32, #tpu.memory_space<vmem>> -> memref<64xi32, #tpu.memory_space<vmem>>
          %dma_wait3A_999 = arith.constant 0 : i32
          %dma_wait3A_1000 = arith.constant 0 : i32
          %dma_wait3A_1001 = tpu.memref_slice %arg7[%dma_wait3A_999, %dma_wait3A_1000] : memref<10240x128xf32, #tpu.memory_space<vmem_shared>> -> memref<10240x128xf32, #tpu.memory_space<vmem_shared>>
          %dma_wait3A_1002 = tpu.memref_slice %arg10[%rem3A_990] : memref<5x!tpu.dma_semaphore, #tpu.memory_space<semaphore_mem>> -> memref<1x!tpu.dma_semaphore, #tpu.memory_space<semaphore_mem>>
          %dma_wait3A_1003 = tpu.memref_squeeze %dma_wait3A_1002 : memref<1x!tpu.dma_semaphore, #tpu.memory_space<semaphore_mem>> -> memref<!tpu.dma_semaphore, #tpu.memory_space<semaphore_mem>>
          tpu.wait_indirect_dma semaphore(%dma_wait3A_1003 : memref<!tpu.dma_semaphore, #tpu.memory_space<semaphore_mem>>) src(%dma_wait3A_995 : memref<64x128xf32, #tpu.memory_space<vmem>>) dst(%dma_wait3A_1001 : memref<10240x128xf32, #tpu.memory_space<vmem_shared>>)
        } else {
        }
        %rem3A_949 = arith.constant 7 : i32
        %rem3A_950 = arith.remsi %add3A_939, %rem3A_949 : i32
        %dma_wait3A_951 = arith.constant 0 : i32
        %dma_wait3A_952 = arith.constant 0 : i32
        %dma_wait3A_953 = tpu.memref_slice %arg5[%rem3A_950, %dma_wait3A_951, %dma_wait3A_952] : memref<7x2x64xi32, #tpu.memory_space<vmem>> -> memref<1x2x64xi32, #tpu.memory_space<vmem>>
        %dma_wait3A_954 = tpu.memref_squeeze %dma_wait3A_953 : memref<1x2x64xi32, #tpu.memory_space<vmem>> -> memref<2x64xi32, #tpu.memory_space<vmem>>
        %dma_wait3A_955 = arith.constant 0 : i32
        %dma_wait3A_956 = arith.constant 0 : i32
        %dma_wait3A_957 = tpu.memref_slice %arg3[%add3A, %add3A_939, %dma_wait3A_955, %dma_wait3A_956] : memref<32x160x2x64xi32, #tpu.memory_space<hbm>> -> memref<1x1x2x64xi32, #tpu.memory_space<hbm>>
        %dma_wait3A_958 = tpu.memref_squeeze %dma_wait3A_957 : memref<1x1x2x64xi32, #tpu.memory_space<hbm>> -> memref<2x64xi32, #tpu.memory_space<hbm>>
        %dma_wait3A_959 = tpu.memref_slice %arg8[%rem3A_950] : memref<7x!tpu.dma_semaphore, #tpu.memory_space<semaphore_mem>> -> memref<1x!tpu.dma_semaphore, #tpu.memory_space<semaphore_mem>>
        %dma_wait3A_960 = tpu.memref_squeeze %dma_wait3A_959 : memref<1x!tpu.dma_semaphore, #tpu.memory_space<semaphore_mem>> -> memref<!tpu.dma_semaphore, #tpu.memory_space<semaphore_mem>>
        %dma_wait3A_961 = arith.constant 0 : i32
        %dma_wait3A_962 = arith.constant 0 : i32
        %dma_wait3A_963 = tpu.memref_slice %arg5[%rem3A_950, %dma_wait3A_961, %dma_wait3A_962] : memref<7x2x64xi32, #tpu.memory_space<vmem>> -> memref<1x2x64xi32, #tpu.memory_space<vmem>>
        %dma_wait3A_964 = tpu.memref_squeeze %dma_wait3A_963 : memref<1x2x64xi32, #tpu.memory_space<vmem>> -> memref<2x64xi32, #tpu.memory_space<vmem>>
        %dma_wait3A_965 = arith.constant 0 : i32
        %dma_wait3A_966 = arith.constant 0 : i32
        %dma_wait3A_967 = tpu.memref_slice %arg3[%add3A, %add3A_939, %dma_wait3A_965, %dma_wait3A_966] : memref<32x160x2x64xi32, #tpu.memory_space<hbm>> -> memref<1x1x2x64xi32, #tpu.memory_space<hbm>>
        %dma_wait3A_968 = tpu.memref_squeeze %dma_wait3A_967 : memref<1x1x2x64xi32, #tpu.memory_space<hbm>> -> memref<2x64xi32, #tpu.memory_space<hbm>>
        tpu.wait_dma2 semaphore(%dma_wait3A_960 : memref<!tpu.dma_semaphore, #tpu.memory_space<semaphore_mem>>) src(%dma_wait3A_968 : memref<2x64xi32, #tpu.memory_space<hbm>>) dst(%dma_wait3A_964 : memref<2x64xi32, #tpu.memory_space<vmem>>)
        %rem3A_969 = arith.constant 7 : i32
        %rem3A_970 = arith.remsi %add3A_939, %rem3A_969 : i32
        %rem3A_971 = arith.constant 5 : i32
        %rem3A_972 = arith.remsi %add3A_939, %rem3A_971 : i32
        %dma_start3A_973 = arith.constant 0 : i32
        %dma_start3A_974 = arith.constant 0 : i32
        %dma_start3A_975 = arith.constant 0 : i32
        %dma_start3A_976 = tpu.memref_slice %arg6[%rem3A_972, %dma_start3A_974, %dma_start3A_975] : memref<5x64x128xf32, #tpu.memory_space<vmem>> -> memref<1x64x128xf32, #tpu.memory_space<vmem>>
        %dma_start3A_977 = tpu.memref_squeeze %dma_start3A_976 : memref<1x64x128xf32, #tpu.memory_space<vmem>> -> memref<64x128xf32, #tpu.memory_space<vmem>>
        %dma_start3A_978 = arith.constant 0 : i32
        %dma_start3A_979 = tpu.memref_slice %arg5[%rem3A_970, %dma_start3A_973, %dma_start3A_978] : memref<7x2x64xi32, #tpu.memory_space<vmem>> -> memref<1x1x64xi32, #tpu.memory_space<vmem>>
        %dma_start3A_980 = tpu.memref_squeeze %dma_start3A_979 : memref<1x1x64xi32, #tpu.memory_space<vmem>> -> memref<64xi32, #tpu.memory_space<vmem>>
        %dma_start3A_981 = arith.constant 0 : i32
        %dma_start3A_982 = arith.constant 0 : i32
        %dma_start3A_983 = tpu.memref_slice %arg2[%dma_start3A_981, %dma_start3A_982] : memref<10000x128xf32, #tpu.memory_space<hbm>> -> memref<10000x128xf32, #tpu.memory_space<hbm>>
        %dma_start3A_984 = tpu.memref_slice %arg9[%rem3A_972] : memref<5x!tpu.dma_semaphore, #tpu.memory_space<semaphore_mem>> -> memref<1x!tpu.dma_semaphore, #tpu.memory_space<semaphore_mem>>
        %dma_start3A_985 = tpu.memref_squeeze %dma_start3A_984 : memref<1x!tpu.dma_semaphore, #tpu.memory_space<semaphore_mem>> -> memref<!tpu.dma_semaphore, #tpu.memory_space<semaphore_mem>>
        tpu.enqueue_indirect_dma source(%dma_start3A_983 : memref<10000x128xf32, #tpu.memory_space<hbm>>) target(%dma_start3A_977 : memref<64x128xf32, #tpu.memory_space<vmem>>) offsets(%dma_start3A_980 : memref<64xi32, #tpu.memory_space<vmem>>) semaphore(%dma_start3A_985 : memref<!tpu.dma_semaphore, #tpu.memory_space<semaphore_mem>>)
      } else {
      }
    }
    %scan3A_620 = arith.constant 160 : i32
    %rem3A_621 = arith.constant 155 : i32
    %rem3A_622 = arith.constant 7 : i32
    %rem3A_623 = arith.remsi %rem3A_621, %rem3A_622 : i32
    %rem3A_624 = arith.constant 155 : i32
    %rem3A_625 = arith.constant 5 : i32
    %rem3A_626 = arith.remsi %rem3A_624, %rem3A_625 : i32
    %dma_wait3A_627 = arith.constant 1 : i32
    %dma_wait3A_628 = arith.constant 0 : i32
    %dma_wait3A_629 = arith.constant 0 : i32
    %dma_wait3A_630 = tpu.memref_slice %arg6[%rem3A_626, %dma_wait3A_628, %dma_wait3A_629] : memref<5x64x128xf32, #tpu.memory_space<vmem>> -> memref<1x64x128xf32, #tpu.memory_space<vmem>>
    %dma_wait3A_631 = tpu.memref_squeeze %dma_wait3A_630 : memref<1x64x128xf32, #tpu.memory_space<vmem>> -> memref<64x128xf32, #tpu.memory_space<vmem>>
    %dma_wait3A_632 = arith.constant 0 : i32
    %dma_wait3A_633 = tpu.memref_slice %arg5[%rem3A_623, %dma_wait3A_627, %dma_wait3A_632] : memref<7x2x64xi32, #tpu.memory_space<vmem>> -> memref<1x1x64xi32, #tpu.memory_space<vmem>>
    %dma_wait3A_634 = tpu.memref_squeeze %dma_wait3A_633 : memref<1x1x64xi32, #tpu.memory_space<vmem>> -> memref<64xi32, #tpu.memory_space<vmem>>
    %dma_wait3A_635 = arith.constant 0 : i32
    %dma_wait3A_636 = arith.constant 0 : i32
    %dma_wait3A_637 = tpu.memref_slice %arg7[%dma_wait3A_635, %dma_wait3A_636] : memref<10240x128xf32, #tpu.memory_space<vmem_shared>> -> memref<10240x128xf32, #tpu.memory_space<vmem_shared>>
    %dma_wait3A_638 = tpu.memref_slice %arg10[%rem3A_626] : memref<5x!tpu.dma_semaphore, #tpu.memory_space<semaphore_mem>> -> memref<1x!tpu.dma_semaphore, #tpu.memory_space<semaphore_mem>>
    %dma_wait3A_639 = tpu.memref_squeeze %dma_wait3A_638 : memref<1x!tpu.dma_semaphore, #tpu.memory_space<semaphore_mem>> -> memref<!tpu.dma_semaphore, #tpu.memory_space<semaphore_mem>>
    tpu.wait_indirect_dma semaphore(%dma_wait3A_639 : memref<!tpu.dma_semaphore, #tpu.memory_space<semaphore_mem>>) src(%dma_wait3A_631 : memref<64x128xf32, #tpu.memory_space<vmem>>) dst(%dma_wait3A_637 : memref<10240x128xf32, #tpu.memory_space<vmem_shared>>)
    %rem3A_640 = arith.constant 156 : i32
    %rem3A_641 = arith.constant 7 : i32
    %rem3A_642 = arith.remsi %rem3A_640, %rem3A_641 : i32
    %rem3A_643 = arith.constant 156 : i32
    %rem3A_644 = arith.constant 5 : i32
    %rem3A_645 = arith.remsi %rem3A_643, %rem3A_644 : i32
    %dma_wait3A_646 = arith.constant 1 : i32
    %dma_wait3A_647 = arith.constant 0 : i32
    %dma_wait3A_648 = arith.constant 0 : i32
    %dma_wait3A_649 = tpu.memref_slice %arg6[%rem3A_645, %dma_wait3A_647, %dma_wait3A_648] : memref<5x64x128xf32, #tpu.memory_space<vmem>> -> memref<1x64x128xf32, #tpu.memory_space<vmem>>
    %dma_wait3A_650 = tpu.memref_squeeze %dma_wait3A_649 : memref<1x64x128xf32, #tpu.memory_space<vmem>> -> memref<64x128xf32, #tpu.memory_space<vmem>>
    %dma_wait3A_651 = arith.constant 0 : i32
    %dma_wait3A_652 = tpu.memref_slice %arg5[%rem3A_642, %dma_wait3A_646, %dma_wait3A_651] : memref<7x2x64xi32, #tpu.memory_space<vmem>> -> memref<1x1x64xi32, #tpu.memory_space<vmem>>
    %dma_wait3A_653 = tpu.memref_squeeze %dma_wait3A_652 : memref<1x1x64xi32, #tpu.memory_space<vmem>> -> memref<64xi32, #tpu.memory_space<vmem>>
    %dma_wait3A_654 = arith.constant 0 : i32
    %dma_wait3A_655 = arith.constant 0 : i32
    %dma_wait3A_656 = tpu.memref_slice %arg7[%dma_wait3A_654, %dma_wait3A_655] : memref<10240x128xf32, #tpu.memory_space<vmem_shared>> -> memref<10240x128xf32, #tpu.memory_space<vmem_shared>>
    %dma_wait3A_657 = tpu.memref_slice %arg10[%rem3A_645] : memref<5x!tpu.dma_semaphore, #tpu.memory_space<semaphore_mem>> -> memref<1x!tpu.dma_semaphore, #tpu.memory_space<semaphore_mem>>
    %dma_wait3A_658 = tpu.memref_squeeze %dma_wait3A_657 : memref<1x!tpu.dma_semaphore, #tpu.memory_space<semaphore_mem>> -> memref<!tpu.dma_semaphore, #tpu.memory_space<semaphore_mem>>
    tpu.wait_indirect_dma semaphore(%dma_wait3A_658 : memref<!tpu.dma_semaphore, #tpu.memory_space<semaphore_mem>>) src(%dma_wait3A_650 : memref<64x128xf32, #tpu.memory_space<vmem>>) dst(%dma_wait3A_656 : memref<10240x128xf32, #tpu.memory_space<vmem_shared>>)
    %rem3A_659 = arith.constant 157 : i32
    %rem3A_660 = arith.constant 7 : i32
    %rem3A_661 = arith.remsi %rem3A_659, %rem3A_660 : i32
    %rem3A_662 = arith.constant 157 : i32
    %rem3A_663 = arith.constant 5 : i32
    %rem3A_664 = arith.remsi %rem3A_662, %rem3A_663 : i32
    %dma_wait3A_665 = arith.constant 1 : i32
    %dma_wait3A_666 = arith.constant 0 : i32
    %dma_wait3A_667 = arith.constant 0 : i32
    %dma_wait3A_668 = tpu.memref_slice %arg6[%rem3A_664, %dma_wait3A_666, %dma_wait3A_667] : memref<5x64x128xf32, #tpu.memory_space<vmem>> -> memref<1x64x128xf32, #tpu.memory_space<vmem>>
    %dma_wait3A_669 = tpu.memref_squeeze %dma_wait3A_668 : memref<1x64x128xf32, #tpu.memory_space<vmem>> -> memref<64x128xf32, #tpu.memory_space<vmem>>
    %dma_wait3A_670 = arith.constant 0 : i32
    %dma_wait3A_671 = tpu.memref_slice %arg5[%rem3A_661, %dma_wait3A_665, %dma_wait3A_670] : memref<7x2x64xi32, #tpu.memory_space<vmem>> -> memref<1x1x64xi32, #tpu.memory_space<vmem>>
    %dma_wait3A_672 = tpu.memref_squeeze %dma_wait3A_671 : memref<1x1x64xi32, #tpu.memory_space<vmem>> -> memref<64xi32, #tpu.memory_space<vmem>>
    %dma_wait3A_673 = arith.constant 0 : i32
    %dma_wait3A_674 = arith.constant 0 : i32
    %dma_wait3A_675 = tpu.memref_slice %arg7[%dma_wait3A_673, %dma_wait3A_674] : memref<10240x128xf32, #tpu.memory_space<vmem_shared>> -> memref<10240x128xf32, #tpu.memory_space<vmem_shared>>
    %dma_wait3A_676 = tpu.memref_slice %arg10[%rem3A_664] : memref<5x!tpu.dma_semaphore, #tpu.memory_space<semaphore_mem>> -> memref<1x!tpu.dma_semaphore, #tpu.memory_space<semaphore_mem>>
    %dma_wait3A_677 = tpu.memref_squeeze %dma_wait3A_676 : memref<1x!tpu.dma_semaphore, #tpu.memory_space<semaphore_mem>> -> memref<!tpu.dma_semaphore, #tpu.memory_space<semaphore_mem>>
    tpu.wait_indirect_dma semaphore(%dma_wait3A_677 : memref<!tpu.dma_semaphore, #tpu.memory_space<semaphore_mem>>) src(%dma_wait3A_669 : memref<64x128xf32, #tpu.memory_space<vmem>>) dst(%dma_wait3A_675 : memref<10240x128xf32, #tpu.memory_space<vmem_shared>>)
    %rem3A_678 = arith.constant 158 : i32
    %rem3A_679 = arith.constant 7 : i32
    %rem3A_680 = arith.remsi %rem3A_678, %rem3A_679 : i32
    %rem3A_681 = arith.constant 158 : i32
    %rem3A_682 = arith.constant 5 : i32
    %rem3A_683 = arith.remsi %rem3A_681, %rem3A_682 : i32
    %dma_wait3A_684 = arith.constant 1 : i32
    %dma_wait3A_685 = arith.constant 0 : i32
    %dma_wait3A_686 = arith.constant 0 : i32
    %dma_wait3A_687 = tpu.memref_slice %arg6[%rem3A_683, %dma_wait3A_685, %dma_wait3A_686] : memref<5x64x128xf32, #tpu.memory_space<vmem>> -> memref<1x64x128xf32, #tpu.memory_space<vmem>>
    %dma_wait3A_688 = tpu.memref_squeeze %dma_wait3A_687 : memref<1x64x128xf32, #tpu.memory_space<vmem>> -> memref<64x128xf32, #tpu.memory_space<vmem>>
    %dma_wait3A_689 = arith.constant 0 : i32
    %dma_wait3A_690 = tpu.memref_slice %arg5[%rem3A_680, %dma_wait3A_684, %dma_wait3A_689] : memref<7x2x64xi32, #tpu.memory_space<vmem>> -> memref<1x1x64xi32, #tpu.memory_space<vmem>>
    %dma_wait3A_691 = tpu.memref_squeeze %dma_wait3A_690 : memref<1x1x64xi32, #tpu.memory_space<vmem>> -> memref<64xi32, #tpu.memory_space<vmem>>
    %dma_wait3A_692 = arith.constant 0 : i32
    %dma_wait3A_693 = arith.constant 0 : i32
    %dma_wait3A_694 = tpu.memref_slice %arg7[%dma_wait3A_692, %dma_wait3A_693] : memref<10240x128xf32, #tpu.memory_space<vmem_shared>> -> memref<10240x128xf32, #tpu.memory_space<vmem_shared>>
    %dma_wait3A_695 = tpu.memref_slice %arg10[%rem3A_683] : memref<5x!tpu.dma_semaphore, #tpu.memory_space<semaphore_mem>> -> memref<1x!tpu.dma_semaphore, #tpu.memory_space<semaphore_mem>>
    %dma_wait3A_696 = tpu.memref_squeeze %dma_wait3A_695 : memref<1x!tpu.dma_semaphore, #tpu.memory_space<semaphore_mem>> -> memref<!tpu.dma_semaphore, #tpu.memory_space<semaphore_mem>>
    tpu.wait_indirect_dma semaphore(%dma_wait3A_696 : memref<!tpu.dma_semaphore, #tpu.memory_space<semaphore_mem>>) src(%dma_wait3A_688 : memref<64x128xf32, #tpu.memory_space<vmem>>) dst(%dma_wait3A_694 : memref<10240x128xf32, #tpu.memory_space<vmem_shared>>)
    %rem3A_697 = arith.constant 159 : i32
    %rem3A_698 = arith.constant 7 : i32
    %rem3A_699 = arith.remsi %rem3A_697, %rem3A_698 : i32
    %rem3A_700 = arith.constant 159 : i32
    %rem3A_701 = arith.constant 5 : i32
    %rem3A_702 = arith.remsi %rem3A_700, %rem3A_701 : i32
    %dma_wait3A_703 = arith.constant 1 : i32
    %dma_wait3A_704 = arith.constant 0 : i32
    %dma_wait3A_705 = arith.constant 0 : i32
    %dma_wait3A_706 = tpu.memref_slice %arg6[%rem3A_702, %dma_wait3A_704, %dma_wait3A_705] : memref<5x64x128xf32, #tpu.memory_space<vmem>> -> memref<1x64x128xf32, #tpu.memory_space<vmem>>
    %dma_wait3A_707 = tpu.memref_squeeze %dma_wait3A_706 : memref<1x64x128xf32, #tpu.memory_space<vmem>> -> memref<64x128xf32, #tpu.memory_space<vmem>>
    %dma_wait3A_708 = arith.constant 0 : i32
    %dma_wait3A_709 = tpu.memref_slice %arg5[%rem3A_699, %dma_wait3A_703, %dma_wait3A_708] : memref<7x2x64xi32, #tpu.memory_space<vmem>> -> memref<1x1x64xi32, #tpu.memory_space<vmem>>
    %dma_wait3A_710 = tpu.memref_squeeze %dma_wait3A_709 : memref<1x1x64xi32, #tpu.memory_space<vmem>> -> memref<64xi32, #tpu.memory_space<vmem>>
    %dma_wait3A_711 = arith.constant 0 : i32
    %dma_wait3A_712 = arith.constant 0 : i32
    %dma_wait3A_713 = tpu.memref_slice %arg7[%dma_wait3A_711, %dma_wait3A_712] : memref<10240x128xf32, #tpu.memory_space<vmem_shared>> -> memref<10240x128xf32, #tpu.memory_space<vmem_shared>>
    %dma_wait3A_714 = tpu.memref_slice %arg10[%rem3A_702] : memref<5x!tpu.dma_semaphore, #tpu.memory_space<semaphore_mem>> -> memref<1x!tpu.dma_semaphore, #tpu.memory_space<semaphore_mem>>
    %dma_wait3A_715 = tpu.memref_squeeze %dma_wait3A_714 : memref<1x!tpu.dma_semaphore, #tpu.memory_space<semaphore_mem>> -> memref<!tpu.dma_semaphore, #tpu.memory_space<semaphore_mem>>
    tpu.wait_indirect_dma semaphore(%dma_wait3A_715 : memref<!tpu.dma_semaphore, #tpu.memory_space<semaphore_mem>>) src(%dma_wait3A_707 : memref<64x128xf32, #tpu.memory_space<vmem>>) dst(%dma_wait3A_713 : memref<10240x128xf32, #tpu.memory_space<vmem_shared>>)
    %barrier3A_716 = arith.constant 0 : index
    tpu.barrier barrier_id(%barrier3A_716)
    %mul3A_717 = arith.constant 640 : i32
    %mul3A_718 = arith.muli %arg1, %mul3A_717 : i32
    %add3A_719 = arith.constant 0 : i32
    %add3A_720 = arith.addi %mul3A_718, %add3A_719 : i32
    %dma_start3A_721 = arith.constant 0 : i32
    %dma_start3A_722 = tpu.memref_slice %arg4[%arg0, %add3A_720, %dma_start3A_721] : memref<2x10240x128xf32, #tpu.memory_space<hbm>> -> memref<1x64x128xf32, #tpu.memory_space<hbm>>
    %dma_start3A_723 = tpu.memref_squeeze %dma_start3A_722 : memref<1x64x128xf32, #tpu.memory_space<hbm>> -> memref<64x128xf32, #tpu.memory_space<hbm>>
    %dma_start3A_724 = arith.constant 0 : i32
    %dma_start3A_725 = tpu.memref_slice %arg7[%add3A_720, %dma_start3A_724] : memref<10240x128xf32, #tpu.memory_space<vmem_shared>> -> memref<64x128xf32, #tpu.memory_space<vmem_shared>>
    tpu.enqueue_dma source(%dma_start3A_725 : memref<64x128xf32, #tpu.memory_space<vmem_shared>>) target(%dma_start3A_723 : memref<64x128xf32, #tpu.memory_space<hbm>>) target_semaphore(%arg11 : memref<!tpu.dma_semaphore, #tpu.memory_space<semaphore_mem>>)
    %mul3A_726 = arith.constant 640 : i32
    %mul3A_727 = arith.muli %arg1, %mul3A_726 : i32
    %add3A_728 = arith.constant 64 : i32
    %add3A_729 = arith.addi %mul3A_727, %add3A_728 : i32
    %dma_start3A_730 = arith.constant 0 : i32
    %dma_start3A_731 = tpu.memref_slice %arg4[%arg0, %add3A_729, %dma_start3A_730] : memref<2x10240x128xf32, #tpu.memory_space<hbm>> -> memref<1x64x128xf32, #tpu.memory_space<hbm>>
    %dma_start3A_732 = tpu.memref_squeeze %dma_start3A_731 : memref<1x64x128xf32, #tpu.memory_space<hbm>> -> memref<64x128xf32, #tpu.memory_space<hbm>>
    %dma_start3A_733 = arith.constant 0 : i32
    %dma_start3A_734 = tpu.memref_slice %arg7[%add3A_729, %dma_start3A_733] : memref<10240x128xf32, #tpu.memory_space<vmem_shared>> -> memref<64x128xf32, #tpu.memory_space<vmem_shared>>
    tpu.enqueue_dma source(%dma_start3A_734 : memref<64x128xf32, #tpu.memory_space<vmem_shared>>) target(%dma_start3A_732 : memref<64x128xf32, #tpu.memory_space<hbm>>) target_semaphore(%arg11 : memref<!tpu.dma_semaphore, #tpu.memory_space<semaphore_mem>>)
    %mul3A_735 = arith.constant 640 : i32
    %mul3A_736 = arith.muli %arg1, %mul3A_735 : i32
    %add3A_737 = arith.constant 128 : i32
    %add3A_738 = arith.addi %mul3A_736, %add3A_737 : i32
    %dma_start3A_739 = arith.constant 0 : i32
    %dma_start3A_740 = tpu.memref_slice %arg4[%arg0, %add3A_738, %dma_start3A_739] : memref<2x10240x128xf32, #tpu.memory_space<hbm>> -> memref<1x64x128xf32, #tpu.memory_space<hbm>>
    %dma_start3A_741 = tpu.memref_squeeze %dma_start3A_740 : memref<1x64x128xf32, #tpu.memory_space<hbm>> -> memref<64x128xf32, #tpu.memory_space<hbm>>
    %dma_start3A_742 = arith.constant 0 : i32
    %dma_start3A_743 = tpu.memref_slice %arg7[%add3A_738, %dma_start3A_742] : memref<10240x128xf32, #tpu.memory_space<vmem_shared>> -> memref<64x128xf32, #tpu.memory_space<vmem_shared>>
    tpu.enqueue_dma source(%dma_start3A_743 : memref<64x128xf32, #tpu.memory_space<vmem_shared>>) target(%dma_start3A_741 : memref<64x128xf32, #tpu.memory_space<hbm>>) target_semaphore(%arg11 : memref<!tpu.dma_semaphore, #tpu.memory_space<semaphore_mem>>)
    %mul3A_744 = arith.constant 640 : i32
    %mul3A_745 = arith.muli %arg1, %mul3A_744 : i32
    %add3A_746 = arith.constant 192 : i32
    %add3A_747 = arith.addi %mul3A_745, %add3A_746 : i32
    %dma_start3A_748 = arith.constant 0 : i32
    %dma_start3A_749 = tpu.memref_slice %arg4[%arg0, %add3A_747, %dma_start3A_748] : memref<2x10240x128xf32, #tpu.memory_space<hbm>> -> memref<1x64x128xf32, #tpu.memory_space<hbm>>
    %dma_start3A_750 = tpu.memref_squeeze %dma_start3A_749 : memref<1x64x128xf32, #tpu.memory_space<hbm>> -> memref<64x128xf32, #tpu.memory_space<hbm>>
    %dma_start3A_751 = arith.constant 0 : i32
    %dma_start3A_752 = tpu.memref_slice %arg7[%add3A_747, %dma_start3A_751] : memref<10240x128xf32, #tpu.memory_space<vmem_shared>> -> memref<64x128xf32, #tpu.memory_space<vmem_shared>>
    tpu.enqueue_dma source(%dma_start3A_752 : memref<64x128xf32, #tpu.memory_space<vmem_shared>>) target(%dma_start3A_750 : memref<64x128xf32, #tpu.memory_space<hbm>>) target_semaphore(%arg11 : memref<!tpu.dma_semaphore, #tpu.memory_space<semaphore_mem>>)
    %mul3A_753 = arith.constant 640 : i32
    %mul3A_754 = arith.muli %arg1, %mul3A_753 : i32
    %add3A_755 = arith.constant 256 : i32
    %add3A_756 = arith.addi %mul3A_754, %add3A_755 : i32
    %dma_start3A_757 = arith.constant 0 : i32
    %dma_start3A_758 = tpu.memref_slice %arg4[%arg0, %add3A_756, %dma_start3A_757] : memref<2x10240x128xf32, #tpu.memory_space<hbm>> -> memref<1x64x128xf32, #tpu.memory_space<hbm>>
    %dma_start3A_759 = tpu.memref_squeeze %dma_start3A_758 : memref<1x64x128xf32, #tpu.memory_space<hbm>> -> memref<64x128xf32, #tpu.memory_space<hbm>>
    %dma_start3A_760 = arith.constant 0 : i32
    %dma_start3A_761 = tpu.memref_slice %arg7[%add3A_756, %dma_start3A_760] : memref<10240x128xf32, #tpu.memory_space<vmem_shared>> -> memref<64x128xf32, #tpu.memory_space<vmem_shared>>
    tpu.enqueue_dma source(%dma_start3A_761 : memref<64x128xf32, #tpu.memory_space<vmem_shared>>) target(%dma_start3A_759 : memref<64x128xf32, #tpu.memory_space<hbm>>) target_semaphore(%arg11 : memref<!tpu.dma_semaphore, #tpu.memory_space<semaphore_mem>>)
    %mul3A_762 = arith.constant 640 : i32
    %mul3A_763 = arith.muli %arg1, %mul3A_762 : i32
    %add3A_764 = arith.constant 320 : i32
    %add3A_765 = arith.addi %mul3A_763, %add3A_764 : i32
    %dma_start3A_766 = arith.constant 0 : i32
    %dma_start3A_767 = tpu.memref_slice %arg4[%arg0, %add3A_765, %dma_start3A_766] : memref<2x10240x128xf32, #tpu.memory_space<hbm>> -> memref<1x64x128xf32, #tpu.memory_space<hbm>>
    %dma_start3A_768 = tpu.memref_squeeze %dma_start3A_767 : memref<1x64x128xf32, #tpu.memory_space<hbm>> -> memref<64x128xf32, #tpu.memory_space<hbm>>
    %dma_start3A_769 = arith.constant 0 : i32
    %dma_start3A_770 = tpu.memref_slice %arg7[%add3A_765, %dma_start3A_769] : memref<10240x128xf32, #tpu.memory_space<vmem_shared>> -> memref<64x128xf32, #tpu.memory_space<vmem_shared>>
    tpu.enqueue_dma source(%dma_start3A_770 : memref<64x128xf32, #tpu.memory_space<vmem_shared>>) target(%dma_start3A_768 : memref<64x128xf32, #tpu.memory_space<hbm>>) target_semaphore(%arg11 : memref<!tpu.dma_semaphore, #tpu.memory_space<semaphore_mem>>)
    %mul3A_771 = arith.constant 640 : i32
    %mul3A_772 = arith.muli %arg1, %mul3A_771 : i32
    %add3A_773 = arith.constant 384 : i32
    %add3A_774 = arith.addi %mul3A_772, %add3A_773 : i32
    %dma_start3A_775 = arith.constant 0 : i32
    %dma_start3A_776 = tpu.memref_slice %arg4[%arg0, %add3A_774, %dma_start3A_775] : memref<2x10240x128xf32, #tpu.memory_space<hbm>> -> memref<1x64x128xf32, #tpu.memory_space<hbm>>
    %dma_start3A_777 = tpu.memref_squeeze %dma_start3A_776 : memref<1x64x128xf32, #tpu.memory_space<hbm>> -> memref<64x128xf32, #tpu.memory_space<hbm>>
    %dma_start3A_778 = arith.constant 0 : i32
    %dma_start3A_779 = tpu.memref_slice %arg7[%add3A_774, %dma_start3A_778] : memref<10240x128xf32, #tpu.memory_space<vmem_shared>> -> memref<64x128xf32, #tpu.memory_space<vmem_shared>>
    tpu.enqueue_dma source(%dma_start3A_779 : memref<64x128xf32, #tpu.memory_space<vmem_shared>>) target(%dma_start3A_777 : memref<64x128xf32, #tpu.memory_space<hbm>>) target_semaphore(%arg11 : memref<!tpu.dma_semaphore, #tpu.memory_space<semaphore_mem>>)
    %mul3A_780 = arith.constant 640 : i32
    %mul3A_781 = arith.muli %arg1, %mul3A_780 : i32
    %add3A_782 = arith.constant 448 : i32
    %add3A_783 = arith.addi %mul3A_781, %add3A_782 : i32
    %dma_start3A_784 = arith.constant 0 : i32
    %dma_start3A_785 = tpu.memref_slice %arg4[%arg0, %add3A_783, %dma_start3A_784] : memref<2x10240x128xf32, #tpu.memory_space<hbm>> -> memref<1x64x128xf32, #tpu.memory_space<hbm>>
    %dma_start3A_786 = tpu.memref_squeeze %dma_start3A_785 : memref<1x64x128xf32, #tpu.memory_space<hbm>> -> memref<64x128xf32, #tpu.memory_space<hbm>>
    %dma_start3A_787 = arith.constant 0 : i32
    %dma_start3A_788 = tpu.memref_slice %arg7[%add3A_783, %dma_start3A_787] : memref<10240x128xf32, #tpu.memory_space<vmem_shared>> -> memref<64x128xf32, #tpu.memory_space<vmem_shared>>
    tpu.enqueue_dma source(%dma_start3A_788 : memref<64x128xf32, #tpu.memory_space<vmem_shared>>) target(%dma_start3A_786 : memref<64x128xf32, #tpu.memory_space<hbm>>) target_semaphore(%arg11 : memref<!tpu.dma_semaphore, #tpu.memory_space<semaphore_mem>>)
    %mul3A_789 = arith.constant 640 : i32
    %mul3A_790 = arith.muli %arg1, %mul3A_789 : i32
    %add3A_791 = arith.constant 512 : i32
    %add3A_792 = arith.addi %mul3A_790, %add3A_791 : i32
    %dma_start3A_793 = arith.constant 0 : i32
    %dma_start3A_794 = tpu.memref_slice %arg4[%arg0, %add3A_792, %dma_start3A_793] : memref<2x10240x128xf32, #tpu.memory_space<hbm>> -> memref<1x64x128xf32, #tpu.memory_space<hbm>>
    %dma_start3A_795 = tpu.memref_squeeze %dma_start3A_794 : memref<1x64x128xf32, #tpu.memory_space<hbm>> -> memref<64x128xf32, #tpu.memory_space<hbm>>
    %dma_start3A_796 = arith.constant 0 : i32
    %dma_start3A_797 = tpu.memref_slice %arg7[%add3A_792, %dma_start3A_796] : memref<10240x128xf32, #tpu.memory_space<vmem_shared>> -> memref<64x128xf32, #tpu.memory_space<vmem_shared>>
    tpu.enqueue_dma source(%dma_start3A_797 : memref<64x128xf32, #tpu.memory_space<vmem_shared>>) target(%dma_start3A_795 : memref<64x128xf32, #tpu.memory_space<hbm>>) target_semaphore(%arg11 : memref<!tpu.dma_semaphore, #tpu.memory_space<semaphore_mem>>)
    %mul3A_798 = arith.constant 640 : i32
    %mul3A_799 = arith.muli %arg1, %mul3A_798 : i32
    %add3A_800 = arith.constant 576 : i32
    %add3A_801 = arith.addi %mul3A_799, %add3A_800 : i32
    %dma_start3A_802 = arith.constant 0 : i32
    %dma_start3A_803 = tpu.memref_slice %arg4[%arg0, %add3A_801, %dma_start3A_802] : memref<2x10240x128xf32, #tpu.memory_space<hbm>> -> memref<1x64x128xf32, #tpu.memory_space<hbm>>
    %dma_start3A_804 = tpu.memref_squeeze %dma_start3A_803 : memref<1x64x128xf32, #tpu.memory_space<hbm>> -> memref<64x128xf32, #tpu.memory_space<hbm>>
    %dma_start3A_805 = arith.constant 0 : i32
    %dma_start3A_806 = tpu.memref_slice %arg7[%add3A_801, %dma_start3A_805] : memref<10240x128xf32, #tpu.memory_space<vmem_shared>> -> memref<64x128xf32, #tpu.memory_space<vmem_shared>>
    tpu.enqueue_dma source(%dma_start3A_806 : memref<64x128xf32, #tpu.memory_space<vmem_shared>>) target(%dma_start3A_804 : memref<64x128xf32, #tpu.memory_space<hbm>>) target_semaphore(%arg11 : memref<!tpu.dma_semaphore, #tpu.memory_space<semaphore_mem>>)
    %mul3A_807 = arith.constant 640 : i32
    %mul3A_808 = arith.muli %arg1, %mul3A_807 : i32
    %add3A_809 = arith.constant 0 : i32
    %add3A_810 = arith.addi %mul3A_808, %add3A_809 : i32
    %dma_wait3A_811 = arith.constant 0 : i32
    %dma_wait3A_812 = tpu.memref_slice %arg4[%arg0, %add3A_810, %dma_wait3A_811] : memref<2x10240x128xf32, #tpu.memory_space<hbm>> -> memref<1x64x128xf32, #tpu.memory_space<hbm>>
    %dma_wait3A_813 = tpu.memref_squeeze %dma_wait3A_812 : memref<1x64x128xf32, #tpu.memory_space<hbm>> -> memref<64x128xf32, #tpu.memory_space<hbm>>
    %dma_wait3A_814 = arith.constant 0 : i32
    %dma_wait3A_815 = tpu.memref_slice %arg7[%add3A_810, %dma_wait3A_814] : memref<10240x128xf32, #tpu.memory_space<vmem_shared>> -> memref<64x128xf32, #tpu.memory_space<vmem_shared>>
    tpu.wait_dma2 semaphore(%arg11 : memref<!tpu.dma_semaphore, #tpu.memory_space<semaphore_mem>>) src(%dma_wait3A_815 : memref<64x128xf32, #tpu.memory_space<vmem_shared>>) dst(%dma_wait3A_813 : memref<64x128xf32, #tpu.memory_space<hbm>>)
    %mul3A_816 = arith.constant 640 : i32
    %mul3A_817 = arith.muli %arg1, %mul3A_816 : i32
    %add3A_818 = arith.constant 64 : i32
    %add3A_819 = arith.addi %mul3A_817, %add3A_818 : i32
    %dma_wait3A_820 = arith.constant 0 : i32
    %dma_wait3A_821 = tpu.memref_slice %arg4[%arg0, %add3A_819, %dma_wait3A_820] : memref<2x10240x128xf32, #tpu.memory_space<hbm>> -> memref<1x64x128xf32, #tpu.memory_space<hbm>>
    %dma_wait3A_822 = tpu.memref_squeeze %dma_wait3A_821 : memref<1x64x128xf32, #tpu.memory_space<hbm>> -> memref<64x128xf32, #tpu.memory_space<hbm>>
    %dma_wait3A_823 = arith.constant 0 : i32
    %dma_wait3A_824 = tpu.memref_slice %arg7[%add3A_819, %dma_wait3A_823] : memref<10240x128xf32, #tpu.memory_space<vmem_shared>> -> memref<64x128xf32, #tpu.memory_space<vmem_shared>>
    tpu.wait_dma2 semaphore(%arg11 : memref<!tpu.dma_semaphore, #tpu.memory_space<semaphore_mem>>) src(%dma_wait3A_824 : memref<64x128xf32, #tpu.memory_space<vmem_shared>>) dst(%dma_wait3A_822 : memref<64x128xf32, #tpu.memory_space<hbm>>)
    %mul3A_825 = arith.constant 640 : i32
    %mul3A_826 = arith.muli %arg1, %mul3A_825 : i32
    %add3A_827 = arith.constant 128 : i32
    %add3A_828 = arith.addi %mul3A_826, %add3A_827 : i32
    %dma_wait3A_829 = arith.constant 0 : i32
    %dma_wait3A_830 = tpu.memref_slice %arg4[%arg0, %add3A_828, %dma_wait3A_829] : memref<2x10240x128xf32, #tpu.memory_space<hbm>> -> memref<1x64x128xf32, #tpu.memory_space<hbm>>
    %dma_wait3A_831 = tpu.memref_squeeze %dma_wait3A_830 : memref<1x64x128xf32, #tpu.memory_space<hbm>> -> memref<64x128xf32, #tpu.memory_space<hbm>>
    %dma_wait3A_832 = arith.constant 0 : i32
    %dma_wait3A_833 = tpu.memref_slice %arg7[%add3A_828, %dma_wait3A_832] : memref<10240x128xf32, #tpu.memory_space<vmem_shared>> -> memref<64x128xf32, #tpu.memory_space<vmem_shared>>
    tpu.wait_dma2 semaphore(%arg11 : memref<!tpu.dma_semaphore, #tpu.memory_space<semaphore_mem>>) src(%dma_wait3A_833 : memref<64x128xf32, #tpu.memory_space<vmem_shared>>) dst(%dma_wait3A_831 : memref<64x128xf32, #tpu.memory_space<hbm>>)
    %mul3A_834 = arith.constant 640 : i32
    %mul3A_835 = arith.muli %arg1, %mul3A_834 : i32
    %add3A_836 = arith.constant 192 : i32
    %add3A_837 = arith.addi %mul3A_835, %add3A_836 : i32
    %dma_wait3A_838 = arith.constant 0 : i32
    %dma_wait3A_839 = tpu.memref_slice %arg4[%arg0, %add3A_837, %dma_wait3A_838] : memref<2x10240x128xf32, #tpu.memory_space<hbm>> -> memref<1x64x128xf32, #tpu.memory_space<hbm>>
    %dma_wait3A_840 = tpu.memref_squeeze %dma_wait3A_839 : memref<1x64x128xf32, #tpu.memory_space<hbm>> -> memref<64x128xf32, #tpu.memory_space<hbm>>
    %dma_wait3A_841 = arith.constant 0 : i32
    %dma_wait3A_842 = tpu.memref_slice %arg7[%add3A_837, %dma_wait3A_841] : memref<10240x128xf32, #tpu.memory_space<vmem_shared>> -> memref<64x128xf32, #tpu.memory_space<vmem_shared>>
    tpu.wait_dma2 semaphore(%arg11 : memref<!tpu.dma_semaphore, #tpu.memory_space<semaphore_mem>>) src(%dma_wait3A_842 : memref<64x128xf32, #tpu.memory_space<vmem_shared>>) dst(%dma_wait3A_840 : memref<64x128xf32, #tpu.memory_space<hbm>>)
    %mul3A_843 = arith.constant 640 : i32
    %mul3A_844 = arith.muli %arg1, %mul3A_843 : i32
    %add3A_845 = arith.constant 256 : i32
    %add3A_846 = arith.addi %mul3A_844, %add3A_845 : i32
    %dma_wait3A_847 = arith.constant 0 : i32
    %dma_wait3A_848 = tpu.memref_slice %arg4[%arg0, %add3A_846, %dma_wait3A_847] : memref<2x10240x128xf32, #tpu.memory_space<hbm>> -> memref<1x64x128xf32, #tpu.memory_space<hbm>>
    %dma_wait3A_849 = tpu.memref_squeeze %dma_wait3A_848 : memref<1x64x128xf32, #tpu.memory_space<hbm>> -> memref<64x128xf32, #tpu.memory_space<hbm>>
    %dma_wait3A_850 = arith.constant 0 : i32
    %dma_wait3A_851 = tpu.memref_slice %arg7[%add3A_846, %dma_wait3A_850] : memref<10240x128xf32, #tpu.memory_space<vmem_shared>> -> memref<64x128xf32, #tpu.memory_space<vmem_shared>>
    tpu.wait_dma2 semaphore(%arg11 : memref<!tpu.dma_semaphore, #tpu.memory_space<semaphore_mem>>) src(%dma_wait3A_851 : memref<64x128xf32, #tpu.memory_space<vmem_shared>>) dst(%dma_wait3A_849 : memref<64x128xf32, #tpu.memory_space<hbm>>)
    %mul3A_852 = arith.constant 640 : i32
    %mul3A_853 = arith.muli %arg1, %mul3A_852 : i32
    %add3A_854 = arith.constant 320 : i32
    %add3A_855 = arith.addi %mul3A_853, %add3A_854 : i32
    %dma_wait3A_856 = arith.constant 0 : i32
    %dma_wait3A_857 = tpu.memref_slice %arg4[%arg0, %add3A_855, %dma_wait3A_856] : memref<2x10240x128xf32, #tpu.memory_space<hbm>> -> memref<1x64x128xf32, #tpu.memory_space<hbm>>
    %dma_wait3A_858 = tpu.memref_squeeze %dma_wait3A_857 : memref<1x64x128xf32, #tpu.memory_space<hbm>> -> memref<64x128xf32, #tpu.memory_space<hbm>>
    %dma_wait3A_859 = arith.constant 0 : i32
    %dma_wait3A_860 = tpu.memref_slice %arg7[%add3A_855, %dma_wait3A_859] : memref<10240x128xf32, #tpu.memory_space<vmem_shared>> -> memref<64x128xf32, #tpu.memory_space<vmem_shared>>
    tpu.wait_dma2 semaphore(%arg11 : memref<!tpu.dma_semaphore, #tpu.memory_space<semaphore_mem>>) src(%dma_wait3A_860 : memref<64x128xf32, #tpu.memory_space<vmem_shared>>) dst(%dma_wait3A_858 : memref<64x128xf32, #tpu.memory_space<hbm>>)
    %mul3A_861 = arith.constant 640 : i32
    %mul3A_862 = arith.muli %arg1, %mul3A_861 : i32
    %add3A_863 = arith.constant 384 : i32
    %add3A_864 = arith.addi %mul3A_862, %add3A_863 : i32
    %dma_wait3A_865 = arith.constant 0 : i32
    %dma_wait3A_866 = tpu.memref_slice %arg4[%arg0, %add3A_864, %dma_wait3A_865] : memref<2x10240x128xf32, #tpu.memory_space<hbm>> -> memref<1x64x128xf32, #tpu.memory_space<hbm>>
    %dma_wait3A_867 = tpu.memref_squeeze %dma_wait3A_866 : memref<1x64x128xf32, #tpu.memory_space<hbm>> -> memref<64x128xf32, #tpu.memory_space<hbm>>
    %dma_wait3A_868 = arith.constant 0 : i32
    %dma_wait3A_869 = tpu.memref_slice %arg7[%add3A_864, %dma_wait3A_868] : memref<10240x128xf32, #tpu.memory_space<vmem_shared>> -> memref<64x128xf32, #tpu.memory_space<vmem_shared>>
    tpu.wait_dma2 semaphore(%arg11 : memref<!tpu.dma_semaphore, #tpu.memory_space<semaphore_mem>>) src(%dma_wait3A_869 : memref<64x128xf32, #tpu.memory_space<vmem_shared>>) dst(%dma_wait3A_867 : memref<64x128xf32, #tpu.memory_space<hbm>>)
    %mul3A_870 = arith.constant 640 : i32
    %mul3A_871 = arith.muli %arg1, %mul3A_870 : i32
    %add3A_872 = arith.constant 448 : i32
    %add3A_873 = arith.addi %mul3A_871, %add3A_872 : i32
    %dma_wait3A_874 = arith.constant 0 : i32
    %dma_wait3A_875 = tpu.memref_slice %arg4[%arg0, %add3A_873, %dma_wait3A_874] : memref<2x10240x128xf32, #tpu.memory_space<hbm>> -> memref<1x64x128xf32, #tpu.memory_space<hbm>>
    %dma_wait3A_876 = tpu.memref_squeeze %dma_wait3A_875 : memref<1x64x128xf32, #tpu.memory_space<hbm>> -> memref<64x128xf32, #tpu.memory_space<hbm>>
    %dma_wait3A_877 = arith.constant 0 : i32
    %dma_wait3A_878 = tpu.memref_slice %arg7[%add3A_873, %dma_wait3A_877] : memref<10240x128xf32, #tpu.memory_space<vmem_shared>> -> memref<64x128xf32, #tpu.memory_space<vmem_shared>>
    tpu.wait_dma2 semaphore(%arg11 : memref<!tpu.dma_semaphore, #tpu.memory_space<semaphore_mem>>) src(%dma_wait3A_878 : memref<64x128xf32, #tpu.memory_space<vmem_shared>>) dst(%dma_wait3A_876 : memref<64x128xf32, #tpu.memory_space<hbm>>)
    %mul3A_879 = arith.constant 640 : i32
    %mul3A_880 = arith.muli %arg1, %mul3A_879 : i32
    %add3A_881 = arith.constant 512 : i32
    %add3A_882 = arith.addi %mul3A_880, %add3A_881 : i32
    %dma_wait3A_883 = arith.constant 0 : i32
    %dma_wait3A_884 = tpu.memref_slice %arg4[%arg0, %add3A_882, %dma_wait3A_883] : memref<2x10240x128xf32, #tpu.memory_space<hbm>> -> memref<1x64x128xf32, #tpu.memory_space<hbm>>
    %dma_wait3A_885 = tpu.memref_squeeze %dma_wait3A_884 : memref<1x64x128xf32, #tpu.memory_space<hbm>> -> memref<64x128xf32, #tpu.memory_space<hbm>>
    %dma_wait3A_886 = arith.constant 0 : i32
    %dma_wait3A_887 = tpu.memref_slice %arg7[%add3A_882, %dma_wait3A_886] : memref<10240x128xf32, #tpu.memory_space<vmem_shared>> -> memref<64x128xf32, #tpu.memory_space<vmem_shared>>
    tpu.wait_dma2 semaphore(%arg11 : memref<!tpu.dma_semaphore, #tpu.memory_space<semaphore_mem>>) src(%dma_wait3A_887 : memref<64x128xf32, #tpu.memory_space<vmem_shared>>) dst(%dma_wait3A_885 : memref<64x128xf32, #tpu.memory_space<hbm>>)
    %mul3A_888 = arith.constant 640 : i32
    %mul3A_889 = arith.muli %arg1, %mul3A_888 : i32
    %add3A_890 = arith.constant 576 : i32
    %add3A_891 = arith.addi %mul3A_889, %add3A_890 : i32
    %dma_wait3A_892 = arith.constant 0 : i32
    %dma_wait3A_893 = tpu.memref_slice %arg4[%arg0, %add3A_891, %dma_wait3A_892] : memref<2x10240x128xf32, #tpu.memory_space<hbm>> -> memref<1x64x128xf32, #tpu.memory_space<hbm>>
    %dma_wait3A_894 = tpu.memref_squeeze %dma_wait3A_893 : memref<1x64x128xf32, #tpu.memory_space<hbm>> -> memref<64x128xf32, #tpu.memory_space<hbm>>
    %dma_wait3A_895 = arith.constant 0 : i32
    %dma_wait3A_896 = tpu.memref_slice %arg7[%add3A_891, %dma_wait3A_895] : memref<10240x128xf32, #tpu.memory_space<vmem_shared>> -> memref<64x128xf32, #tpu.memory_space<vmem_shared>>
    tpu.wait_dma2 semaphore(%arg11 : memref<!tpu.dma_semaphore, #tpu.memory_space<semaphore_mem>>) src(%dma_wait3A_896 : memref<64x128xf32, #tpu.memory_space<vmem_shared>>) dst(%dma_wait3A_894 : memref<64x128xf32, #tpu.memory_space<hbm>>)
    return
  }
}

#map = affine_map<(d0, d1) -> (0, 0)>
#map1 = affine_map<(d0, d1) -> (0, 0, 0, 0)>
#map2 = affine_map<(d0, d1) -> (0, 0, 0)>
module attributes {stable_mosaic.version = 14 : i64} {
  func.func @_sc_agg_body(%arg0: i32, %arg1: i32, %arg2: memref<10000x128xf32, #tpu.memory_space<hbm>>, %arg3: memref<32x160x2x64xi32, #tpu.memory_space<hbm>>, %arg4: memref<2x10240x128xf32, #tpu.memory_space<hbm>>, %arg5: memref<7x2x64xi32, #tpu.memory_space<vmem>>, %arg6: memref<5x64x128xf32, #tpu.memory_space<vmem>>, %arg7: memref<10240x128xf32, #tpu.memory_space<vmem_shared>>, %arg8: memref<7x!tpu.dma_semaphore, #tpu.memory_space<semaphore_mem>>, %arg9: memref<5x!tpu.dma_semaphore, #tpu.memory_space<semaphore_mem>>, %arg10: memref<5x!tpu.dma_semaphore, #tpu.memory_space<semaphore_mem>>, %arg11: memref<!tpu.dma_semaphore, #tpu.memory_space<semaphore_mem>>) attributes {dimension_semantics = [#tpu.dimension_semantics<core_parallel>, #tpu.dimension_semantics<subcore_parallel>], iteration_bounds = array<i64: 2, 16>, scalar_prefetch = 0 : i64, scratch_operands = 7 : i64, tpu.core_type = #tpu.core_type<sc_vector_subcore>, window_params = [{transform_indices = #map}, {transform_indices = #map1}, {transform_indices = #map2}]} {
    %mul3A = arith.constant 2 : i32
    %mul3A_0 = arith.muli %arg1, %mul3A : i32
    %add3A = arith.addi %mul3A_0, %arg0 : i32
    %rem3A = arith.constant 0 : i32
    %rem3A_1 = arith.constant 7 : i32
    %rem3A_2 = arith.remsi %rem3A, %rem3A_1 : i32
    %dma_start3A = arith.constant 0 : i32
    %dma_start3A_3 = arith.constant 0 : i32
    %dma_start3A_4 = arith.constant 0 : i32
    %dma_start3A_5 = tpu.memref_slice %arg5[%rem3A_2, %dma_start3A_3, %dma_start3A_4] : memref<7x2x64xi32, #tpu.memory_space<vmem>> -> memref<1x2x64xi32, #tpu.memory_space<vmem>>
    %dma_start3A_6 = tpu.memref_squeeze %dma_start3A_5 : memref<1x2x64xi32, #tpu.memory_space<vmem>> -> memref<2x64xi32, #tpu.memory_space<vmem>>
    %dma_start3A_7 = arith.constant 0 : i32
    %dma_start3A_8 = arith.constant 0 : i32
    %dma_start3A_9 = tpu.memref_slice %arg3[%add3A, %dma_start3A, %dma_start3A_7, %dma_start3A_8] : memref<32x160x2x64xi32, #tpu.memory_space<hbm>> -> memref<1x1x2x64xi32, #tpu.memory_space<hbm>>
    %dma_start3A_10 = tpu.memref_squeeze %dma_start3A_9 : memref<1x1x2x64xi32, #tpu.memory_space<hbm>> -> memref<2x64xi32, #tpu.memory_space<hbm>>
    %dma_start3A_11 = tpu.memref_slice %arg8[%rem3A_2] : memref<7x!tpu.dma_semaphore, #tpu.memory_space<semaphore_mem>> -> memref<1x!tpu.dma_semaphore, #tpu.memory_space<semaphore_mem>>
    %dma_start3A_12 = tpu.memref_squeeze %dma_start3A_11 : memref<1x!tpu.dma_semaphore, #tpu.memory_space<semaphore_mem>> -> memref<!tpu.dma_semaphore, #tpu.memory_space<semaphore_mem>>
    %dma_start3A_13 = arith.constant 0 : i32
    %dma_start3A_14 = arith.constant 0 : i32
    %dma_start3A_15 = tpu.memref_slice %arg5[%rem3A_2, %dma_start3A_13, %dma_start3A_14] : memref<7x2x64xi32, #tpu.memory_space<vmem>> -> memref<1x2x64xi32, #tpu.memory_space<vmem>>
    %dma_start3A_16 = tpu.memref_squeeze %dma_start3A_15 : memref<1x2x64xi32, #tpu.memory_space<vmem>> -> memref<2x64xi32, #tpu.memory_space<vmem>>
    %dma_start3A_17 = arith.constant 0 : i32
    %dma_start3A_18 = arith.constant 0 : i32
    %dma_start3A_19 = tpu.memref_slice %arg3[%add3A, %dma_start3A, %dma_start3A_17, %dma_start3A_18] : memref<32x160x2x64xi32, #tpu.memory_space<hbm>> -> memref<1x1x2x64xi32, #tpu.memory_space<hbm>>
    %dma_start3A_20 = tpu.memref_squeeze %dma_start3A_19 : memref<1x1x2x64xi32, #tpu.memory_space<hbm>> -> memref<2x64xi32, #tpu.memory_space<hbm>>
    tpu.enqueue_dma source(%dma_start3A_20 : memref<2x64xi32, #tpu.memory_space<hbm>>) target(%dma_start3A_16 : memref<2x64xi32, #tpu.memory_space<vmem>>) target_semaphore(%dma_start3A_12 : memref<!tpu.dma_semaphore, #tpu.memory_space<semaphore_mem>>)
    %rem3A_21 = arith.constant 1 : i32
    %rem3A_22 = arith.constant 7 : i32
    %rem3A_23 = arith.remsi %rem3A_21, %rem3A_22 : i32
    %dma_start3A_24 = arith.constant 1 : i32
    %dma_start3A_25 = arith.constant 0 : i32
    %dma_start3A_26 = arith.constant 0 : i32
    %dma_start3A_27 = tpu.memref_slice %arg5[%rem3A_23, %dma_start3A_25, %dma_start3A_26] : memref<7x2x64xi32, #tpu.memory_space<vmem>> -> memref<1x2x64xi32, #tpu.memory_space<vmem>>
    %dma_start3A_28 = tpu.memref_squeeze %dma_start3A_27 : memref<1x2x64xi32, #tpu.memory_space<vmem>> -> memref<2x64xi32, #tpu.memory_space<vmem>>
    %dma_start3A_29 = arith.constant 0 : i32
    %dma_start3A_30 = arith.constant 0 : i32
    %dma_start3A_31 = tpu.memref_slice %arg3[%add3A, %dma_start3A_24, %dma_start3A_29, %dma_start3A_30] : memref<32x160x2x64xi32, #tpu.memory_space<hbm>> -> memref<1x1x2x64xi32, #tpu.memory_space<hbm>>
    %dma_start3A_32 = tpu.memref_squeeze %dma_start3A_31 : memref<1x1x2x64xi32, #tpu.memory_space<hbm>> -> memref<2x64xi32, #tpu.memory_space<hbm>>
    %dma_start3A_33 = tpu.memref_slice %arg8[%rem3A_23] : memref<7x!tpu.dma_semaphore, #tpu.memory_space<semaphore_mem>> -> memref<1x!tpu.dma_semaphore, #tpu.memory_space<semaphore_mem>>
    %dma_start3A_34 = tpu.memref_squeeze %dma_start3A_33 : memref<1x!tpu.dma_semaphore, #tpu.memory_space<semaphore_mem>> -> memref<!tpu.dma_semaphore, #tpu.memory_space<semaphore_mem>>
    %dma_start3A_35 = arith.constant 0 : i32
    %dma_start3A_36 = arith.constant 0 : i32
    %dma_start3A_37 = tpu.memref_slice %arg5[%rem3A_23, %dma_start3A_35, %dma_start3A_36] : memref<7x2x64xi32, #tpu.memory_space<vmem>> -> memref<1x2x64xi32, #tpu.memory_space<vmem>>
    %dma_start3A_38 = tpu.memref_squeeze %dma_start3A_37 : memref<1x2x64xi32, #tpu.memory_space<vmem>> -> memref<2x64xi32, #tpu.memory_space<vmem>>
    %dma_start3A_39 = arith.constant 0 : i32
    %dma_start3A_40 = arith.constant 0 : i32
    %dma_start3A_41 = tpu.memref_slice %arg3[%add3A, %dma_start3A_24, %dma_start3A_39, %dma_start3A_40] : memref<32x160x2x64xi32, #tpu.memory_space<hbm>> -> memref<1x1x2x64xi32, #tpu.memory_space<hbm>>
    %dma_start3A_42 = tpu.memref_squeeze %dma_start3A_41 : memref<1x1x2x64xi32, #tpu.memory_space<hbm>> -> memref<2x64xi32, #tpu.memory_space<hbm>>
    tpu.enqueue_dma source(%dma_start3A_42 : memref<2x64xi32, #tpu.memory_space<hbm>>) target(%dma_start3A_38 : memref<2x64xi32, #tpu.memory_space<vmem>>) target_semaphore(%dma_start3A_34 : memref<!tpu.dma_semaphore, #tpu.memory_space<semaphore_mem>>)
    %rem3A_43 = arith.constant 2 : i32
    %rem3A_44 = arith.constant 7 : i32
    %rem3A_45 = arith.remsi %rem3A_43, %rem3A_44 : i32
    %dma_start3A_46 = arith.constant 2 : i32
    %dma_start3A_47 = arith.constant 0 : i32
    %dma_start3A_48 = arith.constant 0 : i32
    %dma_start3A_49 = tpu.memref_slice %arg5[%rem3A_45, %dma_start3A_47, %dma_start3A_48] : memref<7x2x64xi32, #tpu.memory_space<vmem>> -> memref<1x2x64xi32, #tpu.memory_space<vmem>>
    %dma_start3A_50 = tpu.memref_squeeze %dma_start3A_49 : memref<1x2x64xi32, #tpu.memory_space<vmem>> -> memref<2x64xi32, #tpu.memory_space<vmem>>
    %dma_start3A_51 = arith.constant 0 : i32
    %dma_start3A_52 = arith.constant 0 : i32
    %dma_start3A_53 = tpu.memref_slice %arg3[%add3A, %dma_start3A_46, %dma_start3A_51, %dma_start3A_52] : memref<32x160x2x64xi32, #tpu.memory_space<hbm>> -> memref<1x1x2x64xi32, #tpu.memory_space<hbm>>
    %dma_start3A_54 = tpu.memref_squeeze %dma_start3A_53 : memref<1x1x2x64xi32, #tpu.memory_space<hbm>> -> memref<2x64xi32, #tpu.memory_space<hbm>>
    %dma_start3A_55 = tpu.memref_slice %arg8[%rem3A_45] : memref<7x!tpu.dma_semaphore, #tpu.memory_space<semaphore_mem>> -> memref<1x!tpu.dma_semaphore, #tpu.memory_space<semaphore_mem>>
    %dma_start3A_56 = tpu.memref_squeeze %dma_start3A_55 : memref<1x!tpu.dma_semaphore, #tpu.memory_space<semaphore_mem>> -> memref<!tpu.dma_semaphore, #tpu.memory_space<semaphore_mem>>
    %dma_start3A_57 = arith.constant 0 : i32
    %dma_start3A_58 = arith.constant 0 : i32
    %dma_start3A_59 = tpu.memref_slice %arg5[%rem3A_45, %dma_start3A_57, %dma_start3A_58] : memref<7x2x64xi32, #tpu.memory_space<vmem>> -> memref<1x2x64xi32, #tpu.memory_space<vmem>>
    %dma_start3A_60 = tpu.memref_squeeze %dma_start3A_59 : memref<1x2x64xi32, #tpu.memory_space<vmem>> -> memref<2x64xi32, #tpu.memory_space<vmem>>
    %dma_start3A_61 = arith.constant 0 : i32
    %dma_start3A_62 = arith.constant 0 : i32
    %dma_start3A_63 = tpu.memref_slice %arg3[%add3A, %dma_start3A_46, %dma_start3A_61, %dma_start3A_62] : memref<32x160x2x64xi32, #tpu.memory_space<hbm>> -> memref<1x1x2x64xi32, #tpu.memory_space<hbm>>
    %dma_start3A_64 = tpu.memref_squeeze %dma_start3A_63 : memref<1x1x2x64xi32, #tpu.memory_space<hbm>> -> memref<2x64xi32, #tpu.memory_space<hbm>>
    tpu.enqueue_dma source(%dma_start3A_64 : memref<2x64xi32, #tpu.memory_space<hbm>>) target(%dma_start3A_60 : memref<2x64xi32, #tpu.memory_space<vmem>>) target_semaphore(%dma_start3A_56 : memref<!tpu.dma_semaphore, #tpu.memory_space<semaphore_mem>>)
    %rem3A_65 = arith.constant 3 : i32
    %rem3A_66 = arith.constant 7 : i32
    %rem3A_67 = arith.remsi %rem3A_65, %rem3A_66 : i32
    %dma_start3A_68 = arith.constant 3 : i32
    %dma_start3A_69 = arith.constant 0 : i32
    %dma_start3A_70 = arith.constant 0 : i32
    %dma_start3A_71 = tpu.memref_slice %arg5[%rem3A_67, %dma_start3A_69, %dma_start3A_70] : memref<7x2x64xi32, #tpu.memory_space<vmem>> -> memref<1x2x64xi32, #tpu.memory_space<vmem>>
    %dma_start3A_72 = tpu.memref_squeeze %dma_start3A_71 : memref<1x2x64xi32, #tpu.memory_space<vmem>> -> memref<2x64xi32, #tpu.memory_space<vmem>>
    %dma_start3A_73 = arith.constant 0 : i32
    %dma_start3A_74 = arith.constant 0 : i32
    %dma_start3A_75 = tpu.memref_slice %arg3[%add3A, %dma_start3A_68, %dma_start3A_73, %dma_start3A_74] : memref<32x160x2x64xi32, #tpu.memory_space<hbm>> -> memref<1x1x2x64xi32, #tpu.memory_space<hbm>>
    %dma_start3A_76 = tpu.memref_squeeze %dma_start3A_75 : memref<1x1x2x64xi32, #tpu.memory_space<hbm>> -> memref<2x64xi32, #tpu.memory_space<hbm>>
    %dma_start3A_77 = tpu.memref_slice %arg8[%rem3A_67] : memref<7x!tpu.dma_semaphore, #tpu.memory_space<semaphore_mem>> -> memref<1x!tpu.dma_semaphore, #tpu.memory_space<semaphore_mem>>
    %dma_start3A_78 = tpu.memref_squeeze %dma_start3A_77 : memref<1x!tpu.dma_semaphore, #tpu.memory_space<semaphore_mem>> -> memref<!tpu.dma_semaphore, #tpu.memory_space<semaphore_mem>>
    %dma_start3A_79 = arith.constant 0 : i32
    %dma_start3A_80 = arith.constant 0 : i32
    %dma_start3A_81 = tpu.memref_slice %arg5[%rem3A_67, %dma_start3A_79, %dma_start3A_80] : memref<7x2x64xi32, #tpu.memory_space<vmem>> -> memref<1x2x64xi32, #tpu.memory_space<vmem>>
    %dma_start3A_82 = tpu.memref_squeeze %dma_start3A_81 : memref<1x2x64xi32, #tpu.memory_space<vmem>> -> memref<2x64xi32, #tpu.memory_space<vmem>>
    %dma_start3A_83 = arith.constant 0 : i32
    %dma_start3A_84 = arith.constant 0 : i32
    %dma_start3A_85 = tpu.memref_slice %arg3[%add3A, %dma_start3A_68, %dma_start3A_83, %dma_start3A_84] : memref<32x160x2x64xi32, #tpu.memory_space<hbm>> -> memref<1x1x2x64xi32, #tpu.memory_space<hbm>>
    %dma_start3A_86 = tpu.memref_squeeze %dma_start3A_85 : memref<1x1x2x64xi32, #tpu.memory_space<hbm>> -> memref<2x64xi32, #tpu.memory_space<hbm>>
    tpu.enqueue_dma source(%dma_start3A_86 : memref<2x64xi32, #tpu.memory_space<hbm>>) target(%dma_start3A_82 : memref<2x64xi32, #tpu.memory_space<vmem>>) target_semaphore(%dma_start3A_78 : memref<!tpu.dma_semaphore, #tpu.memory_space<semaphore_mem>>)
    %rem3A_87 = arith.constant 4 : i32
    %rem3A_88 = arith.constant 7 : i32
    %rem3A_89 = arith.remsi %rem3A_87, %rem3A_88 : i32
    %dma_start3A_90 = arith.constant 4 : i32
    %dma_start3A_91 = arith.constant 0 : i32
    %dma_start3A_92 = arith.constant 0 : i32
    %dma_start3A_93 = tpu.memref_slice %arg5[%rem3A_89, %dma_start3A_91, %dma_start3A_92] : memref<7x2x64xi32, #tpu.memory_space<vmem>> -> memref<1x2x64xi32, #tpu.memory_space<vmem>>
    %dma_start3A_94 = tpu.memref_squeeze %dma_start3A_93 : memref<1x2x64xi32, #tpu.memory_space<vmem>> -> memref<2x64xi32, #tpu.memory_space<vmem>>
    %dma_start3A_95 = arith.constant 0 : i32
    %dma_start3A_96 = arith.constant 0 : i32
    %dma_start3A_97 = tpu.memref_slice %arg3[%add3A, %dma_start3A_90, %dma_start3A_95, %dma_start3A_96] : memref<32x160x2x64xi32, #tpu.memory_space<hbm>> -> memref<1x1x2x64xi32, #tpu.memory_space<hbm>>
    %dma_start3A_98 = tpu.memref_squeeze %dma_start3A_97 : memref<1x1x2x64xi32, #tpu.memory_space<hbm>> -> memref<2x64xi32, #tpu.memory_space<hbm>>
    %dma_start3A_99 = tpu.memref_slice %arg8[%rem3A_89] : memref<7x!tpu.dma_semaphore, #tpu.memory_space<semaphore_mem>> -> memref<1x!tpu.dma_semaphore, #tpu.memory_space<semaphore_mem>>
    %dma_start3A_100 = tpu.memref_squeeze %dma_start3A_99 : memref<1x!tpu.dma_semaphore, #tpu.memory_space<semaphore_mem>> -> memref<!tpu.dma_semaphore, #tpu.memory_space<semaphore_mem>>
    %dma_start3A_101 = arith.constant 0 : i32
    %dma_start3A_102 = arith.constant 0 : i32
    %dma_start3A_103 = tpu.memref_slice %arg5[%rem3A_89, %dma_start3A_101, %dma_start3A_102] : memref<7x2x64xi32, #tpu.memory_space<vmem>> -> memref<1x2x64xi32, #tpu.memory_space<vmem>>
    %dma_start3A_104 = tpu.memref_squeeze %dma_start3A_103 : memref<1x2x64xi32, #tpu.memory_space<vmem>> -> memref<2x64xi32, #tpu.memory_space<vmem>>
    %dma_start3A_105 = arith.constant 0 : i32
    %dma_start3A_106 = arith.constant 0 : i32
    %dma_start3A_107 = tpu.memref_slice %arg3[%add3A, %dma_start3A_90, %dma_start3A_105, %dma_start3A_106] : memref<32x160x2x64xi32, #tpu.memory_space<hbm>> -> memref<1x1x2x64xi32, #tpu.memory_space<hbm>>
    %dma_start3A_108 = tpu.memref_squeeze %dma_start3A_107 : memref<1x1x2x64xi32, #tpu.memory_space<hbm>> -> memref<2x64xi32, #tpu.memory_space<hbm>>
    tpu.enqueue_dma source(%dma_start3A_108 : memref<2x64xi32, #tpu.memory_space<hbm>>) target(%dma_start3A_104 : memref<2x64xi32, #tpu.memory_space<vmem>>) target_semaphore(%dma_start3A_100 : memref<!tpu.dma_semaphore, #tpu.memory_space<semaphore_mem>>)
    %rem3A_109 = arith.constant 0 : i32
    %rem3A_110 = arith.constant 7 : i32
    %rem3A_111 = arith.remsi %rem3A_109, %rem3A_110 : i32
    %dma_wait3A = arith.constant 0 : i32
    %dma_wait3A_112 = arith.constant 0 : i32
    %dma_wait3A_113 = arith.constant 0 : i32
    %dma_wait3A_114 = tpu.memref_slice %arg5[%rem3A_111, %dma_wait3A_112, %dma_wait3A_113] : memref<7x2x64xi32, #tpu.memory_space<vmem>> -> memref<1x2x64xi32, #tpu.memory_space<vmem>>
    %dma_wait3A_115 = tpu.memref_squeeze %dma_wait3A_114 : memref<1x2x64xi32, #tpu.memory_space<vmem>> -> memref<2x64xi32, #tpu.memory_space<vmem>>
    %dma_wait3A_116 = arith.constant 0 : i32
    %dma_wait3A_117 = arith.constant 0 : i32
    %dma_wait3A_118 = tpu.memref_slice %arg3[%add3A, %dma_wait3A, %dma_wait3A_116, %dma_wait3A_117] : memref<32x160x2x64xi32, #tpu.memory_space<hbm>> -> memref<1x1x2x64xi32, #tpu.memory_space<hbm>>
    %dma_wait3A_119 = tpu.memref_squeeze %dma_wait3A_118 : memref<1x1x2x64xi32, #tpu.memory_space<hbm>> -> memref<2x64xi32, #tpu.memory_space<hbm>>
    %dma_wait3A_120 = tpu.memref_slice %arg8[%rem3A_111] : memref<7x!tpu.dma_semaphore, #tpu.memory_space<semaphore_mem>> -> memref<1x!tpu.dma_semaphore, #tpu.memory_space<semaphore_mem>>
    %dma_wait3A_121 = tpu.memref_squeeze %dma_wait3A_120 : memref<1x!tpu.dma_semaphore, #tpu.memory_space<semaphore_mem>> -> memref<!tpu.dma_semaphore, #tpu.memory_space<semaphore_mem>>
    %dma_wait3A_122 = arith.constant 0 : i32
    %dma_wait3A_123 = arith.constant 0 : i32
    %dma_wait3A_124 = tpu.memref_slice %arg5[%rem3A_111, %dma_wait3A_122, %dma_wait3A_123] : memref<7x2x64xi32, #tpu.memory_space<vmem>> -> memref<1x2x64xi32, #tpu.memory_space<vmem>>
    %dma_wait3A_125 = tpu.memref_squeeze %dma_wait3A_124 : memref<1x2x64xi32, #tpu.memory_space<vmem>> -> memref<2x64xi32, #tpu.memory_space<vmem>>
    %dma_wait3A_126 = arith.constant 0 : i32
    %dma_wait3A_127 = arith.constant 0 : i32
    %dma_wait3A_128 = tpu.memref_slice %arg3[%add3A, %dma_wait3A, %dma_wait3A_126, %dma_wait3A_127] : memref<32x160x2x64xi32, #tpu.memory_space<hbm>> -> memref<1x1x2x64xi32, #tpu.memory_space<hbm>>
    %dma_wait3A_129 = tpu.memref_squeeze %dma_wait3A_128 : memref<1x1x2x64xi32, #tpu.memory_space<hbm>> -> memref<2x64xi32, #tpu.memory_space<hbm>>
    tpu.wait_dma2 semaphore(%dma_wait3A_121 : memref<!tpu.dma_semaphore, #tpu.memory_space<semaphore_mem>>) src(%dma_wait3A_129 : memref<2x64xi32, #tpu.memory_space<hbm>>) dst(%dma_wait3A_125 : memref<2x64xi32, #tpu.memory_space<vmem>>)
    %rem3A_130 = arith.constant 0 : i32
    %rem3A_131 = arith.constant 7 : i32
    %rem3A_132 = arith.remsi %rem3A_130, %rem3A_131 : i32
    %rem3A_133 = arith.constant 0 : i32
    %rem3A_134 = arith.constant 5 : i32
    %rem3A_135 = arith.remsi %rem3A_133, %rem3A_134 : i32
    %dma_start3A_136 = arith.constant 0 : i32
    %dma_start3A_137 = arith.constant 0 : i32
    %dma_start3A_138 = arith.constant 0 : i32
    %dma_start3A_139 = tpu.memref_slice %arg6[%rem3A_135, %dma_start3A_137, %dma_start3A_138] : memref<5x64x128xf32, #tpu.memory_space<vmem>> -> memref<1x64x128xf32, #tpu.memory_space<vmem>>
    %dma_start3A_140 = tpu.memref_squeeze %dma_start3A_139 : memref<1x64x128xf32, #tpu.memory_space<vmem>> -> memref<64x128xf32, #tpu.memory_space<vmem>>
    %dma_start3A_141 = arith.constant 0 : i32
    %dma_start3A_142 = tpu.memref_slice %arg5[%rem3A_132, %dma_start3A_136, %dma_start3A_141] : memref<7x2x64xi32, #tpu.memory_space<vmem>> -> memref<1x1x64xi32, #tpu.memory_space<vmem>>
    %dma_start3A_143 = tpu.memref_squeeze %dma_start3A_142 : memref<1x1x64xi32, #tpu.memory_space<vmem>> -> memref<64xi32, #tpu.memory_space<vmem>>
    %dma_start3A_144 = arith.constant 0 : i32
    %dma_start3A_145 = arith.constant 0 : i32
    %dma_start3A_146 = tpu.memref_slice %arg2[%dma_start3A_144, %dma_start3A_145] : memref<10000x128xf32, #tpu.memory_space<hbm>> -> memref<10000x128xf32, #tpu.memory_space<hbm>>
    %dma_start3A_147 = tpu.memref_slice %arg9[%rem3A_135] : memref<5x!tpu.dma_semaphore, #tpu.memory_space<semaphore_mem>> -> memref<1x!tpu.dma_semaphore, #tpu.memory_space<semaphore_mem>>
    %dma_start3A_148 = tpu.memref_squeeze %dma_start3A_147 : memref<1x!tpu.dma_semaphore, #tpu.memory_space<semaphore_mem>> -> memref<!tpu.dma_semaphore, #tpu.memory_space<semaphore_mem>>
    tpu.enqueue_indirect_dma source(%dma_start3A_146 : memref<10000x128xf32, #tpu.memory_space<hbm>>) target(%dma_start3A_140 : memref<64x128xf32, #tpu.memory_space<vmem>>) offsets(%dma_start3A_143 : memref<64xi32, #tpu.memory_space<vmem>>) semaphore(%dma_start3A_148 : memref<!tpu.dma_semaphore, #tpu.memory_space<semaphore_mem>>)
    %rem3A_149 = arith.constant 1 : i32
    %rem3A_150 = arith.constant 7 : i32
    %rem3A_151 = arith.remsi %rem3A_149, %rem3A_150 : i32
    %dma_wait3A_152 = arith.constant 1 : i32
    %dma_wait3A_153 = arith.constant 0 : i32
    %dma_wait3A_154 = arith.constant 0 : i32
    %dma_wait3A_155 = tpu.memref_slice %arg5[%rem3A_151, %dma_wait3A_153, %dma_wait3A_154] : memref<7x2x64xi32, #tpu.memory_space<vmem>> -> memref<1x2x64xi32, #tpu.memory_space<vmem>>
    %dma_wait3A_156 = tpu.memref_squeeze %dma_wait3A_155 : memref<1x2x64xi32, #tpu.memory_space<vmem>> -> memref<2x64xi32, #tpu.memory_space<vmem>>
    %dma_wait3A_157 = arith.constant 0 : i32
    %dma_wait3A_158 = arith.constant 0 : i32
    %dma_wait3A_159 = tpu.memref_slice %arg3[%add3A, %dma_wait3A_152, %dma_wait3A_157, %dma_wait3A_158] : memref<32x160x2x64xi32, #tpu.memory_space<hbm>> -> memref<1x1x2x64xi32, #tpu.memory_space<hbm>>
    %dma_wait3A_160 = tpu.memref_squeeze %dma_wait3A_159 : memref<1x1x2x64xi32, #tpu.memory_space<hbm>> -> memref<2x64xi32, #tpu.memory_space<hbm>>
    %dma_wait3A_161 = tpu.memref_slice %arg8[%rem3A_151] : memref<7x!tpu.dma_semaphore, #tpu.memory_space<semaphore_mem>> -> memref<1x!tpu.dma_semaphore, #tpu.memory_space<semaphore_mem>>
    %dma_wait3A_162 = tpu.memref_squeeze %dma_wait3A_161 : memref<1x!tpu.dma_semaphore, #tpu.memory_space<semaphore_mem>> -> memref<!tpu.dma_semaphore, #tpu.memory_space<semaphore_mem>>
    %dma_wait3A_163 = arith.constant 0 : i32
    %dma_wait3A_164 = arith.constant 0 : i32
    %dma_wait3A_165 = tpu.memref_slice %arg5[%rem3A_151, %dma_wait3A_163, %dma_wait3A_164] : memref<7x2x64xi32, #tpu.memory_space<vmem>> -> memref<1x2x64xi32, #tpu.memory_space<vmem>>
    %dma_wait3A_166 = tpu.memref_squeeze %dma_wait3A_165 : memref<1x2x64xi32, #tpu.memory_space<vmem>> -> memref<2x64xi32, #tpu.memory_space<vmem>>
    %dma_wait3A_167 = arith.constant 0 : i32
    %dma_wait3A_168 = arith.constant 0 : i32
    %dma_wait3A_169 = tpu.memref_slice %arg3[%add3A, %dma_wait3A_152, %dma_wait3A_167, %dma_wait3A_168] : memref<32x160x2x64xi32, #tpu.memory_space<hbm>> -> memref<1x1x2x64xi32, #tpu.memory_space<hbm>>
    %dma_wait3A_170 = tpu.memref_squeeze %dma_wait3A_169 : memref<1x1x2x64xi32, #tpu.memory_space<hbm>> -> memref<2x64xi32, #tpu.memory_space<hbm>>
    tpu.wait_dma2 semaphore(%dma_wait3A_162 : memref<!tpu.dma_semaphore, #tpu.memory_space<semaphore_mem>>) src(%dma_wait3A_170 : memref<2x64xi32, #tpu.memory_space<hbm>>) dst(%dma_wait3A_166 : memref<2x64xi32, #tpu.memory_space<vmem>>)
    %rem3A_171 = arith.constant 1 : i32
    %rem3A_172 = arith.constant 7 : i32
    %rem3A_173 = arith.remsi %rem3A_171, %rem3A_172 : i32
    %rem3A_174 = arith.constant 1 : i32
    %rem3A_175 = arith.constant 5 : i32
    %rem3A_176 = arith.remsi %rem3A_174, %rem3A_175 : i32
    %dma_start3A_177 = arith.constant 0 : i32
    %dma_start3A_178 = arith.constant 0 : i32
    %dma_start3A_179 = arith.constant 0 : i32
    %dma_start3A_180 = tpu.memref_slice %arg6[%rem3A_176, %dma_start3A_178, %dma_start3A_179] : memref<5x64x128xf32, #tpu.memory_space<vmem>> -> memref<1x64x128xf32, #tpu.memory_space<vmem>>
    %dma_start3A_181 = tpu.memref_squeeze %dma_start3A_180 : memref<1x64x128xf32, #tpu.memory_space<vmem>> -> memref<64x128xf32, #tpu.memory_space<vmem>>
    %dma_start3A_182 = arith.constant 0 : i32
    %dma_start3A_183 = tpu.memref_slice %arg5[%rem3A_173, %dma_start3A_177, %dma_start3A_182] : memref<7x2x64xi32, #tpu.memory_space<vmem>> -> memref<1x1x64xi32, #tpu.memory_space<vmem>>
    %dma_start3A_184 = tpu.memref_squeeze %dma_start3A_183 : memref<1x1x64xi32, #tpu.memory_space<vmem>> -> memref<64xi32, #tpu.memory_space<vmem>>
    %dma_start3A_185 = arith.constant 0 : i32
    %dma_start3A_186 = arith.constant 0 : i32
    %dma_start3A_187 = tpu.memref_slice %arg2[%dma_start3A_185, %dma_start3A_186] : memref<10000x128xf32, #tpu.memory_space<hbm>> -> memref<10000x128xf32, #tpu.memory_space<hbm>>
    %dma_start3A_188 = tpu.memref_slice %arg9[%rem3A_176] : memref<5x!tpu.dma_semaphore, #tpu.memory_space<semaphore_mem>> -> memref<1x!tpu.dma_semaphore, #tpu.memory_space<semaphore_mem>>
    %dma_start3A_189 = tpu.memref_squeeze %dma_start3A_188 : memref<1x!tpu.dma_semaphore, #tpu.memory_space<semaphore_mem>> -> memref<!tpu.dma_semaphore, #tpu.memory_space<semaphore_mem>>
    tpu.enqueue_indirect_dma source(%dma_start3A_187 : memref<10000x128xf32, #tpu.memory_space<hbm>>) target(%dma_start3A_181 : memref<64x128xf32, #tpu.memory_space<vmem>>) offsets(%dma_start3A_184 : memref<64xi32, #tpu.memory_space<vmem>>) semaphore(%dma_start3A_189 : memref<!tpu.dma_semaphore, #tpu.memory_space<semaphore_mem>>)
    %rem3A_190 = arith.constant 2 : i32
    %rem3A_191 = arith.constant 7 : i32
    %rem3A_192 = arith.remsi %rem3A_190, %rem3A_191 : i32
    %dma_wait3A_193 = arith.constant 2 : i32
    %dma_wait3A_194 = arith.constant 0 : i32
    %dma_wait3A_195 = arith.constant 0 : i32
    %dma_wait3A_196 = tpu.memref_slice %arg5[%rem3A_192, %dma_wait3A_194, %dma_wait3A_195] : memref<7x2x64xi32, #tpu.memory_space<vmem>> -> memref<1x2x64xi32, #tpu.memory_space<vmem>>
    %dma_wait3A_197 = tpu.memref_squeeze %dma_wait3A_196 : memref<1x2x64xi32, #tpu.memory_space<vmem>> -> memref<2x64xi32, #tpu.memory_space<vmem>>
    %dma_wait3A_198 = arith.constant 0 : i32
    %dma_wait3A_199 = arith.constant 0 : i32
    %dma_wait3A_200 = tpu.memref_slice %arg3[%add3A, %dma_wait3A_193, %dma_wait3A_198, %dma_wait3A_199] : memref<32x160x2x64xi32, #tpu.memory_space<hbm>> -> memref<1x1x2x64xi32, #tpu.memory_space<hbm>>
    %dma_wait3A_201 = tpu.memref_squeeze %dma_wait3A_200 : memref<1x1x2x64xi32, #tpu.memory_space<hbm>> -> memref<2x64xi32, #tpu.memory_space<hbm>>
    %dma_wait3A_202 = tpu.memref_slice %arg8[%rem3A_192] : memref<7x!tpu.dma_semaphore, #tpu.memory_space<semaphore_mem>> -> memref<1x!tpu.dma_semaphore, #tpu.memory_space<semaphore_mem>>
    %dma_wait3A_203 = tpu.memref_squeeze %dma_wait3A_202 : memref<1x!tpu.dma_semaphore, #tpu.memory_space<semaphore_mem>> -> memref<!tpu.dma_semaphore, #tpu.memory_space<semaphore_mem>>
    %dma_wait3A_204 = arith.constant 0 : i32
    %dma_wait3A_205 = arith.constant 0 : i32
    %dma_wait3A_206 = tpu.memref_slice %arg5[%rem3A_192, %dma_wait3A_204, %dma_wait3A_205] : memref<7x2x64xi32, #tpu.memory_space<vmem>> -> memref<1x2x64xi32, #tpu.memory_space<vmem>>
    %dma_wait3A_207 = tpu.memref_squeeze %dma_wait3A_206 : memref<1x2x64xi32, #tpu.memory_space<vmem>> -> memref<2x64xi32, #tpu.memory_space<vmem>>
    %dma_wait3A_208 = arith.constant 0 : i32
    %dma_wait3A_209 = arith.constant 0 : i32
    %dma_wait3A_210 = tpu.memref_slice %arg3[%add3A, %dma_wait3A_193, %dma_wait3A_208, %dma_wait3A_209] : memref<32x160x2x64xi32, #tpu.memory_space<hbm>> -> memref<1x1x2x64xi32, #tpu.memory_space<hbm>>
    %dma_wait3A_211 = tpu.memref_squeeze %dma_wait3A_210 : memref<1x1x2x64xi32, #tpu.memory_space<hbm>> -> memref<2x64xi32, #tpu.memory_space<hbm>>
    tpu.wait_dma2 semaphore(%dma_wait3A_203 : memref<!tpu.dma_semaphore, #tpu.memory_space<semaphore_mem>>) src(%dma_wait3A_211 : memref<2x64xi32, #tpu.memory_space<hbm>>) dst(%dma_wait3A_207 : memref<2x64xi32, #tpu.memory_space<vmem>>)
    %rem3A_212 = arith.constant 2 : i32
    %rem3A_213 = arith.constant 7 : i32
    %rem3A_214 = arith.remsi %rem3A_212, %rem3A_213 : i32
    %rem3A_215 = arith.constant 2 : i32
    %rem3A_216 = arith.constant 5 : i32
    %rem3A_217 = arith.remsi %rem3A_215, %rem3A_216 : i32
    %dma_start3A_218 = arith.constant 0 : i32
    %dma_start3A_219 = arith.constant 0 : i32
    %dma_start3A_220 = arith.constant 0 : i32
    %dma_start3A_221 = tpu.memref_slice %arg6[%rem3A_217, %dma_start3A_219, %dma_start3A_220] : memref<5x64x128xf32, #tpu.memory_space<vmem>> -> memref<1x64x128xf32, #tpu.memory_space<vmem>>
    %dma_start3A_222 = tpu.memref_squeeze %dma_start3A_221 : memref<1x64x128xf32, #tpu.memory_space<vmem>> -> memref<64x128xf32, #tpu.memory_space<vmem>>
    %dma_start3A_223 = arith.constant 0 : i32
    %dma_start3A_224 = tpu.memref_slice %arg5[%rem3A_214, %dma_start3A_218, %dma_start3A_223] : memref<7x2x64xi32, #tpu.memory_space<vmem>> -> memref<1x1x64xi32, #tpu.memory_space<vmem>>
    %dma_start3A_225 = tpu.memref_squeeze %dma_start3A_224 : memref<1x1x64xi32, #tpu.memory_space<vmem>> -> memref<64xi32, #tpu.memory_space<vmem>>
    %dma_start3A_226 = arith.constant 0 : i32
    %dma_start3A_227 = arith.constant 0 : i32
    %dma_start3A_228 = tpu.memref_slice %arg2[%dma_start3A_226, %dma_start3A_227] : memref<10000x128xf32, #tpu.memory_space<hbm>> -> memref<10000x128xf32, #tpu.memory_space<hbm>>
    %dma_start3A_229 = tpu.memref_slice %arg9[%rem3A_217] : memref<5x!tpu.dma_semaphore, #tpu.memory_space<semaphore_mem>> -> memref<1x!tpu.dma_semaphore, #tpu.memory_space<semaphore_mem>>
    %dma_start3A_230 = tpu.memref_squeeze %dma_start3A_229 : memref<1x!tpu.dma_semaphore, #tpu.memory_space<semaphore_mem>> -> memref<!tpu.dma_semaphore, #tpu.memory_space<semaphore_mem>>
    tpu.enqueue_indirect_dma source(%dma_start3A_228 : memref<10000x128xf32, #tpu.memory_space<hbm>>) target(%dma_start3A_222 : memref<64x128xf32, #tpu.memory_space<vmem>>) offsets(%dma_start3A_225 : memref<64xi32, #tpu.memory_space<vmem>>) semaphore(%dma_start3A_230 : memref<!tpu.dma_semaphore, #tpu.memory_space<semaphore_mem>>)
    %rem3A_231 = arith.constant 3 : i32
    %rem3A_232 = arith.constant 7 : i32
    %rem3A_233 = arith.remsi %rem3A_231, %rem3A_232 : i32
    %dma_wait3A_234 = arith.constant 3 : i32
    %dma_wait3A_235 = arith.constant 0 : i32
    %dma_wait3A_236 = arith.constant 0 : i32
    %dma_wait3A_237 = tpu.memref_slice %arg5[%rem3A_233, %dma_wait3A_235, %dma_wait3A_236] : memref<7x2x64xi32, #tpu.memory_space<vmem>> -> memref<1x2x64xi32, #tpu.memory_space<vmem>>
    %dma_wait3A_238 = tpu.memref_squeeze %dma_wait3A_237 : memref<1x2x64xi32, #tpu.memory_space<vmem>> -> memref<2x64xi32, #tpu.memory_space<vmem>>
    %dma_wait3A_239 = arith.constant 0 : i32
    %dma_wait3A_240 = arith.constant 0 : i32
    %dma_wait3A_241 = tpu.memref_slice %arg3[%add3A, %dma_wait3A_234, %dma_wait3A_239, %dma_wait3A_240] : memref<32x160x2x64xi32, #tpu.memory_space<hbm>> -> memref<1x1x2x64xi32, #tpu.memory_space<hbm>>
    %dma_wait3A_242 = tpu.memref_squeeze %dma_wait3A_241 : memref<1x1x2x64xi32, #tpu.memory_space<hbm>> -> memref<2x64xi32, #tpu.memory_space<hbm>>
    %dma_wait3A_243 = tpu.memref_slice %arg8[%rem3A_233] : memref<7x!tpu.dma_semaphore, #tpu.memory_space<semaphore_mem>> -> memref<1x!tpu.dma_semaphore, #tpu.memory_space<semaphore_mem>>
    %dma_wait3A_244 = tpu.memref_squeeze %dma_wait3A_243 : memref<1x!tpu.dma_semaphore, #tpu.memory_space<semaphore_mem>> -> memref<!tpu.dma_semaphore, #tpu.memory_space<semaphore_mem>>
    %dma_wait3A_245 = arith.constant 0 : i32
    %dma_wait3A_246 = arith.constant 0 : i32
    %dma_wait3A_247 = tpu.memref_slice %arg5[%rem3A_233, %dma_wait3A_245, %dma_wait3A_246] : memref<7x2x64xi32, #tpu.memory_space<vmem>> -> memref<1x2x64xi32, #tpu.memory_space<vmem>>
    %dma_wait3A_248 = tpu.memref_squeeze %dma_wait3A_247 : memref<1x2x64xi32, #tpu.memory_space<vmem>> -> memref<2x64xi32, #tpu.memory_space<vmem>>
    %dma_wait3A_249 = arith.constant 0 : i32
    %dma_wait3A_250 = arith.constant 0 : i32
    %dma_wait3A_251 = tpu.memref_slice %arg3[%add3A, %dma_wait3A_234, %dma_wait3A_249, %dma_wait3A_250] : memref<32x160x2x64xi32, #tpu.memory_space<hbm>> -> memref<1x1x2x64xi32, #tpu.memory_space<hbm>>
    %dma_wait3A_252 = tpu.memref_squeeze %dma_wait3A_251 : memref<1x1x2x64xi32, #tpu.memory_space<hbm>> -> memref<2x64xi32, #tpu.memory_space<hbm>>
    tpu.wait_dma2 semaphore(%dma_wait3A_244 : memref<!tpu.dma_semaphore, #tpu.memory_space<semaphore_mem>>) src(%dma_wait3A_252 : memref<2x64xi32, #tpu.memory_space<hbm>>) dst(%dma_wait3A_248 : memref<2x64xi32, #tpu.memory_space<vmem>>)
    %rem3A_253 = arith.constant 3 : i32
    %rem3A_254 = arith.constant 7 : i32
    %rem3A_255 = arith.remsi %rem3A_253, %rem3A_254 : i32
    %rem3A_256 = arith.constant 3 : i32
    %rem3A_257 = arith.constant 5 : i32
    %rem3A_258 = arith.remsi %rem3A_256, %rem3A_257 : i32
    %dma_start3A_259 = arith.constant 0 : i32
    %dma_start3A_260 = arith.constant 0 : i32
    %dma_start3A_261 = arith.constant 0 : i32
    %dma_start3A_262 = tpu.memref_slice %arg6[%rem3A_258, %dma_start3A_260, %dma_start3A_261] : memref<5x64x128xf32, #tpu.memory_space<vmem>> -> memref<1x64x128xf32, #tpu.memory_space<vmem>>
    %dma_start3A_263 = tpu.memref_squeeze %dma_start3A_262 : memref<1x64x128xf32, #tpu.memory_space<vmem>> -> memref<64x128xf32, #tpu.memory_space<vmem>>
    %dma_start3A_264 = arith.constant 0 : i32
    %dma_start3A_265 = tpu.memref_slice %arg5[%rem3A_255, %dma_start3A_259, %dma_start3A_264] : memref<7x2x64xi32, #tpu.memory_space<vmem>> -> memref<1x1x64xi32, #tpu.memory_space<vmem>>
    %dma_start3A_266 = tpu.memref_squeeze %dma_start3A_265 : memref<1x1x64xi32, #tpu.memory_space<vmem>> -> memref<64xi32, #tpu.memory_space<vmem>>
    %dma_start3A_267 = arith.constant 0 : i32
    %dma_start3A_268 = arith.constant 0 : i32
    %dma_start3A_269 = tpu.memref_slice %arg2[%dma_start3A_267, %dma_start3A_268] : memref<10000x128xf32, #tpu.memory_space<hbm>> -> memref<10000x128xf32, #tpu.memory_space<hbm>>
    %dma_start3A_270 = tpu.memref_slice %arg9[%rem3A_258] : memref<5x!tpu.dma_semaphore, #tpu.memory_space<semaphore_mem>> -> memref<1x!tpu.dma_semaphore, #tpu.memory_space<semaphore_mem>>
    %dma_start3A_271 = tpu.memref_squeeze %dma_start3A_270 : memref<1x!tpu.dma_semaphore, #tpu.memory_space<semaphore_mem>> -> memref<!tpu.dma_semaphore, #tpu.memory_space<semaphore_mem>>
    tpu.enqueue_indirect_dma source(%dma_start3A_269 : memref<10000x128xf32, #tpu.memory_space<hbm>>) target(%dma_start3A_263 : memref<64x128xf32, #tpu.memory_space<vmem>>) offsets(%dma_start3A_266 : memref<64xi32, #tpu.memory_space<vmem>>) semaphore(%dma_start3A_271 : memref<!tpu.dma_semaphore, #tpu.memory_space<semaphore_mem>>)
    %scan3A = arith.constant 0 : i32
    %scan3A_272 = arith.constant 64 : i32
    %scan3A_273 = arith.addi %scan3A, %scan3A_272 : i32
    %scan3A_274 = arith.constant 1 : i32
    scf.for %scan3A_897 = %scan3A to %scan3A_273 step %scan3A_274  : i32 {
      %broadcast_in_dim3A = arith.constant 0.000000e+00 : f32
      %broadcast_in_dim3A_898 = vector.broadcast %broadcast_in_dim3A : f32 to vector<16xf32>
      %swap3A = arith.constant 4 : i32
      %swap3A_899 = arith.index_cast %swap3A : i32 to index
      %swap3A_900 = arith.index_cast %scan3A_897 : i32 to index
      %swap3A_901 = arith.constant 0 : index
      %swap3A_902 = tpu.vector_load %arg6[%swap3A_899, %swap3A_900, %swap3A_901] {strides = array<i32>} : memref<5x64x128xf32, #tpu.memory_space<vmem>>, vector<1x1x16xf32>,
      %swap3A_903 = vector.shape_cast %swap3A_902 : vector<1x1x16xf32> to vector<16xf32>
      %swap3A_904 = vector.shape_cast %broadcast_in_dim3A_898 : vector<16xf32> to vector<1x1x16xf32>
      tpu.vector_store %arg6[%swap3A_899, %swap3A_900, %swap3A_901], %swap3A_904 {strides = array<i32>} : memref<5x64x128xf32, #tpu.memory_space<vmem>>, vector<1x1x16xf32>,
      %broadcast_in_dim3A_905 = arith.constant 0.000000e+00 : f32
      %broadcast_in_dim3A_906 = vector.broadcast %broadcast_in_dim3A_905 : f32 to vector<16xf32>
      %swap3A_907 = arith.constant 4 : i32
      %swap3A_908 = arith.index_cast %swap3A_907 : i32 to index
      %swap3A_909 = arith.index_cast %scan3A_897 : i32 to index
      %swap3A_910 = arith.constant 16 : index
      %swap3A_911 = tpu.vector_load %arg6[%swap3A_908, %swap3A_909, %swap3A_910] {strides = array<i32>} : memref<5x64x128xf32, #tpu.memory_space<vmem>>, vector<1x1x16xf32>,
      %swap3A_912 = vector.shape_cast %swap3A_911 : vector<1x1x16xf32> to vector<16xf32>
      %swap3A_913 = vector.shape_cast %broadcast_in_dim3A_906 : vector<16xf32> to vector<1x1x16xf32>
      tpu.vector_store %arg6[%swap3A_908, %swap3A_909, %swap3A_910], %swap3A_913 {strides = array<i32>} : memref<5x64x128xf32, #tpu.memory_space<vmem>>, vector<1x1x16xf32>,
      %broadcast_in_dim3A_914 = arith.constant 0.000000e+00 : f32
      %broadcast_in_dim3A_915 = vector.broadcast %broadcast_in_dim3A_914 : f32 to vector<16xf32>
      %swap3A_916 = arith.constant 4 : i32
      %swap3A_917 = arith.index_cast %swap3A_916 : i32 to index
      %swap3A_918 = arith.index_cast %scan3A_897 : i32 to index
      %swap3A_919 = arith.constant 32 : index
      %swap3A_920 = tpu.vector_load %arg6[%swap3A_917, %swap3A_918, %swap3A_919] {strides = array<i32>} : memref<5x64x128xf32, #tpu.memory_space<vmem>>, vector<1x1x16xf32>,
      %swap3A_921 = vector.shape_cast %swap3A_920 : vector<1x1x16xf32> to vector<16xf32>
      %swap3A_922 = vector.shape_cast %broadcast_in_dim3A_915 : vector<16xf32> to vector<1x1x16xf32>
      tpu.vector_store %arg6[%swap3A_917, %swap3A_918, %swap3A_919], %swap3A_922 {strides = array<i32>} : memref<5x64x128xf32, #tpu.memory_space<vmem>>, vector<1x1x16xf32>,
      %broadcast_in_dim3A_923 = arith.constant 0.000000e+00 : f32
      %broadcast_in_dim3A_924 = vector.broadcast %broadcast_in_dim3A_923 : f32 to vector<16xf32>
      %swap3A_925 = arith.constant 4 : i32
      %swap3A_926 = arith.index_cast %swap3A_925 : i32 to index
      %swap3A_927 = arith.index_cast %scan3A_897 : i32 to index
      %swap3A_928 = arith.constant 48 : index
      %swap3A_929 = tpu.vector_load %arg6[%swap3A_926, %swap3A_927, %swap3A_928] {strides = array<i32>} : memref<5x64x128xf32, #tpu.memory_space<vmem>>, vector<1x1x16xf32>,
      %swap3A_930 = vector.shape_cast %swap3A_929 : vector<1x1x16xf32> to vector<16xf32>
      %swap3A_931 = vector.shape_cast %broadcast_in_dim3A_924 : vector<16xf32> to vector<1x1x16xf32>
      tpu.vector_store %arg6[%swap3A_926, %swap3A_927, %swap3A_928], %swap3A_931 {strides = array<i32>} : memref<5x64x128xf32, #tpu.memory_space<vmem>>, vector<1x1x16xf32>,
      %broadcast_in_dim3A_932 = arith.constant 0.000000e+00 : f32
      %broadcast_in_dim3A_933 = vector.broadcast %broadcast_in_dim3A_932 : f32 to vector<16xf32>
      %swap3A_934 = arith.constant 4 : i32
      %swap3A_935 = arith.index_cast %swap3A_934 : i32 to index
      %swap3A_936 = arith.index_cast %scan3A_897 : i32 to index
      %swap3A_937 = arith.constant 64 : index
      %swap3A_938 = tpu.vector_load %arg6[%swap3A_935, %swap3A_936, %swap3A_937] {strides = array<i32>} : memref<5x64x128xf32, #tpu.memory_space<vmem>>, vector<1x1x16xf32>,
      %swap3A_939 = vector.shape_cast %swap3A_938 : vector<1x1x16xf32> to vector<16xf32>
      %swap3A_940 = vector.shape_cast %broadcast_in_dim3A_933 : vector<16xf32> to vector<1x1x16xf32>
      tpu.vector_store %arg6[%swap3A_935, %swap3A_936, %swap3A_937], %swap3A_940 {strides = array<i32>} : memref<5x64x128xf32, #tpu.memory_space<vmem>>, vector<1x1x16xf32>,
      %broadcast_in_dim3A_941 = arith.constant 0.000000e+00 : f32
      %broadcast_in_dim3A_942 = vector.broadcast %broadcast_in_dim3A_941 : f32 to vector<16xf32>
      %swap3A_943 = arith.constant 4 : i32
      %swap3A_944 = arith.index_cast %swap3A_943 : i32 to index
      %swap3A_945 = arith.index_cast %scan3A_897 : i32 to index
      %swap3A_946 = arith.constant 80 : index
      %swap3A_947 = tpu.vector_load %arg6[%swap3A_944, %swap3A_945, %swap3A_946] {strides = array<i32>} : memref<5x64x128xf32, #tpu.memory_space<vmem>>, vector<1x1x16xf32>,
      %swap3A_948 = vector.shape_cast %swap3A_947 : vector<1x1x16xf32> to vector<16xf32>
      %swap3A_949 = vector.shape_cast %broadcast_in_dim3A_942 : vector<16xf32> to vector<1x1x16xf32>
      tpu.vector_store %arg6[%swap3A_944, %swap3A_945, %swap3A_946], %swap3A_949 {strides = array<i32>} : memref<5x64x128xf32, #tpu.memory_space<vmem>>, vector<1x1x16xf32>,
      %broadcast_in_dim3A_950 = arith.constant 0.000000e+00 : f32
      %broadcast_in_dim3A_951 = vector.broadcast %broadcast_in_dim3A_950 : f32 to vector<16xf32>
      %swap3A_952 = arith.constant 4 : i32
      %swap3A_953 = arith.index_cast %swap3A_952 : i32 to index
      %swap3A_954 = arith.index_cast %scan3A_897 : i32 to index
      %swap3A_955 = arith.constant 96 : index
      %swap3A_956 = tpu.vector_load %arg6[%swap3A_953, %swap3A_954, %swap3A_955] {strides = array<i32>} : memref<5x64x128xf32, #tpu.memory_space<vmem>>, vector<1x1x16xf32>,
      %swap3A_957 = vector.shape_cast %swap3A_956 : vector<1x1x16xf32> to vector<16xf32>
      %swap3A_958 = vector.shape_cast %broadcast_in_dim3A_951 : vector<16xf32> to vector<1x1x16xf32>
      tpu.vector_store %arg6[%swap3A_953, %swap3A_954, %swap3A_955], %swap3A_958 {strides = array<i32>} : memref<5x64x128xf32, #tpu.memory_space<vmem>>, vector<1x1x16xf32>,
      %broadcast_in_dim3A_959 = arith.constant 0.000000e+00 : f32
      %broadcast_in_dim3A_960 = vector.broadcast %broadcast_in_dim3A_959 : f32 to vector<16xf32>
      %swap3A_961 = arith.constant 4 : i32
      %swap3A_962 = arith.index_cast %swap3A_961 : i32 to index
      %swap3A_963 = arith.index_cast %scan3A_897 : i32 to index
      %swap3A_964 = arith.constant 112 : index
      %swap3A_965 = tpu.vector_load %arg6[%swap3A_962, %swap3A_963, %swap3A_964] {strides = array<i32>} : memref<5x64x128xf32, #tpu.memory_space<vmem>>, vector<1x1x16xf32>,
      %swap3A_966 = vector.shape_cast %swap3A_965 : vector<1x1x16xf32> to vector<16xf32>
      %swap3A_967 = vector.shape_cast %broadcast_in_dim3A_960 : vector<16xf32> to vector<1x1x16xf32>
      tpu.vector_store %arg6[%swap3A_962, %swap3A_963, %swap3A_964], %swap3A_967 {strides = array<i32>} : memref<5x64x128xf32, #tpu.memory_space<vmem>>, vector<1x1x16xf32>,
    }
    %scan3A_275 = arith.constant 64 : i32
    %mul3A_276 = arith.constant 640 : i32
    %mul3A_277 = arith.muli %arg1, %mul3A_276 : i32
    %add3A_278 = arith.constant 0 : i32
    %add3A_279 = arith.addi %mul3A_277, %add3A_278 : i32
    %dma_start3A_280 = arith.constant 4 : i32
    %dma_start3A_281 = arith.constant 0 : i32
    %dma_start3A_282 = arith.constant 0 : i32
    %dma_start3A_283 = tpu.memref_slice %arg6[%dma_start3A_280, %dma_start3A_281, %dma_start3A_282] : memref<5x64x128xf32, #tpu.memory_space<vmem>> -> memref<1x64x128xf32, #tpu.memory_space<vmem>>
    %dma_start3A_284 = tpu.memref_squeeze %dma_start3A_283 : memref<1x64x128xf32, #tpu.memory_space<vmem>> -> memref<64x128xf32, #tpu.memory_space<vmem>>
    %dma_start3A_285 = arith.constant 0 : i32
    %dma_start3A_286 = tpu.memref_slice %arg7[%add3A_279, %dma_start3A_285] : memref<10240x128xf32, #tpu.memory_space<vmem_shared>> -> memref<64x128xf32, #tpu.memory_space<vmem_shared>>
    %dma_start3A_287 = arith.constant 0 : i32
    %dma_start3A_288 = tpu.memref_slice %arg7[%add3A_279, %dma_start3A_287] : memref<10240x128xf32, #tpu.memory_space<vmem_shared>> -> memref<64x128xf32, #tpu.memory_space<vmem_shared>>
    %dma_start3A_289 = arith.constant 0 : i32
    %dma_start3A_290 = arith.constant 0 : i32
    %dma_start3A_291 = tpu.memref_slice %arg6[%dma_start3A_280, %dma_start3A_289, %dma_start3A_290] : memref<5x64x128xf32, #tpu.memory_space<vmem>> -> memref<1x64x128xf32, #tpu.memory_space<vmem>>
    %dma_start3A_292 = tpu.memref_squeeze %dma_start3A_291 : memref<1x64x128xf32, #tpu.memory_space<vmem>> -> memref<64x128xf32, #tpu.memory_space<vmem>>
    tpu.enqueue_dma source(%dma_start3A_292 : memref<64x128xf32, #tpu.memory_space<vmem>>) target(%dma_start3A_288 : memref<64x128xf32, #tpu.memory_space<vmem_shared>>) target_semaphore(%arg11 : memref<!tpu.dma_semaphore, #tpu.memory_space<semaphore_mem>>)
    %mul3A_293 = arith.constant 640 : i32
    %mul3A_294 = arith.muli %arg1, %mul3A_293 : i32
    %add3A_295 = arith.constant 64 : i32
    %add3A_296 = arith.addi %mul3A_294, %add3A_295 : i32
    %dma_start3A_297 = arith.constant 4 : i32
    %dma_start3A_298 = arith.constant 0 : i32
    %dma_start3A_299 = arith.constant 0 : i32
    %dma_start3A_300 = tpu.memref_slice %arg6[%dma_start3A_297, %dma_start3A_298, %dma_start3A_299] : memref<5x64x128xf32, #tpu.memory_space<vmem>> -> memref<1x64x128xf32, #tpu.memory_space<vmem>>
    %dma_start3A_301 = tpu.memref_squeeze %dma_start3A_300 : memref<1x64x128xf32, #tpu.memory_space<vmem>> -> memref<64x128xf32, #tpu.memory_space<vmem>>
    %dma_start3A_302 = arith.constant 0 : i32
    %dma_start3A_303 = tpu.memref_slice %arg7[%add3A_296, %dma_start3A_302] : memref<10240x128xf32, #tpu.memory_space<vmem_shared>> -> memref<64x128xf32, #tpu.memory_space<vmem_shared>>
    %dma_start3A_304 = arith.constant 0 : i32
    %dma_start3A_305 = tpu.memref_slice %arg7[%add3A_296, %dma_start3A_304] : memref<10240x128xf32, #tpu.memory_space<vmem_shared>> -> memref<64x128xf32, #tpu.memory_space<vmem_shared>>
    %dma_start3A_306 = arith.constant 0 : i32
    %dma_start3A_307 = arith.constant 0 : i32
    %dma_start3A_308 = tpu.memref_slice %arg6[%dma_start3A_297, %dma_start3A_306, %dma_start3A_307] : memref<5x64x128xf32, #tpu.memory_space<vmem>> -> memref<1x64x128xf32, #tpu.memory_space<vmem>>
    %dma_start3A_309 = tpu.memref_squeeze %dma_start3A_308 : memref<1x64x128xf32, #tpu.memory_space<vmem>> -> memref<64x128xf32, #tpu.memory_space<vmem>>
    tpu.enqueue_dma source(%dma_start3A_309 : memref<64x128xf32, #tpu.memory_space<vmem>>) target(%dma_start3A_305 : memref<64x128xf32, #tpu.memory_space<vmem_shared>>) target_semaphore(%arg11 : memref<!tpu.dma_semaphore, #tpu.memory_space<semaphore_mem>>)
    %mul3A_310 = arith.constant 640 : i32
    %mul3A_311 = arith.muli %arg1, %mul3A_310 : i32
    %add3A_312 = arith.constant 128 : i32
    %add3A_313 = arith.addi %mul3A_311, %add3A_312 : i32
    %dma_start3A_314 = arith.constant 4 : i32
    %dma_start3A_315 = arith.constant 0 : i32
    %dma_start3A_316 = arith.constant 0 : i32
    %dma_start3A_317 = tpu.memref_slice %arg6[%dma_start3A_314, %dma_start3A_315, %dma_start3A_316] : memref<5x64x128xf32, #tpu.memory_space<vmem>> -> memref<1x64x128xf32, #tpu.memory_space<vmem>>
    %dma_start3A_318 = tpu.memref_squeeze %dma_start3A_317 : memref<1x64x128xf32, #tpu.memory_space<vmem>> -> memref<64x128xf32, #tpu.memory_space<vmem>>
    %dma_start3A_319 = arith.constant 0 : i32
    %dma_start3A_320 = tpu.memref_slice %arg7[%add3A_313, %dma_start3A_319] : memref<10240x128xf32, #tpu.memory_space<vmem_shared>> -> memref<64x128xf32, #tpu.memory_space<vmem_shared>>
    %dma_start3A_321 = arith.constant 0 : i32
    %dma_start3A_322 = tpu.memref_slice %arg7[%add3A_313, %dma_start3A_321] : memref<10240x128xf32, #tpu.memory_space<vmem_shared>> -> memref<64x128xf32, #tpu.memory_space<vmem_shared>>
    %dma_start3A_323 = arith.constant 0 : i32
    %dma_start3A_324 = arith.constant 0 : i32
    %dma_start3A_325 = tpu.memref_slice %arg6[%dma_start3A_314, %dma_start3A_323, %dma_start3A_324] : memref<5x64x128xf32, #tpu.memory_space<vmem>> -> memref<1x64x128xf32, #tpu.memory_space<vmem>>
    %dma_start3A_326 = tpu.memref_squeeze %dma_start3A_325 : memref<1x64x128xf32, #tpu.memory_space<vmem>> -> memref<64x128xf32, #tpu.memory_space<vmem>>
    tpu.enqueue_dma source(%dma_start3A_326 : memref<64x128xf32, #tpu.memory_space<vmem>>) target(%dma_start3A_322 : memref<64x128xf32, #tpu.memory_space<vmem_shared>>) target_semaphore(%arg11 : memref<!tpu.dma_semaphore, #tpu.memory_space<semaphore_mem>>)
    %mul3A_327 = arith.constant 640 : i32
    %mul3A_328 = arith.muli %arg1, %mul3A_327 : i32
    %add3A_329 = arith.constant 192 : i32
    %add3A_330 = arith.addi %mul3A_328, %add3A_329 : i32
    %dma_start3A_331 = arith.constant 4 : i32
    %dma_start3A_332 = arith.constant 0 : i32
    %dma_start3A_333 = arith.constant 0 : i32
    %dma_start3A_334 = tpu.memref_slice %arg6[%dma_start3A_331, %dma_start3A_332, %dma_start3A_333] : memref<5x64x128xf32, #tpu.memory_space<vmem>> -> memref<1x64x128xf32, #tpu.memory_space<vmem>>
    %dma_start3A_335 = tpu.memref_squeeze %dma_start3A_334 : memref<1x64x128xf32, #tpu.memory_space<vmem>> -> memref<64x128xf32, #tpu.memory_space<vmem>>
    %dma_start3A_336 = arith.constant 0 : i32
    %dma_start3A_337 = tpu.memref_slice %arg7[%add3A_330, %dma_start3A_336] : memref<10240x128xf32, #tpu.memory_space<vmem_shared>> -> memref<64x128xf32, #tpu.memory_space<vmem_shared>>
    %dma_start3A_338 = arith.constant 0 : i32
    %dma_start3A_339 = tpu.memref_slice %arg7[%add3A_330, %dma_start3A_338] : memref<10240x128xf32, #tpu.memory_space<vmem_shared>> -> memref<64x128xf32, #tpu.memory_space<vmem_shared>>
    %dma_start3A_340 = arith.constant 0 : i32
    %dma_start3A_341 = arith.constant 0 : i32
    %dma_start3A_342 = tpu.memref_slice %arg6[%dma_start3A_331, %dma_start3A_340, %dma_start3A_341] : memref<5x64x128xf32, #tpu.memory_space<vmem>> -> memref<1x64x128xf32, #tpu.memory_space<vmem>>
    %dma_start3A_343 = tpu.memref_squeeze %dma_start3A_342 : memref<1x64x128xf32, #tpu.memory_space<vmem>> -> memref<64x128xf32, #tpu.memory_space<vmem>>
    tpu.enqueue_dma source(%dma_start3A_343 : memref<64x128xf32, #tpu.memory_space<vmem>>) target(%dma_start3A_339 : memref<64x128xf32, #tpu.memory_space<vmem_shared>>) target_semaphore(%arg11 : memref<!tpu.dma_semaphore, #tpu.memory_space<semaphore_mem>>)
    %mul3A_344 = arith.constant 640 : i32
    %mul3A_345 = arith.muli %arg1, %mul3A_344 : i32
    %add3A_346 = arith.constant 256 : i32
    %add3A_347 = arith.addi %mul3A_345, %add3A_346 : i32
    %dma_start3A_348 = arith.constant 4 : i32
    %dma_start3A_349 = arith.constant 0 : i32
    %dma_start3A_350 = arith.constant 0 : i32
    %dma_start3A_351 = tpu.memref_slice %arg6[%dma_start3A_348, %dma_start3A_349, %dma_start3A_350] : memref<5x64x128xf32, #tpu.memory_space<vmem>> -> memref<1x64x128xf32, #tpu.memory_space<vmem>>
    %dma_start3A_352 = tpu.memref_squeeze %dma_start3A_351 : memref<1x64x128xf32, #tpu.memory_space<vmem>> -> memref<64x128xf32, #tpu.memory_space<vmem>>
    %dma_start3A_353 = arith.constant 0 : i32
    %dma_start3A_354 = tpu.memref_slice %arg7[%add3A_347, %dma_start3A_353] : memref<10240x128xf32, #tpu.memory_space<vmem_shared>> -> memref<64x128xf32, #tpu.memory_space<vmem_shared>>
    %dma_start3A_355 = arith.constant 0 : i32
    %dma_start3A_356 = tpu.memref_slice %arg7[%add3A_347, %dma_start3A_355] : memref<10240x128xf32, #tpu.memory_space<vmem_shared>> -> memref<64x128xf32, #tpu.memory_space<vmem_shared>>
    %dma_start3A_357 = arith.constant 0 : i32
    %dma_start3A_358 = arith.constant 0 : i32
    %dma_start3A_359 = tpu.memref_slice %arg6[%dma_start3A_348, %dma_start3A_357, %dma_start3A_358] : memref<5x64x128xf32, #tpu.memory_space<vmem>> -> memref<1x64x128xf32, #tpu.memory_space<vmem>>
    %dma_start3A_360 = tpu.memref_squeeze %dma_start3A_359 : memref<1x64x128xf32, #tpu.memory_space<vmem>> -> memref<64x128xf32, #tpu.memory_space<vmem>>
    tpu.enqueue_dma source(%dma_start3A_360 : memref<64x128xf32, #tpu.memory_space<vmem>>) target(%dma_start3A_356 : memref<64x128xf32, #tpu.memory_space<vmem_shared>>) target_semaphore(%arg11 : memref<!tpu.dma_semaphore, #tpu.memory_space<semaphore_mem>>)
    %mul3A_361 = arith.constant 640 : i32
    %mul3A_362 = arith.muli %arg1, %mul3A_361 : i32
    %add3A_363 = arith.constant 320 : i32
    %add3A_364 = arith.addi %mul3A_362, %add3A_363 : i32
    %dma_start3A_365 = arith.constant 4 : i32
    %dma_start3A_366 = arith.constant 0 : i32
    %dma_start3A_367 = arith.constant 0 : i32
    %dma_start3A_368 = tpu.memref_slice %arg6[%dma_start3A_365, %dma_start3A_366, %dma_start3A_367] : memref<5x64x128xf32, #tpu.memory_space<vmem>> -> memref<1x64x128xf32, #tpu.memory_space<vmem>>
    %dma_start3A_369 = tpu.memref_squeeze %dma_start3A_368 : memref<1x64x128xf32, #tpu.memory_space<vmem>> -> memref<64x128xf32, #tpu.memory_space<vmem>>
    %dma_start3A_370 = arith.constant 0 : i32
    %dma_start3A_371 = tpu.memref_slice %arg7[%add3A_364, %dma_start3A_370] : memref<10240x128xf32, #tpu.memory_space<vmem_shared>> -> memref<64x128xf32, #tpu.memory_space<vmem_shared>>
    %dma_start3A_372 = arith.constant 0 : i32
    %dma_start3A_373 = tpu.memref_slice %arg7[%add3A_364, %dma_start3A_372] : memref<10240x128xf32, #tpu.memory_space<vmem_shared>> -> memref<64x128xf32, #tpu.memory_space<vmem_shared>>
    %dma_start3A_374 = arith.constant 0 : i32
    %dma_start3A_375 = arith.constant 0 : i32
    %dma_start3A_376 = tpu.memref_slice %arg6[%dma_start3A_365, %dma_start3A_374, %dma_start3A_375] : memref<5x64x128xf32, #tpu.memory_space<vmem>> -> memref<1x64x128xf32, #tpu.memory_space<vmem>>
    %dma_start3A_377 = tpu.memref_squeeze %dma_start3A_376 : memref<1x64x128xf32, #tpu.memory_space<vmem>> -> memref<64x128xf32, #tpu.memory_space<vmem>>
    tpu.enqueue_dma source(%dma_start3A_377 : memref<64x128xf32, #tpu.memory_space<vmem>>) target(%dma_start3A_373 : memref<64x128xf32, #tpu.memory_space<vmem_shared>>) target_semaphore(%arg11 : memref<!tpu.dma_semaphore, #tpu.memory_space<semaphore_mem>>)
    %mul3A_378 = arith.constant 640 : i32
    %mul3A_379 = arith.muli %arg1, %mul3A_378 : i32
    %add3A_380 = arith.constant 384 : i32
    %add3A_381 = arith.addi %mul3A_379, %add3A_380 : i32
    %dma_start3A_382 = arith.constant 4 : i32
    %dma_start3A_383 = arith.constant 0 : i32
    %dma_start3A_384 = arith.constant 0 : i32
    %dma_start3A_385 = tpu.memref_slice %arg6[%dma_start3A_382, %dma_start3A_383, %dma_start3A_384] : memref<5x64x128xf32, #tpu.memory_space<vmem>> -> memref<1x64x128xf32, #tpu.memory_space<vmem>>
    %dma_start3A_386 = tpu.memref_squeeze %dma_start3A_385 : memref<1x64x128xf32, #tpu.memory_space<vmem>> -> memref<64x128xf32, #tpu.memory_space<vmem>>
    %dma_start3A_387 = arith.constant 0 : i32
    %dma_start3A_388 = tpu.memref_slice %arg7[%add3A_381, %dma_start3A_387] : memref<10240x128xf32, #tpu.memory_space<vmem_shared>> -> memref<64x128xf32, #tpu.memory_space<vmem_shared>>
    %dma_start3A_389 = arith.constant 0 : i32
    %dma_start3A_390 = tpu.memref_slice %arg7[%add3A_381, %dma_start3A_389] : memref<10240x128xf32, #tpu.memory_space<vmem_shared>> -> memref<64x128xf32, #tpu.memory_space<vmem_shared>>
    %dma_start3A_391 = arith.constant 0 : i32
    %dma_start3A_392 = arith.constant 0 : i32
    %dma_start3A_393 = tpu.memref_slice %arg6[%dma_start3A_382, %dma_start3A_391, %dma_start3A_392] : memref<5x64x128xf32, #tpu.memory_space<vmem>> -> memref<1x64x128xf32, #tpu.memory_space<vmem>>
    %dma_start3A_394 = tpu.memref_squeeze %dma_start3A_393 : memref<1x64x128xf32, #tpu.memory_space<vmem>> -> memref<64x128xf32, #tpu.memory_space<vmem>>
    tpu.enqueue_dma source(%dma_start3A_394 : memref<64x128xf32, #tpu.memory_space<vmem>>) target(%dma_start3A_390 : memref<64x128xf32, #tpu.memory_space<vmem_shared>>) target_semaphore(%arg11 : memref<!tpu.dma_semaphore, #tpu.memory_space<semaphore_mem>>)
    %mul3A_395 = arith.constant 640 : i32
    %mul3A_396 = arith.muli %arg1, %mul3A_395 : i32
    %add3A_397 = arith.constant 448 : i32
    %add3A_398 = arith.addi %mul3A_396, %add3A_397 : i32
    %dma_start3A_399 = arith.constant 4 : i32
    %dma_start3A_400 = arith.constant 0 : i32
    %dma_start3A_401 = arith.constant 0 : i32
    %dma_start3A_402 = tpu.memref_slice %arg6[%dma_start3A_399, %dma_start3A_400, %dma_start3A_401] : memref<5x64x128xf32, #tpu.memory_space<vmem>> -> memref<1x64x128xf32, #tpu.memory_space<vmem>>
    %dma_start3A_403 = tpu.memref_squeeze %dma_start3A_402 : memref<1x64x128xf32, #tpu.memory_space<vmem>> -> memref<64x128xf32, #tpu.memory_space<vmem>>
    %dma_start3A_404 = arith.constant 0 : i32
    %dma_start3A_405 = tpu.memref_slice %arg7[%add3A_398, %dma_start3A_404] : memref<10240x128xf32, #tpu.memory_space<vmem_shared>> -> memref<64x128xf32, #tpu.memory_space<vmem_shared>>
    %dma_start3A_406 = arith.constant 0 : i32
    %dma_start3A_407 = tpu.memref_slice %arg7[%add3A_398, %dma_start3A_406] : memref<10240x128xf32, #tpu.memory_space<vmem_shared>> -> memref<64x128xf32, #tpu.memory_space<vmem_shared>>
    %dma_start3A_408 = arith.constant 0 : i32
    %dma_start3A_409 = arith.constant 0 : i32
    %dma_start3A_410 = tpu.memref_slice %arg6[%dma_start3A_399, %dma_start3A_408, %dma_start3A_409] : memref<5x64x128xf32, #tpu.memory_space<vmem>> -> memref<1x64x128xf32, #tpu.memory_space<vmem>>
    %dma_start3A_411 = tpu.memref_squeeze %dma_start3A_410 : memref<1x64x128xf32, #tpu.memory_space<vmem>> -> memref<64x128xf32, #tpu.memory_space<vmem>>
    tpu.enqueue_dma source(%dma_start3A_411 : memref<64x128xf32, #tpu.memory_space<vmem>>) target(%dma_start3A_407 : memref<64x128xf32, #tpu.memory_space<vmem_shared>>) target_semaphore(%arg11 : memref<!tpu.dma_semaphore, #tpu.memory_space<semaphore_mem>>)
    %mul3A_412 = arith.constant 640 : i32
    %mul3A_413 = arith.muli %arg1, %mul3A_412 : i32
    %add3A_414 = arith.constant 512 : i32
    %add3A_415 = arith.addi %mul3A_413, %add3A_414 : i32
    %dma_start3A_416 = arith.constant 4 : i32
    %dma_start3A_417 = arith.constant 0 : i32
    %dma_start3A_418 = arith.constant 0 : i32
    %dma_start3A_419 = tpu.memref_slice %arg6[%dma_start3A_416, %dma_start3A_417, %dma_start3A_418] : memref<5x64x128xf32, #tpu.memory_space<vmem>> -> memref<1x64x128xf32, #tpu.memory_space<vmem>>
    %dma_start3A_420 = tpu.memref_squeeze %dma_start3A_419 : memref<1x64x128xf32, #tpu.memory_space<vmem>> -> memref<64x128xf32, #tpu.memory_space<vmem>>
    %dma_start3A_421 = arith.constant 0 : i32
    %dma_start3A_422 = tpu.memref_slice %arg7[%add3A_415, %dma_start3A_421] : memref<10240x128xf32, #tpu.memory_space<vmem_shared>> -> memref<64x128xf32, #tpu.memory_space<vmem_shared>>
    %dma_start3A_423 = arith.constant 0 : i32
    %dma_start3A_424 = tpu.memref_slice %arg7[%add3A_415, %dma_start3A_423] : memref<10240x128xf32, #tpu.memory_space<vmem_shared>> -> memref<64x128xf32, #tpu.memory_space<vmem_shared>>
    %dma_start3A_425 = arith.constant 0 : i32
    %dma_start3A_426 = arith.constant 0 : i32
    %dma_start3A_427 = tpu.memref_slice %arg6[%dma_start3A_416, %dma_start3A_425, %dma_start3A_426] : memref<5x64x128xf32, #tpu.memory_space<vmem>> -> memref<1x64x128xf32, #tpu.memory_space<vmem>>
    %dma_start3A_428 = tpu.memref_squeeze %dma_start3A_427 : memref<1x64x128xf32, #tpu.memory_space<vmem>> -> memref<64x128xf32, #tpu.memory_space<vmem>>
    tpu.enqueue_dma source(%dma_start3A_428 : memref<64x128xf32, #tpu.memory_space<vmem>>) target(%dma_start3A_424 : memref<64x128xf32, #tpu.memory_space<vmem_shared>>) target_semaphore(%arg11 : memref<!tpu.dma_semaphore, #tpu.memory_space<semaphore_mem>>)
    %mul3A_429 = arith.constant 640 : i32
    %mul3A_430 = arith.muli %arg1, %mul3A_429 : i32
    %add3A_431 = arith.constant 576 : i32
    %add3A_432 = arith.addi %mul3A_430, %add3A_431 : i32
    %dma_start3A_433 = arith.constant 4 : i32
    %dma_start3A_434 = arith.constant 0 : i32
    %dma_start3A_435 = arith.constant 0 : i32
    %dma_start3A_436 = tpu.memref_slice %arg6[%dma_start3A_433, %dma_start3A_434, %dma_start3A_435] : memref<5x64x128xf32, #tpu.memory_space<vmem>> -> memref<1x64x128xf32, #tpu.memory_space<vmem>>
    %dma_start3A_437 = tpu.memref_squeeze %dma_start3A_436 : memref<1x64x128xf32, #tpu.memory_space<vmem>> -> memref<64x128xf32, #tpu.memory_space<vmem>>
    %dma_start3A_438 = arith.constant 0 : i32
    %dma_start3A_439 = tpu.memref_slice %arg7[%add3A_432, %dma_start3A_438] : memref<10240x128xf32, #tpu.memory_space<vmem_shared>> -> memref<64x128xf32, #tpu.memory_space<vmem_shared>>
    %dma_start3A_440 = arith.constant 0 : i32
    %dma_start3A_441 = tpu.memref_slice %arg7[%add3A_432, %dma_start3A_440] : memref<10240x128xf32, #tpu.memory_space<vmem_shared>> -> memref<64x128xf32, #tpu.memory_space<vmem_shared>>
    %dma_start3A_442 = arith.constant 0 : i32
    %dma_start3A_443 = arith.constant 0 : i32
    %dma_start3A_444 = tpu.memref_slice %arg6[%dma_start3A_433, %dma_start3A_442, %dma_start3A_443] : memref<5x64x128xf32, #tpu.memory_space<vmem>> -> memref<1x64x128xf32, #tpu.memory_space<vmem>>
    %dma_start3A_445 = tpu.memref_squeeze %dma_start3A_444 : memref<1x64x128xf32, #tpu.memory_space<vmem>> -> memref<64x128xf32, #tpu.memory_space<vmem>>
    tpu.enqueue_dma source(%dma_start3A_445 : memref<64x128xf32, #tpu.memory_space<vmem>>) target(%dma_start3A_441 : memref<64x128xf32, #tpu.memory_space<vmem_shared>>) target_semaphore(%arg11 : memref<!tpu.dma_semaphore, #tpu.memory_space<semaphore_mem>>)
    %mul3A_446 = arith.constant 640 : i32
    %mul3A_447 = arith.muli %arg1, %mul3A_446 : i32
    %add3A_448 = arith.constant 0 : i32
    %add3A_449 = arith.addi %mul3A_447, %add3A_448 : i32
    %dma_wait3A_450 = arith.constant 4 : i32
    %dma_wait3A_451 = arith.constant 0 : i32
    %dma_wait3A_452 = arith.constant 0 : i32
    %dma_wait3A_453 = tpu.memref_slice %arg6[%dma_wait3A_450, %dma_wait3A_451, %dma_wait3A_452] : memref<5x64x128xf32, #tpu.memory_space<vmem>> -> memref<1x64x128xf32, #tpu.memory_space<vmem>>
    %dma_wait3A_454 = tpu.memref_squeeze %dma_wait3A_453 : memref<1x64x128xf32, #tpu.memory_space<vmem>> -> memref<64x128xf32, #tpu.memory_space<vmem>>
    %dma_wait3A_455 = arith.constant 0 : i32
    %dma_wait3A_456 = tpu.memref_slice %arg7[%add3A_449, %dma_wait3A_455] : memref<10240x128xf32, #tpu.memory_space<vmem_shared>> -> memref<64x128xf32, #tpu.memory_space<vmem_shared>>
    %dma_wait3A_457 = arith.constant 0 : i32
    %dma_wait3A_458 = tpu.memref_slice %arg7[%add3A_449, %dma_wait3A_457] : memref<10240x128xf32, #tpu.memory_space<vmem_shared>> -> memref<64x128xf32, #tpu.memory_space<vmem_shared>>
    %dma_wait3A_459 = arith.constant 0 : i32
    %dma_wait3A_460 = arith.constant 0 : i32
    %dma_wait3A_461 = tpu.memref_slice %arg6[%dma_wait3A_450, %dma_wait3A_459, %dma_wait3A_460] : memref<5x64x128xf32, #tpu.memory_space<vmem>> -> memref<1x64x128xf32, #tpu.memory_space<vmem>>
    %dma_wait3A_462 = tpu.memref_squeeze %dma_wait3A_461 : memref<1x64x128xf32, #tpu.memory_space<vmem>> -> memref<64x128xf32, #tpu.memory_space<vmem>>
    tpu.wait_dma2 semaphore(%arg11 : memref<!tpu.dma_semaphore, #tpu.memory_space<semaphore_mem>>) src(%dma_wait3A_462 : memref<64x128xf32, #tpu.memory_space<vmem>>) dst(%dma_wait3A_458 : memref<64x128xf32, #tpu.memory_space<vmem_shared>>)
    %mul3A_463 = arith.constant 640 : i32
    %mul3A_464 = arith.muli %arg1, %mul3A_463 : i32
    %add3A_465 = arith.constant 64 : i32
    %add3A_466 = arith.addi %mul3A_464, %add3A_465 : i32
    %dma_wait3A_467 = arith.constant 4 : i32
    %dma_wait3A_468 = arith.constant 0 : i32
    %dma_wait3A_469 = arith.constant 0 : i32
    %dma_wait3A_470 = tpu.memref_slice %arg6[%dma_wait3A_467, %dma_wait3A_468, %dma_wait3A_469] : memref<5x64x128xf32, #tpu.memory_space<vmem>> -> memref<1x64x128xf32, #tpu.memory_space<vmem>>
    %dma_wait3A_471 = tpu.memref_squeeze %dma_wait3A_470 : memref<1x64x128xf32, #tpu.memory_space<vmem>> -> memref<64x128xf32, #tpu.memory_space<vmem>>
    %dma_wait3A_472 = arith.constant 0 : i32
    %dma_wait3A_473 = tpu.memref_slice %arg7[%add3A_466, %dma_wait3A_472] : memref<10240x128xf32, #tpu.memory_space<vmem_shared>> -> memref<64x128xf32, #tpu.memory_space<vmem_shared>>
    %dma_wait3A_474 = arith.constant 0 : i32
    %dma_wait3A_475 = tpu.memref_slice %arg7[%add3A_466, %dma_wait3A_474] : memref<10240x128xf32, #tpu.memory_space<vmem_shared>> -> memref<64x128xf32, #tpu.memory_space<vmem_shared>>
    %dma_wait3A_476 = arith.constant 0 : i32
    %dma_wait3A_477 = arith.constant 0 : i32
    %dma_wait3A_478 = tpu.memref_slice %arg6[%dma_wait3A_467, %dma_wait3A_476, %dma_wait3A_477] : memref<5x64x128xf32, #tpu.memory_space<vmem>> -> memref<1x64x128xf32, #tpu.memory_space<vmem>>
    %dma_wait3A_479 = tpu.memref_squeeze %dma_wait3A_478 : memref<1x64x128xf32, #tpu.memory_space<vmem>> -> memref<64x128xf32, #tpu.memory_space<vmem>>
    tpu.wait_dma2 semaphore(%arg11 : memref<!tpu.dma_semaphore, #tpu.memory_space<semaphore_mem>>) src(%dma_wait3A_479 : memref<64x128xf32, #tpu.memory_space<vmem>>) dst(%dma_wait3A_475 : memref<64x128xf32, #tpu.memory_space<vmem_shared>>)
    %mul3A_480 = arith.constant 640 : i32
    %mul3A_481 = arith.muli %arg1, %mul3A_480 : i32
    %add3A_482 = arith.constant 128 : i32
    %add3A_483 = arith.addi %mul3A_481, %add3A_482 : i32
    %dma_wait3A_484 = arith.constant 4 : i32
    %dma_wait3A_485 = arith.constant 0 : i32
    %dma_wait3A_486 = arith.constant 0 : i32
    %dma_wait3A_487 = tpu.memref_slice %arg6[%dma_wait3A_484, %dma_wait3A_485, %dma_wait3A_486] : memref<5x64x128xf32, #tpu.memory_space<vmem>> -> memref<1x64x128xf32, #tpu.memory_space<vmem>>
    %dma_wait3A_488 = tpu.memref_squeeze %dma_wait3A_487 : memref<1x64x128xf32, #tpu.memory_space<vmem>> -> memref<64x128xf32, #tpu.memory_space<vmem>>
    %dma_wait3A_489 = arith.constant 0 : i32
    %dma_wait3A_490 = tpu.memref_slice %arg7[%add3A_483, %dma_wait3A_489] : memref<10240x128xf32, #tpu.memory_space<vmem_shared>> -> memref<64x128xf32, #tpu.memory_space<vmem_shared>>
    %dma_wait3A_491 = arith.constant 0 : i32
    %dma_wait3A_492 = tpu.memref_slice %arg7[%add3A_483, %dma_wait3A_491] : memref<10240x128xf32, #tpu.memory_space<vmem_shared>> -> memref<64x128xf32, #tpu.memory_space<vmem_shared>>
    %dma_wait3A_493 = arith.constant 0 : i32
    %dma_wait3A_494 = arith.constant 0 : i32
    %dma_wait3A_495 = tpu.memref_slice %arg6[%dma_wait3A_484, %dma_wait3A_493, %dma_wait3A_494] : memref<5x64x128xf32, #tpu.memory_space<vmem>> -> memref<1x64x128xf32, #tpu.memory_space<vmem>>
    %dma_wait3A_496 = tpu.memref_squeeze %dma_wait3A_495 : memref<1x64x128xf32, #tpu.memory_space<vmem>> -> memref<64x128xf32, #tpu.memory_space<vmem>>
    tpu.wait_dma2 semaphore(%arg11 : memref<!tpu.dma_semaphore, #tpu.memory_space<semaphore_mem>>) src(%dma_wait3A_496 : memref<64x128xf32, #tpu.memory_space<vmem>>) dst(%dma_wait3A_492 : memref<64x128xf32, #tpu.memory_space<vmem_shared>>)
    %mul3A_497 = arith.constant 640 : i32
    %mul3A_498 = arith.muli %arg1, %mul3A_497 : i32
    %add3A_499 = arith.constant 192 : i32
    %add3A_500 = arith.addi %mul3A_498, %add3A_499 : i32
    %dma_wait3A_501 = arith.constant 4 : i32
    %dma_wait3A_502 = arith.constant 0 : i32
    %dma_wait3A_503 = arith.constant 0 : i32
    %dma_wait3A_504 = tpu.memref_slice %arg6[%dma_wait3A_501, %dma_wait3A_502, %dma_wait3A_503] : memref<5x64x128xf32, #tpu.memory_space<vmem>> -> memref<1x64x128xf32, #tpu.memory_space<vmem>>
    %dma_wait3A_505 = tpu.memref_squeeze %dma_wait3A_504 : memref<1x64x128xf32, #tpu.memory_space<vmem>> -> memref<64x128xf32, #tpu.memory_space<vmem>>
    %dma_wait3A_506 = arith.constant 0 : i32
    %dma_wait3A_507 = tpu.memref_slice %arg7[%add3A_500, %dma_wait3A_506] : memref<10240x128xf32, #tpu.memory_space<vmem_shared>> -> memref<64x128xf32, #tpu.memory_space<vmem_shared>>
    %dma_wait3A_508 = arith.constant 0 : i32
    %dma_wait3A_509 = tpu.memref_slice %arg7[%add3A_500, %dma_wait3A_508] : memref<10240x128xf32, #tpu.memory_space<vmem_shared>> -> memref<64x128xf32, #tpu.memory_space<vmem_shared>>
    %dma_wait3A_510 = arith.constant 0 : i32
    %dma_wait3A_511 = arith.constant 0 : i32
    %dma_wait3A_512 = tpu.memref_slice %arg6[%dma_wait3A_501, %dma_wait3A_510, %dma_wait3A_511] : memref<5x64x128xf32, #tpu.memory_space<vmem>> -> memref<1x64x128xf32, #tpu.memory_space<vmem>>
    %dma_wait3A_513 = tpu.memref_squeeze %dma_wait3A_512 : memref<1x64x128xf32, #tpu.memory_space<vmem>> -> memref<64x128xf32, #tpu.memory_space<vmem>>
    tpu.wait_dma2 semaphore(%arg11 : memref<!tpu.dma_semaphore, #tpu.memory_space<semaphore_mem>>) src(%dma_wait3A_513 : memref<64x128xf32, #tpu.memory_space<vmem>>) dst(%dma_wait3A_509 : memref<64x128xf32, #tpu.memory_space<vmem_shared>>)
    %mul3A_514 = arith.constant 640 : i32
    %mul3A_515 = arith.muli %arg1, %mul3A_514 : i32
    %add3A_516 = arith.constant 256 : i32
    %add3A_517 = arith.addi %mul3A_515, %add3A_516 : i32
    %dma_wait3A_518 = arith.constant 4 : i32
    %dma_wait3A_519 = arith.constant 0 : i32
    %dma_wait3A_520 = arith.constant 0 : i32
    %dma_wait3A_521 = tpu.memref_slice %arg6[%dma_wait3A_518, %dma_wait3A_519, %dma_wait3A_520] : memref<5x64x128xf32, #tpu.memory_space<vmem>> -> memref<1x64x128xf32, #tpu.memory_space<vmem>>
    %dma_wait3A_522 = tpu.memref_squeeze %dma_wait3A_521 : memref<1x64x128xf32, #tpu.memory_space<vmem>> -> memref<64x128xf32, #tpu.memory_space<vmem>>
    %dma_wait3A_523 = arith.constant 0 : i32
    %dma_wait3A_524 = tpu.memref_slice %arg7[%add3A_517, %dma_wait3A_523] : memref<10240x128xf32, #tpu.memory_space<vmem_shared>> -> memref<64x128xf32, #tpu.memory_space<vmem_shared>>
    %dma_wait3A_525 = arith.constant 0 : i32
    %dma_wait3A_526 = tpu.memref_slice %arg7[%add3A_517, %dma_wait3A_525] : memref<10240x128xf32, #tpu.memory_space<vmem_shared>> -> memref<64x128xf32, #tpu.memory_space<vmem_shared>>
    %dma_wait3A_527 = arith.constant 0 : i32
    %dma_wait3A_528 = arith.constant 0 : i32
    %dma_wait3A_529 = tpu.memref_slice %arg6[%dma_wait3A_518, %dma_wait3A_527, %dma_wait3A_528] : memref<5x64x128xf32, #tpu.memory_space<vmem>> -> memref<1x64x128xf32, #tpu.memory_space<vmem>>
    %dma_wait3A_530 = tpu.memref_squeeze %dma_wait3A_529 : memref<1x64x128xf32, #tpu.memory_space<vmem>> -> memref<64x128xf32, #tpu.memory_space<vmem>>
    tpu.wait_dma2 semaphore(%arg11 : memref<!tpu.dma_semaphore, #tpu.memory_space<semaphore_mem>>) src(%dma_wait3A_530 : memref<64x128xf32, #tpu.memory_space<vmem>>) dst(%dma_wait3A_526 : memref<64x128xf32, #tpu.memory_space<vmem_shared>>)
    %mul3A_531 = arith.constant 640 : i32
    %mul3A_532 = arith.muli %arg1, %mul3A_531 : i32
    %add3A_533 = arith.constant 320 : i32
    %add3A_534 = arith.addi %mul3A_532, %add3A_533 : i32
    %dma_wait3A_535 = arith.constant 4 : i32
    %dma_wait3A_536 = arith.constant 0 : i32
    %dma_wait3A_537 = arith.constant 0 : i32
    %dma_wait3A_538 = tpu.memref_slice %arg6[%dma_wait3A_535, %dma_wait3A_536, %dma_wait3A_537] : memref<5x64x128xf32, #tpu.memory_space<vmem>> -> memref<1x64x128xf32, #tpu.memory_space<vmem>>
    %dma_wait3A_539 = tpu.memref_squeeze %dma_wait3A_538 : memref<1x64x128xf32, #tpu.memory_space<vmem>> -> memref<64x128xf32, #tpu.memory_space<vmem>>
    %dma_wait3A_540 = arith.constant 0 : i32
    %dma_wait3A_541 = tpu.memref_slice %arg7[%add3A_534, %dma_wait3A_540] : memref<10240x128xf32, #tpu.memory_space<vmem_shared>> -> memref<64x128xf32, #tpu.memory_space<vmem_shared>>
    %dma_wait3A_542 = arith.constant 0 : i32
    %dma_wait3A_543 = tpu.memref_slice %arg7[%add3A_534, %dma_wait3A_542] : memref<10240x128xf32, #tpu.memory_space<vmem_shared>> -> memref<64x128xf32, #tpu.memory_space<vmem_shared>>
    %dma_wait3A_544 = arith.constant 0 : i32
    %dma_wait3A_545 = arith.constant 0 : i32
    %dma_wait3A_546 = tpu.memref_slice %arg6[%dma_wait3A_535, %dma_wait3A_544, %dma_wait3A_545] : memref<5x64x128xf32, #tpu.memory_space<vmem>> -> memref<1x64x128xf32, #tpu.memory_space<vmem>>
    %dma_wait3A_547 = tpu.memref_squeeze %dma_wait3A_546 : memref<1x64x128xf32, #tpu.memory_space<vmem>> -> memref<64x128xf32, #tpu.memory_space<vmem>>
    tpu.wait_dma2 semaphore(%arg11 : memref<!tpu.dma_semaphore, #tpu.memory_space<semaphore_mem>>) src(%dma_wait3A_547 : memref<64x128xf32, #tpu.memory_space<vmem>>) dst(%dma_wait3A_543 : memref<64x128xf32, #tpu.memory_space<vmem_shared>>)
    %mul3A_548 = arith.constant 640 : i32
    %mul3A_549 = arith.muli %arg1, %mul3A_548 : i32
    %add3A_550 = arith.constant 384 : i32
    %add3A_551 = arith.addi %mul3A_549, %add3A_550 : i32
    %dma_wait3A_552 = arith.constant 4 : i32
    %dma_wait3A_553 = arith.constant 0 : i32
    %dma_wait3A_554 = arith.constant 0 : i32
    %dma_wait3A_555 = tpu.memref_slice %arg6[%dma_wait3A_552, %dma_wait3A_553, %dma_wait3A_554] : memref<5x64x128xf32, #tpu.memory_space<vmem>> -> memref<1x64x128xf32, #tpu.memory_space<vmem>>
    %dma_wait3A_556 = tpu.memref_squeeze %dma_wait3A_555 : memref<1x64x128xf32, #tpu.memory_space<vmem>> -> memref<64x128xf32, #tpu.memory_space<vmem>>
    %dma_wait3A_557 = arith.constant 0 : i32
    %dma_wait3A_558 = tpu.memref_slice %arg7[%add3A_551, %dma_wait3A_557] : memref<10240x128xf32, #tpu.memory_space<vmem_shared>> -> memref<64x128xf32, #tpu.memory_space<vmem_shared>>
    %dma_wait3A_559 = arith.constant 0 : i32
    %dma_wait3A_560 = tpu.memref_slice %arg7[%add3A_551, %dma_wait3A_559] : memref<10240x128xf32, #tpu.memory_space<vmem_shared>> -> memref<64x128xf32, #tpu.memory_space<vmem_shared>>
    %dma_wait3A_561 = arith.constant 0 : i32
    %dma_wait3A_562 = arith.constant 0 : i32
    %dma_wait3A_563 = tpu.memref_slice %arg6[%dma_wait3A_552, %dma_wait3A_561, %dma_wait3A_562] : memref<5x64x128xf32, #tpu.memory_space<vmem>> -> memref<1x64x128xf32, #tpu.memory_space<vmem>>
    %dma_wait3A_564 = tpu.memref_squeeze %dma_wait3A_563 : memref<1x64x128xf32, #tpu.memory_space<vmem>> -> memref<64x128xf32, #tpu.memory_space<vmem>>
    tpu.wait_dma2 semaphore(%arg11 : memref<!tpu.dma_semaphore, #tpu.memory_space<semaphore_mem>>) src(%dma_wait3A_564 : memref<64x128xf32, #tpu.memory_space<vmem>>) dst(%dma_wait3A_560 : memref<64x128xf32, #tpu.memory_space<vmem_shared>>)
    %mul3A_565 = arith.constant 640 : i32
    %mul3A_566 = arith.muli %arg1, %mul3A_565 : i32
    %add3A_567 = arith.constant 448 : i32
    %add3A_568 = arith.addi %mul3A_566, %add3A_567 : i32
    %dma_wait3A_569 = arith.constant 4 : i32
    %dma_wait3A_570 = arith.constant 0 : i32
    %dma_wait3A_571 = arith.constant 0 : i32
    %dma_wait3A_572 = tpu.memref_slice %arg6[%dma_wait3A_569, %dma_wait3A_570, %dma_wait3A_571] : memref<5x64x128xf32, #tpu.memory_space<vmem>> -> memref<1x64x128xf32, #tpu.memory_space<vmem>>
    %dma_wait3A_573 = tpu.memref_squeeze %dma_wait3A_572 : memref<1x64x128xf32, #tpu.memory_space<vmem>> -> memref<64x128xf32, #tpu.memory_space<vmem>>
    %dma_wait3A_574 = arith.constant 0 : i32
    %dma_wait3A_575 = tpu.memref_slice %arg7[%add3A_568, %dma_wait3A_574] : memref<10240x128xf32, #tpu.memory_space<vmem_shared>> -> memref<64x128xf32, #tpu.memory_space<vmem_shared>>
    %dma_wait3A_576 = arith.constant 0 : i32
    %dma_wait3A_577 = tpu.memref_slice %arg7[%add3A_568, %dma_wait3A_576] : memref<10240x128xf32, #tpu.memory_space<vmem_shared>> -> memref<64x128xf32, #tpu.memory_space<vmem_shared>>
    %dma_wait3A_578 = arith.constant 0 : i32
    %dma_wait3A_579 = arith.constant 0 : i32
    %dma_wait3A_580 = tpu.memref_slice %arg6[%dma_wait3A_569, %dma_wait3A_578, %dma_wait3A_579] : memref<5x64x128xf32, #tpu.memory_space<vmem>> -> memref<1x64x128xf32, #tpu.memory_space<vmem>>
    %dma_wait3A_581 = tpu.memref_squeeze %dma_wait3A_580 : memref<1x64x128xf32, #tpu.memory_space<vmem>> -> memref<64x128xf32, #tpu.memory_space<vmem>>
    tpu.wait_dma2 semaphore(%arg11 : memref<!tpu.dma_semaphore, #tpu.memory_space<semaphore_mem>>) src(%dma_wait3A_581 : memref<64x128xf32, #tpu.memory_space<vmem>>) dst(%dma_wait3A_577 : memref<64x128xf32, #tpu.memory_space<vmem_shared>>)
    %mul3A_582 = arith.constant 640 : i32
    %mul3A_583 = arith.muli %arg1, %mul3A_582 : i32
    %add3A_584 = arith.constant 512 : i32
    %add3A_585 = arith.addi %mul3A_583, %add3A_584 : i32
    %dma_wait3A_586 = arith.constant 4 : i32
    %dma_wait3A_587 = arith.constant 0 : i32
    %dma_wait3A_588 = arith.constant 0 : i32
    %dma_wait3A_589 = tpu.memref_slice %arg6[%dma_wait3A_586, %dma_wait3A_587, %dma_wait3A_588] : memref<5x64x128xf32, #tpu.memory_space<vmem>> -> memref<1x64x128xf32, #tpu.memory_space<vmem>>
    %dma_wait3A_590 = tpu.memref_squeeze %dma_wait3A_589 : memref<1x64x128xf32, #tpu.memory_space<vmem>> -> memref<64x128xf32, #tpu.memory_space<vmem>>
    %dma_wait3A_591 = arith.constant 0 : i32
    %dma_wait3A_592 = tpu.memref_slice %arg7[%add3A_585, %dma_wait3A_591] : memref<10240x128xf32, #tpu.memory_space<vmem_shared>> -> memref<64x128xf32, #tpu.memory_space<vmem_shared>>
    %dma_wait3A_593 = arith.constant 0 : i32
    %dma_wait3A_594 = tpu.memref_slice %arg7[%add3A_585, %dma_wait3A_593] : memref<10240x128xf32, #tpu.memory_space<vmem_shared>> -> memref<64x128xf32, #tpu.memory_space<vmem_shared>>
    %dma_wait3A_595 = arith.constant 0 : i32
    %dma_wait3A_596 = arith.constant 0 : i32
    %dma_wait3A_597 = tpu.memref_slice %arg6[%dma_wait3A_586, %dma_wait3A_595, %dma_wait3A_596] : memref<5x64x128xf32, #tpu.memory_space<vmem>> -> memref<1x64x128xf32, #tpu.memory_space<vmem>>
    %dma_wait3A_598 = tpu.memref_squeeze %dma_wait3A_597 : memref<1x64x128xf32, #tpu.memory_space<vmem>> -> memref<64x128xf32, #tpu.memory_space<vmem>>
    tpu.wait_dma2 semaphore(%arg11 : memref<!tpu.dma_semaphore, #tpu.memory_space<semaphore_mem>>) src(%dma_wait3A_598 : memref<64x128xf32, #tpu.memory_space<vmem>>) dst(%dma_wait3A_594 : memref<64x128xf32, #tpu.memory_space<vmem_shared>>)
    %mul3A_599 = arith.constant 640 : i32
    %mul3A_600 = arith.muli %arg1, %mul3A_599 : i32
    %add3A_601 = arith.constant 576 : i32
    %add3A_602 = arith.addi %mul3A_600, %add3A_601 : i32
    %dma_wait3A_603 = arith.constant 4 : i32
    %dma_wait3A_604 = arith.constant 0 : i32
    %dma_wait3A_605 = arith.constant 0 : i32
    %dma_wait3A_606 = tpu.memref_slice %arg6[%dma_wait3A_603, %dma_wait3A_604, %dma_wait3A_605] : memref<5x64x128xf32, #tpu.memory_space<vmem>> -> memref<1x64x128xf32, #tpu.memory_space<vmem>>
    %dma_wait3A_607 = tpu.memref_squeeze %dma_wait3A_606 : memref<1x64x128xf32, #tpu.memory_space<vmem>> -> memref<64x128xf32, #tpu.memory_space<vmem>>
    %dma_wait3A_608 = arith.constant 0 : i32
    %dma_wait3A_609 = tpu.memref_slice %arg7[%add3A_602, %dma_wait3A_608] : memref<10240x128xf32, #tpu.memory_space<vmem_shared>> -> memref<64x128xf32, #tpu.memory_space<vmem_shared>>
    %dma_wait3A_610 = arith.constant 0 : i32
    %dma_wait3A_611 = tpu.memref_slice %arg7[%add3A_602, %dma_wait3A_610] : memref<10240x128xf32, #tpu.memory_space<vmem_shared>> -> memref<64x128xf32, #tpu.memory_space<vmem_shared>>
    %dma_wait3A_612 = arith.constant 0 : i32
    %dma_wait3A_613 = arith.constant 0 : i32
    %dma_wait3A_614 = tpu.memref_slice %arg6[%dma_wait3A_603, %dma_wait3A_612, %dma_wait3A_613] : memref<5x64x128xf32, #tpu.memory_space<vmem>> -> memref<1x64x128xf32, #tpu.memory_space<vmem>>
    %dma_wait3A_615 = tpu.memref_squeeze %dma_wait3A_614 : memref<1x64x128xf32, #tpu.memory_space<vmem>> -> memref<64x128xf32, #tpu.memory_space<vmem>>
    tpu.wait_dma2 semaphore(%arg11 : memref<!tpu.dma_semaphore, #tpu.memory_space<semaphore_mem>>) src(%dma_wait3A_615 : memref<64x128xf32, #tpu.memory_space<vmem>>) dst(%dma_wait3A_611 : memref<64x128xf32, #tpu.memory_space<vmem_shared>>)
    %barrier3A = arith.constant 0 : index
    tpu.barrier barrier_id(%barrier3A)
    %scan3A_616 = arith.constant 0 : i32
    %scan3A_617 = arith.constant 160 : i32
    %scan3A_618 = arith.addi %scan3A_616, %scan3A_617 : i32
    %scan3A_619 = arith.constant 1 : i32
    scf.for %scan3A_897 = %scan3A_616 to %scan3A_618 step %scan3A_619  : i32 {
      %add3A_898 = arith.constant 4 : i32
      %add3A_899 = arith.addi %scan3A_897, %add3A_898 : i32
      %add3A_900 = arith.constant 1 : i32
      %add3A_901 = arith.addi %add3A_899, %add3A_900 : i32
      %lt3A = arith.constant 160 : i32
      %lt3A_902 = arith.cmpi slt, %add3A_901, %lt3A : i32
      %convert_element_type3A = arith.extui %lt3A_902 : i1 to i32
      %cond3A = arith.constant 0 : i32
      %cond3A_903 = arith.cmpi ne, %convert_element_type3A, %cond3A : i32
      scf.if %cond3A_903 {
        %rem3A_945 = arith.constant 7 : i32
        %rem3A_946 = arith.remsi %add3A_901, %rem3A_945 : i32
        %dma_start3A_947 = arith.constant 0 : i32
        %dma_start3A_948 = arith.constant 0 : i32
        %dma_start3A_949 = tpu.memref_slice %arg5[%rem3A_946, %dma_start3A_947, %dma_start3A_948] : memref<7x2x64xi32, #tpu.memory_space<vmem>> -> memref<1x2x64xi32, #tpu.memory_space<vmem>>
        %dma_start3A_950 = tpu.memref_squeeze %dma_start3A_949 : memref<1x2x64xi32, #tpu.memory_space<vmem>> -> memref<2x64xi32, #tpu.memory_space<vmem>>
        %dma_start3A_951 = arith.constant 0 : i32
        %dma_start3A_952 = arith.constant 0 : i32
        %dma_start3A_953 = tpu.memref_slice %arg3[%add3A, %add3A_901, %dma_start3A_951, %dma_start3A_952] : memref<32x160x2x64xi32, #tpu.memory_space<hbm>> -> memref<1x1x2x64xi32, #tpu.memory_space<hbm>>
        %dma_start3A_954 = tpu.memref_squeeze %dma_start3A_953 : memref<1x1x2x64xi32, #tpu.memory_space<hbm>> -> memref<2x64xi32, #tpu.memory_space<hbm>>
        %dma_start3A_955 = tpu.memref_slice %arg8[%rem3A_946] : memref<7x!tpu.dma_semaphore, #tpu.memory_space<semaphore_mem>> -> memref<1x!tpu.dma_semaphore, #tpu.memory_space<semaphore_mem>>
        %dma_start3A_956 = tpu.memref_squeeze %dma_start3A_955 : memref<1x!tpu.dma_semaphore, #tpu.memory_space<semaphore_mem>> -> memref<!tpu.dma_semaphore, #tpu.memory_space<semaphore_mem>>
        %dma_start3A_957 = arith.constant 0 : i32
        %dma_start3A_958 = arith.constant 0 : i32
        %dma_start3A_959 = tpu.memref_slice %arg5[%rem3A_946, %dma_start3A_957, %dma_start3A_958] : memref<7x2x64xi32, #tpu.memory_space<vmem>> -> memref<1x2x64xi32, #tpu.memory_space<vmem>>
        %dma_start3A_960 = tpu.memref_squeeze %dma_start3A_959 : memref<1x2x64xi32, #tpu.memory_space<vmem>> -> memref<2x64xi32, #tpu.memory_space<vmem>>
        %dma_start3A_961 = arith.constant 0 : i32
        %dma_start3A_962 = arith.constant 0 : i32
        %dma_start3A_963 = tpu.memref_slice %arg3[%add3A, %add3A_901, %dma_start3A_961, %dma_start3A_962] : memref<32x160x2x64xi32, #tpu.memory_space<hbm>> -> memref<1x1x2x64xi32, #tpu.memory_space<hbm>>
        %dma_start3A_964 = tpu.memref_squeeze %dma_start3A_963 : memref<1x1x2x64xi32, #tpu.memory_space<hbm>> -> memref<2x64xi32, #tpu.memory_space<hbm>>
        tpu.enqueue_dma source(%dma_start3A_964 : memref<2x64xi32, #tpu.memory_space<hbm>>) target(%dma_start3A_960 : memref<2x64xi32, #tpu.memory_space<vmem>>) target_semaphore(%dma_start3A_956 : memref<!tpu.dma_semaphore, #tpu.memory_space<semaphore_mem>>)
      } else {
      }
      %rem3A_904 = arith.constant 7 : i32
      %rem3A_905 = arith.remsi %scan3A_897, %rem3A_904 : i32
      %rem3A_906 = arith.constant 5 : i32
      %rem3A_907 = arith.remsi %scan3A_897, %rem3A_906 : i32
      %dma_wait3A_908 = arith.constant 0 : i32
      %dma_wait3A_909 = arith.constant 0 : i32
      %dma_wait3A_910 = arith.constant 0 : i32
      %dma_wait3A_911 = tpu.memref_slice %arg6[%rem3A_907, %dma_wait3A_909, %dma_wait3A_910] : memref<5x64x128xf32, #tpu.memory_space<vmem>> -> memref<1x64x128xf32, #tpu.memory_space<vmem>>
      %dma_wait3A_912 = tpu.memref_squeeze %dma_wait3A_911 : memref<1x64x128xf32, #tpu.memory_space<vmem>> -> memref<64x128xf32, #tpu.memory_space<vmem>>
      %dma_wait3A_913 = arith.constant 0 : i32
      %dma_wait3A_914 = tpu.memref_slice %arg5[%rem3A_905, %dma_wait3A_908, %dma_wait3A_913] : memref<7x2x64xi32, #tpu.memory_space<vmem>> -> memref<1x1x64xi32, #tpu.memory_space<vmem>>
      %dma_wait3A_915 = tpu.memref_squeeze %dma_wait3A_914 : memref<1x1x64xi32, #tpu.memory_space<vmem>> -> memref<64xi32, #tpu.memory_space<vmem>>
      %dma_wait3A_916 = arith.constant 0 : i32
      %dma_wait3A_917 = arith.constant 0 : i32
      %dma_wait3A_918 = tpu.memref_slice %arg2[%dma_wait3A_916, %dma_wait3A_917] : memref<10000x128xf32, #tpu.memory_space<hbm>> -> memref<10000x128xf32, #tpu.memory_space<hbm>>
      %dma_wait3A_919 = tpu.memref_slice %arg9[%rem3A_907] : memref<5x!tpu.dma_semaphore, #tpu.memory_space<semaphore_mem>> -> memref<1x!tpu.dma_semaphore, #tpu.memory_space<semaphore_mem>>
      %dma_wait3A_920 = tpu.memref_squeeze %dma_wait3A_919 : memref<1x!tpu.dma_semaphore, #tpu.memory_space<semaphore_mem>> -> memref<!tpu.dma_semaphore, #tpu.memory_space<semaphore_mem>>
      tpu.wait_indirect_dma semaphore(%dma_wait3A_920 : memref<!tpu.dma_semaphore, #tpu.memory_space<semaphore_mem>>) src(%dma_wait3A_918 : memref<10000x128xf32, #tpu.memory_space<hbm>>) dst(%dma_wait3A_912 : memref<64x128xf32, #tpu.memory_space<vmem>>)
      %rem3A_921 = arith.constant 7 : i32
      %rem3A_922 = arith.remsi %scan3A_897, %rem3A_921 : i32
      %rem3A_923 = arith.constant 5 : i32
      %rem3A_924 = arith.remsi %scan3A_897, %rem3A_923 : i32
      %dma_start3A_925 = arith.constant 1 : i32
      %dma_start3A_926 = arith.constant 0 : i32
      %dma_start3A_927 = arith.constant 0 : i32
      %dma_start3A_928 = tpu.memref_slice %arg6[%rem3A_924, %dma_start3A_926, %dma_start3A_927] : memref<5x64x128xf32, #tpu.memory_space<vmem>> -> memref<1x64x128xf32, #tpu.memory_space<vmem>>
      %dma_start3A_929 = tpu.memref_squeeze %dma_start3A_928 : memref<1x64x128xf32, #tpu.memory_space<vmem>> -> memref<64x128xf32, #tpu.memory_space<vmem>>
      %dma_start3A_930 = arith.constant 0 : i32
      %dma_start3A_931 = tpu.memref_slice %arg5[%rem3A_922, %dma_start3A_925, %dma_start3A_930] : memref<7x2x64xi32, #tpu.memory_space<vmem>> -> memref<1x1x64xi32, #tpu.memory_space<vmem>>
      %dma_start3A_932 = tpu.memref_squeeze %dma_start3A_931 : memref<1x1x64xi32, #tpu.memory_space<vmem>> -> memref<64xi32, #tpu.memory_space<vmem>>
      %dma_start3A_933 = arith.constant 0 : i32
      %dma_start3A_934 = arith.constant 0 : i32
      %dma_start3A_935 = tpu.memref_slice %arg7[%dma_start3A_933, %dma_start3A_934] : memref<10240x128xf32, #tpu.memory_space<vmem_shared>> -> memref<10240x128xf32, #tpu.memory_space<vmem_shared>>
      %dma_start3A_936 = tpu.memref_slice %arg10[%rem3A_924] : memref<5x!tpu.dma_semaphore, #tpu.memory_space<semaphore_mem>> -> memref<1x!tpu.dma_semaphore, #tpu.memory_space<semaphore_mem>>
      %dma_start3A_937 = tpu.memref_squeeze %dma_start3A_936 : memref<1x!tpu.dma_semaphore, #tpu.memory_space<semaphore_mem>> -> memref<!tpu.dma_semaphore, #tpu.memory_space<semaphore_mem>>
      tpu.enqueue_indirect_dma source(%dma_start3A_929 : memref<64x128xf32, #tpu.memory_space<vmem>>) target(%dma_start3A_935 : memref<10240x128xf32, #tpu.memory_space<vmem_shared>>) offsets(%dma_start3A_932 : memref<64xi32, #tpu.memory_space<vmem>>) semaphore(%dma_start3A_937 : memref<!tpu.dma_semaphore, #tpu.memory_space<semaphore_mem>>) {add = true}
      %add3A_938 = arith.constant 4 : i32
      %add3A_939 = arith.addi %scan3A_897, %add3A_938 : i32
      %lt3A_940 = arith.constant 160 : i32
      %lt3A_941 = arith.cmpi slt, %add3A_939, %lt3A_940 : i32
      %convert_element_type3A_942 = arith.extui %lt3A_941 : i1 to i32
      %cond3A_943 = arith.constant 0 : i32
      %cond3A_944 = arith.cmpi ne, %convert_element_type3A_942, %cond3A_943 : i32
      scf.if %cond3A_944 {
        %ge3A = arith.constant 5 : i32
        %ge3A_945 = arith.cmpi sge, %add3A_939, %ge3A : i32
        %convert_element_type3A_946 = arith.extui %ge3A_945 : i1 to i32
        %cond3A_947 = arith.constant 0 : i32
        %cond3A_948 = arith.cmpi ne, %convert_element_type3A_946, %cond3A_947 : i32
        scf.if %cond3A_948 {
          %sub3A = arith.constant 5 : i32
          %sub3A_986 = arith.subi %add3A_939, %sub3A : i32
          %rem3A_987 = arith.constant 7 : i32
          %rem3A_988 = arith.remsi %sub3A_986, %rem3A_987 : i32
          %rem3A_989 = arith.constant 5 : i32
          %rem3A_990 = arith.remsi %sub3A_986, %rem3A_989 : i32
          %dma_wait3A_991 = arith.constant 1 : i32
          %dma_wait3A_992 = arith.constant 0 : i32
          %dma_wait3A_993 = arith.constant 0 : i32
          %dma_wait3A_994 = tpu.memref_slice %arg6[%rem3A_990, %dma_wait3A_992, %dma_wait3A_993] : memref<5x64x128xf32, #tpu.memory_space<vmem>> -> memref<1x64x128xf32, #tpu.memory_space<vmem>>
          %dma_wait3A_995 = tpu.memref_squeeze %dma_wait3A_994 : memref<1x64x128xf32, #tpu.memory_space<vmem>> -> memref<64x128xf32, #tpu.memory_space<vmem>>
          %dma_wait3A_996 = arith.constant 0 : i32
          %dma_wait3A_997 = tpu.memref_slice %arg5[%rem3A_988, %dma_wait3A_991, %dma_wait3A_996] : memref<7x2x64xi32, #tpu.memory_space<vmem>> -> memref<1x1x64xi32, #tpu.memory_space<vmem>>
          %dma_wait3A_998 = tpu.memref_squeeze %dma_wait3A_997 : memref<1x1x64xi32, #tpu.memory_space<vmem>> -> memref<64xi32, #tpu.memory_space<vmem>>
          %dma_wait3A_999 = arith.constant 0 : i32
          %dma_wait3A_1000 = arith.constant 0 : i32
          %dma_wait3A_1001 = tpu.memref_slice %arg7[%dma_wait3A_999, %dma_wait3A_1000] : memref<10240x128xf32, #tpu.memory_space<vmem_shared>> -> memref<10240x128xf32, #tpu.memory_space<vmem_shared>>
          %dma_wait3A_1002 = tpu.memref_slice %arg10[%rem3A_990] : memref<5x!tpu.dma_semaphore, #tpu.memory_space<semaphore_mem>> -> memref<1x!tpu.dma_semaphore, #tpu.memory_space<semaphore_mem>>
          %dma_wait3A_1003 = tpu.memref_squeeze %dma_wait3A_1002 : memref<1x!tpu.dma_semaphore, #tpu.memory_space<semaphore_mem>> -> memref<!tpu.dma_semaphore, #tpu.memory_space<semaphore_mem>>
          tpu.wait_indirect_dma semaphore(%dma_wait3A_1003 : memref<!tpu.dma_semaphore, #tpu.memory_space<semaphore_mem>>) src(%dma_wait3A_995 : memref<64x128xf32, #tpu.memory_space<vmem>>) dst(%dma_wait3A_1001 : memref<10240x128xf32, #tpu.memory_space<vmem_shared>>)
        } else {
        }
        %rem3A_949 = arith.constant 7 : i32
        %rem3A_950 = arith.remsi %add3A_939, %rem3A_949 : i32
        %dma_wait3A_951 = arith.constant 0 : i32
        %dma_wait3A_952 = arith.constant 0 : i32
        %dma_wait3A_953 = tpu.memref_slice %arg5[%rem3A_950, %dma_wait3A_951, %dma_wait3A_952] : memref<7x2x64xi32, #tpu.memory_space<vmem>> -> memref<1x2x64xi32, #tpu.memory_space<vmem>>
        %dma_wait3A_954 = tpu.memref_squeeze %dma_wait3A_953 : memref<1x2x64xi32, #tpu.memory_space<vmem>> -> memref<2x64xi32, #tpu.memory_space<vmem>>
        %dma_wait3A_955 = arith.constant 0 : i32
        %dma_wait3A_956 = arith.constant 0 : i32
        %dma_wait3A_957 = tpu.memref_slice %arg3[%add3A, %add3A_939, %dma_wait3A_955, %dma_wait3A_956] : memref<32x160x2x64xi32, #tpu.memory_space<hbm>> -> memref<1x1x2x64xi32, #tpu.memory_space<hbm>>
        %dma_wait3A_958 = tpu.memref_squeeze %dma_wait3A_957 : memref<1x1x2x64xi32, #tpu.memory_space<hbm>> -> memref<2x64xi32, #tpu.memory_space<hbm>>
        %dma_wait3A_959 = tpu.memref_slice %arg8[%rem3A_950] : memref<7x!tpu.dma_semaphore, #tpu.memory_space<semaphore_mem>> -> memref<1x!tpu.dma_semaphore, #tpu.memory_space<semaphore_mem>>
        %dma_wait3A_960 = tpu.memref_squeeze %dma_wait3A_959 : memref<1x!tpu.dma_semaphore, #tpu.memory_space<semaphore_mem>> -> memref<!tpu.dma_semaphore, #tpu.memory_space<semaphore_mem>>
        %dma_wait3A_961 = arith.constant 0 : i32
        %dma_wait3A_962 = arith.constant 0 : i32
        %dma_wait3A_963 = tpu.memref_slice %arg5[%rem3A_950, %dma_wait3A_961, %dma_wait3A_962] : memref<7x2x64xi32, #tpu.memory_space<vmem>> -> memref<1x2x64xi32, #tpu.memory_space<vmem>>
        %dma_wait3A_964 = tpu.memref_squeeze %dma_wait3A_963 : memref<1x2x64xi32, #tpu.memory_space<vmem>> -> memref<2x64xi32, #tpu.memory_space<vmem>>
        %dma_wait3A_965 = arith.constant 0 : i32
        %dma_wait3A_966 = arith.constant 0 : i32
        %dma_wait3A_967 = tpu.memref_slice %arg3[%add3A, %add3A_939, %dma_wait3A_965, %dma_wait3A_966] : memref<32x160x2x64xi32, #tpu.memory_space<hbm>> -> memref<1x1x2x64xi32, #tpu.memory_space<hbm>>
        %dma_wait3A_968 = tpu.memref_squeeze %dma_wait3A_967 : memref<1x1x2x64xi32, #tpu.memory_space<hbm>> -> memref<2x64xi32, #tpu.memory_space<hbm>>
        tpu.wait_dma2 semaphore(%dma_wait3A_960 : memref<!tpu.dma_semaphore, #tpu.memory_space<semaphore_mem>>) src(%dma_wait3A_968 : memref<2x64xi32, #tpu.memory_space<hbm>>) dst(%dma_wait3A_964 : memref<2x64xi32, #tpu.memory_space<vmem>>)
        %rem3A_969 = arith.constant 7 : i32
        %rem3A_970 = arith.remsi %add3A_939, %rem3A_969 : i32
        %rem3A_971 = arith.constant 5 : i32
        %rem3A_972 = arith.remsi %add3A_939, %rem3A_971 : i32
        %dma_start3A_973 = arith.constant 0 : i32
        %dma_start3A_974 = arith.constant 0 : i32
        %dma_start3A_975 = arith.constant 0 : i32
        %dma_start3A_976 = tpu.memref_slice %arg6[%rem3A_972, %dma_start3A_974, %dma_start3A_975] : memref<5x64x128xf32, #tpu.memory_space<vmem>> -> memref<1x64x128xf32, #tpu.memory_space<vmem>>
        %dma_start3A_977 = tpu.memref_squeeze %dma_start3A_976 : memref<1x64x128xf32, #tpu.memory_space<vmem>> -> memref<64x128xf32, #tpu.memory_space<vmem>>
        %dma_start3A_978 = arith.constant 0 : i32
        %dma_start3A_979 = tpu.memref_slice %arg5[%rem3A_970, %dma_start3A_973, %dma_start3A_978] : memref<7x2x64xi32, #tpu.memory_space<vmem>> -> memref<1x1x64xi32, #tpu.memory_space<vmem>>
        %dma_start3A_980 = tpu.memref_squeeze %dma_start3A_979 : memref<1x1x64xi32, #tpu.memory_space<vmem>> -> memref<64xi32, #tpu.memory_space<vmem>>
        %dma_start3A_981 = arith.constant 0 : i32
        %dma_start3A_982 = arith.constant 0 : i32
        %dma_start3A_983 = tpu.memref_slice %arg2[%dma_start3A_981, %dma_start3A_982] : memref<10000x128xf32, #tpu.memory_space<hbm>> -> memref<10000x128xf32, #tpu.memory_space<hbm>>
        %dma_start3A_984 = tpu.memref_slice %arg9[%rem3A_972] : memref<5x!tpu.dma_semaphore, #tpu.memory_space<semaphore_mem>> -> memref<1x!tpu.dma_semaphore, #tpu.memory_space<semaphore_mem>>
        %dma_start3A_985 = tpu.memref_squeeze %dma_start3A_984 : memref<1x!tpu.dma_semaphore, #tpu.memory_space<semaphore_mem>> -> memref<!tpu.dma_semaphore, #tpu.memory_space<semaphore_mem>>
        tpu.enqueue_indirect_dma source(%dma_start3A_983 : memref<10000x128xf32, #tpu.memory_space<hbm>>) target(%dma_start3A_977 : memref<64x128xf32, #tpu.memory_space<vmem>>) offsets(%dma_start3A_980 : memref<64xi32, #tpu.memory_space<vmem>>) semaphore(%dma_start3A_985 : memref<!tpu.dma_semaphore, #tpu.memory_space<semaphore_mem>>)
      } else {
      }
    }
    %scan3A_620 = arith.constant 160 : i32
    %rem3A_621 = arith.constant 155 : i32
    %rem3A_622 = arith.constant 7 : i32
    %rem3A_623 = arith.remsi %rem3A_621, %rem3A_622 : i32
    %rem3A_624 = arith.constant 155 : i32
    %rem3A_625 = arith.constant 5 : i32
    %rem3A_626 = arith.remsi %rem3A_624, %rem3A_625 : i32
    %dma_wait3A_627 = arith.constant 1 : i32
    %dma_wait3A_628 = arith.constant 0 : i32
    %dma_wait3A_629 = arith.constant 0 : i32
    %dma_wait3A_630 = tpu.memref_slice %arg6[%rem3A_626, %dma_wait3A_628, %dma_wait3A_629] : memref<5x64x128xf32, #tpu.memory_space<vmem>> -> memref<1x64x128xf32, #tpu.memory_space<vmem>>
    %dma_wait3A_631 = tpu.memref_squeeze %dma_wait3A_630 : memref<1x64x128xf32, #tpu.memory_space<vmem>> -> memref<64x128xf32, #tpu.memory_space<vmem>>
    %dma_wait3A_632 = arith.constant 0 : i32
    %dma_wait3A_633 = tpu.memref_slice %arg5[%rem3A_623, %dma_wait3A_627, %dma_wait3A_632] : memref<7x2x64xi32, #tpu.memory_space<vmem>> -> memref<1x1x64xi32, #tpu.memory_space<vmem>>
    %dma_wait3A_634 = tpu.memref_squeeze %dma_wait3A_633 : memref<1x1x64xi32, #tpu.memory_space<vmem>> -> memref<64xi32, #tpu.memory_space<vmem>>
    %dma_wait3A_635 = arith.constant 0 : i32
    %dma_wait3A_636 = arith.constant 0 : i32
    %dma_wait3A_637 = tpu.memref_slice %arg7[%dma_wait3A_635, %dma_wait3A_636] : memref<10240x128xf32, #tpu.memory_space<vmem_shared>> -> memref<10240x128xf32, #tpu.memory_space<vmem_shared>>
    %dma_wait3A_638 = tpu.memref_slice %arg10[%rem3A_626] : memref<5x!tpu.dma_semaphore, #tpu.memory_space<semaphore_mem>> -> memref<1x!tpu.dma_semaphore, #tpu.memory_space<semaphore_mem>>
    %dma_wait3A_639 = tpu.memref_squeeze %dma_wait3A_638 : memref<1x!tpu.dma_semaphore, #tpu.memory_space<semaphore_mem>> -> memref<!tpu.dma_semaphore, #tpu.memory_space<semaphore_mem>>
    tpu.wait_indirect_dma semaphore(%dma_wait3A_639 : memref<!tpu.dma_semaphore, #tpu.memory_space<semaphore_mem>>) src(%dma_wait3A_631 : memref<64x128xf32, #tpu.memory_space<vmem>>) dst(%dma_wait3A_637 : memref<10240x128xf32, #tpu.memory_space<vmem_shared>>)
    %rem3A_640 = arith.constant 156 : i32
    %rem3A_641 = arith.constant 7 : i32
    %rem3A_642 = arith.remsi %rem3A_640, %rem3A_641 : i32
    %rem3A_643 = arith.constant 156 : i32
    %rem3A_644 = arith.constant 5 : i32
    %rem3A_645 = arith.remsi %rem3A_643, %rem3A_644 : i32
    %dma_wait3A_646 = arith.constant 1 : i32
    %dma_wait3A_647 = arith.constant 0 : i32
    %dma_wait3A_648 = arith.constant 0 : i32
    %dma_wait3A_649 = tpu.memref_slice %arg6[%rem3A_645, %dma_wait3A_647, %dma_wait3A_648] : memref<5x64x128xf32, #tpu.memory_space<vmem>> -> memref<1x64x128xf32, #tpu.memory_space<vmem>>
    %dma_wait3A_650 = tpu.memref_squeeze %dma_wait3A_649 : memref<1x64x128xf32, #tpu.memory_space<vmem>> -> memref<64x128xf32, #tpu.memory_space<vmem>>
    %dma_wait3A_651 = arith.constant 0 : i32
    %dma_wait3A_652 = tpu.memref_slice %arg5[%rem3A_642, %dma_wait3A_646, %dma_wait3A_651] : memref<7x2x64xi32, #tpu.memory_space<vmem>> -> memref<1x1x64xi32, #tpu.memory_space<vmem>>
    %dma_wait3A_653 = tpu.memref_squeeze %dma_wait3A_652 : memref<1x1x64xi32, #tpu.memory_space<vmem>> -> memref<64xi32, #tpu.memory_space<vmem>>
    %dma_wait3A_654 = arith.constant 0 : i32
    %dma_wait3A_655 = arith.constant 0 : i32
    %dma_wait3A_656 = tpu.memref_slice %arg7[%dma_wait3A_654, %dma_wait3A_655] : memref<10240x128xf32, #tpu.memory_space<vmem_shared>> -> memref<10240x128xf32, #tpu.memory_space<vmem_shared>>
    %dma_wait3A_657 = tpu.memref_slice %arg10[%rem3A_645] : memref<5x!tpu.dma_semaphore, #tpu.memory_space<semaphore_mem>> -> memref<1x!tpu.dma_semaphore, #tpu.memory_space<semaphore_mem>>
    %dma_wait3A_658 = tpu.memref_squeeze %dma_wait3A_657 : memref<1x!tpu.dma_semaphore, #tpu.memory_space<semaphore_mem>> -> memref<!tpu.dma_semaphore, #tpu.memory_space<semaphore_mem>>
    tpu.wait_indirect_dma semaphore(%dma_wait3A_658 : memref<!tpu.dma_semaphore, #tpu.memory_space<semaphore_mem>>) src(%dma_wait3A_650 : memref<64x128xf32, #tpu.memory_space<vmem>>) dst(%dma_wait3A_656 : memref<10240x128xf32, #tpu.memory_space<vmem_shared>>)
    %rem3A_659 = arith.constant 157 : i32
    %rem3A_660 = arith.constant 7 : i32
    %rem3A_661 = arith.remsi %rem3A_659, %rem3A_660 : i32
    %rem3A_662 = arith.constant 157 : i32
    %rem3A_663 = arith.constant 5 : i32
    %rem3A_664 = arith.remsi %rem3A_662, %rem3A_663 : i32
    %dma_wait3A_665 = arith.constant 1 : i32
    %dma_wait3A_666 = arith.constant 0 : i32
    %dma_wait3A_667 = arith.constant 0 : i32
    %dma_wait3A_668 = tpu.memref_slice %arg6[%rem3A_664, %dma_wait3A_666, %dma_wait3A_667] : memref<5x64x128xf32, #tpu.memory_space<vmem>> -> memref<1x64x128xf32, #tpu.memory_space<vmem>>
    %dma_wait3A_669 = tpu.memref_squeeze %dma_wait3A_668 : memref<1x64x128xf32, #tpu.memory_space<vmem>> -> memref<64x128xf32, #tpu.memory_space<vmem>>
    %dma_wait3A_670 = arith.constant 0 : i32
    %dma_wait3A_671 = tpu.memref_slice %arg5[%rem3A_661, %dma_wait3A_665, %dma_wait3A_670] : memref<7x2x64xi32, #tpu.memory_space<vmem>> -> memref<1x1x64xi32, #tpu.memory_space<vmem>>
    %dma_wait3A_672 = tpu.memref_squeeze %dma_wait3A_671 : memref<1x1x64xi32, #tpu.memory_space<vmem>> -> memref<64xi32, #tpu.memory_space<vmem>>
    %dma_wait3A_673 = arith.constant 0 : i32
    %dma_wait3A_674 = arith.constant 0 : i32
    %dma_wait3A_675 = tpu.memref_slice %arg7[%dma_wait3A_673, %dma_wait3A_674] : memref<10240x128xf32, #tpu.memory_space<vmem_shared>> -> memref<10240x128xf32, #tpu.memory_space<vmem_shared>>
    %dma_wait3A_676 = tpu.memref_slice %arg10[%rem3A_664] : memref<5x!tpu.dma_semaphore, #tpu.memory_space<semaphore_mem>> -> memref<1x!tpu.dma_semaphore, #tpu.memory_space<semaphore_mem>>
    %dma_wait3A_677 = tpu.memref_squeeze %dma_wait3A_676 : memref<1x!tpu.dma_semaphore, #tpu.memory_space<semaphore_mem>> -> memref<!tpu.dma_semaphore, #tpu.memory_space<semaphore_mem>>
    tpu.wait_indirect_dma semaphore(%dma_wait3A_677 : memref<!tpu.dma_semaphore, #tpu.memory_space<semaphore_mem>>) src(%dma_wait3A_669 : memref<64x128xf32, #tpu.memory_space<vmem>>) dst(%dma_wait3A_675 : memref<10240x128xf32, #tpu.memory_space<vmem_shared>>)
    %rem3A_678 = arith.constant 158 : i32
    %rem3A_679 = arith.constant 7 : i32
    %rem3A_680 = arith.remsi %rem3A_678, %rem3A_679 : i32
    %rem3A_681 = arith.constant 158 : i32
    %rem3A_682 = arith.constant 5 : i32
    %rem3A_683 = arith.remsi %rem3A_681, %rem3A_682 : i32
    %dma_wait3A_684 = arith.constant 1 : i32
    %dma_wait3A_685 = arith.constant 0 : i32
    %dma_wait3A_686 = arith.constant 0 : i32
    %dma_wait3A_687 = tpu.memref_slice %arg6[%rem3A_683, %dma_wait3A_685, %dma_wait3A_686] : memref<5x64x128xf32, #tpu.memory_space<vmem>> -> memref<1x64x128xf32, #tpu.memory_space<vmem>>
    %dma_wait3A_688 = tpu.memref_squeeze %dma_wait3A_687 : memref<1x64x128xf32, #tpu.memory_space<vmem>> -> memref<64x128xf32, #tpu.memory_space<vmem>>
    %dma_wait3A_689 = arith.constant 0 : i32
    %dma_wait3A_690 = tpu.memref_slice %arg5[%rem3A_680, %dma_wait3A_684, %dma_wait3A_689] : memref<7x2x64xi32, #tpu.memory_space<vmem>> -> memref<1x1x64xi32, #tpu.memory_space<vmem>>
    %dma_wait3A_691 = tpu.memref_squeeze %dma_wait3A_690 : memref<1x1x64xi32, #tpu.memory_space<vmem>> -> memref<64xi32, #tpu.memory_space<vmem>>
    %dma_wait3A_692 = arith.constant 0 : i32
    %dma_wait3A_693 = arith.constant 0 : i32
    %dma_wait3A_694 = tpu.memref_slice %arg7[%dma_wait3A_692, %dma_wait3A_693] : memref<10240x128xf32, #tpu.memory_space<vmem_shared>> -> memref<10240x128xf32, #tpu.memory_space<vmem_shared>>
    %dma_wait3A_695 = tpu.memref_slice %arg10[%rem3A_683] : memref<5x!tpu.dma_semaphore, #tpu.memory_space<semaphore_mem>> -> memref<1x!tpu.dma_semaphore, #tpu.memory_space<semaphore_mem>>
    %dma_wait3A_696 = tpu.memref_squeeze %dma_wait3A_695 : memref<1x!tpu.dma_semaphore, #tpu.memory_space<semaphore_mem>> -> memref<!tpu.dma_semaphore, #tpu.memory_space<semaphore_mem>>
    tpu.wait_indirect_dma semaphore(%dma_wait3A_696 : memref<!tpu.dma_semaphore, #tpu.memory_space<semaphore_mem>>) src(%dma_wait3A_688 : memref<64x128xf32, #tpu.memory_space<vmem>>) dst(%dma_wait3A_694 : memref<10240x128xf32, #tpu.memory_space<vmem_shared>>)
    %rem3A_697 = arith.constant 159 : i32
    %rem3A_698 = arith.constant 7 : i32
    %rem3A_699 = arith.remsi %rem3A_697, %rem3A_698 : i32
    %rem3A_700 = arith.constant 159 : i32
    %rem3A_701 = arith.constant 5 : i32
    %rem3A_702 = arith.remsi %rem3A_700, %rem3A_701 : i32
    %dma_wait3A_703 = arith.constant 1 : i32
    %dma_wait3A_704 = arith.constant 0 : i32
    %dma_wait3A_705 = arith.constant 0 : i32
    %dma_wait3A_706 = tpu.memref_slice %arg6[%rem3A_702, %dma_wait3A_704, %dma_wait3A_705] : memref<5x64x128xf32, #tpu.memory_space<vmem>> -> memref<1x64x128xf32, #tpu.memory_space<vmem>>
    %dma_wait3A_707 = tpu.memref_squeeze %dma_wait3A_706 : memref<1x64x128xf32, #tpu.memory_space<vmem>> -> memref<64x128xf32, #tpu.memory_space<vmem>>
    %dma_wait3A_708 = arith.constant 0 : i32
    %dma_wait3A_709 = tpu.memref_slice %arg5[%rem3A_699, %dma_wait3A_703, %dma_wait3A_708] : memref<7x2x64xi32, #tpu.memory_space<vmem>> -> memref<1x1x64xi32, #tpu.memory_space<vmem>>
    %dma_wait3A_710 = tpu.memref_squeeze %dma_wait3A_709 : memref<1x1x64xi32, #tpu.memory_space<vmem>> -> memref<64xi32, #tpu.memory_space<vmem>>
    %dma_wait3A_711 = arith.constant 0 : i32
    %dma_wait3A_712 = arith.constant 0 : i32
    %dma_wait3A_713 = tpu.memref_slice %arg7[%dma_wait3A_711, %dma_wait3A_712] : memref<10240x128xf32, #tpu.memory_space<vmem_shared>> -> memref<10240x128xf32, #tpu.memory_space<vmem_shared>>
    %dma_wait3A_714 = tpu.memref_slice %arg10[%rem3A_702] : memref<5x!tpu.dma_semaphore, #tpu.memory_space<semaphore_mem>> -> memref<1x!tpu.dma_semaphore, #tpu.memory_space<semaphore_mem>>
    %dma_wait3A_715 = tpu.memref_squeeze %dma_wait3A_714 : memref<1x!tpu.dma_semaphore, #tpu.memory_space<semaphore_mem>> -> memref<!tpu.dma_semaphore, #tpu.memory_space<semaphore_mem>>
    tpu.wait_indirect_dma semaphore(%dma_wait3A_715 : memref<!tpu.dma_semaphore, #tpu.memory_space<semaphore_mem>>) src(%dma_wait3A_707 : memref<64x128xf32, #tpu.memory_space<vmem>>) dst(%dma_wait3A_713 : memref<10240x128xf32, #tpu.memory_space<vmem_shared>>)
    %barrier3A_716 = arith.constant 0 : index
    tpu.barrier barrier_id(%barrier3A_716)
    %mul3A_717 = arith.constant 640 : i32
    %mul3A_718 = arith.muli %arg1, %mul3A_717 : i32
    %add3A_719 = arith.constant 0 : i32
    %add3A_720 = arith.addi %mul3A_718, %add3A_719 : i32
    %dma_start3A_721 = arith.constant 0 : i32
    %dma_start3A_722 = tpu.memref_slice %arg4[%arg0, %add3A_720, %dma_start3A_721] : memref<2x10240x128xf32, #tpu.memory_space<hbm>> -> memref<1x64x128xf32, #tpu.memory_space<hbm>>
    %dma_start3A_723 = tpu.memref_squeeze %dma_start3A_722 : memref<1x64x128xf32, #tpu.memory_space<hbm>> -> memref<64x128xf32, #tpu.memory_space<hbm>>
    %dma_start3A_724 = arith.constant 0 : i32
    %dma_start3A_725 = tpu.memref_slice %arg7[%add3A_720, %dma_start3A_724] : memref<10240x128xf32, #tpu.memory_space<vmem_shared>> -> memref<64x128xf32, #tpu.memory_space<vmem_shared>>
    tpu.enqueue_dma source(%dma_start3A_725 : memref<64x128xf32, #tpu.memory_space<vmem_shared>>) target(%dma_start3A_723 : memref<64x128xf32, #tpu.memory_space<hbm>>) target_semaphore(%arg11 : memref<!tpu.dma_semaphore, #tpu.memory_space<semaphore_mem>>)
    %mul3A_726 = arith.constant 640 : i32
    %mul3A_727 = arith.muli %arg1, %mul3A_726 : i32
    %add3A_728 = arith.constant 64 : i32
    %add3A_729 = arith.addi %mul3A_727, %add3A_728 : i32
    %dma_start3A_730 = arith.constant 0 : i32
    %dma_start3A_731 = tpu.memref_slice %arg4[%arg0, %add3A_729, %dma_start3A_730] : memref<2x10240x128xf32, #tpu.memory_space<hbm>> -> memref<1x64x128xf32, #tpu.memory_space<hbm>>
    %dma_start3A_732 = tpu.memref_squeeze %dma_start3A_731 : memref<1x64x128xf32, #tpu.memory_space<hbm>> -> memref<64x128xf32, #tpu.memory_space<hbm>>
    %dma_start3A_733 = arith.constant 0 : i32
    %dma_start3A_734 = tpu.memref_slice %arg7[%add3A_729, %dma_start3A_733] : memref<10240x128xf32, #tpu.memory_space<vmem_shared>> -> memref<64x128xf32, #tpu.memory_space<vmem_shared>>
    tpu.enqueue_dma source(%dma_start3A_734 : memref<64x128xf32, #tpu.memory_space<vmem_shared>>) target(%dma_start3A_732 : memref<64x128xf32, #tpu.memory_space<hbm>>) target_semaphore(%arg11 : memref<!tpu.dma_semaphore, #tpu.memory_space<semaphore_mem>>)
    %mul3A_735 = arith.constant 640 : i32
    %mul3A_736 = arith.muli %arg1, %mul3A_735 : i32
    %add3A_737 = arith.constant 128 : i32
    %add3A_738 = arith.addi %mul3A_736, %add3A_737 : i32
    %dma_start3A_739 = arith.constant 0 : i32
    %dma_start3A_740 = tpu.memref_slice %arg4[%arg0, %add3A_738, %dma_start3A_739] : memref<2x10240x128xf32, #tpu.memory_space<hbm>> -> memref<1x64x128xf32, #tpu.memory_space<hbm>>
    %dma_start3A_741 = tpu.memref_squeeze %dma_start3A_740 : memref<1x64x128xf32, #tpu.memory_space<hbm>> -> memref<64x128xf32, #tpu.memory_space<hbm>>
    %dma_start3A_742 = arith.constant 0 : i32
    %dma_start3A_743 = tpu.memref_slice %arg7[%add3A_738, %dma_start3A_742] : memref<10240x128xf32, #tpu.memory_space<vmem_shared>> -> memref<64x128xf32, #tpu.memory_space<vmem_shared>>
    tpu.enqueue_dma source(%dma_start3A_743 : memref<64x128xf32, #tpu.memory_space<vmem_shared>>) target(%dma_start3A_741 : memref<64x128xf32, #tpu.memory_space<hbm>>) target_semaphore(%arg11 : memref<!tpu.dma_semaphore, #tpu.memory_space<semaphore_mem>>)
    %mul3A_744 = arith.constant 640 : i32
    %mul3A_745 = arith.muli %arg1, %mul3A_744 : i32
    %add3A_746 = arith.constant 192 : i32
    %add3A_747 = arith.addi %mul3A_745, %add3A_746 : i32
    %dma_start3A_748 = arith.constant 0 : i32
    %dma_start3A_749 = tpu.memref_slice %arg4[%arg0, %add3A_747, %dma_start3A_748] : memref<2x10240x128xf32, #tpu.memory_space<hbm>> -> memref<1x64x128xf32, #tpu.memory_space<hbm>>
    %dma_start3A_750 = tpu.memref_squeeze %dma_start3A_749 : memref<1x64x128xf32, #tpu.memory_space<hbm>> -> memref<64x128xf32, #tpu.memory_space<hbm>>
    %dma_start3A_751 = arith.constant 0 : i32
    %dma_start3A_752 = tpu.memref_slice %arg7[%add3A_747, %dma_start3A_751] : memref<10240x128xf32, #tpu.memory_space<vmem_shared>> -> memref<64x128xf32, #tpu.memory_space<vmem_shared>>
    tpu.enqueue_dma source(%dma_start3A_752 : memref<64x128xf32, #tpu.memory_space<vmem_shared>>) target(%dma_start3A_750 : memref<64x128xf32, #tpu.memory_space<hbm>>) target_semaphore(%arg11 : memref<!tpu.dma_semaphore, #tpu.memory_space<semaphore_mem>>)
    %mul3A_753 = arith.constant 640 : i32
    %mul3A_754 = arith.muli %arg1, %mul3A_753 : i32
    %add3A_755 = arith.constant 256 : i32
    %add3A_756 = arith.addi %mul3A_754, %add3A_755 : i32
    %dma_start3A_757 = arith.constant 0 : i32
    %dma_start3A_758 = tpu.memref_slice %arg4[%arg0, %add3A_756, %dma_start3A_757] : memref<2x10240x128xf32, #tpu.memory_space<hbm>> -> memref<1x64x128xf32, #tpu.memory_space<hbm>>
    %dma_start3A_759 = tpu.memref_squeeze %dma_start3A_758 : memref<1x64x128xf32, #tpu.memory_space<hbm>> -> memref<64x128xf32, #tpu.memory_space<hbm>>
    %dma_start3A_760 = arith.constant 0 : i32
    %dma_start3A_761 = tpu.memref_slice %arg7[%add3A_756, %dma_start3A_760] : memref<10240x128xf32, #tpu.memory_space<vmem_shared>> -> memref<64x128xf32, #tpu.memory_space<vmem_shared>>
    tpu.enqueue_dma source(%dma_start3A_761 : memref<64x128xf32, #tpu.memory_space<vmem_shared>>) target(%dma_start3A_759 : memref<64x128xf32, #tpu.memory_space<hbm>>) target_semaphore(%arg11 : memref<!tpu.dma_semaphore, #tpu.memory_space<semaphore_mem>>)
    %mul3A_762 = arith.constant 640 : i32
    %mul3A_763 = arith.muli %arg1, %mul3A_762 : i32
    %add3A_764 = arith.constant 320 : i32
    %add3A_765 = arith.addi %mul3A_763, %add3A_764 : i32
    %dma_start3A_766 = arith.constant 0 : i32
    %dma_start3A_767 = tpu.memref_slice %arg4[%arg0, %add3A_765, %dma_start3A_766] : memref<2x10240x128xf32, #tpu.memory_space<hbm>> -> memref<1x64x128xf32, #tpu.memory_space<hbm>>
    %dma_start3A_768 = tpu.memref_squeeze %dma_start3A_767 : memref<1x64x128xf32, #tpu.memory_space<hbm>> -> memref<64x128xf32, #tpu.memory_space<hbm>>
    %dma_start3A_769 = arith.constant 0 : i32
    %dma_start3A_770 = tpu.memref_slice %arg7[%add3A_765, %dma_start3A_769] : memref<10240x128xf32, #tpu.memory_space<vmem_shared>> -> memref<64x128xf32, #tpu.memory_space<vmem_shared>>
    tpu.enqueue_dma source(%dma_start3A_770 : memref<64x128xf32, #tpu.memory_space<vmem_shared>>) target(%dma_start3A_768 : memref<64x128xf32, #tpu.memory_space<hbm>>) target_semaphore(%arg11 : memref<!tpu.dma_semaphore, #tpu.memory_space<semaphore_mem>>)
    %mul3A_771 = arith.constant 640 : i32
    %mul3A_772 = arith.muli %arg1, %mul3A_771 : i32
    %add3A_773 = arith.constant 384 : i32
    %add3A_774 = arith.addi %mul3A_772, %add3A_773 : i32
    %dma_start3A_775 = arith.constant 0 : i32
    %dma_start3A_776 = tpu.memref_slice %arg4[%arg0, %add3A_774, %dma_start3A_775] : memref<2x10240x128xf32, #tpu.memory_space<hbm>> -> memref<1x64x128xf32, #tpu.memory_space<hbm>>
    %dma_start3A_777 = tpu.memref_squeeze %dma_start3A_776 : memref<1x64x128xf32, #tpu.memory_space<hbm>> -> memref<64x128xf32, #tpu.memory_space<hbm>>
    %dma_start3A_778 = arith.constant 0 : i32
    %dma_start3A_779 = tpu.memref_slice %arg7[%add3A_774, %dma_start3A_778] : memref<10240x128xf32, #tpu.memory_space<vmem_shared>> -> memref<64x128xf32, #tpu.memory_space<vmem_shared>>
    tpu.enqueue_dma source(%dma_start3A_779 : memref<64x128xf32, #tpu.memory_space<vmem_shared>>) target(%dma_start3A_777 : memref<64x128xf32, #tpu.memory_space<hbm>>) target_semaphore(%arg11 : memref<!tpu.dma_semaphore, #tpu.memory_space<semaphore_mem>>)
    %mul3A_780 = arith.constant 640 : i32
    %mul3A_781 = arith.muli %arg1, %mul3A_780 : i32
    %add3A_782 = arith.constant 448 : i32
    %add3A_783 = arith.addi %mul3A_781, %add3A_782 : i32
    %dma_start3A_784 = arith.constant 0 : i32
    %dma_start3A_785 = tpu.memref_slice %arg4[%arg0, %add3A_783, %dma_start3A_784] : memref<2x10240x128xf32, #tpu.memory_space<hbm>> -> memref<1x64x128xf32, #tpu.memory_space<hbm>>
    %dma_start3A_786 = tpu.memref_squeeze %dma_start3A_785 : memref<1x64x128xf32, #tpu.memory_space<hbm>> -> memref<64x128xf32, #tpu.memory_space<hbm>>
    %dma_start3A_787 = arith.constant 0 : i32
    %dma_start3A_788 = tpu.memref_slice %arg7[%add3A_783, %dma_start3A_787] : memref<10240x128xf32, #tpu.memory_space<vmem_shared>> -> memref<64x128xf32, #tpu.memory_space<vmem_shared>>
    tpu.enqueue_dma source(%dma_start3A_788 : memref<64x128xf32, #tpu.memory_space<vmem_shared>>) target(%dma_start3A_786 : memref<64x128xf32, #tpu.memory_space<hbm>>) target_semaphore(%arg11 : memref<!tpu.dma_semaphore, #tpu.memory_space<semaphore_mem>>)
    %mul3A_789 = arith.constant 640 : i32
    %mul3A_790 = arith.muli %arg1, %mul3A_789 : i32
    %add3A_791 = arith.constant 512 : i32
    %add3A_792 = arith.addi %mul3A_790, %add3A_791 : i32
    %dma_start3A_793 = arith.constant 0 : i32
    %dma_start3A_794 = tpu.memref_slice %arg4[%arg0, %add3A_792, %dma_start3A_793] : memref<2x10240x128xf32, #tpu.memory_space<hbm>> -> memref<1x64x128xf32, #tpu.memory_space<hbm>>
    %dma_start3A_795 = tpu.memref_squeeze %dma_start3A_794 : memref<1x64x128xf32, #tpu.memory_space<hbm>> -> memref<64x128xf32, #tpu.memory_space<hbm>>
    %dma_start3A_796 = arith.constant 0 : i32
    %dma_start3A_797 = tpu.memref_slice %arg7[%add3A_792, %dma_start3A_796] : memref<10240x128xf32, #tpu.memory_space<vmem_shared>> -> memref<64x128xf32, #tpu.memory_space<vmem_shared>>
    tpu.enqueue_dma source(%dma_start3A_797 : memref<64x128xf32, #tpu.memory_space<vmem_shared>>) target(%dma_start3A_795 : memref<64x128xf32, #tpu.memory_space<hbm>>) target_semaphore(%arg11 : memref<!tpu.dma_semaphore, #tpu.memory_space<semaphore_mem>>)
    %mul3A_798 = arith.constant 640 : i32
    %mul3A_799 = arith.muli %arg1, %mul3A_798 : i32
    %add3A_800 = arith.constant 576 : i32
    %add3A_801 = arith.addi %mul3A_799, %add3A_800 : i32
    %dma_start3A_802 = arith.constant 0 : i32
    %dma_start3A_803 = tpu.memref_slice %arg4[%arg0, %add3A_801, %dma_start3A_802] : memref<2x10240x128xf32, #tpu.memory_space<hbm>> -> memref<1x64x128xf32, #tpu.memory_space<hbm>>
    %dma_start3A_804 = tpu.memref_squeeze %dma_start3A_803 : memref<1x64x128xf32, #tpu.memory_space<hbm>> -> memref<64x128xf32, #tpu.memory_space<hbm>>
    %dma_start3A_805 = arith.constant 0 : i32
    %dma_start3A_806 = tpu.memref_slice %arg7[%add3A_801, %dma_start3A_805] : memref<10240x128xf32, #tpu.memory_space<vmem_shared>> -> memref<64x128xf32, #tpu.memory_space<vmem_shared>>
    tpu.enqueue_dma source(%dma_start3A_806 : memref<64x128xf32, #tpu.memory_space<vmem_shared>>) target(%dma_start3A_804 : memref<64x128xf32, #tpu.memory_space<hbm>>) target_semaphore(%arg11 : memref<!tpu.dma_semaphore, #tpu.memory_space<semaphore_mem>>)
    %mul3A_807 = arith.constant 640 : i32
    %mul3A_808 = arith.muli %arg1, %mul3A_807 : i32
    %add3A_809 = arith.constant 0 : i32
    %add3A_810 = arith.addi %mul3A_808, %add3A_809 : i32
    %dma_wait3A_811 = arith.constant 0 : i32
    %dma_wait3A_812 = tpu.memref_slice %arg4[%arg0, %add3A_810, %dma_wait3A_811] : memref<2x10240x128xf32, #tpu.memory_space<hbm>> -> memref<1x64x128xf32, #tpu.memory_space<hbm>>
    %dma_wait3A_813 = tpu.memref_squeeze %dma_wait3A_812 : memref<1x64x128xf32, #tpu.memory_space<hbm>> -> memref<64x128xf32, #tpu.memory_space<hbm>>
    %dma_wait3A_814 = arith.constant 0 : i32
    %dma_wait3A_815 = tpu.memref_slice %arg7[%add3A_810, %dma_wait3A_814] : memref<10240x128xf32, #tpu.memory_space<vmem_shared>> -> memref<64x128xf32, #tpu.memory_space<vmem_shared>>
    tpu.wait_dma2 semaphore(%arg11 : memref<!tpu.dma_semaphore, #tpu.memory_space<semaphore_mem>>) src(%dma_wait3A_815 : memref<64x128xf32, #tpu.memory_space<vmem_shared>>) dst(%dma_wait3A_813 : memref<64x128xf32, #tpu.memory_space<hbm>>)
    %mul3A_816 = arith.constant 640 : i32
    %mul3A_817 = arith.muli %arg1, %mul3A_816 : i32
    %add3A_818 = arith.constant 64 : i32
    %add3A_819 = arith.addi %mul3A_817, %add3A_818 : i32
    %dma_wait3A_820 = arith.constant 0 : i32
    %dma_wait3A_821 = tpu.memref_slice %arg4[%arg0, %add3A_819, %dma_wait3A_820] : memref<2x10240x128xf32, #tpu.memory_space<hbm>> -> memref<1x64x128xf32, #tpu.memory_space<hbm>>
    %dma_wait3A_822 = tpu.memref_squeeze %dma_wait3A_821 : memref<1x64x128xf32, #tpu.memory_space<hbm>> -> memref<64x128xf32, #tpu.memory_space<hbm>>
    %dma_wait3A_823 = arith.constant 0 : i32
    %dma_wait3A_824 = tpu.memref_slice %arg7[%add3A_819, %dma_wait3A_823] : memref<10240x128xf32, #tpu.memory_space<vmem_shared>> -> memref<64x128xf32, #tpu.memory_space<vmem_shared>>
    tpu.wait_dma2 semaphore(%arg11 : memref<!tpu.dma_semaphore, #tpu.memory_space<semaphore_mem>>) src(%dma_wait3A_824 : memref<64x128xf32, #tpu.memory_space<vmem_shared>>) dst(%dma_wait3A_822 : memref<64x128xf32, #tpu.memory_space<hbm>>)
    %mul3A_825 = arith.constant 640 : i32
    %mul3A_826 = arith.muli %arg1, %mul3A_825 : i32
    %add3A_827 = arith.constant 128 : i32
    %add3A_828 = arith.addi %mul3A_826, %add3A_827 : i32
    %dma_wait3A_829 = arith.constant 0 : i32
    %dma_wait3A_830 = tpu.memref_slice %arg4[%arg0, %add3A_828, %dma_wait3A_829] : memref<2x10240x128xf32, #tpu.memory_space<hbm>> -> memref<1x64x128xf32, #tpu.memory_space<hbm>>
    %dma_wait3A_831 = tpu.memref_squeeze %dma_wait3A_830 : memref<1x64x128xf32, #tpu.memory_space<hbm>> -> memref<64x128xf32, #tpu.memory_space<hbm>>
    %dma_wait3A_832 = arith.constant 0 : i32
    %dma_wait3A_833 = tpu.memref_slice %arg7[%add3A_828, %dma_wait3A_832] : memref<10240x128xf32, #tpu.memory_space<vmem_shared>> -> memref<64x128xf32, #tpu.memory_space<vmem_shared>>
    tpu.wait_dma2 semaphore(%arg11 : memref<!tpu.dma_semaphore, #tpu.memory_space<semaphore_mem>>) src(%dma_wait3A_833 : memref<64x128xf32, #tpu.memory_space<vmem_shared>>) dst(%dma_wait3A_831 : memref<64x128xf32, #tpu.memory_space<hbm>>)
    %mul3A_834 = arith.constant 640 : i32
    %mul3A_835 = arith.muli %arg1, %mul3A_834 : i32
    %add3A_836 = arith.constant 192 : i32
    %add3A_837 = arith.addi %mul3A_835, %add3A_836 : i32
    %dma_wait3A_838 = arith.constant 0 : i32
    %dma_wait3A_839 = tpu.memref_slice %arg4[%arg0, %add3A_837, %dma_wait3A_838] : memref<2x10240x128xf32, #tpu.memory_space<hbm>> -> memref<1x64x128xf32, #tpu.memory_space<hbm>>
    %dma_wait3A_840 = tpu.memref_squeeze %dma_wait3A_839 : memref<1x64x128xf32, #tpu.memory_space<hbm>> -> memref<64x128xf32, #tpu.memory_space<hbm>>
    %dma_wait3A_841 = arith.constant 0 : i32
    %dma_wait3A_842 = tpu.memref_slice %arg7[%add3A_837, %dma_wait3A_841] : memref<10240x128xf32, #tpu.memory_space<vmem_shared>> -> memref<64x128xf32, #tpu.memory_space<vmem_shared>>
    tpu.wait_dma2 semaphore(%arg11 : memref<!tpu.dma_semaphore, #tpu.memory_space<semaphore_mem>>) src(%dma_wait3A_842 : memref<64x128xf32, #tpu.memory_space<vmem_shared>>) dst(%dma_wait3A_840 : memref<64x128xf32, #tpu.memory_space<hbm>>)
    %mul3A_843 = arith.constant 640 : i32
    %mul3A_844 = arith.muli %arg1, %mul3A_843 : i32
    %add3A_845 = arith.constant 256 : i32
    %add3A_846 = arith.addi %mul3A_844, %add3A_845 : i32
    %dma_wait3A_847 = arith.constant 0 : i32
    %dma_wait3A_848 = tpu.memref_slice %arg4[%arg0, %add3A_846, %dma_wait3A_847] : memref<2x10240x128xf32, #tpu.memory_space<hbm>> -> memref<1x64x128xf32, #tpu.memory_space<hbm>>
    %dma_wait3A_849 = tpu.memref_squeeze %dma_wait3A_848 : memref<1x64x128xf32, #tpu.memory_space<hbm>> -> memref<64x128xf32, #tpu.memory_space<hbm>>
    %dma_wait3A_850 = arith.constant 0 : i32
    %dma_wait3A_851 = tpu.memref_slice %arg7[%add3A_846, %dma_wait3A_850] : memref<10240x128xf32, #tpu.memory_space<vmem_shared>> -> memref<64x128xf32, #tpu.memory_space<vmem_shared>>
    tpu.wait_dma2 semaphore(%arg11 : memref<!tpu.dma_semaphore, #tpu.memory_space<semaphore_mem>>) src(%dma_wait3A_851 : memref<64x128xf32, #tpu.memory_space<vmem_shared>>) dst(%dma_wait3A_849 : memref<64x128xf32, #tpu.memory_space<hbm>>)
    %mul3A_852 = arith.constant 640 : i32
    %mul3A_853 = arith.muli %arg1, %mul3A_852 : i32
    %add3A_854 = arith.constant 320 : i32
    %add3A_855 = arith.addi %mul3A_853, %add3A_854 : i32
    %dma_wait3A_856 = arith.constant 0 : i32
    %dma_wait3A_857 = tpu.memref_slice %arg4[%arg0, %add3A_855, %dma_wait3A_856] : memref<2x10240x128xf32, #tpu.memory_space<hbm>> -> memref<1x64x128xf32, #tpu.memory_space<hbm>>
    %dma_wait3A_858 = tpu.memref_squeeze %dma_wait3A_857 : memref<1x64x128xf32, #tpu.memory_space<hbm>> -> memref<64x128xf32, #tpu.memory_space<hbm>>
    %dma_wait3A_859 = arith.constant 0 : i32
    %dma_wait3A_860 = tpu.memref_slice %arg7[%add3A_855, %dma_wait3A_859] : memref<10240x128xf32, #tpu.memory_space<vmem_shared>> -> memref<64x128xf32, #tpu.memory_space<vmem_shared>>
    tpu.wait_dma2 semaphore(%arg11 : memref<!tpu.dma_semaphore, #tpu.memory_space<semaphore_mem>>) src(%dma_wait3A_860 : memref<64x128xf32, #tpu.memory_space<vmem_shared>>) dst(%dma_wait3A_858 : memref<64x128xf32, #tpu.memory_space<hbm>>)
    %mul3A_861 = arith.constant 640 : i32
    %mul3A_862 = arith.muli %arg1, %mul3A_861 : i32
    %add3A_863 = arith.constant 384 : i32
    %add3A_864 = arith.addi %mul3A_862, %add3A_863 : i32
    %dma_wait3A_865 = arith.constant 0 : i32
    %dma_wait3A_866 = tpu.memref_slice %arg4[%arg0, %add3A_864, %dma_wait3A_865] : memref<2x10240x128xf32, #tpu.memory_space<hbm>> -> memref<1x64x128xf32, #tpu.memory_space<hbm>>
    %dma_wait3A_867 = tpu.memref_squeeze %dma_wait3A_866 : memref<1x64x128xf32, #tpu.memory_space<hbm>> -> memref<64x128xf32, #tpu.memory_space<hbm>>
    %dma_wait3A_868 = arith.constant 0 : i32
    %dma_wait3A_869 = tpu.memref_slice %arg7[%add3A_864, %dma_wait3A_868] : memref<10240x128xf32, #tpu.memory_space<vmem_shared>> -> memref<64x128xf32, #tpu.memory_space<vmem_shared>>
    tpu.wait_dma2 semaphore(%arg11 : memref<!tpu.dma_semaphore, #tpu.memory_space<semaphore_mem>>) src(%dma_wait3A_869 : memref<64x128xf32, #tpu.memory_space<vmem_shared>>) dst(%dma_wait3A_867 : memref<64x128xf32, #tpu.memory_space<hbm>>)
    %mul3A_870 = arith.constant 640 : i32
    %mul3A_871 = arith.muli %arg1, %mul3A_870 : i32
    %add3A_872 = arith.constant 448 : i32
    %add3A_873 = arith.addi %mul3A_871, %add3A_872 : i32
    %dma_wait3A_874 = arith.constant 0 : i32
    %dma_wait3A_875 = tpu.memref_slice %arg4[%arg0, %add3A_873, %dma_wait3A_874] : memref<2x10240x128xf32, #tpu.memory_space<hbm>> -> memref<1x64x128xf32, #tpu.memory_space<hbm>>
    %dma_wait3A_876 = tpu.memref_squeeze %dma_wait3A_875 : memref<1x64x128xf32, #tpu.memory_space<hbm>> -> memref<64x128xf32, #tpu.memory_space<hbm>>
    %dma_wait3A_877 = arith.constant 0 : i32
    %dma_wait3A_878 = tpu.memref_slice %arg7[%add3A_873, %dma_wait3A_877] : memref<10240x128xf32, #tpu.memory_space<vmem_shared>> -> memref<64x128xf32, #tpu.memory_space<vmem_shared>>
    tpu.wait_dma2 semaphore(%arg11 : memref<!tpu.dma_semaphore, #tpu.memory_space<semaphore_mem>>) src(%dma_wait3A_878 : memref<64x128xf32, #tpu.memory_space<vmem_shared>>) dst(%dma_wait3A_876 : memref<64x128xf32, #tpu.memory_space<hbm>>)
    %mul3A_879 = arith.constant 640 : i32
    %mul3A_880 = arith.muli %arg1, %mul3A_879 : i32
    %add3A_881 = arith.constant 512 : i32
    %add3A_882 = arith.addi %mul3A_880, %add3A_881 : i32
    %dma_wait3A_883 = arith.constant 0 : i32
    %dma_wait3A_884 = tpu.memref_slice %arg4[%arg0, %add3A_882, %dma_wait3A_883] : memref<2x10240x128xf32, #tpu.memory_space<hbm>> -> memref<1x64x128xf32, #tpu.memory_space<hbm>>
    %dma_wait3A_885 = tpu.memref_squeeze %dma_wait3A_884 : memref<1x64x128xf32, #tpu.memory_space<hbm>> -> memref<64x128xf32, #tpu.memory_space<hbm>>
    %dma_wait3A_886 = arith.constant 0 : i32
    %dma_wait3A_887 = tpu.memref_slice %arg7[%add3A_882, %dma_wait3A_886] : memref<10240x128xf32, #tpu.memory_space<vmem_shared>> -> memref<64x128xf32, #tpu.memory_space<vmem_shared>>
    tpu.wait_dma2 semaphore(%arg11 : memref<!tpu.dma_semaphore, #tpu.memory_space<semaphore_mem>>) src(%dma_wait3A_887 : memref<64x128xf32, #tpu.memory_space<vmem_shared>>) dst(%dma_wait3A_885 : memref<64x128xf32, #tpu.memory_space<hbm>>)
    %mul3A_888 = arith.constant 640 : i32
    %mul3A_889 = arith.muli %arg1, %mul3A_888 : i32
    %add3A_890 = arith.constant 576 : i32
    %add3A_891 = arith.addi %mul3A_889, %add3A_890 : i32
    %dma_wait3A_892 = arith.constant 0 : i32
    %dma_wait3A_893 = tpu.memref_slice %arg4[%arg0, %add3A_891, %dma_wait3A_892] : memref<2x10240x128xf32, #tpu.memory_space<hbm>> -> memref<1x64x128xf32, #tpu.memory_space<hbm>>
    %dma_wait3A_894 = tpu.memref_squeeze %dma_wait3A_893 : memref<1x64x128xf32, #tpu.memory_space<hbm>> -> memref<64x128xf32, #tpu.memory_space<hbm>>
    %dma_wait3A_895 = arith.constant 0 : i32
    %dma_wait3A_896 = tpu.memref_slice %arg7[%add3A_891, %dma_wait3A_895] : memref<10240x128xf32, #tpu.memory_space<vmem_shared>> -> memref<64x128xf32, #tpu.memory_space<vmem_shared>>
    tpu.wait_dma2 semaphore(%arg11 : memref<!tpu.dma_semaphore, #tpu.memory_space<semaphore_mem>>) src(%dma_wait3A_896 : memref<64x128xf32, #tpu.memory_space<vmem_shared>>) dst(%dma_wait3A_894 : memref<64x128xf32, #tpu.memory_space<hbm>>)
    return
  }
}

module attributes {stable_mosaic.version = 14 : i64} {
  func.func @_fused_body(%arg0: i32, %arg1: i32, %arg2: memref<2000x128xf32, #tpu.memory_space<vmem>>, %arg3: memref<1x2000x128xf32, #tpu.memory_space<vmem>>, %arg4: memref<1x2000x128xf32, #tpu.memory_space<vmem>>, %arg5: memref<128x128xf32, #tpu.memory_space<vmem>>, %arg6: memref<1x128xf32, #tpu.memory_space<vmem>>, %arg7: memref<128x128xf32, #tpu.memory_space<vmem>>, %arg8: memref<1x128xf32, #tpu.memory_space<vmem>>, %arg9: memref<1x128xf32, #tpu.memory_space<vmem>>, %arg10: memref<1x128xf32, #tpu.memory_space<vmem>>, %arg11: memref<2000x128xf32, #tpu.memory_space<vmem>>, %arg12: memref<10000x128xf32, #tpu.memory_space<vmem>>, %arg13: memref<8x128xf32, #tpu.memory_space<vmem>>, %arg14: memref<8x128xf32, #tpu.memory_space<vmem>>) attributes {dimension_semantics = [#tpu.dimension_semantics<arbitrary>, #tpu.dimension_semantics<arbitrary>], iteration_bounds = array<i64: 2, 5>, scalar_prefetch = 0 : i64, scratch_operands = 3 : i64, tpu.core_type = #tpu.core_type<tc>, window_params = [{transform_indices = @transform_0, window_bounds = array<i64: 2000, 128>}, {transform_indices = @transform_1, window_bounds = array<i64: 1, 2000, 128>}, {transform_indices = @transform_2, window_bounds = array<i64: 1, 2000, 128>}, {pipeline_mode = #tpu.pipeline_mode<synchronous>, transform_indices = @transform_3, window_bounds = array<i64: 128, 128>}, {pipeline_mode = #tpu.pipeline_mode<synchronous>, transform_indices = @transform_4, window_bounds = array<i64: 1, 128>}, {pipeline_mode = #tpu.pipeline_mode<synchronous>, transform_indices = @transform_5, window_bounds = array<i64: 128, 128>}, {pipeline_mode = #tpu.pipeline_mode<synchronous>, transform_indices = @transform_6, window_bounds = array<i64: 1, 128>}, {pipeline_mode = #tpu.pipeline_mode<synchronous>, transform_indices = @transform_7, window_bounds = array<i64: 1, 128>}, {pipeline_mode = #tpu.pipeline_mode<synchronous>, transform_indices = @transform_8, window_bounds = array<i64: 1, 128>}, {transform_indices = @transform_9, window_bounds = array<i64: 2000, 128>}]} {
    %eq3A = arith.constant 0 : i32
    %eq3A_0 = arith.cmpi eq, %arg0, %eq3A : i32
    %convert_element_type3A = arith.extui %eq3A_0 : i1 to i32
    %cond3A = arith.constant 0 : i32
    %cond3A_1 = arith.cmpi ne, %convert_element_type3A, %cond3A : i32
    scf.if %cond3A_1 {
      %get3A = arith.constant 0 : index
      %get3A_7 = arith.constant 0 : index
      %get3A_8 = vector.load %arg2[%get3A, %get3A_7] : memref<2000x128xf32, #tpu.memory_space<vmem>>, vector<2000x128xf32>
      %get3A_9 = arith.constant 0 : index
      %get3A_10 = arith.constant 0 : index
      %get3A_11 = arith.constant 0 : index
      %get3A_12 = vector.load %arg3[%get3A_9, %get3A_10, %get3A_11] : memref<1x2000x128xf32, #tpu.memory_space<vmem>>, vector<1x2000x128xf32>
      %get3A_13 = vector.shape_cast %get3A_12 : vector<1x2000x128xf32> to vector<2000x128xf32>
      %add3A = arith.addf %get3A_8, %get3A_13 : vector<2000x128xf32>
      %get3A_14 = arith.constant 0 : index
      %get3A_15 = arith.constant 0 : index
      %get3A_16 = arith.constant 0 : index
      %get3A_17 = vector.load %arg4[%get3A_14, %get3A_15, %get3A_16] : memref<1x2000x128xf32, #tpu.memory_space<vmem>>, vector<1x2000x128xf32>
      %get3A_18 = vector.shape_cast %get3A_17 : vector<1x2000x128xf32> to vector<2000x128xf32>
      %add3A_19 = arith.addf %add3A, %get3A_18 : vector<2000x128xf32>
      %get3A_20 = arith.constant 0 : index
      %get3A_21 = arith.constant 0 : index
      %get3A_22 = vector.load %arg5[%get3A_20, %get3A_21] : memref<128x128xf32, #tpu.memory_space<vmem>>, vector<128x128xf32>
      %dot_general3A = arith.constant dense<0.000000e+00> : vector<2000x128xf32>
      %dot_general3A_23 = tpu.matmul %add3A_19, %get3A_22, %dot_general3A {dimension_numbers = #tpu.dot_dimension_numbers<[1], [0], [0], [1], [0, 0, 1, 1], [], []>, transpose_lhs_hint = false} : vector<2000x128xf32>, vector<128x128xf32>, vector<2000x128xf32> -> vector<2000x128xf32>
      %get3A_24 = arith.constant 0 : index
      %get3A_25 = arith.constant 0 : index
      %get3A_26 = vector.load %arg6[%get3A_24, %get3A_25] : memref<1x128xf32, #tpu.memory_space<vmem>>, vector<1x128xf32>
      %add3A_27 = vector.broadcast %get3A_26 : vector<1x128xf32> to vector<2000x128xf32>
      %add3A_28 = arith.addf %dot_general3A_23, %add3A_27 : vector<2000x128xf32>
      %max3A = arith.constant 0.000000e+00 : f32
      %max3A_29 = vector.broadcast %max3A : f32 to vector<2000x128xf32>
      %max3A_30 = arith.maximumf %add3A_28, %max3A_29 : vector<2000x128xf32>
      %get3A_31 = arith.constant 0 : index
      %get3A_32 = arith.constant 0 : index
      %get3A_33 = vector.load %arg7[%get3A_31, %get3A_32] : memref<128x128xf32, #tpu.memory_space<vmem>>, vector<128x128xf32>
      %dot_general3A_34 = arith.constant dense<0.000000e+00> : vector<2000x128xf32>
      %dot_general3A_35 = tpu.matmul %max3A_30, %get3A_33, %dot_general3A_34 {dimension_numbers = #tpu.dot_dimension_numbers<[1], [0], [0], [1], [0, 0, 1, 1], [], []>, transpose_lhs_hint = false} : vector<2000x128xf32>, vector<128x128xf32>, vector<2000x128xf32> -> vector<2000x128xf32>
      %get3A_36 = arith.constant 0 : index
      %get3A_37 = arith.constant 0 : index
      %get3A_38 = vector.load %arg8[%get3A_36, %get3A_37] : memref<1x128xf32, #tpu.memory_space<vmem>>, vector<1x128xf32>
      %add3A_39 = vector.broadcast %get3A_38 : vector<1x128xf32> to vector<2000x128xf32>
      %add3A_40 = arith.addf %dot_general3A_35, %add3A_39 : vector<2000x128xf32>
      %max3A_41 = arith.constant 0.000000e+00 : f32
      %max3A_42 = vector.broadcast %max3A_41 : f32 to vector<2000x128xf32>
      %max3A_43 = arith.maximumf %add3A_40, %max3A_42 : vector<2000x128xf32>
      %mul3A = arith.constant 2000 : i32
      %mul3A_44 = arith.muli %arg1, %mul3A : i32
      %swap3A = arith.index_cast %mul3A_44 : i32 to index
      %swap3A_45 = arith.constant 0 : index
      %swap3A_46 = vector.load %arg12[%swap3A, %swap3A_45] : memref<10000x128xf32, #tpu.memory_space<vmem>>, vector<2000x128xf32>
      tpu.vector_store %arg12[%swap3A, %swap3A_45], %max3A_43 {strides = array<i32>} : memref<10000x128xf32, #tpu.memory_space<vmem>>, vector<2000x128xf32>,
      %reshape3A = vector.shape_cast %max3A_43 : vector<2000x128xf32> to vector<250x8x128xf32>
      %reduce_sum3A = arith.constant dense<0.000000e+00> : vector<8x128xf32>
      %reduce_sum3A_47 = vector.multi_reduction <add>, %reshape3A, %reduce_sum3A [0] : vector<250x8x128xf32> to vector<8x128xf32>
      %mul3A_48 = arith.mulf %max3A_43, %max3A_43 : vector<2000x128xf32>
      %reshape3A_49 = vector.shape_cast %mul3A_48 : vector<2000x128xf32> to vector<250x8x128xf32>
      %reduce_sum3A_50 = arith.constant dense<0.000000e+00> : vector<8x128xf32>
      %reduce_sum3A_51 = vector.multi_reduction <add>, %reshape3A_49, %reduce_sum3A_50 [0] : vector<250x8x128xf32> to vector<8x128xf32>
      %eq3A_52 = arith.constant 0 : i32
      %eq3A_53 = arith.cmpi eq, %arg1, %eq3A_52 : i32
      %convert_element_type3A_54 = arith.extui %eq3A_53 : i1 to i32
      %cond3A_55 = arith.constant 0 : i32
      %cond3A_56 = arith.cmpi ne, %convert_element_type3A_54, %cond3A_55 : i32
      scf.if %cond3A_56 {
        %swap3A_61 = arith.constant 0 : index
        %swap3A_62 = arith.constant 0 : index
        %swap3A_63 = vector.load %arg13[%swap3A_61, %swap3A_62] : memref<8x128xf32, #tpu.memory_space<vmem>>, vector<8x128xf32>
        tpu.vector_store %arg13[%swap3A_61, %swap3A_62], %reduce_sum3A_47 {strides = array<i32>} : memref<8x128xf32, #tpu.memory_space<vmem>>, vector<8x128xf32>,
        %swap3A_64 = arith.constant 0 : index
        %swap3A_65 = arith.constant 0 : index
        %swap3A_66 = vector.load %arg14[%swap3A_64, %swap3A_65] : memref<8x128xf32, #tpu.memory_space<vmem>>, vector<8x128xf32>
        tpu.vector_store %arg14[%swap3A_64, %swap3A_65], %reduce_sum3A_51 {strides = array<i32>} : memref<8x128xf32, #tpu.memory_space<vmem>>, vector<8x128xf32>,
      } else {
      }
      %gt3A = arith.constant 0 : i32
      %gt3A_57 = arith.cmpi sgt, %arg1, %gt3A : i32
      %convert_element_type3A_58 = arith.extui %gt3A_57 : i1 to i32
      %cond3A_59 = arith.constant 0 : i32
      %cond3A_60 = arith.cmpi ne, %convert_element_type3A_58, %cond3A_59 : i32
      scf.if %cond3A_60 {
        %get3A_61 = arith.constant 0 : index
        %get3A_62 = arith.constant 0 : index
        %get3A_63 = vector.load %arg13[%get3A_61, %get3A_62] : memref<8x128xf32, #tpu.memory_space<vmem>>, vector<8x128xf32>
        %add3A_64 = arith.addf %get3A_63, %reduce_sum3A_47 : vector<8x128xf32>
        %swap3A_65 = arith.constant 0 : index
        %swap3A_66 = arith.constant 0 : index
        %swap3A_67 = vector.load %arg13[%swap3A_65, %swap3A_66] : memref<8x128xf32, #tpu.memory_space<vmem>>, vector<8x128xf32>
        tpu.vector_store %arg13[%swap3A_65, %swap3A_66], %add3A_64 {strides = array<i32>} : memref<8x128xf32, #tpu.memory_space<vmem>>, vector<8x128xf32>,
        %get3A_68 = arith.constant 0 : index
        %get3A_69 = arith.constant 0 : index
        %get3A_70 = vector.load %arg14[%get3A_68, %get3A_69] : memref<8x128xf32, #tpu.memory_space<vmem>>, vector<8x128xf32>
        %add3A_71 = arith.addf %get3A_70, %reduce_sum3A_51 : vector<8x128xf32>
        %swap3A_72 = arith.constant 0 : index
        %swap3A_73 = arith.constant 0 : index
        %swap3A_74 = vector.load %arg14[%swap3A_72, %swap3A_73] : memref<8x128xf32, #tpu.memory_space<vmem>>, vector<8x128xf32>
        tpu.vector_store %arg14[%swap3A_72, %swap3A_73], %add3A_71 {strides = array<i32>} : memref<8x128xf32, #tpu.memory_space<vmem>>, vector<8x128xf32>,
      } else {
      }
    } else {
    }
    %eq3A_2 = arith.constant 1 : i32
    %eq3A_3 = arith.cmpi eq, %arg0, %eq3A_2 : i32
    %convert_element_type3A_4 = arith.extui %eq3A_3 : i1 to i32
    %cond3A_5 = arith.constant 0 : i32
    %cond3A_6 = arith.cmpi ne, %convert_element_type3A_4, %cond3A_5 : i32
    scf.if %cond3A_6 {
      %get3A = arith.constant 0 : index
      %get3A_7 = arith.constant 0 : index
      %get3A_8 = vector.load %arg13[%get3A, %get3A_7] : memref<8x128xf32, #tpu.memory_space<vmem>>, vector<8x128xf32>
      %reduce_sum3A = arith.constant dense<0.000000e+00> : vector<128xf32>
      %reduce_sum3A_9 = vector.multi_reduction <add>, %get3A_8, %reduce_sum3A [0] : vector<8x128xf32> to vector<128xf32>
      %broadcast_in_dim3A = vector.shape_cast %reduce_sum3A_9 : vector<128xf32> to vector<1x128xf32>
      %mul3A = arith.constant 9.99999974E-5 : f32
      %mul3A_10 = vector.broadcast %mul3A : f32 to vector<1x128xf32>
      %mul3A_11 = arith.mulf %broadcast_in_dim3A, %mul3A_10 : vector<1x128xf32>
      %get3A_12 = arith.constant 0 : index
      %get3A_13 = arith.constant 0 : index
      %get3A_14 = vector.load %arg14[%get3A_12, %get3A_13] : memref<8x128xf32, #tpu.memory_space<vmem>>, vector<8x128xf32>
      %reduce_sum3A_15 = arith.constant dense<0.000000e+00> : vector<128xf32>
      %reduce_sum3A_16 = vector.multi_reduction <add>, %get3A_14, %reduce_sum3A_15 [0] : vector<8x128xf32> to vector<128xf32>
      %broadcast_in_dim3A_17 = vector.shape_cast %reduce_sum3A_16 : vector<128xf32> to vector<1x128xf32>
      %mul3A_18 = arith.constant 9.99999974E-5 : f32
      %mul3A_19 = vector.broadcast %mul3A_18 : f32 to vector<1x128xf32>
      %mul3A_20 = arith.mulf %broadcast_in_dim3A_17, %mul3A_19 : vector<1x128xf32>
      %mul3A_21 = arith.mulf %mul3A_11, %mul3A_11 : vector<1x128xf32>
      %sub3A = arith.subf %mul3A_20, %mul3A_21 : vector<1x128xf32>
      %add3A = arith.constant 9.99999974E-6 : f32
      %add3A_22 = vector.broadcast %add3A : f32 to vector<1x128xf32>
      %add3A_23 = arith.addf %sub3A, %add3A_22 : vector<1x128xf32>
      %rsqrt3A = math.rsqrt %add3A_23 : vector<1x128xf32>
      %get3A_24 = arith.constant 0 : index
      %get3A_25 = arith.constant 0 : index
      %get3A_26 = vector.load %arg9[%get3A_24, %get3A_25] : memref<1x128xf32, #tpu.memory_space<vmem>>, vector<1x128xf32>
      %mul3A_27 = arith.mulf %get3A_26, %rsqrt3A : vector<1x128xf32>
      %get3A_28 = arith.constant 0 : index
      %get3A_29 = arith.constant 0 : index
      %get3A_30 = vector.load %arg10[%get3A_28, %get3A_29] : memref<1x128xf32, #tpu.memory_space<vmem>>, vector<1x128xf32>
      %mul3A_31 = arith.mulf %mul3A_11, %mul3A_27 : vector<1x128xf32>
      %sub3A_32 = arith.subf %get3A_30, %mul3A_31 : vector<1x128xf32>
      %mul3A_33 = arith.constant 2000 : i32
      %mul3A_34 = arith.muli %arg1, %mul3A_33 : i32
      %get3A_35 = arith.index_cast %mul3A_34 : i32 to index
      %get3A_36 = arith.constant 0 : index
      %get3A_37 = vector.load %arg12[%get3A_35, %get3A_36] : memref<10000x128xf32, #tpu.memory_space<vmem>>, vector<2000x128xf32>
      %mul3A_38 = vector.broadcast %mul3A_27 : vector<1x128xf32> to vector<2000x128xf32>
      %mul3A_39 = arith.mulf %get3A_37, %mul3A_38 : vector<2000x128xf32>
      %add3A_40 = vector.broadcast %sub3A_32 : vector<1x128xf32> to vector<2000x128xf32>
      %add3A_41 = arith.addf %mul3A_39, %add3A_40 : vector<2000x128xf32>
      %swap3A = arith.constant 0 : index
      %swap3A_42 = arith.constant 0 : index
      %swap3A_43 = vector.load %arg11[%swap3A, %swap3A_42] : memref<2000x128xf32, #tpu.memory_space<vmem>>, vector<2000x128xf32>
      tpu.vector_store %arg11[%swap3A, %swap3A_42], %add3A_41 {strides = array<i32>} : memref<2000x128xf32, #tpu.memory_space<vmem>>, vector<2000x128xf32>,
    } else {
    }
    return
  }
  func.func @transform_0(%arg0: i32, %arg1: i32) -> (i32, i32) {
    %sub3A = arith.constant 1 : i32
    %sub3A_0 = arith.subi %sub3A, %arg0 : i32
    %mul3A = arith.muli %arg1, %sub3A_0 : i32
    %c0_i32 = arith.constant 0 : i32
    %c0_i32_1 = arith.constant 0 : i32
    return %mul3A, %c0_i32 : i32, i32
  }
  func.func @transform_1(%arg0: i32, %arg1: i32) -> (i32, i32, i32) {
    %sub3A = arith.constant 1 : i32
    %sub3A_0 = arith.subi %sub3A, %arg0 : i32
    %mul3A = arith.muli %arg1, %sub3A_0 : i32
    %c0_i32 = arith.constant 0 : i32
    %c0_i32_1 = arith.constant 0 : i32
    %c0_i32_2 = arith.constant 0 : i32
    return %c0_i32, %mul3A, %c0_i32_1 : i32, i32, i32
  }
  func.func @transform_2(%arg0: i32, %arg1: i32) -> (i32, i32, i32) {
    %sub3A = arith.constant 1 : i32
    %sub3A_0 = arith.subi %sub3A, %arg0 : i32
    %mul3A = arith.muli %arg1, %sub3A_0 : i32
    %c1_i32 = arith.constant 1 : i32
    %c0_i32 = arith.constant 0 : i32
    %c0_i32_1 = arith.constant 0 : i32
    return %c1_i32, %mul3A, %c0_i32 : i32, i32, i32
  }
  func.func @transform_3(%arg0: i32, %arg1: i32) -> (i32, i32) {
    %c0_i32 = arith.constant 0 : i32
    %c0_i32_0 = arith.constant 0 : i32
    %c0_i32_1 = arith.constant 0 : i32
    return %c0_i32, %c0_i32_0 : i32, i32
  }
  func.func @transform_4(%arg0: i32, %arg1: i32) -> (i32, i32) {
    %c0_i32 = arith.constant 0 : i32
    %c0_i32_0 = arith.constant 0 : i32
    %c0_i32_1 = arith.constant 0 : i32
    return %c0_i32, %c0_i32_0 : i32, i32
  }
  func.func @transform_5(%arg0: i32, %arg1: i32) -> (i32, i32) {
    %c0_i32 = arith.constant 0 : i32
    %c0_i32_0 = arith.constant 0 : i32
    %c0_i32_1 = arith.constant 0 : i32
    return %c0_i32, %c0_i32_0 : i32, i32
  }
  func.func @transform_6(%arg0: i32, %arg1: i32) -> (i32, i32) {
    %c0_i32 = arith.constant 0 : i32
    %c0_i32_0 = arith.constant 0 : i32
    %c0_i32_1 = arith.constant 0 : i32
    return %c0_i32, %c0_i32_0 : i32, i32
  }
  func.func @transform_7(%arg0: i32, %arg1: i32) -> (i32, i32) {
    %c0_i32 = arith.constant 0 : i32
    %c0_i32_0 = arith.constant 0 : i32
    %c0_i32_1 = arith.constant 0 : i32
    return %c0_i32, %c0_i32_0 : i32, i32
  }
  func.func @transform_8(%arg0: i32, %arg1: i32) -> (i32, i32) {
    %c0_i32 = arith.constant 0 : i32
    %c0_i32_0 = arith.constant 0 : i32
    %c0_i32_1 = arith.constant 0 : i32
    return %c0_i32, %c0_i32_0 : i32, i32
  }
  func.func @transform_9(%arg0: i32, %arg1: i32) -> (i32, i32) {
    %mul3A = arith.muli %arg1, %arg0 : i32
    %c0_i32 = arith.constant 0 : i32
    %c0_i32_0 = arith.constant 0 : i32
    return %mul3A, %c0_i32 : i32, i32
  }
}

module attributes {stable_mosaic.version = 14 : i64} {
  func.func @_fused_body(%arg0: i32, %arg1: i32, %arg2: memref<2000x128xf32, #tpu.memory_space<vmem>>, %arg3: memref<1x2000x128xf32, #tpu.memory_space<vmem>>, %arg4: memref<1x2000x128xf32, #tpu.memory_space<vmem>>, %arg5: memref<128x128xf32, #tpu.memory_space<vmem>>, %arg6: memref<1x128xf32, #tpu.memory_space<vmem>>, %arg7: memref<128x128xf32, #tpu.memory_space<vmem>>, %arg8: memref<1x128xf32, #tpu.memory_space<vmem>>, %arg9: memref<1x128xf32, #tpu.memory_space<vmem>>, %arg10: memref<1x128xf32, #tpu.memory_space<vmem>>, %arg11: memref<2000x128xf32, #tpu.memory_space<vmem>>, %arg12: memref<10000x128xf32, #tpu.memory_space<vmem>>, %arg13: memref<8x128xf32, #tpu.memory_space<vmem>>, %arg14: memref<8x128xf32, #tpu.memory_space<vmem>>) attributes {dimension_semantics = [#tpu.dimension_semantics<arbitrary>, #tpu.dimension_semantics<arbitrary>], iteration_bounds = array<i64: 2, 5>, scalar_prefetch = 0 : i64, scratch_operands = 3 : i64, tpu.core_type = #tpu.core_type<tc>, window_params = [{transform_indices = @transform_0, window_bounds = array<i64: 2000, 128>}, {transform_indices = @transform_1, window_bounds = array<i64: 1, 2000, 128>}, {transform_indices = @transform_2, window_bounds = array<i64: 1, 2000, 128>}, {pipeline_mode = #tpu.pipeline_mode<synchronous>, transform_indices = @transform_3, window_bounds = array<i64: 128, 128>}, {pipeline_mode = #tpu.pipeline_mode<synchronous>, transform_indices = @transform_4, window_bounds = array<i64: 1, 128>}, {pipeline_mode = #tpu.pipeline_mode<synchronous>, transform_indices = @transform_5, window_bounds = array<i64: 128, 128>}, {pipeline_mode = #tpu.pipeline_mode<synchronous>, transform_indices = @transform_6, window_bounds = array<i64: 1, 128>}, {pipeline_mode = #tpu.pipeline_mode<synchronous>, transform_indices = @transform_7, window_bounds = array<i64: 1, 128>}, {pipeline_mode = #tpu.pipeline_mode<synchronous>, transform_indices = @transform_8, window_bounds = array<i64: 1, 128>}, {transform_indices = @transform_9, window_bounds = array<i64: 2000, 128>}]} {
    %eq3A = arith.constant 0 : i32
    %eq3A_0 = arith.cmpi eq, %arg0, %eq3A : i32
    %convert_element_type3A = arith.extui %eq3A_0 : i1 to i32
    %cond3A = arith.constant 0 : i32
    %cond3A_1 = arith.cmpi ne, %convert_element_type3A, %cond3A : i32
    scf.if %cond3A_1 {
      %get3A = arith.constant 0 : index
      %get3A_7 = arith.constant 0 : index
      %get3A_8 = vector.load %arg2[%get3A, %get3A_7] : memref<2000x128xf32, #tpu.memory_space<vmem>>, vector<2000x128xf32>
      %get3A_9 = arith.constant 0 : index
      %get3A_10 = arith.constant 0 : index
      %get3A_11 = arith.constant 0 : index
      %get3A_12 = vector.load %arg3[%get3A_9, %get3A_10, %get3A_11] : memref<1x2000x128xf32, #tpu.memory_space<vmem>>, vector<1x2000x128xf32>
      %get3A_13 = vector.shape_cast %get3A_12 : vector<1x2000x128xf32> to vector<2000x128xf32>
      %add3A = arith.addf %get3A_8, %get3A_13 : vector<2000x128xf32>
      %get3A_14 = arith.constant 0 : index
      %get3A_15 = arith.constant 0 : index
      %get3A_16 = arith.constant 0 : index
      %get3A_17 = vector.load %arg4[%get3A_14, %get3A_15, %get3A_16] : memref<1x2000x128xf32, #tpu.memory_space<vmem>>, vector<1x2000x128xf32>
      %get3A_18 = vector.shape_cast %get3A_17 : vector<1x2000x128xf32> to vector<2000x128xf32>
      %add3A_19 = arith.addf %add3A, %get3A_18 : vector<2000x128xf32>
      %get3A_20 = arith.constant 0 : index
      %get3A_21 = arith.constant 0 : index
      %get3A_22 = vector.load %arg5[%get3A_20, %get3A_21] : memref<128x128xf32, #tpu.memory_space<vmem>>, vector<128x128xf32>
      %dot_general3A = arith.constant dense<0.000000e+00> : vector<2000x128xf32>
      %dot_general3A_23 = tpu.matmul %add3A_19, %get3A_22, %dot_general3A {dimension_numbers = #tpu.dot_dimension_numbers<[1], [0], [0], [1], [0, 0, 1, 1], [], []>, transpose_lhs_hint = false} : vector<2000x128xf32>, vector<128x128xf32>, vector<2000x128xf32> -> vector<2000x128xf32>
      %get3A_24 = arith.constant 0 : index
      %get3A_25 = arith.constant 0 : index
      %get3A_26 = vector.load %arg6[%get3A_24, %get3A_25] : memref<1x128xf32, #tpu.memory_space<vmem>>, vector<1x128xf32>
      %add3A_27 = vector.broadcast %get3A_26 : vector<1x128xf32> to vector<2000x128xf32>
      %add3A_28 = arith.addf %dot_general3A_23, %add3A_27 : vector<2000x128xf32>
      %max3A = arith.constant 0.000000e+00 : f32
      %max3A_29 = vector.broadcast %max3A : f32 to vector<2000x128xf32>
      %max3A_30 = arith.maximumf %add3A_28, %max3A_29 : vector<2000x128xf32>
      %get3A_31 = arith.constant 0 : index
      %get3A_32 = arith.constant 0 : index
      %get3A_33 = vector.load %arg7[%get3A_31, %get3A_32] : memref<128x128xf32, #tpu.memory_space<vmem>>, vector<128x128xf32>
      %dot_general3A_34 = arith.constant dense<0.000000e+00> : vector<2000x128xf32>
      %dot_general3A_35 = tpu.matmul %max3A_30, %get3A_33, %dot_general3A_34 {dimension_numbers = #tpu.dot_dimension_numbers<[1], [0], [0], [1], [0, 0, 1, 1], [], []>, transpose_lhs_hint = false} : vector<2000x128xf32>, vector<128x128xf32>, vector<2000x128xf32> -> vector<2000x128xf32>
      %get3A_36 = arith.constant 0 : index
      %get3A_37 = arith.constant 0 : index
      %get3A_38 = vector.load %arg8[%get3A_36, %get3A_37] : memref<1x128xf32, #tpu.memory_space<vmem>>, vector<1x128xf32>
      %add3A_39 = vector.broadcast %get3A_38 : vector<1x128xf32> to vector<2000x128xf32>
      %add3A_40 = arith.addf %dot_general3A_35, %add3A_39 : vector<2000x128xf32>
      %max3A_41 = arith.constant 0.000000e+00 : f32
      %max3A_42 = vector.broadcast %max3A_41 : f32 to vector<2000x128xf32>
      %max3A_43 = arith.maximumf %add3A_40, %max3A_42 : vector<2000x128xf32>
      %mul3A = arith.constant 2000 : i32
      %mul3A_44 = arith.muli %arg1, %mul3A : i32
      %swap3A = arith.index_cast %mul3A_44 : i32 to index
      %swap3A_45 = arith.constant 0 : index
      %swap3A_46 = vector.load %arg12[%swap3A, %swap3A_45] : memref<10000x128xf32, #tpu.memory_space<vmem>>, vector<2000x128xf32>
      tpu.vector_store %arg12[%swap3A, %swap3A_45], %max3A_43 {strides = array<i32>} : memref<10000x128xf32, #tpu.memory_space<vmem>>, vector<2000x128xf32>,
      %reshape3A = vector.shape_cast %max3A_43 : vector<2000x128xf32> to vector<250x8x128xf32>
      %reduce_sum3A = arith.constant dense<0.000000e+00> : vector<8x128xf32>
      %reduce_sum3A_47 = vector.multi_reduction <add>, %reshape3A, %reduce_sum3A [0] : vector<250x8x128xf32> to vector<8x128xf32>
      %mul3A_48 = arith.mulf %max3A_43, %max3A_43 : vector<2000x128xf32>
      %reshape3A_49 = vector.shape_cast %mul3A_48 : vector<2000x128xf32> to vector<250x8x128xf32>
      %reduce_sum3A_50 = arith.constant dense<0.000000e+00> : vector<8x128xf32>
      %reduce_sum3A_51 = vector.multi_reduction <add>, %reshape3A_49, %reduce_sum3A_50 [0] : vector<250x8x128xf32> to vector<8x128xf32>
      %eq3A_52 = arith.constant 0 : i32
      %eq3A_53 = arith.cmpi eq, %arg1, %eq3A_52 : i32
      %convert_element_type3A_54 = arith.extui %eq3A_53 : i1 to i32
      %cond3A_55 = arith.constant 0 : i32
      %cond3A_56 = arith.cmpi ne, %convert_element_type3A_54, %cond3A_55 : i32
      scf.if %cond3A_56 {
        %swap3A_61 = arith.constant 0 : index
        %swap3A_62 = arith.constant 0 : index
        %swap3A_63 = vector.load %arg13[%swap3A_61, %swap3A_62] : memref<8x128xf32, #tpu.memory_space<vmem>>, vector<8x128xf32>
        tpu.vector_store %arg13[%swap3A_61, %swap3A_62], %reduce_sum3A_47 {strides = array<i32>} : memref<8x128xf32, #tpu.memory_space<vmem>>, vector<8x128xf32>,
        %swap3A_64 = arith.constant 0 : index
        %swap3A_65 = arith.constant 0 : index
        %swap3A_66 = vector.load %arg14[%swap3A_64, %swap3A_65] : memref<8x128xf32, #tpu.memory_space<vmem>>, vector<8x128xf32>
        tpu.vector_store %arg14[%swap3A_64, %swap3A_65], %reduce_sum3A_51 {strides = array<i32>} : memref<8x128xf32, #tpu.memory_space<vmem>>, vector<8x128xf32>,
      } else {
      }
      %gt3A = arith.constant 0 : i32
      %gt3A_57 = arith.cmpi sgt, %arg1, %gt3A : i32
      %convert_element_type3A_58 = arith.extui %gt3A_57 : i1 to i32
      %cond3A_59 = arith.constant 0 : i32
      %cond3A_60 = arith.cmpi ne, %convert_element_type3A_58, %cond3A_59 : i32
      scf.if %cond3A_60 {
        %get3A_61 = arith.constant 0 : index
        %get3A_62 = arith.constant 0 : index
        %get3A_63 = vector.load %arg13[%get3A_61, %get3A_62] : memref<8x128xf32, #tpu.memory_space<vmem>>, vector<8x128xf32>
        %add3A_64 = arith.addf %get3A_63, %reduce_sum3A_47 : vector<8x128xf32>
        %swap3A_65 = arith.constant 0 : index
        %swap3A_66 = arith.constant 0 : index
        %swap3A_67 = vector.load %arg13[%swap3A_65, %swap3A_66] : memref<8x128xf32, #tpu.memory_space<vmem>>, vector<8x128xf32>
        tpu.vector_store %arg13[%swap3A_65, %swap3A_66], %add3A_64 {strides = array<i32>} : memref<8x128xf32, #tpu.memory_space<vmem>>, vector<8x128xf32>,
        %get3A_68 = arith.constant 0 : index
        %get3A_69 = arith.constant 0 : index
        %get3A_70 = vector.load %arg14[%get3A_68, %get3A_69] : memref<8x128xf32, #tpu.memory_space<vmem>>, vector<8x128xf32>
        %add3A_71 = arith.addf %get3A_70, %reduce_sum3A_51 : vector<8x128xf32>
        %swap3A_72 = arith.constant 0 : index
        %swap3A_73 = arith.constant 0 : index
        %swap3A_74 = vector.load %arg14[%swap3A_72, %swap3A_73] : memref<8x128xf32, #tpu.memory_space<vmem>>, vector<8x128xf32>
        tpu.vector_store %arg14[%swap3A_72, %swap3A_73], %add3A_71 {strides = array<i32>} : memref<8x128xf32, #tpu.memory_space<vmem>>, vector<8x128xf32>,
      } else {
      }
    } else {
    }
    %eq3A_2 = arith.constant 1 : i32
    %eq3A_3 = arith.cmpi eq, %arg0, %eq3A_2 : i32
    %convert_element_type3A_4 = arith.extui %eq3A_3 : i1 to i32
    %cond3A_5 = arith.constant 0 : i32
    %cond3A_6 = arith.cmpi ne, %convert_element_type3A_4, %cond3A_5 : i32
    scf.if %cond3A_6 {
      %get3A = arith.constant 0 : index
      %get3A_7 = arith.constant 0 : index
      %get3A_8 = vector.load %arg13[%get3A, %get3A_7] : memref<8x128xf32, #tpu.memory_space<vmem>>, vector<8x128xf32>
      %reduce_sum3A = arith.constant dense<0.000000e+00> : vector<128xf32>
      %reduce_sum3A_9 = vector.multi_reduction <add>, %get3A_8, %reduce_sum3A [0] : vector<8x128xf32> to vector<128xf32>
      %broadcast_in_dim3A = vector.shape_cast %reduce_sum3A_9 : vector<128xf32> to vector<1x128xf32>
      %mul3A = arith.constant 9.99999974E-5 : f32
      %mul3A_10 = vector.broadcast %mul3A : f32 to vector<1x128xf32>
      %mul3A_11 = arith.mulf %broadcast_in_dim3A, %mul3A_10 : vector<1x128xf32>
      %get3A_12 = arith.constant 0 : index
      %get3A_13 = arith.constant 0 : index
      %get3A_14 = vector.load %arg14[%get3A_12, %get3A_13] : memref<8x128xf32, #tpu.memory_space<vmem>>, vector<8x128xf32>
      %reduce_sum3A_15 = arith.constant dense<0.000000e+00> : vector<128xf32>
      %reduce_sum3A_16 = vector.multi_reduction <add>, %get3A_14, %reduce_sum3A_15 [0] : vector<8x128xf32> to vector<128xf32>
      %broadcast_in_dim3A_17 = vector.shape_cast %reduce_sum3A_16 : vector<128xf32> to vector<1x128xf32>
      %mul3A_18 = arith.constant 9.99999974E-5 : f32
      %mul3A_19 = vector.broadcast %mul3A_18 : f32 to vector<1x128xf32>
      %mul3A_20 = arith.mulf %broadcast_in_dim3A_17, %mul3A_19 : vector<1x128xf32>
      %mul3A_21 = arith.mulf %mul3A_11, %mul3A_11 : vector<1x128xf32>
      %sub3A = arith.subf %mul3A_20, %mul3A_21 : vector<1x128xf32>
      %add3A = arith.constant 9.99999974E-6 : f32
      %add3A_22 = vector.broadcast %add3A : f32 to vector<1x128xf32>
      %add3A_23 = arith.addf %sub3A, %add3A_22 : vector<1x128xf32>
      %rsqrt3A = math.rsqrt %add3A_23 : vector<1x128xf32>
      %get3A_24 = arith.constant 0 : index
      %get3A_25 = arith.constant 0 : index
      %get3A_26 = vector.load %arg9[%get3A_24, %get3A_25] : memref<1x128xf32, #tpu.memory_space<vmem>>, vector<1x128xf32>
      %mul3A_27 = arith.mulf %get3A_26, %rsqrt3A : vector<1x128xf32>
      %get3A_28 = arith.constant 0 : index
      %get3A_29 = arith.constant 0 : index
      %get3A_30 = vector.load %arg10[%get3A_28, %get3A_29] : memref<1x128xf32, #tpu.memory_space<vmem>>, vector<1x128xf32>
      %mul3A_31 = arith.mulf %mul3A_11, %mul3A_27 : vector<1x128xf32>
      %sub3A_32 = arith.subf %get3A_30, %mul3A_31 : vector<1x128xf32>
      %mul3A_33 = arith.constant 2000 : i32
      %mul3A_34 = arith.muli %arg1, %mul3A_33 : i32
      %get3A_35 = arith.index_cast %mul3A_34 : i32 to index
      %get3A_36 = arith.constant 0 : index
      %get3A_37 = vector.load %arg12[%get3A_35, %get3A_36] : memref<10000x128xf32, #tpu.memory_space<vmem>>, vector<2000x128xf32>
      %mul3A_38 = vector.broadcast %mul3A_27 : vector<1x128xf32> to vector<2000x128xf32>
      %mul3A_39 = arith.mulf %get3A_37, %mul3A_38 : vector<2000x128xf32>
      %add3A_40 = vector.broadcast %sub3A_32 : vector<1x128xf32> to vector<2000x128xf32>
      %add3A_41 = arith.addf %mul3A_39, %add3A_40 : vector<2000x128xf32>
      %swap3A = arith.constant 0 : index
      %swap3A_42 = arith.constant 0 : index
      %swap3A_43 = vector.load %arg11[%swap3A, %swap3A_42] : memref<2000x128xf32, #tpu.memory_space<vmem>>, vector<2000x128xf32>
      tpu.vector_store %arg11[%swap3A, %swap3A_42], %add3A_41 {strides = array<i32>} : memref<2000x128xf32, #tpu.memory_space<vmem>>, vector<2000x128xf32>,
    } else {
    }
    return
  }
  func.func @transform_0(%arg0: i32, %arg1: i32) -> (i32, i32) {
    %sub3A = arith.constant 1 : i32
    %sub3A_0 = arith.subi %sub3A, %arg0 : i32
    %mul3A = arith.muli %arg1, %sub3A_0 : i32
    %c0_i32 = arith.constant 0 : i32
    %c0_i32_1 = arith.constant 0 : i32
    return %mul3A, %c0_i32 : i32, i32
  }
  func.func @transform_1(%arg0: i32, %arg1: i32) -> (i32, i32, i32) {
    %sub3A = arith.constant 1 : i32
    %sub3A_0 = arith.subi %sub3A, %arg0 : i32
    %mul3A = arith.muli %arg1, %sub3A_0 : i32
    %c0_i32 = arith.constant 0 : i32
    %c0_i32_1 = arith.constant 0 : i32
    %c0_i32_2 = arith.constant 0 : i32
    return %c0_i32, %mul3A, %c0_i32_1 : i32, i32, i32
  }
  func.func @transform_2(%arg0: i32, %arg1: i32) -> (i32, i32, i32) {
    %sub3A = arith.constant 1 : i32
    %sub3A_0 = arith.subi %sub3A, %arg0 : i32
    %mul3A = arith.muli %arg1, %sub3A_0 : i32
    %c1_i32 = arith.constant 1 : i32
    %c0_i32 = arith.constant 0 : i32
    %c0_i32_1 = arith.constant 0 : i32
    return %c1_i32, %mul3A, %c0_i32 : i32, i32, i32
  }
  func.func @transform_3(%arg0: i32, %arg1: i32) -> (i32, i32) {
    %c0_i32 = arith.constant 0 : i32
    %c0_i32_0 = arith.constant 0 : i32
    %c0_i32_1 = arith.constant 0 : i32
    return %c0_i32, %c0_i32_0 : i32, i32
  }
  func.func @transform_4(%arg0: i32, %arg1: i32) -> (i32, i32) {
    %c0_i32 = arith.constant 0 : i32
    %c0_i32_0 = arith.constant 0 : i32
    %c0_i32_1 = arith.constant 0 : i32
    return %c0_i32, %c0_i32_0 : i32, i32
  }
  func.func @transform_5(%arg0: i32, %arg1: i32) -> (i32, i32) {
    %c0_i32 = arith.constant 0 : i32
    %c0_i32_0 = arith.constant 0 : i32
    %c0_i32_1 = arith.constant 0 : i32
    return %c0_i32, %c0_i32_0 : i32, i32
  }
  func.func @transform_6(%arg0: i32, %arg1: i32) -> (i32, i32) {
    %c0_i32 = arith.constant 0 : i32
    %c0_i32_0 = arith.constant 0 : i32
    %c0_i32_1 = arith.constant 0 : i32
    return %c0_i32, %c0_i32_0 : i32, i32
  }
  func.func @transform_7(%arg0: i32, %arg1: i32) -> (i32, i32) {
    %c0_i32 = arith.constant 0 : i32
    %c0_i32_0 = arith.constant 0 : i32
    %c0_i32_1 = arith.constant 0 : i32
    return %c0_i32, %c0_i32_0 : i32, i32
  }
  func.func @transform_8(%arg0: i32, %arg1: i32) -> (i32, i32) {
    %c0_i32 = arith.constant 0 : i32
    %c0_i32_0 = arith.constant 0 : i32
    %c0_i32_1 = arith.constant 0 : i32
    return %c0_i32, %c0_i32_0 : i32, i32
  }
  func.func @transform_9(%arg0: i32, %arg1: i32) -> (i32, i32) {
    %mul3A = arith.muli %arg1, %arg0 : i32
    %c0_i32 = arith.constant 0 : i32
    %c0_i32_0 = arith.constant 0 : i32
    return %mul3A, %c0_i32 : i32, i32
  }
}

</mosaic_0001>

<sc_bundles>
// kernel: kernel.11.cloned.1.call-start
scs
__scs_entry_jumppad:
0x0: {  	(pc) =	sbr.rel $0x88, $3  }
0x1: {  	(tag) =	ssettag $0x0;
	lr =	simm.s32 $0x1  }
0x2: {  	[smem:$0x3F8D] =	sst lr;
	_ =	strace $0xD0000000  }
0x3: {  	_ = 	snop  }
0x4: {  	_ = 	snop  }
0x5: {  	_ = 	snop  }
0x6: {  	_ = 	snop  }
0x7: {  	_ = 	snop  }
__scs_overlays_trampoline_lowered:
0x8: {  	[smem:$0x3F9C] =	sst s0  }
0x9: {  	[smem:$0x3F9D] =	sst s1  }
0xa: {  	[smem:$0x3F9E] =	sst s2  }
0xb: {  	[smem:$0x3F9F] =	sst s3  }
0xc: {  	[smem:$0x3FA0] =	sst s4  }
0xd: {  	[smem:$0x3FA1] =	sst s5  }
0xe: {  	[smem:$0x3FA2] =	sst s6  }
0xf: {  	[smem:$0x3FA3] =	sst s7  }
0x10: {  	[smem:$0x3FA4] =	sst s8  }
0x11: {  	[smem:$0x3FA5] =	sst s9;
	s0 =	simm.s32 @!p0 $0x0  }
0x12: {  	s1 =	sld [smem:$0x3F8B];
	s0 =	simm.s32 @p0 $0x1  }
0x13: {  	[smem:$0x3FA6] =	sst s0;
	s0 =	simm.s32 @!p1 $0x0  }
0x14: {  	s2 =	sld [smem:$0x3F8A];
	s0 =	simm.s32 @p1 $0x1  }
0x15: {  	[smem:$0x3FA7] =	sst s0;
	s0 =	simm.s32 @!p2 $0x0  }
0x16: {  	s3 =	sld [smem:$0x3FDB];
	s0 =	simm.s32 @p2 $0x1  }
0x17: {  	s4 =	simm.s32 $0x1BF5;
	[smem:$0x3FA9] =	sst s0  }
0x18: {  	s0 =	sld [smem:$0x3F8C];
	_ =	swait.ge [sflag:s4], $0x0  }
0x19: {  	s7 =	sld [smem:$0x3F8D]  }
0x1a: {  	s8 =	sadd.s32 $0xFFFFE003, lr  }
0x1b: {  	s9 =	sadd.s32 $0xFFFFFEF7, lr;
	s5 =	simm.s32 $0xFFFFFFFF;
	p2 =	slt.u32 s8, $0xFFFFF086  }
0x1c: {  	p1 =	slt.u32 s9, $0xF7A;
	s5 =	simm.s32 @!p2 $0x0  }
0x1d: {  	s5 =	simm.s32 @p1 $0x1;
	p0 =	seq.s32 s7, s2  }
0x1e: {  	s7 =	smul.u32 @!p0 $0xF7A, s2;
	p2 =	seq.s32 @!p0 s5, $0x0  }
0x1f: {  	s9 =	smul.u32 $0xF7A, s1;
	s8 =	simm.s32 @!p0 $0x1BF5;
	p2 =	por !p2, p0  }
0x20: {  	[sflag:s8] =	ssyncset.s32 @!p0 $0xFFFFF086;
	s6 =	sadd.s32 @!p0 s3, s7;
	s7 =	simm.s32 @!p0 $0x108  }
0x21: {  	s3 =	sadd.s32 s3, s9;
	s6 =	sadd.s32 @!p0 $0x88, s6;
	s7 =	simm.s32 @p2 $0x1082  }
0x22: {  	[simem:s7], [sflag:s8] =	dma.local @!p0 [hbm:s6], $0xF7A  }
0x23: {  	s9 =	sor.u32 $0xD0000000, s2;
	s6 =	simm.s32 $0x108;
	_ =	swait.ge @!p0 [sflag:s8], $0x0  }
0x24: {  	s3 =	sadd.s32 $0x88, s3;
	s6 =	simm.s32 @!p1 $0x1082;
	[sflag:s4] =	ssyncset.s32 $0xFFFFF086  }
0x25: {  	[simem:s6], [sflag:s4] =	dma.local [hbm:s3], $0xF7A  }
0x26: {  	[smem:$0x3F8D] =	sst s1;
	(tag) =	ssettag s2;
	_ =	strace s9  }
0x27: {  	s1 =	sld [smem:$0x3F9D]  }
0x28: {  	s2 =	sld [smem:$0x3F9E]  }
0x29: {  	s4 =	sld [smem:$0x3FA0]  }
0x2a: {  	p0 =	seq.s32 s5, $0x0;
	s5 =	sld [smem:$0x3FA1]  }
0x2b: {  	s6 =	sld [smem:$0x3FA2]  }
0x2c: {  	s7 =	sld [smem:$0x3FA3]  }
0x2d: {  	s3 =	simm.s32 $0x108;
	s8 =	sld [smem:$0x3FA4]  }
0x2e: {  	s3 =	simm.s32 @!p0 $0x1082;
	s9 =	sld [smem:$0x3FA5]  }
0x2f: {  	lr =	sadd.s32 s0, s3;
	s0 =	sld [smem:$0x3F9C]  }
0x30: {  	s3 =	sld [smem:$0x3F9F]  }
0x31: {  	[smem:$0x3FA8] =	sst s10  }
0x32: {  	s10 =	sld [smem:$0x3FA6];
	_ =	sdelay $0x3  }
0x33: {  	p0 =	seq.s32 s10, $0x1;
	s10 =	sld [smem:$0x3FA8];
	_ =	sdelay $0x3  }
0x34: {  	[smem:$0x3FA8] =	sst s10  }
0x35: {  	s10 =	sld [smem:$0x3FA7];
	_ =	sdelay $0x3  }
0x36: {  	p1 =	seq.s32 s10, $0x1;
	s10 =	sld [smem:$0x3FA8];
	_ =	sdelay $0x3  }
0x37: {  	[smem:$0x3FA8] =	sst s10  }
0x38: {  	s10 =	sld [smem:$0x3FA9]  }
0x39: {  	_ = 	snop;
	(pc) =	sbr.ind lr, $3  }
0x3a: {  	_ = 	snop  }
0x3b: {  	_ = 	snop  }
0x3c: {  	p2 =	seq.s32 s10, $0x1;
	s10 =	sld [smem:$0x3FA8]  }
0x3d: {  	_ =	shalt  }
0x3e: {  	_ =	shalt  }
0x3f: {  	_ =	shalt  }
0x40: {  	_ =	shalt  }
0x41: {  	_ =	shalt  }
0x42: {  	_ =	shalt  }
0x43: {  	_ =	shalt  }
0x44: {  	_ =	shalt  }
0x45: {  	_ =	shalt  }
0x46: {  	_ =	shalt  }
0x47: {  	_ =	shalt  }
0x48: {  	_ =	shalt  }
0x49: {  	_ =	shalt  }
0x4a: {  	_ =	shalt  }
0x4b: {  	_ =	shalt  }
0x4c: {  	_ =	shalt  }
0x4d: {  	_ =	shalt  }
0x4e: {  	_ =	shalt  }
0x4f: {  	_ =	shalt  }
0x50: {  	_ =	shalt  }
0x51: {  	_ =	shalt  }
0x52: {  	_ =	shalt  }
0x53: {  	_ =	shalt  }
0x54: {  	_ =	shalt  }
0x55: {  	_ =	shalt  }
0x56: {  	_ =	shalt  }
0x57: {  	_ =	shalt  }
0x58: {  	_ =	shalt  }
0x59: {  	_ =	shalt  }
0x5a: {  	_ =	shalt  }
0x5b: {  	_ =	shalt  }
0x5c: {  	_ =	shalt  }
0x5d: {  	_ =	shalt  }
0x5e: {  	_ =	shalt  }
0x5f: {  	_ =	shalt  }
0x60: {  	_ =	shalt  }
0x61: {  	_ =	shalt  }
0x62: {  	_ =	shalt  }
0x63: {  	_ =	shalt  }
0x64: {  	_ =	shalt  }
0x65: {  	_ =	shalt  }
0x66: {  	_ =	shalt  }
0x67: {  	_ =	shalt  }
0x68: {  	_ =	shalt  }
0x69: {  	_ =	shalt  }
0x6a: {  	_ =	shalt  }
0x6b: {  	_ =	shalt  }
0x6c: {  	_ =	shalt  }
0x6d: {  	_ =	shalt  }
0x6e: {  	_ =	shalt  }
0x6f: {  	_ =	shalt  }
0x70: {  	_ =	shalt  }
0x71: {  	_ =	shalt  }
0x72: {  	_ =	shalt  }
0x73: {  	_ =	shalt  }
0x74: {  	_ =	shalt  }
0x75: {  	_ =	shalt  }
0x76: {  	_ =	shalt  }
0x77: {  	_ =	shalt  }
0x78: {  	_ =	shalt  }
0x79: {  	_ =	shalt  }
0x7a: {  	_ =	shalt  }
0x7b: {  	_ =	shalt  }
0x7c: {  	_ =	shalt  }
0x7d: {  	_ =	shalt  }
0x7e: {  	_ =	shalt  }
0x7f: {  	_ =	shalt  }
0x80: {  	_ =	shalt  }
0x81: {  	_ =	shalt  }
0x82: {  	_ =	shalt  }
0x83: {  	_ =	shalt  }
0x84: {  	_ =	shalt  }
0x85: {  	_ =	shalt  }
0x86: {  	_ =	shalt  }
0x87: {  	_ =	shalt  }
.Lfunc_end0:
.L_simem_size_0:
called_computation.1_lowered:
.L_overlay_start_0:
0x88: {  	s2 =	sld [smem:$0x3FD9]  }
0x89: {  	s3 =	sld [smem:$0x3FFE];
	_ =	sdelay $0x1  }
0x8a: {  	s1 =	srdreg.scid  }
0x8b: {  	s0 =	sand.u32 $0x1, s1  }
0x8c: {  	s17 =	sshll.u32 s0, $0xA;
	s2 =	sadd.s32 s3, s2  }
0x8d: {  	s2 =	sadd.s32 s2, s17  }
0x8e: {  	[smem:$0x3FB4] =	sst s2  }
0x8f: {  	_ = 	snop  }
0x90: {  	s2 =	sld [smem:$0x3FD0];
	(tm) =	ssettm $0x1  }
0x91: {  	s18 =	sld [smem:$0x3FFB];
	_ =	sdelay $0x3  }
0x92: {  	_ =	strace s18  }
0x93: {  	s3 =	sld [smem:$0x3FFC];
	_ =	sdelay $0x3  }
0x94: {  	_ =	strace s3  }
0x95: {  	s3 =	sld [smem:$0x3FFD];
	_ =	sdelay $0x3  }
0x96: {  	_ =	strace s3  }
0x97: {  	_ =	strace $0x8FFFFFFF  }
0x98: {  	s19 =	sld [smem:$0x3FDB];
	_ =	sdelay $0x1  }
0x99: {  	s4 =	simm.s32 $_scs_section_size  }
0x9a: {  	s5 =	simm.s32 $_size__tile_overlayer_lowered;
	s6 =	simm.s32 $_tile_overlayer_lowered  }
0x9b: {  	s22 =	simm.s32 $0x1BFF;
	s21 =	sshll.u32 s6, $0x1;
	s3 =	sadd.s32 s4, s19  }
0x9c: {  	s7 =	simm.s32 $0x0;
	s20 =	sshll.u32 s5, $0x1;
	s5 =	sadd.s32 s21, s3  }
0x9d: {  	[timem:s7], [sflag:s22] =	dma.local [hbm:s5], s20  }
0x9e: {  	_ =	swait.ge [sflag:s22], s20  }
0x9f: {  	s4 =	ssub.s32 $0x0, s20;
	[sflag:s22] =	ssyncset.done $0x0  }
0xa0: {  	[sflag:s22] =	ssyncadd.s32 s4;
	_ =	sdelay $0x1  }
0xa1: {  	s23 =	simm.s32 $0x1B8B  }
0xa2: {  	_ =	swait.ge [sflag:s23], $0x1  }
0xa3: {  	[sflag:s23] =	ssyncset.done $0x0  }
0xa4: {  	s25 =	simm.s32 $0x1B8E;
	s24 =	sld [smem:$0x3FFE];
	[sflag:s23] =	ssyncadd.s32 $0xFFFFFFFF  }
0xa5: {  	s26 =	simm.s32 $execute0_lowered;
	[smem:$0x3FD2] =	sst s25  }
0xa6: {  	s5 =	sshll.u32 s26, $0x1;
	_ =	strace $0x80000049;
	[dreg:$0x1] =	wrdreg $0xFFFFFFFF  }
0xa7: {  	s28 =	simm.s32 $_size_execute0_lowered;
	s3 =	sadd.s32 s3, s5;
	[dreg:$0x0] =	wrdreg $0x0  }
0xa8: {  	s5 =	sshll.u32 s28, $0x1;
	[dreg:$0x2] =	wrdreg s3  }
0xa9: {  	[dreg:$0x3] =	wrdreg s5  }
0xaa: {  	[dreg:$0x4] =	wrdreg $0xC0  }
0xab: {  	_ =	task [dreg:s7], $0x5FFFF  }
0xac: {  	[dreg:$0x1] =	wrdreg $0xFFFFFFFF  }
0xad: {  	[dreg:$0x0] =	wrdreg $0x60  }
0xae: {  	[dreg:$0x2] =	wrdreg s2  }
0xaf: {  	[dreg:$0x3] =	wrdreg s24  }
0xb0: {  	[dreg:$0x4] =	wrdreg $0xA7000  }
0xb1: {  	[dreg:$0x5] =	wrdreg $0x9  }
0xb2: {  	_ =	task.clear_ibuf [dreg:s7], $0x6FFFF;
	_ =	strace $0x90000049  }
0xb3: {  	s29 =	simm.s32 $0x9;
	_ =	strace $0x8000004B  }
0xb4: {  	_ =	swait.ge [sflag:s29], $0x1  }
0xb5: {  	[sflag:s29] =	ssyncadd.s32 $0xFFFFFFFF  }
0xb6: {  	_ =	strace $0x9000004B  }
0xb7: {  	_ =	sfence  }
0xb8: {  	s30 =	sld [smem:$0x0];
	_ =	sdelay $0x2  }
0xb9: {  	s31 =	sshll.u32 s1, $0xD;
	s1 =	sshrl.u32 s1, $0x2  }
0xba: {  	s3 =	sand.u32 $0x4000, s31;
	s1 =	sadd.s32 s1, s30  }
0xbb: {  	s0 =	sor.u32 s3, s0;
	s1 =	sshll.u32 s1, $0x11  }
0xbc: {  	s0 =	sor.u32 s1, s0  }
0xbd: {  	s0 =	sadd.s32 $0x8F2B, s0  }
0xbe: {  	[sflag:s0] =	ssyncadd.remote.s32 $0x1  }
0xbf: {  	_ =	sfence.sel $0xFFFF  }
0xc0: {  	[dreg:$0x0] =	wrdreg $0xFFFFFFFF;
	(pc) =	sbr.abs _section_cstart, $3  }
0xc1: {  	[dreg:$0x1] =	wrdreg $0xFFFFFFFF  }
0xc2: {  	_ =	task.clear_ibuf [dreg:s7], $0x2FFFF;
	_ =	strace $0x9FFFFFFF  }
0xc3: {  	(tm) =	ssettm $0x7FFFFFFF  }
tec
execute0_lowered:
.L_overlay_start_1:
0x0: {  	(tag) =	ssettag $0x1  }
0x1: {  	s0 =	srdreg.scid;
	s18 =	stileid.u32  }
0x2: {  	s1 =	rddreg [dreg:$0x1];
	s2 =	sand.u32 $0x1, s0;
	s20 =	sshll.u32 s18, $0x1  }
0x3: {  	s4 =	smul.u32 $0x14000, s18;
	s5 =	sadd.s32 $0x2C600, s1;
	s3 =	ssub.s32 $0x2, s2  }
0x4: {  	s1 =	sadd.s32 $0x4600, s1;
	s0 =	sor.u32 s2, s20;
	s6 =	sshrl.u32 s3, $0x1  }
0x5: {  	s7 =	smul.u32 $0xA000, s0;
	s8 =	sadd.s32 $0x4000, s4;
	s9 =	sadd.s32 $0x6000, s4  }
0x6: {  	s10 =	sadd.s32 $0x8000, s4;
	s15 =	sadd.s32 $0xA000, s4;
	s16 =	sadd.s32 $0xC000, s4  }
0x7: {  	s17 =	sadd.s32 $0xE000, s4;
	s0 =	ssub.s32 s3, s6;
	s6 =	smul.u32 $0x140000, s2  }
0x8: {  	s25 =	sadd.s32 $0x10000, s4;
	s26 =	sadd.s32 $0x12000, s4;
	s3 =	sor.u32 $0x2000, s4  }
0x9: {  	s2 =	smul.u32 $0xA000, s2;
	s11 =	sadd.s32 s4, s6;
	s21 =	sadd.s32 s6, s3  }
0xa: {  	s12 =	sadd.s32 s6, s8;
	s13 =	sadd.s32 s6, s9;
	s28 =	sadd.s32 s6, s10  }
0xb: {  	s30 =	sadd.s32 s6, s15;
	s31 =	sadd.s32 s6, s16;
	s11 =	sshrl.u32 s11, $0x3  }
0xc: {  	s19 =	sadd.s32 s6, s17;
	s23 =	sshrl.u32 s13, $0x3;
	s11 =	sadd.s32 s5, s11  }
0xd: {  	s13 =	sshrl.u32 s31, $0x3;
	s24 =	sadd.s32 s5, s23;
	[dreg:$0x4] =	wrdreg s11  }
0xe: {  	s20 =	sadd.s32 s6, s25;
	s14 =	sadd.s32 s5, s13;
	[dreg:$0x7] =	wrdreg s24  }
0xf: {  	s2 =	sadd.s32 s2, s4;
	s11 =	sshrl.u32 s21, $0x3;
	[dreg:$0xa] =	wrdreg s14  }
0x10: {  	s22 =	sshrl.u32 s12, $0x3;
	s14 =	rddreg [dreg:$0x2];
	s11 =	sadd.s32 s5, s11  }
0x11: {  	s2 =	sor.u32 $0x500, s2;
	[dreg:$0x5] =	wrdreg s11;
	s11 =	sadd.s32 s5, s22  }
0x12: {  	s2 =	sshrl.u32 s2, $0x3;
	s22 =	sshrl.u32 s7, $0x3;
	[dreg:$0x6] =	wrdreg s11  }
0x13: {  	s11 =	sshrl.u32 s28, $0x3;
	s4 =	sadd.s32 s1, s22;
	s1 =	sadd.s32 s2, s1  }
0x14: {  	s12 =	sshrl.u32 s30, $0x3;
	s11 =	sadd.s32 s5, s11;
	[dreg:$0xf] =	wrdreg s1  }
0x15: {  	[dreg:$0x8] =	wrdreg s11;
	s11 =	sadd.s32 s5, s12;
	s12 =	sshrl.u32 s20, $0x3  }
0x16: {  	s6 =	sadd.s32 s6, s26;
	[dreg:$0x9] =	wrdreg s11;
	s21 =	sadd.s32 s5, s12  }
0x17: {  	s11 =	sshrl.u32 s19, $0x3;
	s12 =	simm.s32 $0x0;
	[dreg:$0xc] =	wrdreg s21  }
0x18: {  	s6 =	sshrl.u32 s6, $0x3;
	s11 =	sadd.s32 s5, s11;
	[smem:$0x7FF] =	sst s12  }
0x19: {  	s5 =	sadd.s32 s5, s6;
	[dreg:$0xb] =	wrdreg s11  }
0x1a: {  	s0 =	smax.u32 s0, $0x1;
	[dreg:$0xd] =	wrdreg s5  }
0x1b: {  	s23 =	smul.u32 $0x50000, s18;
	s18 =	sadd.s32 s26, s14;
	s11 =	rddreg [dreg:$0x0]  }
0x1c: {  	s26 =	sadd.s32 $0x20, s4;
	_ =	strace $0x8000004A;
	[dreg:$0x14] =	wrdreg s0  }
0x1d: {  	s28 =	sadd.s32 $0x40, s4;
	[dreg:$0x15] =	wrdreg s26  }
0x1e: {  	s29 =	simm.s32 $0x0;
	s30 =	sadd.s32 $0x60, s4;
	[dreg:$0x16] =	wrdreg s28  }
0x1f: {  	s24 =	sshrl.u32 s23, $0x2;
	s3 =	sadd.s32 s3, s14;
	[dreg:$0x17] =	wrdreg s30  }
0x20: {  	s10 =	sadd.s32 s10, s14;
	s31 =	sadd.s32 $0x80, s4;
	[dreg:$0xe] =	wrdreg s4  }
0x21: {  	s13 =	sadd.s32 s15, s14;
	s15 =	sadd.s32 s16, s14;
	[dreg:$0x18] =	wrdreg s31  }
0x22: {  	s16 =	sadd.s32 s17, s14;
	s17 =	sadd.s32 s25, s14;
	[dreg:$0x10] =	wrdreg s15  }
0x23: {  	s7 =	sadd.s32 s9, s14;
	s9 =	simm.s32 $0x12;
	[dreg:$0x11] =	wrdreg s16  }
0x24: {  	s6 =	sadd.s32 s8, s14;
	s8 =	simm.s32 $0x8700;
	[dreg:$0x12] =	wrdreg s17  }
0x25: {  	v0 =	vimm.f32 $0.0e+00;
	s5 =	sadd.s32 s24, s14;
	s4 =	simm.s32 $0x40;
	[dreg:$0x13] =	wrdreg s18  }
.LBB2_1:
0x26: {  	s0 =	rddreg [dreg:$0xe]  }
0x27: {  	[tilespmem:s12], [sflag:$0x1] =	stream.linear.gather [hbm4b:s0+s12], $0x100, $0x38;
	[tilespmem:$0x1E700] =	vst v63  }
0x28: {  	s2 =	rddreg [dreg:$0x15];
	s1 =	simm.s32 $0x100  }
0x29: {  	[tilespmem:s1], [sflag:$0x2] =	stream.linear.gather [hbm4b:s2+s12], $0x100, $0x38;
	[tilespmem:$0x1E700] =	vst v63  }
0x2a: {  	s19 =	rddreg [dreg:$0x16];
	s2 =	simm.s32 $0x200  }
0x2b: {  	[tilespmem:s2], [sflag:$0x3] =	stream.linear.gather [hbm4b:s19+s12], $0x100, $0x38;
	[tilespmem:$0x1E700] =	vst v63  }
0x2c: {  	s20 =	rddreg [dreg:$0x17];
	s19 =	simm.s32 $0x300  }
0x2d: {  	[tilespmem:s19], [sflag:$0x4] =	stream.linear.gather [hbm4b:s20+s12], $0x100, $0x38;
	[tilespmem:$0x1E700] =	vst v63  }
0x2e: {  	s21 =	rddreg [dreg:$0x18];
	s22 =	simm.s32 $0x1;
	s20 =	simm.s32 $0x400  }
0x2f: {  	[tilespmem:s20], [sflag:$0x5] =	stream.linear.gather [hbm4b:s21+s12], $0x100, $0x38;
	[tilespmem:$0x1E700] =	vst v63  }
0x30: {  	_ =	swait.ge [sflag:s22], $0x100  }
0x31: {  	[sflag:s22] =	ssyncset.done $0x0  }
0x32: {  	s23 =	simm.s32 $0x700;
	s24 =	simm.s32 $0x2;
	[sflag:s22] =	ssyncadd.s32 $0xFFFFFF00  }
0x33: {  	[tilespmem:s23], [sflag:$0x8] =	stream.indirect.gather [hbm4b:s11+s4], $0x80, s12, s4, $0xb8;
	[tilespmem:$0x1E700] =	vst v63  }
0x34: {  	_ =	swait.ge [sflag:s24], $0x100  }
0x35: {  	[sflag:s24] =	ssyncset.done $0x0  }
0x36: {  	s25 =	simm.s32 $0x2700;
	s26 =	simm.s32 $0x3;
	[sflag:s24] =	ssyncadd.s32 $0xFFFFFF00  }
0x37: {  	[tilespmem:s25], [sflag:$0x9] =	stream.indirect.gather [hbm4b:s11+s4], $0x80, s1, s4, $0xb8;
	[tilespmem:$0x1E700] =	vst v63  }
0x38: {  	_ =	swait.ge [sflag:s26], $0x100  }
0x39: {  	[sflag:s26] =	ssyncset.done $0x0  }
0x3a: {  	s28 =	simm.s32 $0x4700;
	s30 =	simm.s32 $0x4;
	[sflag:s26] =	ssyncadd.s32 $0xFFFFFF00  }
0x3b: {  	[tilespmem:s28], [sflag:$0xA] =	stream.indirect.gather [hbm4b:s11+s4], $0x80, s2, s4, $0xb8;
	[tilespmem:$0x1E700] =	vst v63  }
0x3c: {  	_ =	swait.ge [sflag:s30], $0x100  }
0x3d: {  	s31 =	simm.s32 $0x6700;
	[sflag:s30] =	ssyncset.done $0x0  }
0x3e: {  	s0 =	simm.s32 $0x0;
	s1 =	simm.s32 $0x200;
	[sflag:s30] =	ssyncadd.s32 $0xFFFFFF00  }
0x3f: {  	[tilespmem:s31], [sflag:$0xB] =	stream.indirect.gather [hbm4b:s11+s4], $0x80, s19, s4, $0xb8;
	[tilespmem:$0x1E700] =	vst v63  }
.LBB2_2:
0x40: {  	p0 =	sne.s32 s1, $0x7E00;
	[tilespmem:s0+$0x8770] =	vst v0  }
0x41: {  	[tilespmem:s0+$0x8700] =	vst v0  }
0x42: {  	[tilespmem:s0+$0x8710] =	vst v0  }
.Ltmp0:
0x43: {  	[tilespmem:s0+$0x8720] =	vst v0;
	(pc) =	sbr.rel @p0 .LBB2_2-.Ltmp0, $4  }
0x44: {  	[tilespmem:s0+$0x8730] =	vst v0  }
0x45: {  	[tilespmem:s0+$0x8740] =	vst v0  }
0x46: {  	[tilespmem:s0+$0x8750] =	vst v0  }
0x47: {  	[tilespmem:s0+$0x8760] =	vst v0;
	s0 =	sshra.s32 s1, $0x2;
	s1 =	sadd.s32 $0x200, s1  }
0x48: {  	[tilespmem:s0+$0x8770] =	vst v0  }
0x49: {  	[tilespmem:s0+$0x8700] =	vst v0  }
0x4a: {  	[tilespmem:s0+$0x8710] =	vst v0  }
0x4b: {  	[tilespmem:s0+$0x8720] =	vst v0  }
0x4c: {  	[tilespmem:s0+$0x8730] =	vst v0  }
0x4d: {  	[tilespmem:s0+$0x8740] =	vst v0  }
0x4e: {  	[tilespmem:s0+$0x8750] =	vst v0  }
0x4f: {  	[tilespmem:s0+$0x8760] =	vst v0  }
0x50: {  	[spmem:s5] =	stream.linear.scatter [tilespmem:s8], [sflag:$0x12], $0x2000, $0x38;
	[tilespmem:$0x1E700] =	vst v63  }
0x51: {  	_ = 	snop  }
0x52: {  	[spmem:s3] =	stream.linear.scatter [tilespmem:s8], [sflag:$0x12], $0x2000, $0x38;
	[tilespmem:$0x1E700] =	vst v63  }
0x53: {  	_ = 	snop  }
0x54: {  	[spmem:s6] =	stream.linear.scatter [tilespmem:s8], [sflag:$0x12], $0x2000, $0x38;
	[tilespmem:$0x1E700] =	vst v63  }
0x55: {  	_ = 	snop  }
0x56: {  	[spmem:s7] =	stream.linear.scatter [tilespmem:s8], [sflag:$0x12], $0x2000, $0x38;
	[tilespmem:$0x1E700] =	vst v63  }
0x57: {  	_ = 	snop  }
0x58: {  	[spmem:s10] =	stream.linear.scatter [tilespmem:s8], [sflag:$0x12], $0x2000, $0x38;
	[tilespmem:$0x1E700] =	vst v63  }
0x59: {  	_ = 	snop  }
0x5a: {  	[spmem:s13] =	stream.linear.scatter [tilespmem:s8], [sflag:$0x12], $0x2000, $0x38;
	[tilespmem:$0x1E700] =	vst v63  }
0x5b: {  	_ = 	snop  }
0x5c: {  	[spmem:s15] =	stream.linear.scatter [tilespmem:s8], [sflag:$0x12], $0x2000, $0x38;
	[tilespmem:$0x1E700] =	vst v63  }
0x5d: {  	_ = 	snop  }
0x5e: {  	[spmem:s16] =	stream.linear.scatter [tilespmem:s8], [sflag:$0x12], $0x2000, $0x38;
	[tilespmem:$0x1E700] =	vst v63  }
0x5f: {  	_ = 	snop  }
0x60: {  	[spmem:s17] =	stream.linear.scatter [tilespmem:s8], [sflag:$0x12], $0x2000, $0x38;
	[tilespmem:$0x1E700] =	vst v63  }
0x61: {  	p0 =	por $0x0, $0x0  }
0x62: {  	[spmem:s18] =	stream.linear.scatter [tilespmem:s8], [sflag:$0x12], $0x2000, $0x38;
	[tilespmem:$0x1E700] =	vst v63  }
0x63: {  	s0 =	simm.s32 @!p0 $0x5;
	_ =	swait.ge [sflag:s9], $0x2000  }
0x64: {  	s0 =	smul.u32 @!p0 $0x25, s0;
	[sflag:s9] =	ssyncset.done $0x0  }
0x65: {  	s21 =	smov.u32 s5;
	s22 =	smov.u32 s3;
	[sflag:s9] =	ssyncadd.s32 $0xFFFFE000  }
0x66: {  	s23 =	smov.u32 s6;
	s0 =	sshrl.u32 @!p0 s0, $0x8;
	_ =	swait.ge [sflag:s9], $0x2000  }
0x67: {  	s24 =	smov.u32 s7;
	s2 =	ssub.s32 @!p0 $0x5, s0;
	[sflag:s9] =	ssyncset.done $0x0  }
0x68: {  	s25 =	smov.u32 s10;
	s2 =	sand.u32 @!p0 $0xFE, s2;
	[sflag:s9] =	ssyncadd.s32 $0xFFFFE000  }
0x69: {  	s26 =	smov.u32 s13;
	s2 =	sshrl.u32 @!p0 s2, $0x1;
	_ =	swait.ge [sflag:s9], $0x2000  }
0x6a: {  	s1 =	simm.s32 $0x0;
	s0 =	sadd.s32 @!p0 s0, s2;
	[sflag:s9] =	ssyncset.done $0x0  }
0x6b: {  	s30 =	simm.s32 $0x1;
	s0 =	sand.u32 @!p0 $0xFC, s0;
	[sflag:s9] =	ssyncadd.s32 $0xFFFFE000  }
0x6c: {  	p1 =	por $0x0, $0x0;
	s0 =	sshrl.u32 @!p0 s0, $0x2;
	_ =	swait.ge [sflag:s9], $0x2000  }
0x6d: {  	p2 =	por @!p1 $0x1, $0x1;
	s0 =	smul.u32 @!p0 $0x7, s0;
	[sflag:s9] =	ssyncset.done $0x0  }
0x6e: {  	p2 =	por p2, p1;
	s15 =	simm.s32 @!p1 $0x4;
	[sflag:s9] =	ssyncadd.s32 $0xFFFFE000  }
0x6f: {  	s0 =	ssub.s32 @!p0 $0x5, s0;
	s5 =	sand.u32 @!p1 $0xFF, s15;
	_ =	swait.ge [sflag:s9], $0x2000  }
0x70: {  	s0 =	sand.u32 @!p0 $0xFF, s0;
	s16 =	smul.u32 @!p1 $0x25, s5;
	[sflag:s9] =	ssyncset.done $0x0  }
0x71: {  	s6 =	sshll.u32 @!p0 s0, $0x8;
	s18 =	smul.u32 $0x25, s1;
	[sflag:s9] =	ssyncadd.s32 $0xFFFFE000  }
0x72: {  	s7 =	sadd.s32 @!p0 $0x1, s0;
	s1 =	smul.u32 $0xCD, s1;
	_ =	swait.ge [sflag:s9], $0x2000  }
0x73: {  	s16 =	sshrl.u32 @!p1 s16, $0x8;
	s3 =	sshrl.u32 s18, $0x8;
	[sflag:s9] =	ssyncset.done $0x0  }
0x74: {  	s1 =	sshrl.u32 s1, $0xA;
	s19 =	ssub.s32 $0x0, s3;
	[sflag:s9] =	ssyncadd.s32 $0xFFFFE000  }
0x75: {  	s1 =	sand.u32 $0x3F, s1;
	s2 =	sand.u32 $0xFE, s19;
	_ =	swait.ge [sflag:s9], $0x2000  }
0x76: {  	s1 =	smul.u32 $0x5, s1;
	s2 =	sshrl.u32 s2, $0x1;
	[sflag:s9] =	ssyncset.done $0x0  }
0x77: {  	s17 =	smul.u32 @!p1 $0xCD, s5;
	s2 =	sadd.s32 s3, s2;
	[sflag:s9] =	ssyncadd.s32 $0xFFFFE000  }
0x78: {  	s3 =	simm.s32 @!p2 $0xFFFFFFFF;
	s1 =	ssub.s32 $0x0, s1;
	_ =	swait.ge [sflag:s9], $0x2000  }
0x79: {  	s2 =	sand.u32 $0xFC, s2;
	s3 =	sand.u32 @!p2 $0xFF, s3;
	[sflag:s9] =	ssyncset.done $0x0  }
0x7a: {  	s2 =	sshrl.u32 s2, $0x2;
	s3 =	smul.u32 @!p2 $0xCD, s3;
	[sflag:s9] =	ssyncadd.s32 $0xFFFFE000  }
0x7b: {  	s10 =	sand.u32 $0xFF, s1;
	s2 =	smul.u32 $0x7, s2;
	_ =	swait.ge [sflag:s9], $0x2000  }
0x7c: {  	s28 =	sshll.u32 s10, $0xD;
	s1 =	sshrl.u32 @!p2 s3, $0xA;
	[sflag:s9] =	ssyncset.done $0x0  }
0x7d: {  	s20 =	ssub.s32 $0x0, s2;
	s2 =	ssub.s32 @!p1 $0x4, s16;
	[sflag:s9] =	ssyncadd.s32 $0xFFFFE000  }
0x7e: {  	s3 =	smul.u32 @!p2 $0x5, s1;
	s2 =	sand.u32 @!p1 $0xFE, s2;
	_ =	swait.ge [sflag:s9], $0x2000  }
0x7f: {  	s1 =	sor.u32 $0x8, s10;
	s2 =	sshrl.u32 @!p1 s2, $0x1;
	[sflag:s9] =	ssyncset.done $0x0  }
0x80: {  	s2 =	sadd.s32 @!p1 s16, s2;
	p1 =	por p1, p1;
	[sflag:s9] =	ssyncadd.s32 $0xFFFFE000  }
0x81: {  	s0 =	sand.u32 $0xFF, s20;
	s16 =	sshrl.u32 @!p1 s2, $0x2;
	[bflag:$0x0] =	sbarrier.arrive $0xFFFF  }
0x82: {  	s2 =	sshrl.u32 @!p1 s17, $0xA;
	s17 =	smul.u32 @!p1 $0x7, s16;
	s16 =	rddreg [dreg:$0xf]  }
0x83: {  	s5 =	ssub.s32 @!p2 $0xFFFFFFFF, s3;
	s3 =	simm.s32 @!p0 $0x0;
	s31 =	sadd.s32 $0x20, s16  }
.LBB2_4:
0x84: {  	[tilespmem:s6], [sflag:s7] =	stream.linear.gather @!p0 [hbm4b:s16+s3], $0x100, $0x38;
	[tilespmem:$0x1E700] =	vst v63  }
0x85: {  	s3 =	smov.u32 s30;
	s16 =	smov.u32 s31  }
0x86: {  	s6 =	sadd.s32 $0xD, s10;
	s2 =	smul.u32 @!p1 $0x5, s2;
	s7 =	ssub.s32 @!p1 s15, s17  }
0x87: {  	s0 =	sshll.u32 s0, $0x8;
	_ =	swait.ge [sflag:s1], $0x2000;
	s7 =	sand.u32 @!p1 $0xFF, s7  }
0x88: {  	s10 =	sor.u32 $0x700, s28;
	s5 =	sand.u32 @!p2 $0xFF, s5;
	[sflag:s1] =	ssyncset.done $0x0  }
0x89: {  	s0 =	sor.u32 $0x80, s0;
	[sflag:s1] =	ssyncadd.s32 $0xFFFFE000;
	s1 =	sadd.s32 @!p2 $0xD, s5  }
0x8a: {  	[spmem:s14] =	stream.indirect.scatter.add.f32 [tilespmem:s10], [sflag:s6], $0x80, s0, s4, $0xb8;
	[tilespmem:$0x1E700] =	vst v63  }
0x8b: {  	p0 =	sgt.u32 s30, $0x9A;
	s5 =	sshll.u32 @!p1 s7, $0x8;
	_ =	swait.ge @!p2 [sflag:s1], $0x2000  }
0x8c: {  	s2 =	ssub.s32 @!p1 s15, s2;
	s0 =	sadd.s32 @!p0 $0x5, s30;
	[sflag:s1] =	ssyncset.done @!p2 $0x0  }
0x8d: {  	s6 =	smul.u32 @!p0 $0x25, s0;
	[sflag:s1] =	ssyncadd.s32 @!p2 $0xFFFFE000;
	s1 =	sadd.s32 @!p1 $0x1, s7  }
0x8e: {  	s2 =	sand.u32 @!p1 $0xFF, s2;
	s30 =	sadd.s32 $0x1, s30;
	_ =	swait.ge @!p1 [sflag:s1], $0x100  }
0x8f: {  	s6 =	sshrl.u32 @!p0 s6, $0x8;
	s7 =	sshll.u32 @!p1 s2, $0xD;
	[sflag:s1] =	ssyncset.done @!p1 $0x0  }
0x90: {  	s15 =	smul.u32 $0x25, s3;
	s10 =	ssub.s32 @!p0 s0, s6;
	[sflag:s1] =	ssyncadd.s32 @!p1 $0xFFFFFF00  }
0x91: {  	s2 =	sor.u32 @!p1 $0x8, s2;
	s17 =	sor.u32 @!p1 $0x700, s7;
	s1 =	sand.u32 @!p0 $0xFE, s10  }
0x92: {  	p3 =	sne.s32 s30, $0xA0;
	s7 =	sshrl.u32 s15, $0x8;
	s1 =	sshrl.u32 @!p0 s1, $0x1  }
0x93: {  	s1 =	sadd.s32 @!p0 s6, s1;
	s6 =	ssub.s32 s3, s7  }
0x94: {  	s10 =	smul.u32 $0xCD, s3;
	s1 =	sand.u32 @!p0 $0xFC, s1;
	s6 =	sand.u32 $0xFE, s6  }
0x95: {  	p4 =	sgt.u32 s3, $0x9B;
	s1 =	sshrl.u32 @!p0 s1, $0x2;
	s6 =	sshrl.u32 s6, $0x1  }
0x96: {  	s10 =	sshrl.u32 s10, $0xA;
	s1 =	smul.u32 @!p0 $0x7, s1;
	s6 =	sadd.s32 s7, s6  }
0x97: {  	p2 =	seq.s32 @!p4 s3, $0x0;
	s10 =	sand.u32 $0x3F, s10;
	s6 =	sand.u32 $0xFC, s6  }
0x98: {  	p2 =	por p2, p4;
	s0 =	ssub.s32 @!p0 s0, s1;
	s1 =	sshrl.u32 s6, $0x2  }
0x99: {  	s28 =	sadd.s32 @!p2 $0xFFFFFFFF, s3;
	s0 =	sand.u32 @!p0 $0xFF, s0;
	s1 =	smul.u32 $0x7, s1  }
0x9a: {  	s15 =	sadd.s32 @!p4 $0x4, s3;
	s6 =	sshll.u32 @!p0 s0, $0x8;
	s7 =	sadd.s32 @!p0 $0x1, s0  }
0x9b: {  	s18 =	sand.u32 @!p4 $0xFF, s15;
	s0 =	smul.u32 $0x5, s10;
	s10 =	sand.u32 @!p2 $0xFF, s28  }
0x9c: {  	s13 =	smul.u32 @!p4 $0x25, s18  }
0x9d: {  	s20 =	simm.s32 @!p1 $0x40;
	s19 =	smul.u32 @!p2 $0xCD, s10;
	s0 =	ssub.s32 s3, s0  }
0x9e: {  	s10 =	sand.u32 $0xFF, s0;
	s0 =	ssub.s32 s3, s1;
	s3 =	sshrl.u32 @!p4 s13, $0x8  }
0x9f: {  	s13 =	sshrl.u32 @!p2 s19, $0xA;
	s0 =	sand.u32 $0xFF, s0;
	s19 =	ssub.s32 @!p4 s15, s3  }
0xa0: {  	s1 =	sor.u32 $0x8, s10;
	s13 =	smul.u32 @!p2 $0x5, s13;
	s19 =	sand.u32 @!p4 $0xFE, s19  }
0xa1: {  	[tilespmem:s17], [sflag:s2] =	stream.indirect.gather @!p1 [hbm4b:s11+s20], $0x80, s5, s20, $0xb8;
	[tilespmem:$0x1E700] =	vst v63  }
.Ltmp1:
0xa2: {  	_ = 	snop;
	(pc) =	sbr.rel @p3 .LBB2_4-.Ltmp1, $4  }
0xa3: {  	s5 =	ssub.s32 @!p2 s28, s13;
	s2 =	sshrl.u32 @!p4 s19, $0x1;
	s13 =	smul.u32 @!p4 $0xCD, s18  }
0xa4: {  	s28 =	sshll.u32 s10, $0xD;
	p1 =	por p4, p4;
	s2 =	sadd.s32 @!p4 s3, s2  }
0xa5: {  	s17 =	sshrl.u32 @!p1 s2, $0x2;
	s2 =	sshrl.u32 @!p1 s13, $0xA  }
0xa6: {  	s31 =	sadd.s32 $0x20, s31;
	s3 =	simm.s32 @!p0 $0x0;
	s17 =	smul.u32 @!p1 $0x7, s17  }
0xa7: {  	[tilespmem:s6], [sflag:s7] =	stream.linear.gather @!p0 [hbm4b:s16+s3], $0x100, $0x38;
	[tilespmem:$0x1E700] =	vst v63  }
0xa8: {  	_ =	swait.ge [sflag:s1], $0x2000  }
0xa9: {  	s0 =	sshll.u32 s0, $0x8;
	s3 =	sadd.s32 $0xD, s10;
	[sflag:s1] =	ssyncset.done $0x0  }
0xaa: {  	s6 =	sor.u32 $0x700, s28;
	s0 =	sor.u32 $0x80, s0;
	[sflag:s1] =	ssyncadd.s32 $0xFFFFE000  }
0xab: {  	[spmem:s14] =	stream.indirect.scatter.add.f32 [tilespmem:s6], [sflag:s3], $0x80, s0, s4, $0xb8;
	[tilespmem:$0x1E700] =	vst v63  }
0xac: {  	s0 =	sand.u32 @!p2 $0xFF, s5  }
0xad: {  	s2 =	smul.u32 @!p1 $0x5, s2;
	s0 =	sadd.s32 @!p2 $0xD, s0  }
0xae: {  	s1 =	ssub.s32 @!p1 s15, s17;
	_ =	swait.ge @!p2 [sflag:s0], $0x2000  }
0xaf: {  	s2 =	ssub.s32 @!p1 s15, s2;
	s1 =	sand.u32 @!p1 $0xFF, s1;
	[sflag:s0] =	ssyncset.done @!p2 $0x0  }
0xb0: {  	s2 =	sand.u32 @!p1 $0xFF, s2;
	[sflag:s0] =	ssyncadd.s32 @!p2 $0xFFFFE000;
	s0 =	sadd.s32 @!p1 $0x1, s1  }
0xb1: {  	s7 =	simm.s32 $0xD;
	s3 =	sshll.u32 @!p1 s2, $0xD;
	_ =	swait.ge @!p1 [sflag:s0], $0x100  }
0xb2: {  	s2 =	sor.u32 @!p1 $0x8, s2;
	s1 =	sshll.u32 @!p1 s1, $0x8;
	[sflag:s0] =	ssyncset.done @!p1 $0x0  }
0xb3: {  	[sflag:s0] =	ssyncadd.s32 @!p1 $0xFFFFFF00;
	s0 =	sor.u32 @!p1 $0x700, s3;
	s3 =	simm.s32 @!p1 $0x40  }
0xb4: {  	[tilespmem:s0], [sflag:s2] =	stream.indirect.gather @!p1 [hbm4b:s11+s3], $0x80, s1, s3, $0xb8;
	[tilespmem:$0x1E700] =	vst v63  }
0xb5: {  	_ =	swait.ge [sflag:s7], $0x2000  }
0xb6: {  	[sflag:s7] =	ssyncset.done $0x0  }
0xb7: {  	s10 =	simm.s32 $0xE;
	[sflag:s7] =	ssyncadd.s32 $0xFFFFE000  }
0xb8: {  	_ =	swait.ge [sflag:s10], $0x2000  }
0xb9: {  	[sflag:s10] =	ssyncset.done $0x0  }
0xba: {  	s13 =	simm.s32 $0xF;
	[sflag:s10] =	ssyncadd.s32 $0xFFFFE000  }
0xbb: {  	_ =	swait.ge [sflag:s13], $0x2000  }
0xbc: {  	[sflag:s13] =	ssyncset.done $0x0  }
0xbd: {  	s15 =	simm.s32 $0x10;
	[sflag:s13] =	ssyncadd.s32 $0xFFFFE000  }
0xbe: {  	_ =	swait.ge [sflag:s15], $0x2000  }
0xbf: {  	[sflag:s15] =	ssyncset.done $0x0  }
0xc0: {  	s16 =	simm.s32 $0x11;
	[sflag:s15] =	ssyncadd.s32 $0xFFFFE000  }
0xc1: {  	_ =	swait.ge [sflag:s16], $0x2000  }
0xc2: {  	[sflag:s16] =	ssyncset.done $0x0  }
0xc3: {  	s17 =	stileid.u32;
	[sflag:s16] =	ssyncadd.s32 $0xFFFFE000  }
0xc4: {  	s0 =	sshll.u32 s17, $0x6;
	[bflag:$0x0] =	sbarrier.arrive $0xFFFF  }
0xc5: {  	s18 =	sshrl.u32 s21, $0x3;
	s0 =	sor.u32 $0x1C12, s0;
	s19 =	rddreg [dreg:$0x4]  }
0xc6: {  	[hbm:s19], [sflag:s0] =	dma.local [spmem:s18], $0x400  }
0xc7: {  	s20 =	sshrl.u32 s22, $0x3;
	s2 =	rddreg [dreg:$0x5]  }
0xc8: {  	[hbm:s2], [sflag:s0] =	dma.local [spmem:s20], $0x400  }
0xc9: {  	s5 =	smov.u32 s21;
	s21 =	sshrl.u32 s23, $0x3;
	s2 =	rddreg [dreg:$0x6]  }
0xca: {  	[hbm:s2], [sflag:s0] =	dma.local [spmem:s21], $0x400  }
0xcb: {  	s3 =	smov.u32 s22;
	s22 =	sshrl.u32 s24, $0x3;
	s2 =	rddreg [dreg:$0x7]  }
0xcc: {  	[hbm:s2], [sflag:s0] =	dma.local [spmem:s22], $0x400  }
0xcd: {  	s6 =	smov.u32 s23;
	s23 =	sshrl.u32 s25, $0x3;
	s2 =	rddreg [dreg:$0x8]  }
0xce: {  	[hbm:s2], [sflag:s0] =	dma.local [spmem:s23], $0x400  }
0xcf: {  	s7 =	smov.u32 s24;
	s24 =	sshrl.u32 s26, $0x3;
	s2 =	rddreg [dreg:$0x9]  }
0xd0: {  	[hbm:s2], [sflag:s0] =	dma.local [spmem:s24], $0x400  }
0xd1: {  	s15 =	rddreg [dreg:$0x10]  }
0xd2: {  	s10 =	smov.u32 s25;
	s2 =	rddreg [dreg:$0xa];
	s25 =	sshrl.u32 s15, $0x3  }
0xd3: {  	[hbm:s2], [sflag:s0] =	dma.local [spmem:s25], $0x400  }
0xd4: {  	s16 =	rddreg [dreg:$0x11]  }
0xd5: {  	s13 =	smov.u32 s26;
	s2 =	rddreg [dreg:$0xb];
	s26 =	sshrl.u32 s16, $0x3  }
0xd6: {  	[hbm:s2], [sflag:s0] =	dma.local [spmem:s26], $0x400  }
0xd7: {  	s17 =	rddreg [dreg:$0x12]  }
0xd8: {  	s2 =	rddreg [dreg:$0xc];
	s28 =	sshrl.u32 s17, $0x3  }
0xd9: {  	[hbm:s2], [sflag:s0] =	dma.local [spmem:s28], $0x400  }
0xda: {  	s18 =	rddreg [dreg:$0x13]  }
0xdb: {  	s2 =	rddreg [dreg:$0xd];
	s30 =	sshrl.u32 s18, $0x3  }
0xdc: {  	[hbm:s2], [sflag:s0] =	dma.local [spmem:s30], $0x400  }
0xdd: {  	_ =	swait.ge [sflag:s9], $0x400  }
0xde: {  	[sflag:s9] =	ssyncset.done $0x0  }
0xdf: {  	[sflag:s9] =	ssyncadd.s32 $0xFFFFFC00  }
0xe0: {  	_ =	swait.ge [sflag:s9], $0x400  }
0xe1: {  	[sflag:s9] =	ssyncset.done $0x0  }
0xe2: {  	[sflag:s9] =	ssyncadd.s32 $0xFFFFFC00  }
0xe3: {  	_ =	swait.ge [sflag:s9], $0x400  }
0xe4: {  	[sflag:s9] =	ssyncset.done $0x0  }
0xe5: {  	[sflag:s9] =	ssyncadd.s32 $0xFFFFFC00  }
0xe6: {  	_ =	swait.ge [sflag:s9], $0x400  }
0xe7: {  	[sflag:s9] =	ssyncset.done $0x0  }
0xe8: {  	[sflag:s9] =	ssyncadd.s32 $0xFFFFFC00  }
0xe9: {  	_ =	swait.ge [sflag:s9], $0x400  }
0xea: {  	[sflag:s9] =	ssyncset.done $0x0  }
0xeb: {  	[sflag:s9] =	ssyncadd.s32 $0xFFFFFC00  }
0xec: {  	_ =	swait.ge [sflag:s9], $0x400  }
0xed: {  	[sflag:s9] =	ssyncset.done $0x0  }
0xee: {  	[sflag:s9] =	ssyncadd.s32 $0xFFFFFC00  }
0xef: {  	_ =	swait.ge [sflag:s9], $0x400  }
0xf0: {  	[sflag:s9] =	ssyncset.done $0x0  }
0xf1: {  	[sflag:s9] =	ssyncadd.s32 $0xFFFFFC00  }
0xf2: {  	_ =	swait.ge [sflag:s9], $0x400  }
0xf3: {  	[sflag:s9] =	ssyncset.done $0x0  }
0xf4: {  	[sflag:s9] =	ssyncadd.s32 $0xFFFFFC00  }
0xf5: {  	_ =	swait.ge [sflag:s9], $0x400  }
0xf6: {  	[sflag:s9] =	ssyncset.done $0x0  }
0xf7: {  	[sflag:s9] =	ssyncadd.s32 $0xFFFFFC00  }
0xf8: {  	_ =	swait.ge [sflag:s9], $0x400  }
0xf9: {  	s29 =	sadd.s32 $0x1, s29;
	s31 =	rddreg [dreg:$0x14]  }
0xfa: {  	p0 =	sne.s32 s29, s31  }
.Ltmp2:
0xfb: {  	_ = 	snop;
	(pc) =	sbr.rel @p0 .LBB2_1-.Ltmp2, $3  }
0xfc: {  	_ =	sdelay $0x1  }
0xfd: {  	[sflag:s9] =	ssyncset.done $0x0  }
0xfe: {  	[sflag:s9] =	ssyncadd.s32 $0xFFFFFC00  }
0xff: {  	_ =	sfence.sel $0x180000  }
0x100: {  	[bflag:$0x0] =	sbarrier.arrive $0xFFFF  }
0x101: {  	_ =	strace $0x9000004A  }
0x102: {  	s0 =	stileid.u32;
	[bflag:$0x2] =	sbarrier.arrive $0xFFFF  }
0x103: {  	p0 =	sne.s32 s0, $0x0;
	s0 =	rddreg [dreg:$0x3]  }
0x104: {  	s0 =	sadd.s32 @!p0 $0x100000, s0  }
0x105: {  	[sflag:s0] =	ssyncadd.tile.s32 @!p0 $0x1;
	_ =	shalt  }
.Lfunc_end2:
_tile_overlayer_lowered:
.L_overlay_start_2:
0x106: {  	(tag) =	ssettag $0x2  }
0x107: {  	s0 =	rddreg [dreg:$0x0];
	s2 =	stileid.u32  }
0x108: {  	s1 =	rddreg [dreg:$0x1];
	p0 =	sne.s32 s2, $0x0  }
0x109: {  	s3 =	rddreg [dreg:$0x2];
	[bflag:$0x3] =	sbarrier.arrive $0xFFFF;
	s2 =	simm.s32 @!p0 $0x1C13  }
0x10a: {  	[timem:s3], [sflag:s2] =	dma.local @!p0 [hbm:s0], s1  }
0x10b: {  	s0 =	simm.s32 @!p0 $0x13  }
0x10c: {  	_ =	swait.ge @!p0 [sflag:s0], s1  }
0x10d: {  	s1 =	ssub.s32 @!p0 $0x0, s1;
	[sflag:s0] =	ssyncset.done @!p0 $0x0  }
0x10e: {  	[sflag:s0] =	ssyncadd.s32 @!p0 s1  }
0x10f: {  	[bflag:$0x3] =	sbarrier.arrive $0xFFFF  }
0x110: {  	_ =	shalt  }

// kernel: kernel.14.cloned.1.call-start
scs
__scs_entry_jumppad:
0x0: {  	(pc) =	sbr.rel $0x88, $3  }
0x1: {  	(tag) =	ssettag $0x0;
	lr =	simm.s32 $0x1  }
0x2: {  	[smem:$0x3F8D] =	sst lr;
	_ =	strace $0xD0000000  }
0x3: {  	_ = 	snop  }
0x4: {  	_ = 	snop  }
0x5: {  	_ = 	snop  }
0x6: {  	_ = 	snop  }
0x7: {  	_ = 	snop  }
__scs_overlays_trampoline_lowered:
0x8: {  	[smem:$0x3F9C] =	sst s0  }
0x9: {  	[smem:$0x3F9D] =	sst s1  }
0xa: {  	[smem:$0x3F9E] =	sst s2  }
0xb: {  	[smem:$0x3F9F] =	sst s3  }
0xc: {  	[smem:$0x3FA0] =	sst s4  }
0xd: {  	[smem:$0x3FA1] =	sst s5  }
0xe: {  	[smem:$0x3FA2] =	sst s6  }
0xf: {  	[smem:$0x3FA3] =	sst s7  }
0x10: {  	[smem:$0x3FA4] =	sst s8  }
0x11: {  	[smem:$0x3FA5] =	sst s9;
	s0 =	simm.s32 @!p0 $0x0  }
0x12: {  	s1 =	sld [smem:$0x3F8B];
	s0 =	simm.s32 @p0 $0x1  }
0x13: {  	[smem:$0x3FA6] =	sst s0;
	s0 =	simm.s32 @!p1 $0x0  }
0x14: {  	s2 =	sld [smem:$0x3F8A];
	s0 =	simm.s32 @p1 $0x1  }
0x15: {  	[smem:$0x3FA7] =	sst s0;
	s0 =	simm.s32 @!p2 $0x0  }
0x16: {  	s3 =	sld [smem:$0x3FDB];
	s0 =	simm.s32 @p2 $0x1  }
0x17: {  	s4 =	simm.s32 $0x1BF5;
	[smem:$0x3FA9] =	sst s0  }
0x18: {  	s0 =	sld [smem:$0x3F8C];
	_ =	swait.ge [sflag:s4], $0x0  }
0x19: {  	s7 =	sld [smem:$0x3F8D]  }
0x1a: {  	s8 =	sadd.s32 $0xFFFFE003, lr  }
0x1b: {  	s9 =	sadd.s32 $0xFFFFFEF7, lr;
	s5 =	simm.s32 $0xFFFFFFFF;
	p2 =	slt.u32 s8, $0xFFFFF086  }
0x1c: {  	p1 =	slt.u32 s9, $0xF7A;
	s5 =	simm.s32 @!p2 $0x0  }
0x1d: {  	s5 =	simm.s32 @p1 $0x1;
	p0 =	seq.s32 s7, s2  }
0x1e: {  	s7 =	smul.u32 @!p0 $0xF7A, s2;
	p2 =	seq.s32 @!p0 s5, $0x0  }
0x1f: {  	s9 =	smul.u32 $0xF7A, s1;
	s8 =	simm.s32 @!p0 $0x1BF5;
	p2 =	por !p2, p0  }
0x20: {  	[sflag:s8] =	ssyncset.s32 @!p0 $0xFFFFF086;
	s6 =	sadd.s32 @!p0 s3, s7;
	s7 =	simm.s32 @!p0 $0x108  }
0x21: {  	s3 =	sadd.s32 s3, s9;
	s6 =	sadd.s32 @!p0 $0x88, s6;
	s7 =	simm.s32 @p2 $0x1082  }
0x22: {  	[simem:s7], [sflag:s8] =	dma.local @!p0 [hbm:s6], $0xF7A  }
0x23: {  	s9 =	sor.u32 $0xD0000000, s2;
	s6 =	simm.s32 $0x108;
	_ =	swait.ge @!p0 [sflag:s8], $0x0  }
0x24: {  	s3 =	sadd.s32 $0x88, s3;
	s6 =	simm.s32 @!p1 $0x1082;
	[sflag:s4] =	ssyncset.s32 $0xFFFFF086  }
0x25: {  	[simem:s6], [sflag:s4] =	dma.local [hbm:s3], $0xF7A  }
0x26: {  	[smem:$0x3F8D] =	sst s1;
	(tag) =	ssettag s2;
	_ =	strace s9  }
0x27: {  	s1 =	sld [smem:$0x3F9D]  }
0x28: {  	s2 =	sld [smem:$0x3F9E]  }
0x29: {  	s4 =	sld [smem:$0x3FA0]  }
0x2a: {  	p0 =	seq.s32 s5, $0x0;
	s5 =	sld [smem:$0x3FA1]  }
0x2b: {  	s6 =	sld [smem:$0x3FA2]  }
0x2c: {  	s7 =	sld [smem:$0x3FA3]  }
0x2d: {  	s3 =	simm.s32 $0x108;
	s8 =	sld [smem:$0x3FA4]  }
0x2e: {  	s3 =	simm.s32 @!p0 $0x1082;
	s9 =	sld [smem:$0x3FA5]  }
0x2f: {  	lr =	sadd.s32 s0, s3;
	s0 =	sld [smem:$0x3F9C]  }
0x30: {  	s3 =	sld [smem:$0x3F9F]  }
0x31: {  	[smem:$0x3FA8] =	sst s10  }
0x32: {  	s10 =	sld [smem:$0x3FA6];
	_ =	sdelay $0x3  }
0x33: {  	p0 =	seq.s32 s10, $0x1;
	s10 =	sld [smem:$0x3FA8];
	_ =	sdelay $0x3  }
0x34: {  	[smem:$0x3FA8] =	sst s10  }
0x35: {  	s10 =	sld [smem:$0x3FA7];
	_ =	sdelay $0x3  }
0x36: {  	p1 =	seq.s32 s10, $0x1;
	s10 =	sld [smem:$0x3FA8];
	_ =	sdelay $0x3  }
0x37: {  	[smem:$0x3FA8] =	sst s10  }
0x38: {  	s10 =	sld [smem:$0x3FA9]  }
0x39: {  	_ = 	snop;
	(pc) =	sbr.ind lr, $3  }
0x3a: {  	_ = 	snop  }
0x3b: {  	_ = 	snop  }
0x3c: {  	p2 =	seq.s32 s10, $0x1;
	s10 =	sld [smem:$0x3FA8]  }
0x3d: {  	_ =	shalt  }
0x3e: {  	_ =	shalt  }
0x3f: {  	_ =	shalt  }
0x40: {  	_ =	shalt  }
0x41: {  	_ =	shalt  }
0x42: {  	_ =	shalt  }
0x43: {  	_ =	shalt  }
0x44: {  	_ =	shalt  }
0x45: {  	_ =	shalt  }
0x46: {  	_ =	shalt  }
0x47: {  	_ =	shalt  }
0x48: {  	_ =	shalt  }
0x49: {  	_ =	shalt  }
0x4a: {  	_ =	shalt  }
0x4b: {  	_ =	shalt  }
0x4c: {  	_ =	shalt  }
0x4d: {  	_ =	shalt  }
0x4e: {  	_ =	shalt  }
0x4f: {  	_ =	shalt  }
0x50: {  	_ =	shalt  }
0x51: {  	_ =	shalt  }
0x52: {  	_ =	shalt  }
0x53: {  	_ =	shalt  }
0x54: {  	_ =	shalt  }
0x55: {  	_ =	shalt  }
0x56: {  	_ =	shalt  }
0x57: {  	_ =	shalt  }
0x58: {  	_ =	shalt  }
0x59: {  	_ =	shalt  }
0x5a: {  	_ =	shalt  }
0x5b: {  	_ =	shalt  }
0x5c: {  	_ =	shalt  }
0x5d: {  	_ =	shalt  }
0x5e: {  	_ =	shalt  }
0x5f: {  	_ =	shalt  }
0x60: {  	_ =	shalt  }
0x61: {  	_ =	shalt  }
0x62: {  	_ =	shalt  }
0x63: {  	_ =	shalt  }
0x64: {  	_ =	shalt  }
0x65: {  	_ =	shalt  }
0x66: {  	_ =	shalt  }
0x67: {  	_ =	shalt  }
0x68: {  	_ =	shalt  }
0x69: {  	_ =	shalt  }
0x6a: {  	_ =	shalt  }
0x6b: {  	_ =	shalt  }
0x6c: {  	_ =	shalt  }
0x6d: {  	_ =	shalt  }
0x6e: {  	_ =	shalt  }
0x6f: {  	_ =	shalt  }
0x70: {  	_ =	shalt  }
0x71: {  	_ =	shalt  }
0x72: {  	_ =	shalt  }
0x73: {  	_ =	shalt  }
0x74: {  	_ =	shalt  }
0x75: {  	_ =	shalt  }
0x76: {  	_ =	shalt  }
0x77: {  	_ =	shalt  }
0x78: {  	_ =	shalt  }
0x79: {  	_ =	shalt  }
0x7a: {  	_ =	shalt  }
0x7b: {  	_ =	shalt  }
0x7c: {  	_ =	shalt  }
0x7d: {  	_ =	shalt  }
0x7e: {  	_ =	shalt  }
0x7f: {  	_ =	shalt  }
0x80: {  	_ =	shalt  }
0x81: {  	_ =	shalt  }
0x82: {  	_ =	shalt  }
0x83: {  	_ =	shalt  }
0x84: {  	_ =	shalt  }
0x85: {  	_ =	shalt  }
0x86: {  	_ =	shalt  }
0x87: {  	_ =	shalt  }
.Lfunc_end0:
.L_simem_size_0:
called_computation.2_lowered:
.L_overlay_start_0:
0x88: {  	s2 =	sld [smem:$0x3FD9]  }
0x89: {  	s3 =	sld [smem:$0x3FFE];
	_ =	sdelay $0x1  }
0x8a: {  	s1 =	srdreg.scid  }
0x8b: {  	s0 =	sand.u32 $0x1, s1  }
0x8c: {  	s17 =	sshll.u32 s0, $0xA;
	s2 =	sadd.s32 s3, s2  }
0x8d: {  	s2 =	sadd.s32 s2, s17  }
0x8e: {  	[smem:$0x3FB4] =	sst s2  }
0x8f: {  	_ = 	snop  }
0x90: {  	s2 =	sld [smem:$0x3FD0];
	(tm) =	ssettm $0x1  }
0x91: {  	s18 =	sld [smem:$0x3FFB];
	_ =	sdelay $0x3  }
0x92: {  	_ =	strace s18  }
0x93: {  	s3 =	sld [smem:$0x3FFC];
	_ =	sdelay $0x3  }
0x94: {  	_ =	strace s3  }
0x95: {  	s3 =	sld [smem:$0x3FFD];
	_ =	sdelay $0x3  }
0x96: {  	_ =	strace s3  }
0x97: {  	_ =	strace $0x8FFFFFFF  }
0x98: {  	s19 =	sld [smem:$0x3FDB];
	_ =	sdelay $0x1  }
0x99: {  	s4 =	simm.s32 $_scs_section_size  }
0x9a: {  	s5 =	simm.s32 $_size__tile_overlayer_lowered;
	s6 =	simm.s32 $_tile_overlayer_lowered  }
0x9b: {  	s22 =	simm.s32 $0x1BFF;
	s21 =	sshll.u32 s6, $0x1;
	s3 =	sadd.s32 s4, s19  }
0x9c: {  	s7 =	simm.s32 $0x0;
	s20 =	sshll.u32 s5, $0x1;
	s5 =	sadd.s32 s21, s3  }
0x9d: {  	[timem:s7], [sflag:s22] =	dma.local [hbm:s5], s20  }
0x9e: {  	_ =	swait.ge [sflag:s22], s20  }
0x9f: {  	s4 =	ssub.s32 $0x0, s20;
	[sflag:s22] =	ssyncset.done $0x0  }
0xa0: {  	[sflag:s22] =	ssyncadd.s32 s4;
	_ =	sdelay $0x1  }
0xa1: {  	s23 =	simm.s32 $0x1B8B  }
0xa2: {  	_ =	swait.ge [sflag:s23], $0x1  }
0xa3: {  	[sflag:s23] =	ssyncset.done $0x0  }
0xa4: {  	s25 =	simm.s32 $0x1B8E;
	s24 =	sld [smem:$0x3FFE];
	[sflag:s23] =	ssyncadd.s32 $0xFFFFFFFF  }
0xa5: {  	s26 =	simm.s32 $execute0_lowered;
	[smem:$0x3FD2] =	sst s25  }
0xa6: {  	s5 =	sshll.u32 s26, $0x1;
	_ =	strace $0x8000004C;
	[dreg:$0x1] =	wrdreg $0xFFFFFFFF  }
0xa7: {  	s28 =	simm.s32 $_size_execute0_lowered;
	s3 =	sadd.s32 s3, s5;
	[dreg:$0x0] =	wrdreg $0x0  }
0xa8: {  	s5 =	sshll.u32 s28, $0x1;
	[dreg:$0x2] =	wrdreg s3  }
0xa9: {  	[dreg:$0x3] =	wrdreg s5  }
0xaa: {  	[dreg:$0x4] =	wrdreg $0xC0  }
0xab: {  	_ =	task [dreg:s7], $0x5FFFF  }
0xac: {  	[dreg:$0x1] =	wrdreg $0xFFFFFFFF  }
0xad: {  	[dreg:$0x0] =	wrdreg $0x60  }
0xae: {  	[dreg:$0x2] =	wrdreg s2  }
0xaf: {  	[dreg:$0x3] =	wrdreg s24  }
0xb0: {  	[dreg:$0x4] =	wrdreg $0xA7000  }
0xb1: {  	[dreg:$0x5] =	wrdreg $0x9  }
0xb2: {  	_ =	task.clear_ibuf [dreg:s7], $0x6FFFF;
	_ =	strace $0x9000004C  }
0xb3: {  	s29 =	simm.s32 $0x9;
	_ =	strace $0x8000004E  }
0xb4: {  	_ =	swait.ge [sflag:s29], $0x1  }
0xb5: {  	[sflag:s29] =	ssyncadd.s32 $0xFFFFFFFF  }
0xb6: {  	_ =	strace $0x9000004E  }
0xb7: {  	_ =	sfence  }
0xb8: {  	s30 =	sld [smem:$0x0];
	_ =	sdelay $0x2  }
0xb9: {  	s31 =	sshll.u32 s1, $0xD;
	s1 =	sshrl.u32 s1, $0x2  }
0xba: {  	s3 =	sand.u32 $0x4000, s31;
	s1 =	sadd.s32 s1, s30  }
0xbb: {  	s0 =	sor.u32 s3, s0;
	s1 =	sshll.u32 s1, $0x11  }
0xbc: {  	s0 =	sor.u32 s1, s0  }
0xbd: {  	s0 =	sadd.s32 $0x8F2B, s0  }
0xbe: {  	[sflag:s0] =	ssyncadd.remote.s32 $0x1  }
0xbf: {  	_ =	sfence.sel $0xFFFF  }
0xc0: {  	[dreg:$0x0] =	wrdreg $0xFFFFFFFF;
	(pc) =	sbr.abs _section_cstart, $3  }
0xc1: {  	[dreg:$0x1] =	wrdreg $0xFFFFFFFF  }
0xc2: {  	_ =	task.clear_ibuf [dreg:s7], $0x2FFFF;
	_ =	strace $0x9FFFFFFF  }
0xc3: {  	(tm) =	ssettm $0x7FFFFFFF  }
tec
execute0_lowered:
.L_overlay_start_1:
0x0: {  	(tag) =	ssettag $0x1  }
0x1: {  	s0 =	srdreg.scid;
	s18 =	stileid.u32  }
0x2: {  	s1 =	rddreg [dreg:$0x1];
	s2 =	sand.u32 $0x1, s0;
	s20 =	sshll.u32 s18, $0x1  }
0x3: {  	s4 =	smul.u32 $0x14000, s18;
	s5 =	sadd.s32 $0x2C600, s1;
	s3 =	ssub.s32 $0x2, s2  }
0x4: {  	s1 =	sadd.s32 $0x4600, s1;
	s0 =	sor.u32 s2, s20;
	s6 =	sshrl.u32 s3, $0x1  }
0x5: {  	s7 =	smul.u32 $0xA000, s0;
	s8 =	sadd.s32 $0x4000, s4;
	s9 =	sadd.s32 $0x6000, s4  }
0x6: {  	s10 =	sadd.s32 $0x8000, s4;
	s15 =	sadd.s32 $0xA000, s4;
	s16 =	sadd.s32 $0xC000, s4  }
0x7: {  	s17 =	sadd.s32 $0xE000, s4;
	s0 =	ssub.s32 s3, s6;
	s6 =	smul.u32 $0x140000, s2  }
0x8: {  	s25 =	sadd.s32 $0x10000, s4;
	s26 =	sadd.s32 $0x12000, s4;
	s3 =	sor.u32 $0x2000, s4  }
0x9: {  	s2 =	smul.u32 $0xA000, s2;
	s11 =	sadd.s32 s4, s6;
	s21 =	sadd.s32 s6, s3  }
0xa: {  	s12 =	sadd.s32 s6, s8;
	s13 =	sadd.s32 s6, s9;
	s28 =	sadd.s32 s6, s10  }
0xb: {  	s30 =	sadd.s32 s6, s15;
	s31 =	sadd.s32 s6, s16;
	s11 =	sshrl.u32 s11, $0x3  }
0xc: {  	s19 =	sadd.s32 s6, s17;
	s23 =	sshrl.u32 s13, $0x3;
	s11 =	sadd.s32 s5, s11  }
0xd: {  	s13 =	sshrl.u32 s31, $0x3;
	s24 =	sadd.s32 s5, s23;
	[dreg:$0x4] =	wrdreg s11  }
0xe: {  	s20 =	sadd.s32 s6, s25;
	s14 =	sadd.s32 s5, s13;
	[dreg:$0x7] =	wrdreg s24  }
0xf: {  	s2 =	sadd.s32 s2, s4;
	s11 =	sshrl.u32 s21, $0x3;
	[dreg:$0xa] =	wrdreg s14  }
0x10: {  	s22 =	sshrl.u32 s12, $0x3;
	s14 =	rddreg [dreg:$0x2];
	s11 =	sadd.s32 s5, s11  }
0x11: {  	s2 =	sor.u32 $0x500, s2;
	[dreg:$0x5] =	wrdreg s11;
	s11 =	sadd.s32 s5, s22  }
0x12: {  	s2 =	sshrl.u32 s2, $0x3;
	s22 =	sshrl.u32 s7, $0x3;
	[dreg:$0x6] =	wrdreg s11  }
0x13: {  	s11 =	sshrl.u32 s28, $0x3;
	s4 =	sadd.s32 s1, s22;
	s1 =	sadd.s32 s2, s1  }
0x14: {  	s12 =	sshrl.u32 s30, $0x3;
	s11 =	sadd.s32 s5, s11;
	[dreg:$0xf] =	wrdreg s1  }
0x15: {  	[dreg:$0x8] =	wrdreg s11;
	s11 =	sadd.s32 s5, s12;
	s12 =	sshrl.u32 s20, $0x3  }
0x16: {  	s6 =	sadd.s32 s6, s26;
	[dreg:$0x9] =	wrdreg s11;
	s21 =	sadd.s32 s5, s12  }
0x17: {  	s11 =	sshrl.u32 s19, $0x3;
	s12 =	simm.s32 $0x0;
	[dreg:$0xc] =	wrdreg s21  }
0x18: {  	s6 =	sshrl.u32 s6, $0x3;
	s11 =	sadd.s32 s5, s11;
	[smem:$0x7FF] =	sst s12  }
0x19: {  	s5 =	sadd.s32 s5, s6;
	[dreg:$0xb] =	wrdreg s11  }
0x1a: {  	s0 =	smax.u32 s0, $0x1;
	[dreg:$0xd] =	wrdreg s5  }
0x1b: {  	s23 =	smul.u32 $0x50000, s18;
	s18 =	sadd.s32 s26, s14;
	s11 =	rddreg [dreg:$0x0]  }
0x1c: {  	s26 =	sadd.s32 $0x20, s4;
	_ =	strace $0x8000004D;
	[dreg:$0x14] =	wrdreg s0  }
0x1d: {  	s28 =	sadd.s32 $0x40, s4;
	[dreg:$0x15] =	wrdreg s26  }
0x1e: {  	s29 =	simm.s32 $0x0;
	s30 =	sadd.s32 $0x60, s4;
	[dreg:$0x16] =	wrdreg s28  }
0x1f: {  	s24 =	sshrl.u32 s23, $0x2;
	s3 =	sadd.s32 s3, s14;
	[dreg:$0x17] =	wrdreg s30  }
0x20: {  	s10 =	sadd.s32 s10, s14;
	s31 =	sadd.s32 $0x80, s4;
	[dreg:$0xe] =	wrdreg s4  }
0x21: {  	s13 =	sadd.s32 s15, s14;
	s15 =	sadd.s32 s16, s14;
	[dreg:$0x18] =	wrdreg s31  }
0x22: {  	s16 =	sadd.s32 s17, s14;
	s17 =	sadd.s32 s25, s14;
	[dreg:$0x10] =	wrdreg s15  }
0x23: {  	s7 =	sadd.s32 s9, s14;
	s9 =	simm.s32 $0x12;
	[dreg:$0x11] =	wrdreg s16  }
0x24: {  	s6 =	sadd.s32 s8, s14;
	s8 =	simm.s32 $0x8700;
	[dreg:$0x12] =	wrdreg s17  }
0x25: {  	v0 =	vimm.f32 $0.0e+00;
	s5 =	sadd.s32 s24, s14;
	s4 =	simm.s32 $0x40;
	[dreg:$0x13] =	wrdreg s18  }
.LBB2_1:
0x26: {  	s0 =	rddreg [dreg:$0xe]  }
0x27: {  	[tilespmem:s12], [sflag:$0x1] =	stream.linear.gather [hbm4b:s0+s12], $0x100, $0x38;
	[tilespmem:$0x1E700] =	vst v63  }
0x28: {  	s2 =	rddreg [dreg:$0x15];
	s1 =	simm.s32 $0x100  }
0x29: {  	[tilespmem:s1], [sflag:$0x2] =	stream.linear.gather [hbm4b:s2+s12], $0x100, $0x38;
	[tilespmem:$0x1E700] =	vst v63  }
0x2a: {  	s19 =	rddreg [dreg:$0x16];
	s2 =	simm.s32 $0x200  }
0x2b: {  	[tilespmem:s2], [sflag:$0x3] =	stream.linear.gather [hbm4b:s19+s12], $0x100, $0x38;
	[tilespmem:$0x1E700] =	vst v63  }
0x2c: {  	s20 =	rddreg [dreg:$0x17];
	s19 =	simm.s32 $0x300  }
0x2d: {  	[tilespmem:s19], [sflag:$0x4] =	stream.linear.gather [hbm4b:s20+s12], $0x100, $0x38;
	[tilespmem:$0x1E700] =	vst v63  }
0x2e: {  	s21 =	rddreg [dreg:$0x18];
	s22 =	simm.s32 $0x1;
	s20 =	simm.s32 $0x400  }
0x2f: {  	[tilespmem:s20], [sflag:$0x5] =	stream.linear.gather [hbm4b:s21+s12], $0x100, $0x38;
	[tilespmem:$0x1E700] =	vst v63  }
0x30: {  	_ =	swait.ge [sflag:s22], $0x100  }
0x31: {  	[sflag:s22] =	ssyncset.done $0x0  }
0x32: {  	s23 =	simm.s32 $0x700;
	s24 =	simm.s32 $0x2;
	[sflag:s22] =	ssyncadd.s32 $0xFFFFFF00  }
0x33: {  	[tilespmem:s23], [sflag:$0x8] =	stream.indirect.gather [hbm4b:s11+s4], $0x80, s12, s4, $0xb8;
	[tilespmem:$0x1E700] =	vst v63  }
0x34: {  	_ =	swait.ge [sflag:s24], $0x100  }
0x35: {  	[sflag:s24] =	ssyncset.done $0x0  }
0x36: {  	s25 =	simm.s32 $0x2700;
	s26 =	simm.s32 $0x3;
	[sflag:s24] =	ssyncadd.s32 $0xFFFFFF00  }
0x37: {  	[tilespmem:s25], [sflag:$0x9] =	stream.indirect.gather [hbm4b:s11+s4], $0x80, s1, s4, $0xb8;
	[tilespmem:$0x1E700] =	vst v63  }
0x38: {  	_ =	swait.ge [sflag:s26], $0x100  }
0x39: {  	[sflag:s26] =	ssyncset.done $0x0  }
0x3a: {  	s28 =	simm.s32 $0x4700;
	s30 =	simm.s32 $0x4;
	[sflag:s26] =	ssyncadd.s32 $0xFFFFFF00  }
0x3b: {  	[tilespmem:s28], [sflag:$0xA] =	stream.indirect.gather [hbm4b:s11+s4], $0x80, s2, s4, $0xb8;
	[tilespmem:$0x1E700] =	vst v63  }
0x3c: {  	_ =	swait.ge [sflag:s30], $0x100  }
0x3d: {  	s31 =	simm.s32 $0x6700;
	[sflag:s30] =	ssyncset.done $0x0  }
0x3e: {  	s0 =	simm.s32 $0x0;
	s1 =	simm.s32 $0x200;
	[sflag:s30] =	ssyncadd.s32 $0xFFFFFF00  }
0x3f: {  	[tilespmem:s31], [sflag:$0xB] =	stream.indirect.gather [hbm4b:s11+s4], $0x80, s19, s4, $0xb8;
	[tilespmem:$0x1E700] =	vst v63  }
.LBB2_2:
0x40: {  	p0 =	sne.s32 s1, $0x7E00;
	[tilespmem:s0+$0x8770] =	vst v0  }
0x41: {  	[tilespmem:s0+$0x8700] =	vst v0  }
0x42: {  	[tilespmem:s0+$0x8710] =	vst v0  }
.Ltmp0:
0x43: {  	[tilespmem:s0+$0x8720] =	vst v0;
	(pc) =	sbr.rel @p0 .LBB2_2-.Ltmp0, $4  }
0x44: {  	[tilespmem:s0+$0x8730] =	vst v0  }
0x45: {  	[tilespmem:s0+$0x8740] =	vst v0  }
0x46: {  	[tilespmem:s0+$0x8750] =	vst v0  }
0x47: {  	[tilespmem:s0+$0x8760] =	vst v0;
	s0 =	sshra.s32 s1, $0x2;
	s1 =	sadd.s32 $0x200, s1  }
0x48: {  	[tilespmem:s0+$0x8770] =	vst v0  }
0x49: {  	[tilespmem:s0+$0x8700] =	vst v0  }
0x4a: {  	[tilespmem:s0+$0x8710] =	vst v0  }
0x4b: {  	[tilespmem:s0+$0x8720] =	vst v0  }
0x4c: {  	[tilespmem:s0+$0x8730] =	vst v0  }
0x4d: {  	[tilespmem:s0+$0x8740] =	vst v0  }
0x4e: {  	[tilespmem:s0+$0x8750] =	vst v0  }
0x4f: {  	[tilespmem:s0+$0x8760] =	vst v0  }
0x50: {  	[spmem:s5] =	stream.linear.scatter [tilespmem:s8], [sflag:$0x12], $0x2000, $0x38;
	[tilespmem:$0x1E700] =	vst v63  }
0x51: {  	_ = 	snop  }
0x52: {  	[spmem:s3] =	stream.linear.scatter [tilespmem:s8], [sflag:$0x12], $0x2000, $0x38;
	[tilespmem:$0x1E700] =	vst v63  }
0x53: {  	_ = 	snop  }
0x54: {  	[spmem:s6] =	stream.linear.scatter [tilespmem:s8], [sflag:$0x12], $0x2000, $0x38;
	[tilespmem:$0x1E700] =	vst v63  }
0x55: {  	_ = 	snop  }
0x56: {  	[spmem:s7] =	stream.linear.scatter [tilespmem:s8], [sflag:$0x12], $0x2000, $0x38;
	[tilespmem:$0x1E700] =	vst v63  }
0x57: {  	_ = 	snop  }
0x58: {  	[spmem:s10] =	stream.linear.scatter [tilespmem:s8], [sflag:$0x12], $0x2000, $0x38;
	[tilespmem:$0x1E700] =	vst v63  }
0x59: {  	_ = 	snop  }
0x5a: {  	[spmem:s13] =	stream.linear.scatter [tilespmem:s8], [sflag:$0x12], $0x2000, $0x38;
	[tilespmem:$0x1E700] =	vst v63  }
0x5b: {  	_ = 	snop  }
0x5c: {  	[spmem:s15] =	stream.linear.scatter [tilespmem:s8], [sflag:$0x12], $0x2000, $0x38;
	[tilespmem:$0x1E700] =	vst v63  }
0x5d: {  	_ = 	snop  }
0x5e: {  	[spmem:s16] =	stream.linear.scatter [tilespmem:s8], [sflag:$0x12], $0x2000, $0x38;
	[tilespmem:$0x1E700] =	vst v63  }
0x5f: {  	_ = 	snop  }
0x60: {  	[spmem:s17] =	stream.linear.scatter [tilespmem:s8], [sflag:$0x12], $0x2000, $0x38;
	[tilespmem:$0x1E700] =	vst v63  }
0x61: {  	p0 =	por $0x0, $0x0  }
0x62: {  	[spmem:s18] =	stream.linear.scatter [tilespmem:s8], [sflag:$0x12], $0x2000, $0x38;
	[tilespmem:$0x1E700] =	vst v63  }
0x63: {  	s0 =	simm.s32 @!p0 $0x5;
	_ =	swait.ge [sflag:s9], $0x2000  }
0x64: {  	s0 =	smul.u32 @!p0 $0x25, s0;
	[sflag:s9] =	ssyncset.done $0x0  }
0x65: {  	s21 =	smov.u32 s5;
	s22 =	smov.u32 s3;
	[sflag:s9] =	ssyncadd.s32 $0xFFFFE000  }
0x66: {  	s23 =	smov.u32 s6;
	s0 =	sshrl.u32 @!p0 s0, $0x8;
	_ =	swait.ge [sflag:s9], $0x2000  }
0x67: {  	s24 =	smov.u32 s7;
	s2 =	ssub.s32 @!p0 $0x5, s0;
	[sflag:s9] =	ssyncset.done $0x0  }
0x68: {  	s25 =	smov.u32 s10;
	s2 =	sand.u32 @!p0 $0xFE, s2;
	[sflag:s9] =	ssyncadd.s32 $0xFFFFE000  }
0x69: {  	s26 =	smov.u32 s13;
	s2 =	sshrl.u32 @!p0 s2, $0x1;
	_ =	swait.ge [sflag:s9], $0x2000  }
0x6a: {  	s1 =	simm.s32 $0x0;
	s0 =	sadd.s32 @!p0 s0, s2;
	[sflag:s9] =	ssyncset.done $0x0  }
0x6b: {  	s30 =	simm.s32 $0x1;
	s0 =	sand.u32 @!p0 $0xFC, s0;
	[sflag:s9] =	ssyncadd.s32 $0xFFFFE000  }
0x6c: {  	p1 =	por $0x0, $0x0;
	s0 =	sshrl.u32 @!p0 s0, $0x2;
	_ =	swait.ge [sflag:s9], $0x2000  }
0x6d: {  	p2 =	por @!p1 $0x1, $0x1;
	s0 =	smul.u32 @!p0 $0x7, s0;
	[sflag:s9] =	ssyncset.done $0x0  }
0x6e: {  	p2 =	por p2, p1;
	s15 =	simm.s32 @!p1 $0x4;
	[sflag:s9] =	ssyncadd.s32 $0xFFFFE000  }
0x6f: {  	s0 =	ssub.s32 @!p0 $0x5, s0;
	s5 =	sand.u32 @!p1 $0xFF, s15;
	_ =	swait.ge [sflag:s9], $0x2000  }
0x70: {  	s0 =	sand.u32 @!p0 $0xFF, s0;
	s16 =	smul.u32 @!p1 $0x25, s5;
	[sflag:s9] =	ssyncset.done $0x0  }
0x71: {  	s6 =	sshll.u32 @!p0 s0, $0x8;
	s18 =	smul.u32 $0x25, s1;
	[sflag:s9] =	ssyncadd.s32 $0xFFFFE000  }
0x72: {  	s7 =	sadd.s32 @!p0 $0x1, s0;
	s1 =	smul.u32 $0xCD, s1;
	_ =	swait.ge [sflag:s9], $0x2000  }
0x73: {  	s16 =	sshrl.u32 @!p1 s16, $0x8;
	s3 =	sshrl.u32 s18, $0x8;
	[sflag:s9] =	ssyncset.done $0x0  }
0x74: {  	s1 =	sshrl.u32 s1, $0xA;
	s19 =	ssub.s32 $0x0, s3;
	[sflag:s9] =	ssyncadd.s32 $0xFFFFE000  }
0x75: {  	s1 =	sand.u32 $0x3F, s1;
	s2 =	sand.u32 $0xFE, s19;
	_ =	swait.ge [sflag:s9], $0x2000  }
0x76: {  	s1 =	smul.u32 $0x5, s1;
	s2 =	sshrl.u32 s2, $0x1;
	[sflag:s9] =	ssyncset.done $0x0  }
0x77: {  	s17 =	smul.u32 @!p1 $0xCD, s5;
	s2 =	sadd.s32 s3, s2;
	[sflag:s9] =	ssyncadd.s32 $0xFFFFE000  }
0x78: {  	s3 =	simm.s32 @!p2 $0xFFFFFFFF;
	s1 =	ssub.s32 $0x0, s1;
	_ =	swait.ge [sflag:s9], $0x2000  }
0x79: {  	s2 =	sand.u32 $0xFC, s2;
	s3 =	sand.u32 @!p2 $0xFF, s3;
	[sflag:s9] =	ssyncset.done $0x0  }
0x7a: {  	s2 =	sshrl.u32 s2, $0x2;
	s3 =	smul.u32 @!p2 $0xCD, s3;
	[sflag:s9] =	ssyncadd.s32 $0xFFFFE000  }
0x7b: {  	s10 =	sand.u32 $0xFF, s1;
	s2 =	smul.u32 $0x7, s2;
	_ =	swait.ge [sflag:s9], $0x2000  }
0x7c: {  	s28 =	sshll.u32 s10, $0xD;
	s1 =	sshrl.u32 @!p2 s3, $0xA;
	[sflag:s9] =	ssyncset.done $0x0  }
0x7d: {  	s20 =	ssub.s32 $0x0, s2;
	s2 =	ssub.s32 @!p1 $0x4, s16;
	[sflag:s9] =	ssyncadd.s32 $0xFFFFE000  }
0x7e: {  	s3 =	smul.u32 @!p2 $0x5, s1;
	s2 =	sand.u32 @!p1 $0xFE, s2;
	_ =	swait.ge [sflag:s9], $0x2000  }
0x7f: {  	s1 =	sor.u32 $0x8, s10;
	s2 =	sshrl.u32 @!p1 s2, $0x1;
	[sflag:s9] =	ssyncset.done $0x0  }
0x80: {  	s2 =	sadd.s32 @!p1 s16, s2;
	p1 =	por p1, p1;
	[sflag:s9] =	ssyncadd.s32 $0xFFFFE000  }
0x81: {  	s0 =	sand.u32 $0xFF, s20;
	s16 =	sshrl.u32 @!p1 s2, $0x2;
	[bflag:$0x0] =	sbarrier.arrive $0xFFFF  }
0x82: {  	s2 =	sshrl.u32 @!p1 s17, $0xA;
	s17 =	smul.u32 @!p1 $0x7, s16;
	s16 =	rddreg [dreg:$0xf]  }
0x83: {  	s5 =	ssub.s32 @!p2 $0xFFFFFFFF, s3;
	s3 =	simm.s32 @!p0 $0x0;
	s31 =	sadd.s32 $0x20, s16  }
.LBB2_4:
0x84: {  	[tilespmem:s6], [sflag:s7] =	stream.linear.gather @!p0 [hbm4b:s16+s3], $0x100, $0x38;
	[tilespmem:$0x1E700] =	vst v63  }
0x85: {  	s3 =	smov.u32 s30;
	s16 =	smov.u32 s31  }
0x86: {  	s6 =	sadd.s32 $0xD, s10;
	s2 =	smul.u32 @!p1 $0x5, s2;
	s7 =	ssub.s32 @!p1 s15, s17  }
0x87: {  	s0 =	sshll.u32 s0, $0x8;
	_ =	swait.ge [sflag:s1], $0x2000;
	s7 =	sand.u32 @!p1 $0xFF, s7  }
0x88: {  	s10 =	sor.u32 $0x700, s28;
	s5 =	sand.u32 @!p2 $0xFF, s5;
	[sflag:s1] =	ssyncset.done $0x0  }
0x89: {  	s0 =	sor.u32 $0x80, s0;
	[sflag:s1] =	ssyncadd.s32 $0xFFFFE000;
	s1 =	sadd.s32 @!p2 $0xD, s5  }
0x8a: {  	[spmem:s14] =	stream.indirect.scatter.add.f32 [tilespmem:s10], [sflag:s6], $0x80, s0, s4, $0xb8;
	[tilespmem:$0x1E700] =	vst v63  }
0x8b: {  	p0 =	sgt.u32 s30, $0x9A;
	s5 =	sshll.u32 @!p1 s7, $0x8;
	_ =	swait.ge @!p2 [sflag:s1], $0x2000  }
0x8c: {  	s2 =	ssub.s32 @!p1 s15, s2;
	s0 =	sadd.s32 @!p0 $0x5, s30;
	[sflag:s1] =	ssyncset.done @!p2 $0x0  }
0x8d: {  	s6 =	smul.u32 @!p0 $0x25, s0;
	[sflag:s1] =	ssyncadd.s32 @!p2 $0xFFFFE000;
	s1 =	sadd.s32 @!p1 $0x1, s7  }
0x8e: {  	s2 =	sand.u32 @!p1 $0xFF, s2;
	s30 =	sadd.s32 $0x1, s30;
	_ =	swait.ge @!p1 [sflag:s1], $0x100  }
0x8f: {  	s6 =	sshrl.u32 @!p0 s6, $0x8;
	s7 =	sshll.u32 @!p1 s2, $0xD;
	[sflag:s1] =	ssyncset.done @!p1 $0x0  }
0x90: {  	s15 =	smul.u32 $0x25, s3;
	s10 =	ssub.s32 @!p0 s0, s6;
	[sflag:s1] =	ssyncadd.s32 @!p1 $0xFFFFFF00  }
0x91: {  	s2 =	sor.u32 @!p1 $0x8, s2;
	s17 =	sor.u32 @!p1 $0x700, s7;
	s1 =	sand.u32 @!p0 $0xFE, s10  }
0x92: {  	p3 =	sne.s32 s30, $0xA0;
	s7 =	sshrl.u32 s15, $0x8;
	s1 =	sshrl.u32 @!p0 s1, $0x1  }
0x93: {  	s1 =	sadd.s32 @!p0 s6, s1;
	s6 =	ssub.s32 s3, s7  }
0x94: {  	s10 =	smul.u32 $0xCD, s3;
	s1 =	sand.u32 @!p0 $0xFC, s1;
	s6 =	sand.u32 $0xFE, s6  }
0x95: {  	p4 =	sgt.u32 s3, $0x9B;
	s1 =	sshrl.u32 @!p0 s1, $0x2;
	s6 =	sshrl.u32 s6, $0x1  }
0x96: {  	s10 =	sshrl.u32 s10, $0xA;
	s1 =	smul.u32 @!p0 $0x7, s1;
	s6 =	sadd.s32 s7, s6  }
0x97: {  	p2 =	seq.s32 @!p4 s3, $0x0;
	s10 =	sand.u32 $0x3F, s10;
	s6 =	sand.u32 $0xFC, s6  }
0x98: {  	p2 =	por p2, p4;
	s0 =	ssub.s32 @!p0 s0, s1;
	s1 =	sshrl.u32 s6, $0x2  }
0x99: {  	s28 =	sadd.s32 @!p2 $0xFFFFFFFF, s3;
	s0 =	sand.u32 @!p0 $0xFF, s0;
	s1 =	smul.u32 $0x7, s1  }
0x9a: {  	s15 =	sadd.s32 @!p4 $0x4, s3;
	s6 =	sshll.u32 @!p0 s0, $0x8;
	s7 =	sadd.s32 @!p0 $0x1, s0  }
0x9b: {  	s18 =	sand.u32 @!p4 $0xFF, s15;
	s0 =	smul.u32 $0x5, s10;
	s10 =	sand.u32 @!p2 $0xFF, s28  }
0x9c: {  	s13 =	smul.u32 @!p4 $0x25, s18  }
0x9d: {  	s20 =	simm.s32 @!p1 $0x40;
	s19 =	smul.u32 @!p2 $0xCD, s10;
	s0 =	ssub.s32 s3, s0  }
0x9e: {  	s10 =	sand.u32 $0xFF, s0;
	s0 =	ssub.s32 s3, s1;
	s3 =	sshrl.u32 @!p4 s13, $0x8  }
0x9f: {  	s13 =	sshrl.u32 @!p2 s19, $0xA;
	s0 =	sand.u32 $0xFF, s0;
	s19 =	ssub.s32 @!p4 s15, s3  }
0xa0: {  	s1 =	sor.u32 $0x8, s10;
	s13 =	smul.u32 @!p2 $0x5, s13;
	s19 =	sand.u32 @!p4 $0xFE, s19  }
0xa1: {  	[tilespmem:s17], [sflag:s2] =	stream.indirect.gather @!p1 [hbm4b:s11+s20], $0x80, s5, s20, $0xb8;
	[tilespmem:$0x1E700] =	vst v63  }
.Ltmp1:
0xa2: {  	_ = 	snop;
	(pc) =	sbr.rel @p3 .LBB2_4-.Ltmp1, $4  }
0xa3: {  	s5 =	ssub.s32 @!p2 s28, s13;
	s2 =	sshrl.u32 @!p4 s19, $0x1;
	s13 =	smul.u32 @!p4 $0xCD, s18  }
0xa4: {  	s28 =	sshll.u32 s10, $0xD;
	p1 =	por p4, p4;
	s2 =	sadd.s32 @!p4 s3, s2  }
0xa5: {  	s17 =	sshrl.u32 @!p1 s2, $0x2;
	s2 =	sshrl.u32 @!p1 s13, $0xA  }
0xa6: {  	s31 =	sadd.s32 $0x20, s31;
	s3 =	simm.s32 @!p0 $0x0;
	s17 =	smul.u32 @!p1 $0x7, s17  }
0xa7: {  	[tilespmem:s6], [sflag:s7] =	stream.linear.gather @!p0 [hbm4b:s16+s3], $0x100, $0x38;
	[tilespmem:$0x1E700] =	vst v63  }
0xa8: {  	_ =	swait.ge [sflag:s1], $0x2000  }
0xa9: {  	s0 =	sshll.u32 s0, $0x8;
	s3 =	sadd.s32 $0xD, s10;
	[sflag:s1] =	ssyncset.done $0x0  }
0xaa: {  	s6 =	sor.u32 $0x700, s28;
	s0 =	sor.u32 $0x80, s0;
	[sflag:s1] =	ssyncadd.s32 $0xFFFFE000  }
0xab: {  	[spmem:s14] =	stream.indirect.scatter.add.f32 [tilespmem:s6], [sflag:s3], $0x80, s0, s4, $0xb8;
	[tilespmem:$0x1E700] =	vst v63  }
0xac: {  	s0 =	sand.u32 @!p2 $0xFF, s5  }
0xad: {  	s2 =	smul.u32 @!p1 $0x5, s2;
	s0 =	sadd.s32 @!p2 $0xD, s0  }
0xae: {  	s1 =	ssub.s32 @!p1 s15, s17;
	_ =	swait.ge @!p2 [sflag:s0], $0x2000  }
0xaf: {  	s2 =	ssub.s32 @!p1 s15, s2;
	s1 =	sand.u32 @!p1 $0xFF, s1;
	[sflag:s0] =	ssyncset.done @!p2 $0x0  }
0xb0: {  	s2 =	sand.u32 @!p1 $0xFF, s2;
	[sflag:s0] =	ssyncadd.s32 @!p2 $0xFFFFE000;
	s0 =	sadd.s32 @!p1 $0x1, s1  }
0xb1: {  	s7 =	simm.s32 $0xD;
	s3 =	sshll.u32 @!p1 s2, $0xD;
	_ =	swait.ge @!p1 [sflag:s0], $0x100  }
0xb2: {  	s2 =	sor.u32 @!p1 $0x8, s2;
	s1 =	sshll.u32 @!p1 s1, $0x8;
	[sflag:s0] =	ssyncset.done @!p1 $0x0  }
0xb3: {  	[sflag:s0] =	ssyncadd.s32 @!p1 $0xFFFFFF00;
	s0 =	sor.u32 @!p1 $0x700, s3;
	s3 =	simm.s32 @!p1 $0x40  }
0xb4: {  	[tilespmem:s0], [sflag:s2] =	stream.indirect.gather @!p1 [hbm4b:s11+s3], $0x80, s1, s3, $0xb8;
	[tilespmem:$0x1E700] =	vst v63  }
0xb5: {  	_ =	swait.ge [sflag:s7], $0x2000  }
0xb6: {  	[sflag:s7] =	ssyncset.done $0x0  }
0xb7: {  	s10 =	simm.s32 $0xE;
	[sflag:s7] =	ssyncadd.s32 $0xFFFFE000  }
0xb8: {  	_ =	swait.ge [sflag:s10], $0x2000  }
0xb9: {  	[sflag:s10] =	ssyncset.done $0x0  }
0xba: {  	s13 =	simm.s32 $0xF;
	[sflag:s10] =	ssyncadd.s32 $0xFFFFE000  }
0xbb: {  	_ =	swait.ge [sflag:s13], $0x2000  }
0xbc: {  	[sflag:s13] =	ssyncset.done $0x0  }
0xbd: {  	s15 =	simm.s32 $0x10;
	[sflag:s13] =	ssyncadd.s32 $0xFFFFE000  }
0xbe: {  	_ =	swait.ge [sflag:s15], $0x2000  }
0xbf: {  	[sflag:s15] =	ssyncset.done $0x0  }
0xc0: {  	s16 =	simm.s32 $0x11;
	[sflag:s15] =	ssyncadd.s32 $0xFFFFE000  }
0xc1: {  	_ =	swait.ge [sflag:s16], $0x2000  }
0xc2: {  	[sflag:s16] =	ssyncset.done $0x0  }
0xc3: {  	s17 =	stileid.u32;
	[sflag:s16] =	ssyncadd.s32 $0xFFFFE000  }
0xc4: {  	s0 =	sshll.u32 s17, $0x6;
	[bflag:$0x0] =	sbarrier.arrive $0xFFFF  }
0xc5: {  	s18 =	sshrl.u32 s21, $0x3;
	s0 =	sor.u32 $0x1C12, s0;
	s19 =	rddreg [dreg:$0x4]  }
0xc6: {  	[hbm:s19], [sflag:s0] =	dma.local [spmem:s18], $0x400  }
0xc7: {  	s20 =	sshrl.u32 s22, $0x3;
	s2 =	rddreg [dreg:$0x5]  }
0xc8: {  	[hbm:s2], [sflag:s0] =	dma.local [spmem:s20], $0x400  }
0xc9: {  	s5 =	smov.u32 s21;
	s21 =	sshrl.u32 s23, $0x3;
	s2 =	rddreg [dreg:$0x6]  }
0xca: {  	[hbm:s2], [sflag:s0] =	dma.local [spmem:s21], $0x400  }
0xcb: {  	s3 =	smov.u32 s22;
	s22 =	sshrl.u32 s24, $0x3;
	s2 =	rddreg [dreg:$0x7]  }
0xcc: {  	[hbm:s2], [sflag:s0] =	dma.local [spmem:s22], $0x400  }
0xcd: {  	s6 =	smov.u32 s23;
	s23 =	sshrl.u32 s25, $0x3;
	s2 =	rddreg [dreg:$0x8]  }
0xce: {  	[hbm:s2], [sflag:s0] =	dma.local [spmem:s23], $0x400  }
0xcf: {  	s7 =	smov.u32 s24;
	s24 =	sshrl.u32 s26, $0x3;
	s2 =	rddreg [dreg:$0x9]  }
0xd0: {  	[hbm:s2], [sflag:s0] =	dma.local [spmem:s24], $0x400  }
0xd1: {  	s15 =	rddreg [dreg:$0x10]  }
0xd2: {  	s10 =	smov.u32 s25;
	s2 =	rddreg [dreg:$0xa];
	s25 =	sshrl.u32 s15, $0x3  }
0xd3: {  	[hbm:s2], [sflag:s0] =	dma.local [spmem:s25], $0x400  }
0xd4: {  	s16 =	rddreg [dreg:$0x11]  }
0xd5: {  	s13 =	smov.u32 s26;
	s2 =	rddreg [dreg:$0xb];
	s26 =	sshrl.u32 s16, $0x3  }
0xd6: {  	[hbm:s2], [sflag:s0] =	dma.local [spmem:s26], $0x400  }
0xd7: {  	s17 =	rddreg [dreg:$0x12]  }
0xd8: {  	s2 =	rddreg [dreg:$0xc];
	s28 =	sshrl.u32 s17, $0x3  }
0xd9: {  	[hbm:s2], [sflag:s0] =	dma.local [spmem:s28], $0x400  }
0xda: {  	s18 =	rddreg [dreg:$0x13]  }
0xdb: {  	s2 =	rddreg [dreg:$0xd];
	s30 =	sshrl.u32 s18, $0x3  }
0xdc: {  	[hbm:s2], [sflag:s0] =	dma.local [spmem:s30], $0x400  }
0xdd: {  	_ =	swait.ge [sflag:s9], $0x400  }
0xde: {  	[sflag:s9] =	ssyncset.done $0x0  }
0xdf: {  	[sflag:s9] =	ssyncadd.s32 $0xFFFFFC00  }
0xe0: {  	_ =	swait.ge [sflag:s9], $0x400  }
0xe1: {  	[sflag:s9] =	ssyncset.done $0x0  }
0xe2: {  	[sflag:s9] =	ssyncadd.s32 $0xFFFFFC00  }
0xe3: {  	_ =	swait.ge [sflag:s9], $0x400  }
0xe4: {  	[sflag:s9] =	ssyncset.done $0x0  }
0xe5: {  	[sflag:s9] =	ssyncadd.s32 $0xFFFFFC00  }
0xe6: {  	_ =	swait.ge [sflag:s9], $0x400  }
0xe7: {  	[sflag:s9] =	ssyncset.done $0x0  }
0xe8: {  	[sflag:s9] =	ssyncadd.s32 $0xFFFFFC00  }
0xe9: {  	_ =	swait.ge [sflag:s9], $0x400  }
0xea: {  	[sflag:s9] =	ssyncset.done $0x0  }
0xeb: {  	[sflag:s9] =	ssyncadd.s32 $0xFFFFFC00  }
0xec: {  	_ =	swait.ge [sflag:s9], $0x400  }
0xed: {  	[sflag:s9] =	ssyncset.done $0x0  }
0xee: {  	[sflag:s9] =	ssyncadd.s32 $0xFFFFFC00  }
0xef: {  	_ =	swait.ge [sflag:s9], $0x400  }
0xf0: {  	[sflag:s9] =	ssyncset.done $0x0  }
0xf1: {  	[sflag:s9] =	ssyncadd.s32 $0xFFFFFC00  }
0xf2: {  	_ =	swait.ge [sflag:s9], $0x400  }
0xf3: {  	[sflag:s9] =	ssyncset.done $0x0  }
0xf4: {  	[sflag:s9] =	ssyncadd.s32 $0xFFFFFC00  }
0xf5: {  	_ =	swait.ge [sflag:s9], $0x400  }
0xf6: {  	[sflag:s9] =	ssyncset.done $0x0  }
0xf7: {  	[sflag:s9] =	ssyncadd.s32 $0xFFFFFC00  }
0xf8: {  	_ =	swait.ge [sflag:s9], $0x400  }
0xf9: {  	s29 =	sadd.s32 $0x1, s29;
	s31 =	rddreg [dreg:$0x14]  }
0xfa: {  	p0 =	sne.s32 s29, s31  }
.Ltmp2:
0xfb: {  	_ = 	snop;
	(pc) =	sbr.rel @p0 .LBB2_1-.Ltmp2, $3  }
0xfc: {  	_ =	sdelay $0x1  }
0xfd: {  	[sflag:s9] =	ssyncset.done $0x0  }
0xfe: {  	[sflag:s9] =	ssyncadd.s32 $0xFFFFFC00  }
0xff: {  	_ =	sfence.sel $0x180000  }
0x100: {  	[bflag:$0x0] =	sbarrier.arrive $0xFFFF  }
0x101: {  	_ =	strace $0x9000004D  }
0x102: {  	s0 =	stileid.u32;
	[bflag:$0x2] =	sbarrier.arrive $0xFFFF  }
0x103: {  	p0 =	sne.s32 s0, $0x0;
	s0 =	rddreg [dreg:$0x3]  }
0x104: {  	s0 =	sadd.s32 @!p0 $0x100000, s0  }
0x105: {  	[sflag:s0] =	ssyncadd.tile.s32 @!p0 $0x1;
	_ =	shalt  }
.Lfunc_end2:
_tile_overlayer_lowered:
.L_overlay_start_2:
0x106: {  	(tag) =	ssettag $0x2  }
0x107: {  	s0 =	rddreg [dreg:$0x0];
	s2 =	stileid.u32  }
0x108: {  	s1 =	rddreg [dreg:$0x1];
	p0 =	sne.s32 s2, $0x0  }
0x109: {  	s3 =	rddreg [dreg:$0x2];
	[bflag:$0x3] =	sbarrier.arrive $0xFFFF;
	s2 =	simm.s32 @!p0 $0x1C13  }
0x10a: {  	[timem:s3], [sflag:s2] =	dma.local @!p0 [hbm:s0], s1  }
0x10b: {  	s0 =	simm.s32 @!p0 $0x13  }
0x10c: {  	_ =	swait.ge @!p0 [sflag:s0], s1  }
0x10d: {  	s1 =	ssub.s32 @!p0 $0x0, s1;
	[sflag:s0] =	ssyncset.done @!p0 $0x0  }
0x10e: {  	[sflag:s0] =	ssyncadd.s32 @!p0 s1  }
0x10f: {  	[bflag:$0x3] =	sbarrier.arrive $0xFFFF  }
0x110: {  	_ =	shalt  }

// kernel: kernel.8.cloned.1.call-start
scs
__scs_entry_jumppad:
0x0: {  	(pc) =	sbr.rel $0x88, $3  }
0x1: {  	(tag) =	ssettag $0x0;
	lr =	simm.s32 $0x1  }
0x2: {  	[smem:$0x3F8D] =	sst lr;
	_ =	strace $0xD0000000  }
0x3: {  	_ = 	snop  }
0x4: {  	_ = 	snop  }
0x5: {  	_ = 	snop  }
0x6: {  	_ = 	snop  }
0x7: {  	_ = 	snop  }
__scs_overlays_trampoline_lowered:
0x8: {  	[smem:$0x3F9C] =	sst s0  }
0x9: {  	[smem:$0x3F9D] =	sst s1  }
0xa: {  	[smem:$0x3F9E] =	sst s2  }
0xb: {  	[smem:$0x3F9F] =	sst s3  }
0xc: {  	[smem:$0x3FA0] =	sst s4  }
0xd: {  	[smem:$0x3FA1] =	sst s5  }
0xe: {  	[smem:$0x3FA2] =	sst s6  }
0xf: {  	[smem:$0x3FA3] =	sst s7  }
0x10: {  	[smem:$0x3FA4] =	sst s8  }
0x11: {  	[smem:$0x3FA5] =	sst s9;
	s0 =	simm.s32 @!p0 $0x0  }
0x12: {  	s1 =	sld [smem:$0x3F8B];
	s0 =	simm.s32 @p0 $0x1  }
0x13: {  	[smem:$0x3FA6] =	sst s0;
	s0 =	simm.s32 @!p1 $0x0  }
0x14: {  	s2 =	sld [smem:$0x3F8A];
	s0 =	simm.s32 @p1 $0x1  }
0x15: {  	[smem:$0x3FA7] =	sst s0;
	s0 =	simm.s32 @!p2 $0x0  }
0x16: {  	s3 =	sld [smem:$0x3FDB];
	s0 =	simm.s32 @p2 $0x1  }
0x17: {  	s4 =	simm.s32 $0x1BF5;
	[smem:$0x3FA9] =	sst s0  }
0x18: {  	s0 =	sld [smem:$0x3F8C];
	_ =	swait.ge [sflag:s4], $0x0  }
0x19: {  	s7 =	sld [smem:$0x3F8D]  }
0x1a: {  	s8 =	sadd.s32 $0xFFFFE003, lr  }
0x1b: {  	s9 =	sadd.s32 $0xFFFFFEF7, lr;
	s5 =	simm.s32 $0xFFFFFFFF;
	p2 =	slt.u32 s8, $0xFFFFF086  }
0x1c: {  	p1 =	slt.u32 s9, $0xF7A;
	s5 =	simm.s32 @!p2 $0x0  }
0x1d: {  	s5 =	simm.s32 @p1 $0x1;
	p0 =	seq.s32 s7, s2  }
0x1e: {  	s7 =	smul.u32 @!p0 $0xF7A, s2;
	p2 =	seq.s32 @!p0 s5, $0x0  }
0x1f: {  	s9 =	smul.u32 $0xF7A, s1;
	s8 =	simm.s32 @!p0 $0x1BF5;
	p2 =	por !p2, p0  }
0x20: {  	[sflag:s8] =	ssyncset.s32 @!p0 $0xFFFFF086;
	s6 =	sadd.s32 @!p0 s3, s7;
	s7 =	simm.s32 @!p0 $0x108  }
0x21: {  	s3 =	sadd.s32 s3, s9;
	s6 =	sadd.s32 @!p0 $0x88, s6;
	s7 =	simm.s32 @p2 $0x1082  }
0x22: {  	[simem:s7], [sflag:s8] =	dma.local @!p0 [hbm:s6], $0xF7A  }
0x23: {  	s9 =	sor.u32 $0xD0000000, s2;
	s6 =	simm.s32 $0x108;
	_ =	swait.ge @!p0 [sflag:s8], $0x0  }
0x24: {  	s3 =	sadd.s32 $0x88, s3;
	s6 =	simm.s32 @!p1 $0x1082;
	[sflag:s4] =	ssyncset.s32 $0xFFFFF086  }
0x25: {  	[simem:s6], [sflag:s4] =	dma.local [hbm:s3], $0xF7A  }
0x26: {  	[smem:$0x3F8D] =	sst s1;
	(tag) =	ssettag s2;
	_ =	strace s9  }
0x27: {  	s1 =	sld [smem:$0x3F9D]  }
0x28: {  	s2 =	sld [smem:$0x3F9E]  }
0x29: {  	s4 =	sld [smem:$0x3FA0]  }
0x2a: {  	p0 =	seq.s32 s5, $0x0;
	s5 =	sld [smem:$0x3FA1]  }
0x2b: {  	s6 =	sld [smem:$0x3FA2]  }
0x2c: {  	s7 =	sld [smem:$0x3FA3]  }
0x2d: {  	s3 =	simm.s32 $0x108;
	s8 =	sld [smem:$0x3FA4]  }
0x2e: {  	s3 =	simm.s32 @!p0 $0x1082;
	s9 =	sld [smem:$0x3FA5]  }
0x2f: {  	lr =	sadd.s32 s0, s3;
	s0 =	sld [smem:$0x3F9C]  }
0x30: {  	s3 =	sld [smem:$0x3F9F]  }
0x31: {  	[smem:$0x3FA8] =	sst s10  }
0x32: {  	s10 =	sld [smem:$0x3FA6];
	_ =	sdelay $0x3  }
0x33: {  	p0 =	seq.s32 s10, $0x1;
	s10 =	sld [smem:$0x3FA8];
	_ =	sdelay $0x3  }
0x34: {  	[smem:$0x3FA8] =	sst s10  }
0x35: {  	s10 =	sld [smem:$0x3FA7];
	_ =	sdelay $0x3  }
0x36: {  	p1 =	seq.s32 s10, $0x1;
	s10 =	sld [smem:$0x3FA8];
	_ =	sdelay $0x3  }
0x37: {  	[smem:$0x3FA8] =	sst s10  }
0x38: {  	s10 =	sld [smem:$0x3FA9]  }
0x39: {  	_ = 	snop;
	(pc) =	sbr.ind lr, $3  }
0x3a: {  	_ = 	snop  }
0x3b: {  	_ = 	snop  }
0x3c: {  	p2 =	seq.s32 s10, $0x1;
	s10 =	sld [smem:$0x3FA8]  }
0x3d: {  	_ =	shalt  }
0x3e: {  	_ =	shalt  }
0x3f: {  	_ =	shalt  }
0x40: {  	_ =	shalt  }
0x41: {  	_ =	shalt  }
0x42: {  	_ =	shalt  }
0x43: {  	_ =	shalt  }
0x44: {  	_ =	shalt  }
0x45: {  	_ =	shalt  }
0x46: {  	_ =	shalt  }
0x47: {  	_ =	shalt  }
0x48: {  	_ =	shalt  }
0x49: {  	_ =	shalt  }
0x4a: {  	_ =	shalt  }
0x4b: {  	_ =	shalt  }
0x4c: {  	_ =	shalt  }
0x4d: {  	_ =	shalt  }
0x4e: {  	_ =	shalt  }
0x4f: {  	_ =	shalt  }
0x50: {  	_ =	shalt  }
0x51: {  	_ =	shalt  }
0x52: {  	_ =	shalt  }
0x53: {  	_ =	shalt  }
0x54: {  	_ =	shalt  }
0x55: {  	_ =	shalt  }
0x56: {  	_ =	shalt  }
0x57: {  	_ =	shalt  }
0x58: {  	_ =	shalt  }
0x59: {  	_ =	shalt  }
0x5a: {  	_ =	shalt  }
0x5b: {  	_ =	shalt  }
0x5c: {  	_ =	shalt  }
0x5d: {  	_ =	shalt  }
0x5e: {  	_ =	shalt  }
0x5f: {  	_ =	shalt  }
0x60: {  	_ =	shalt  }
0x61: {  	_ =	shalt  }
0x62: {  	_ =	shalt  }
0x63: {  	_ =	shalt  }
0x64: {  	_ =	shalt  }
0x65: {  	_ =	shalt  }
0x66: {  	_ =	shalt  }
0x67: {  	_ =	shalt  }
0x68: {  	_ =	shalt  }
0x69: {  	_ =	shalt  }
0x6a: {  	_ =	shalt  }
0x6b: {  	_ =	shalt  }
0x6c: {  	_ =	shalt  }
0x6d: {  	_ =	shalt  }
0x6e: {  	_ =	shalt  }
0x6f: {  	_ =	shalt  }
0x70: {  	_ =	shalt  }
0x71: {  	_ =	shalt  }
0x72: {  	_ =	shalt  }
0x73: {  	_ =	shalt  }
0x74: {  	_ =	shalt  }
0x75: {  	_ =	shalt  }
0x76: {  	_ =	shalt  }
0x77: {  	_ =	shalt  }
0x78: {  	_ =	shalt  }
0x79: {  	_ =	shalt  }
0x7a: {  	_ =	shalt  }
0x7b: {  	_ =	shalt  }
0x7c: {  	_ =	shalt  }
0x7d: {  	_ =	shalt  }
0x7e: {  	_ =	shalt  }
0x7f: {  	_ =	shalt  }
0x80: {  	_ =	shalt  }
0x81: {  	_ =	shalt  }
0x82: {  	_ =	shalt  }
0x83: {  	_ =	shalt  }
0x84: {  	_ =	shalt  }
0x85: {  	_ =	shalt  }
0x86: {  	_ =	shalt  }
0x87: {  	_ =	shalt  }
.Lfunc_end0:
.L_simem_size_0:
called_computation_lowered:
.L_overlay_start_0:
0x88: {  	s2 =	sld [smem:$0x3FD9]  }
0x89: {  	s3 =	sld [smem:$0x3FFE];
	_ =	sdelay $0x1  }
0x8a: {  	s1 =	srdreg.scid  }
0x8b: {  	s0 =	sand.u32 $0x1, s1  }
0x8c: {  	s17 =	sshll.u32 s0, $0xA;
	s2 =	sadd.s32 s3, s2  }
0x8d: {  	s2 =	sadd.s32 s2, s17  }
0x8e: {  	[smem:$0x3FB4] =	sst s2  }
0x8f: {  	_ = 	snop  }
0x90: {  	s2 =	sld [smem:$0x3FC9];
	(tm) =	ssettm $0x1  }
0x91: {  	s18 =	sld [smem:$0x3FFB];
	_ =	sdelay $0x3  }
0x92: {  	_ =	strace s18  }
0x93: {  	s3 =	sld [smem:$0x3FFC];
	_ =	sdelay $0x3  }
0x94: {  	_ =	strace s3  }
0x95: {  	s3 =	sld [smem:$0x3FFD];
	_ =	sdelay $0x3  }
0x96: {  	_ =	strace s3  }
0x97: {  	_ =	strace $0x8FFFFFFF  }
0x98: {  	s19 =	sld [smem:$0x3FDB];
	_ =	sdelay $0x1  }
0x99: {  	s4 =	simm.s32 $_scs_section_size  }
0x9a: {  	s5 =	simm.s32 $_size__tile_overlayer_lowered;
	s6 =	simm.s32 $_tile_overlayer_lowered  }
0x9b: {  	s22 =	simm.s32 $0x1BFF;
	s21 =	sshll.u32 s6, $0x1;
	s3 =	sadd.s32 s4, s19  }
0x9c: {  	s7 =	simm.s32 $0x0;
	s20 =	sshll.u32 s5, $0x1;
	s5 =	sadd.s32 s21, s3  }
0x9d: {  	[timem:s7], [sflag:s22] =	dma.local [hbm:s5], s20  }
0x9e: {  	_ =	swait.ge [sflag:s22], s20  }
0x9f: {  	s4 =	ssub.s32 $0x0, s20;
	[sflag:s22] =	ssyncset.done $0x0  }
0xa0: {  	[sflag:s22] =	ssyncadd.s32 s4;
	_ =	sdelay $0x1  }
0xa1: {  	s23 =	simm.s32 $0x1B8B  }
0xa2: {  	_ =	swait.ge [sflag:s23], $0x1  }
0xa3: {  	[sflag:s23] =	ssyncset.done $0x0  }
0xa4: {  	s25 =	simm.s32 $0x1B8E;
	s24 =	sld [smem:$0x3FFE];
	[sflag:s23] =	ssyncadd.s32 $0xFFFFFFFF  }
0xa5: {  	s26 =	simm.s32 $execute0_lowered;
	[smem:$0x3FD2] =	sst s25  }
0xa6: {  	s5 =	sshll.u32 s26, $0x1;
	_ =	strace $0x80000046;
	[dreg:$0x1] =	wrdreg $0xFFFFFFFF  }
0xa7: {  	s28 =	simm.s32 $_size_execute0_lowered;
	s3 =	sadd.s32 s3, s5;
	[dreg:$0x0] =	wrdreg $0x0  }
0xa8: {  	s5 =	sshll.u32 s28, $0x1;
	[dreg:$0x2] =	wrdreg s3  }
0xa9: {  	[dreg:$0x3] =	wrdreg s5  }
0xaa: {  	[dreg:$0x4] =	wrdreg $0xC0  }
0xab: {  	_ =	task [dreg:s7], $0x5FFFF  }
0xac: {  	[dreg:$0x1] =	wrdreg $0xFFFFFFFF  }
0xad: {  	[dreg:$0x0] =	wrdreg $0x60  }
0xae: {  	[dreg:$0x2] =	wrdreg s2  }
0xaf: {  	[dreg:$0x3] =	wrdreg s24  }
0xb0: {  	[dreg:$0x4] =	wrdreg $0xA7000  }
0xb1: {  	[dreg:$0x5] =	wrdreg $0x9  }
0xb2: {  	_ =	task.clear_ibuf [dreg:s7], $0x6FFFF;
	_ =	strace $0x90000046  }
0xb3: {  	s29 =	simm.s32 $0x9;
	_ =	strace $0x80000048  }
0xb4: {  	_ =	swait.ge [sflag:s29], $0x1  }
0xb5: {  	[sflag:s29] =	ssyncadd.s32 $0xFFFFFFFF  }
0xb6: {  	_ =	strace $0x90000048  }
0xb7: {  	_ =	sfence  }
0xb8: {  	s30 =	sld [smem:$0x0];
	_ =	sdelay $0x2  }
0xb9: {  	s31 =	sshll.u32 s1, $0xD;
	s1 =	sshrl.u32 s1, $0x2  }
0xba: {  	s3 =	sand.u32 $0x4000, s31;
	s1 =	sadd.s32 s1, s30  }
0xbb: {  	s0 =	sor.u32 s3, s0;
	s1 =	sshll.u32 s1, $0x11  }
0xbc: {  	s0 =	sor.u32 s1, s0  }
0xbd: {  	s0 =	sadd.s32 $0x8F2B, s0  }
0xbe: {  	[sflag:s0] =	ssyncadd.remote.s32 $0x1  }
0xbf: {  	_ =	sfence.sel $0xFFFF  }
0xc0: {  	[dreg:$0x0] =	wrdreg $0xFFFFFFFF;
	(pc) =	sbr.abs _section_cstart, $3  }
0xc1: {  	[dreg:$0x1] =	wrdreg $0xFFFFFFFF  }
0xc2: {  	_ =	task.clear_ibuf [dreg:s7], $0x2FFFF;
	_ =	strace $0x9FFFFFFF  }
0xc3: {  	(tm) =	ssettm $0x7FFFFFFF  }
tec
execute0_lowered:
.L_overlay_start_1:
0x0: {  	(tag) =	ssettag $0x1  }
0x1: {  	s0 =	srdreg.scid;
	s18 =	stileid.u32  }
0x2: {  	s1 =	rddreg [dreg:$0x1];
	s2 =	sand.u32 $0x1, s0;
	s20 =	sshll.u32 s18, $0x1  }
0x3: {  	s4 =	smul.u32 $0x14000, s18;
	s5 =	sadd.s32 $0x2C600, s1;
	s3 =	ssub.s32 $0x2, s2  }
0x4: {  	s1 =	sadd.s32 $0x4600, s1;
	s0 =	sor.u32 s2, s20;
	s6 =	sshrl.u32 s3, $0x1  }
0x5: {  	s7 =	smul.u32 $0xA000, s0;
	s8 =	sadd.s32 $0x4000, s4;
	s9 =	sadd.s32 $0x6000, s4  }
0x6: {  	s10 =	sadd.s32 $0x8000, s4;
	s15 =	sadd.s32 $0xA000, s4;
	s16 =	sadd.s32 $0xC000, s4  }
0x7: {  	s17 =	sadd.s32 $0xE000, s4;
	s0 =	ssub.s32 s3, s6;
	s6 =	smul.u32 $0x140000, s2  }
0x8: {  	s25 =	sadd.s32 $0x10000, s4;
	s26 =	sadd.s32 $0x12000, s4;
	s3 =	sor.u32 $0x2000, s4  }
0x9: {  	s2 =	smul.u32 $0xA000, s2;
	s11 =	sadd.s32 s4, s6;
	s21 =	sadd.s32 s6, s3  }
0xa: {  	s12 =	sadd.s32 s6, s8;
	s13 =	sadd.s32 s6, s9;
	s28 =	sadd.s32 s6, s10  }
0xb: {  	s30 =	sadd.s32 s6, s15;
	s31 =	sadd.s32 s6, s16;
	s11 =	sshrl.u32 s11, $0x3  }
0xc: {  	s19 =	sadd.s32 s6, s17;
	s23 =	sshrl.u32 s13, $0x3;
	s11 =	sadd.s32 s5, s11  }
0xd: {  	s13 =	sshrl.u32 s31, $0x3;
	s24 =	sadd.s32 s5, s23;
	[dreg:$0x4] =	wrdreg s11  }
0xe: {  	s20 =	sadd.s32 s6, s25;
	s14 =	sadd.s32 s5, s13;
	[dreg:$0x7] =	wrdreg s24  }
0xf: {  	s2 =	sadd.s32 s2, s4;
	s11 =	sshrl.u32 s21, $0x3;
	[dreg:$0xa] =	wrdreg s14  }
0x10: {  	s22 =	sshrl.u32 s12, $0x3;
	s14 =	rddreg [dreg:$0x2];
	s11 =	sadd.s32 s5, s11  }
0x11: {  	s2 =	sor.u32 $0x500, s2;
	[dreg:$0x5] =	wrdreg s11;
	s11 =	sadd.s32 s5, s22  }
0x12: {  	s2 =	sshrl.u32 s2, $0x3;
	s22 =	sshrl.u32 s7, $0x3;
	[dreg:$0x6] =	wrdreg s11  }
0x13: {  	s11 =	sshrl.u32 s28, $0x3;
	s4 =	sadd.s32 s1, s22;
	s1 =	sadd.s32 s2, s1  }
0x14: {  	s12 =	sshrl.u32 s30, $0x3;
	s11 =	sadd.s32 s5, s11;
	[dreg:$0xf] =	wrdreg s1  }
0x15: {  	[dreg:$0x8] =	wrdreg s11;
	s11 =	sadd.s32 s5, s12;
	s12 =	sshrl.u32 s20, $0x3  }
0x16: {  	s6 =	sadd.s32 s6, s26;
	[dreg:$0x9] =	wrdreg s11;
	s21 =	sadd.s32 s5, s12  }
0x17: {  	s11 =	sshrl.u32 s19, $0x3;
	s12 =	simm.s32 $0x0;
	[dreg:$0xc] =	wrdreg s21  }
0x18: {  	s6 =	sshrl.u32 s6, $0x3;
	s11 =	sadd.s32 s5, s11;
	[smem:$0x7FF] =	sst s12  }
0x19: {  	s5 =	sadd.s32 s5, s6;
	[dreg:$0xb] =	wrdreg s11  }
0x1a: {  	s0 =	smax.u32 s0, $0x1;
	[dreg:$0xd] =	wrdreg s5  }
0x1b: {  	s23 =	smul.u32 $0x50000, s18;
	s18 =	sadd.s32 s26, s14;
	s11 =	rddreg [dreg:$0x0]  }
0x1c: {  	s26 =	sadd.s32 $0x20, s4;
	_ =	strace $0x80000047;
	[dreg:$0x14] =	wrdreg s0  }
0x1d: {  	s28 =	sadd.s32 $0x40, s4;
	[dreg:$0x15] =	wrdreg s26  }
0x1e: {  	s29 =	simm.s32 $0x0;
	s30 =	sadd.s32 $0x60, s4;
	[dreg:$0x16] =	wrdreg s28  }
0x1f: {  	s24 =	sshrl.u32 s23, $0x2;
	s3 =	sadd.s32 s3, s14;
	[dreg:$0x17] =	wrdreg s30  }
0x20: {  	s10 =	sadd.s32 s10, s14;
	s31 =	sadd.s32 $0x80, s4;
	[dreg:$0xe] =	wrdreg s4  }
0x21: {  	s13 =	sadd.s32 s15, s14;
	s15 =	sadd.s32 s16, s14;
	[dreg:$0x18] =	wrdreg s31  }
0x22: {  	s16 =	sadd.s32 s17, s14;
	s17 =	sadd.s32 s25, s14;
	[dreg:$0x10] =	wrdreg s15  }
0x23: {  	s7 =	sadd.s32 s9, s14;
	s9 =	simm.s32 $0x12;
	[dreg:$0x11] =	wrdreg s16  }
0x24: {  	s6 =	sadd.s32 s8, s14;
	s8 =	simm.s32 $0x8700;
	[dreg:$0x12] =	wrdreg s17  }
0x25: {  	v0 =	vimm.f32 $0.0e+00;
	s5 =	sadd.s32 s24, s14;
	s4 =	simm.s32 $0x40;
	[dreg:$0x13] =	wrdreg s18  }
.LBB2_1:
0x26: {  	s0 =	rddreg [dreg:$0xe]  }
0x27: {  	[tilespmem:s12], [sflag:$0x1] =	stream.linear.gather [hbm4b:s0+s12], $0x100, $0x38;
	[tilespmem:$0x1E700] =	vst v63  }
0x28: {  	s2 =	rddreg [dreg:$0x15];
	s1 =	simm.s32 $0x100  }
0x29: {  	[tilespmem:s1], [sflag:$0x2] =	stream.linear.gather [hbm4b:s2+s12], $0x100, $0x38;
	[tilespmem:$0x1E700] =	vst v63  }
0x2a: {  	s19 =	rddreg [dreg:$0x16];
	s2 =	simm.s32 $0x200  }
0x2b: {  	[tilespmem:s2], [sflag:$0x3] =	stream.linear.gather [hbm4b:s19+s12], $0x100, $0x38;
	[tilespmem:$0x1E700] =	vst v63  }
0x2c: {  	s20 =	rddreg [dreg:$0x17];
	s19 =	simm.s32 $0x300  }
0x2d: {  	[tilespmem:s19], [sflag:$0x4] =	stream.linear.gather [hbm4b:s20+s12], $0x100, $0x38;
	[tilespmem:$0x1E700] =	vst v63  }
0x2e: {  	s21 =	rddreg [dreg:$0x18];
	s22 =	simm.s32 $0x1;
	s20 =	simm.s32 $0x400  }
0x2f: {  	[tilespmem:s20], [sflag:$0x5] =	stream.linear.gather [hbm4b:s21+s12], $0x100, $0x38;
	[tilespmem:$0x1E700] =	vst v63  }
0x30: {  	_ =	swait.ge [sflag:s22], $0x100  }
0x31: {  	[sflag:s22] =	ssyncset.done $0x0  }
0x32: {  	s23 =	simm.s32 $0x700;
	s24 =	simm.s32 $0x2;
	[sflag:s22] =	ssyncadd.s32 $0xFFFFFF00  }
0x33: {  	[tilespmem:s23], [sflag:$0x8] =	stream.indirect.gather [hbm4b:s11+s4], $0x80, s12, s4, $0xb8;
	[tilespmem:$0x1E700] =	vst v63  }
0x34: {  	_ =	swait.ge [sflag:s24], $0x100  }
0x35: {  	[sflag:s24] =	ssyncset.done $0x0  }
0x36: {  	s25 =	simm.s32 $0x2700;
	s26 =	simm.s32 $0x3;
	[sflag:s24] =	ssyncadd.s32 $0xFFFFFF00  }
0x37: {  	[tilespmem:s25], [sflag:$0x9] =	stream.indirect.gather [hbm4b:s11+s4], $0x80, s1, s4, $0xb8;
	[tilespmem:$0x1E700] =	vst v63  }
0x38: {  	_ =	swait.ge [sflag:s26], $0x100  }
0x39: {  	[sflag:s26] =	ssyncset.done $0x0  }
0x3a: {  	s28 =	simm.s32 $0x4700;
	s30 =	simm.s32 $0x4;
	[sflag:s26] =	ssyncadd.s32 $0xFFFFFF00  }
0x3b: {  	[tilespmem:s28], [sflag:$0xA] =	stream.indirect.gather [hbm4b:s11+s4], $0x80, s2, s4, $0xb8;
	[tilespmem:$0x1E700] =	vst v63  }
0x3c: {  	_ =	swait.ge [sflag:s30], $0x100  }
0x3d: {  	s31 =	simm.s32 $0x6700;
	[sflag:s30] =	ssyncset.done $0x0  }
0x3e: {  	s0 =	simm.s32 $0x0;
	s1 =	simm.s32 $0x200;
	[sflag:s30] =	ssyncadd.s32 $0xFFFFFF00  }
0x3f: {  	[tilespmem:s31], [sflag:$0xB] =	stream.indirect.gather [hbm4b:s11+s4], $0x80, s19, s4, $0xb8;
	[tilespmem:$0x1E700] =	vst v63  }
.LBB2_2:
0x40: {  	p0 =	sne.s32 s1, $0x7E00;
	[tilespmem:s0+$0x8770] =	vst v0  }
0x41: {  	[tilespmem:s0+$0x8700] =	vst v0  }
0x42: {  	[tilespmem:s0+$0x8710] =	vst v0  }
.Ltmp0:
0x43: {  	[tilespmem:s0+$0x8720] =	vst v0;
	(pc) =	sbr.rel @p0 .LBB2_2-.Ltmp0, $4  }
0x44: {  	[tilespmem:s0+$0x8730] =	vst v0  }
0x45: {  	[tilespmem:s0+$0x8740] =	vst v0  }
0x46: {  	[tilespmem:s0+$0x8750] =	vst v0  }
0x47: {  	[tilespmem:s0+$0x8760] =	vst v0;
	s0 =	sshra.s32 s1, $0x2;
	s1 =	sadd.s32 $0x200, s1  }
0x48: {  	[tilespmem:s0+$0x8770] =	vst v0  }
0x49: {  	[tilespmem:s0+$0x8700] =	vst v0  }
0x4a: {  	[tilespmem:s0+$0x8710] =	vst v0  }
0x4b: {  	[tilespmem:s0+$0x8720] =	vst v0  }
0x4c: {  	[tilespmem:s0+$0x8730] =	vst v0  }
0x4d: {  	[tilespmem:s0+$0x8740] =	vst v0  }
0x4e: {  	[tilespmem:s0+$0x8750] =	vst v0  }
0x4f: {  	[tilespmem:s0+$0x8760] =	vst v0  }
0x50: {  	[spmem:s5] =	stream.linear.scatter [tilespmem:s8], [sflag:$0x12], $0x2000, $0x38;
	[tilespmem:$0x1E700] =	vst v63  }
0x51: {  	_ = 	snop  }
0x52: {  	[spmem:s3] =	stream.linear.scatter [tilespmem:s8], [sflag:$0x12], $0x2000, $0x38;
	[tilespmem:$0x1E700] =	vst v63  }
0x53: {  	_ = 	snop  }
0x54: {  	[spmem:s6] =	stream.linear.scatter [tilespmem:s8], [sflag:$0x12], $0x2000, $0x38;
	[tilespmem:$0x1E700] =	vst v63  }
0x55: {  	_ = 	snop  }
0x56: {  	[spmem:s7] =	stream.linear.scatter [tilespmem:s8], [sflag:$0x12], $0x2000, $0x38;
	[tilespmem:$0x1E700] =	vst v63  }
0x57: {  	_ = 	snop  }
0x58: {  	[spmem:s10] =	stream.linear.scatter [tilespmem:s8], [sflag:$0x12], $0x2000, $0x38;
	[tilespmem:$0x1E700] =	vst v63  }
0x59: {  	_ = 	snop  }
0x5a: {  	[spmem:s13] =	stream.linear.scatter [tilespmem:s8], [sflag:$0x12], $0x2000, $0x38;
	[tilespmem:$0x1E700] =	vst v63  }
0x5b: {  	_ = 	snop  }
0x5c: {  	[spmem:s15] =	stream.linear.scatter [tilespmem:s8], [sflag:$0x12], $0x2000, $0x38;
	[tilespmem:$0x1E700] =	vst v63  }
0x5d: {  	_ = 	snop  }
0x5e: {  	[spmem:s16] =	stream.linear.scatter [tilespmem:s8], [sflag:$0x12], $0x2000, $0x38;
	[tilespmem:$0x1E700] =	vst v63  }
0x5f: {  	_ = 	snop  }
0x60: {  	[spmem:s17] =	stream.linear.scatter [tilespmem:s8], [sflag:$0x12], $0x2000, $0x38;
	[tilespmem:$0x1E700] =	vst v63  }
0x61: {  	p0 =	por $0x0, $0x0  }
0x62: {  	[spmem:s18] =	stream.linear.scatter [tilespmem:s8], [sflag:$0x12], $0x2000, $0x38;
	[tilespmem:$0x1E700] =	vst v63  }
0x63: {  	s0 =	simm.s32 @!p0 $0x5;
	_ =	swait.ge [sflag:s9], $0x2000  }
0x64: {  	s0 =	smul.u32 @!p0 $0x25, s0;
	[sflag:s9] =	ssyncset.done $0x0  }
0x65: {  	s21 =	smov.u32 s5;
	s22 =	smov.u32 s3;
	[sflag:s9] =	ssyncadd.s32 $0xFFFFE000  }
0x66: {  	s23 =	smov.u32 s6;
	s0 =	sshrl.u32 @!p0 s0, $0x8;
	_ =	swait.ge [sflag:s9], $0x2000  }
0x67: {  	s24 =	smov.u32 s7;
	s2 =	ssub.s32 @!p0 $0x5, s0;
	[sflag:s9] =	ssyncset.done $0x0  }
0x68: {  	s25 =	smov.u32 s10;
	s2 =	sand.u32 @!p0 $0xFE, s2;
	[sflag:s9] =	ssyncadd.s32 $0xFFFFE000  }
0x69: {  	s26 =	smov.u32 s13;
	s2 =	sshrl.u32 @!p0 s2, $0x1;
	_ =	swait.ge [sflag:s9], $0x2000  }
0x6a: {  	s1 =	simm.s32 $0x0;
	s0 =	sadd.s32 @!p0 s0, s2;
	[sflag:s9] =	ssyncset.done $0x0  }
0x6b: {  	s30 =	simm.s32 $0x1;
	s0 =	sand.u32 @!p0 $0xFC, s0;
	[sflag:s9] =	ssyncadd.s32 $0xFFFFE000  }
0x6c: {  	p1 =	por $0x0, $0x0;
	s0 =	sshrl.u32 @!p0 s0, $0x2;
	_ =	swait.ge [sflag:s9], $0x2000  }
0x6d: {  	p2 =	por @!p1 $0x1, $0x1;
	s0 =	smul.u32 @!p0 $0x7, s0;
	[sflag:s9] =	ssyncset.done $0x0  }
0x6e: {  	p2 =	por p2, p1;
	s15 =	simm.s32 @!p1 $0x4;
	[sflag:s9] =	ssyncadd.s32 $0xFFFFE000  }
0x6f: {  	s0 =	ssub.s32 @!p0 $0x5, s0;
	s5 =	sand.u32 @!p1 $0xFF, s15;
	_ =	swait.ge [sflag:s9], $0x2000  }
0x70: {  	s0 =	sand.u32 @!p0 $0xFF, s0;
	s16 =	smul.u32 @!p1 $0x25, s5;
	[sflag:s9] =	ssyncset.done $0x0  }
0x71: {  	s6 =	sshll.u32 @!p0 s0, $0x8;
	s18 =	smul.u32 $0x25, s1;
	[sflag:s9] =	ssyncadd.s32 $0xFFFFE000  }
0x72: {  	s7 =	sadd.s32 @!p0 $0x1, s0;
	s1 =	smul.u32 $0xCD, s1;
	_ =	swait.ge [sflag:s9], $0x2000  }
0x73: {  	s16 =	sshrl.u32 @!p1 s16, $0x8;
	s3 =	sshrl.u32 s18, $0x8;
	[sflag:s9] =	ssyncset.done $0x0  }
0x74: {  	s1 =	sshrl.u32 s1, $0xA;
	s19 =	ssub.s32 $0x0, s3;
	[sflag:s9] =	ssyncadd.s32 $0xFFFFE000  }
0x75: {  	s1 =	sand.u32 $0x3F, s1;
	s2 =	sand.u32 $0xFE, s19;
	_ =	swait.ge [sflag:s9], $0x2000  }
0x76: {  	s1 =	smul.u32 $0x5, s1;
	s2 =	sshrl.u32 s2, $0x1;
	[sflag:s9] =	ssyncset.done $0x0  }
0x77: {  	s17 =	smul.u32 @!p1 $0xCD, s5;
	s2 =	sadd.s32 s3, s2;
	[sflag:s9] =	ssyncadd.s32 $0xFFFFE000  }
0x78: {  	s3 =	simm.s32 @!p2 $0xFFFFFFFF;
	s1 =	ssub.s32 $0x0, s1;
	_ =	swait.ge [sflag:s9], $0x2000  }
0x79: {  	s2 =	sand.u32 $0xFC, s2;
	s3 =	sand.u32 @!p2 $0xFF, s3;
	[sflag:s9] =	ssyncset.done $0x0  }
0x7a: {  	s2 =	sshrl.u32 s2, $0x2;
	s3 =	smul.u32 @!p2 $0xCD, s3;
	[sflag:s9] =	ssyncadd.s32 $0xFFFFE000  }
0x7b: {  	s10 =	sand.u32 $0xFF, s1;
	s2 =	smul.u32 $0x7, s2;
	_ =	swait.ge [sflag:s9], $0x2000  }
0x7c: {  	s28 =	sshll.u32 s10, $0xD;
	s1 =	sshrl.u32 @!p2 s3, $0xA;
	[sflag:s9] =	ssyncset.done $0x0  }
0x7d: {  	s20 =	ssub.s32 $0x0, s2;
	s2 =	ssub.s32 @!p1 $0x4, s16;
	[sflag:s9] =	ssyncadd.s32 $0xFFFFE000  }
0x7e: {  	s3 =	smul.u32 @!p2 $0x5, s1;
	s2 =	sand.u32 @!p1 $0xFE, s2;
	_ =	swait.ge [sflag:s9], $0x2000  }
0x7f: {  	s1 =	sor.u32 $0x8, s10;
	s2 =	sshrl.u32 @!p1 s2, $0x1;
	[sflag:s9] =	ssyncset.done $0x0  }
0x80: {  	s2 =	sadd.s32 @!p1 s16, s2;
	p1 =	por p1, p1;
	[sflag:s9] =	ssyncadd.s32 $0xFFFFE000  }
0x81: {  	s0 =	sand.u32 $0xFF, s20;
	s16 =	sshrl.u32 @!p1 s2, $0x2;
	[bflag:$0x0] =	sbarrier.arrive $0xFFFF  }
0x82: {  	s2 =	sshrl.u32 @!p1 s17, $0xA;
	s17 =	smul.u32 @!p1 $0x7, s16;
	s16 =	rddreg [dreg:$0xf]  }
0x83: {  	s5 =	ssub.s32 @!p2 $0xFFFFFFFF, s3;
	s3 =	simm.s32 @!p0 $0x0;
	s31 =	sadd.s32 $0x20, s16  }
.LBB2_4:
0x84: {  	[tilespmem:s6], [sflag:s7] =	stream.linear.gather @!p0 [hbm4b:s16+s3], $0x100, $0x38;
	[tilespmem:$0x1E700] =	vst v63  }
0x85: {  	s3 =	smov.u32 s30;
	s16 =	smov.u32 s31  }
0x86: {  	s6 =	sadd.s32 $0xD, s10;
	s2 =	smul.u32 @!p1 $0x5, s2;
	s7 =	ssub.s32 @!p1 s15, s17  }
0x87: {  	s0 =	sshll.u32 s0, $0x8;
	_ =	swait.ge [sflag:s1], $0x2000;
	s7 =	sand.u32 @!p1 $0xFF, s7  }
0x88: {  	s10 =	sor.u32 $0x700, s28;
	s5 =	sand.u32 @!p2 $0xFF, s5;
	[sflag:s1] =	ssyncset.done $0x0  }
0x89: {  	s0 =	sor.u32 $0x80, s0;
	[sflag:s1] =	ssyncadd.s32 $0xFFFFE000;
	s1 =	sadd.s32 @!p2 $0xD, s5  }
0x8a: {  	[spmem:s14] =	stream.indirect.scatter.add.f32 [tilespmem:s10], [sflag:s6], $0x80, s0, s4, $0xb8;
	[tilespmem:$0x1E700] =	vst v63  }
0x8b: {  	p0 =	sgt.u32 s30, $0x9A;
	s5 =	sshll.u32 @!p1 s7, $0x8;
	_ =	swait.ge @!p2 [sflag:s1], $0x2000  }
0x8c: {  	s2 =	ssub.s32 @!p1 s15, s2;
	s0 =	sadd.s32 @!p0 $0x5, s30;
	[sflag:s1] =	ssyncset.done @!p2 $0x0  }
0x8d: {  	s6 =	smul.u32 @!p0 $0x25, s0;
	[sflag:s1] =	ssyncadd.s32 @!p2 $0xFFFFE000;
	s1 =	sadd.s32 @!p1 $0x1, s7  }
0x8e: {  	s2 =	sand.u32 @!p1 $0xFF, s2;
	s30 =	sadd.s32 $0x1, s30;
	_ =	swait.ge @!p1 [sflag:s1], $0x100  }
0x8f: {  	s6 =	sshrl.u32 @!p0 s6, $0x8;
	s7 =	sshll.u32 @!p1 s2, $0xD;
	[sflag:s1] =	ssyncset.done @!p1 $0x0  }
0x90: {  	s15 =	smul.u32 $0x25, s3;
	s10 =	ssub.s32 @!p0 s0, s6;
	[sflag:s1] =	ssyncadd.s32 @!p1 $0xFFFFFF00  }
0x91: {  	s2 =	sor.u32 @!p1 $0x8, s2;
	s17 =	sor.u32 @!p1 $0x700, s7;
	s1 =	sand.u32 @!p0 $0xFE, s10  }
0x92: {  	p3 =	sne.s32 s30, $0xA0;
	s7 =	sshrl.u32 s15, $0x8;
	s1 =	sshrl.u32 @!p0 s1, $0x1  }
0x93: {  	s1 =	sadd.s32 @!p0 s6, s1;
	s6 =	ssub.s32 s3, s7  }
0x94: {  	s10 =	smul.u32 $0xCD, s3;
	s1 =	sand.u32 @!p0 $0xFC, s1;
	s6 =	sand.u32 $0xFE, s6  }
0x95: {  	p4 =	sgt.u32 s3, $0x9B;
	s1 =	sshrl.u32 @!p0 s1, $0x2;
	s6 =	sshrl.u32 s6, $0x1  }
0x96: {  	s10 =	sshrl.u32 s10, $0xA;
	s1 =	smul.u32 @!p0 $0x7, s1;
	s6 =	sadd.s32 s7, s6  }
0x97: {  	p2 =	seq.s32 @!p4 s3, $0x0;
	s10 =	sand.u32 $0x3F, s10;
	s6 =	sand.u32 $0xFC, s6  }
0x98: {  	p2 =	por p2, p4;
	s0 =	ssub.s32 @!p0 s0, s1;
	s1 =	sshrl.u32 s6, $0x2  }
0x99: {  	s28 =	sadd.s32 @!p2 $0xFFFFFFFF, s3;
	s0 =	sand.u32 @!p0 $0xFF, s0;
	s1 =	smul.u32 $0x7, s1  }
0x9a: {  	s15 =	sadd.s32 @!p4 $0x4, s3;
	s6 =	sshll.u32 @!p0 s0, $0x8;
	s7 =	sadd.s32 @!p0 $0x1, s0  }
0x9b: {  	s18 =	sand.u32 @!p4 $0xFF, s15;
	s0 =	smul.u32 $0x5, s10;
	s10 =	sand.u32 @!p2 $0xFF, s28  }
0x9c: {  	s13 =	smul.u32 @!p4 $0x25, s18  }
0x9d: {  	s20 =	simm.s32 @!p1 $0x40;
	s19 =	smul.u32 @!p2 $0xCD, s10;
	s0 =	ssub.s32 s3, s0  }
0x9e: {  	s10 =	sand.u32 $0xFF, s0;
	s0 =	ssub.s32 s3, s1;
	s3 =	sshrl.u32 @!p4 s13, $0x8  }
0x9f: {  	s13 =	sshrl.u32 @!p2 s19, $0xA;
	s0 =	sand.u32 $0xFF, s0;
	s19 =	ssub.s32 @!p4 s15, s3  }
0xa0: {  	s1 =	sor.u32 $0x8, s10;
	s13 =	smul.u32 @!p2 $0x5, s13;
	s19 =	sand.u32 @!p4 $0xFE, s19  }
0xa1: {  	[tilespmem:s17], [sflag:s2] =	stream.indirect.gather @!p1 [hbm4b:s11+s20], $0x80, s5, s20, $0xb8;
	[tilespmem:$0x1E700] =	vst v63  }
.Ltmp1:
0xa2: {  	_ = 	snop;
	(pc) =	sbr.rel @p3 .LBB2_4-.Ltmp1, $4  }
0xa3: {  	s5 =	ssub.s32 @!p2 s28, s13;
	s2 =	sshrl.u32 @!p4 s19, $0x1;
	s13 =	smul.u32 @!p4 $0xCD, s18  }
0xa4: {  	s28 =	sshll.u32 s10, $0xD;
	p1 =	por p4, p4;
	s2 =	sadd.s32 @!p4 s3, s2  }
0xa5: {  	s17 =	sshrl.u32 @!p1 s2, $0x2;
	s2 =	sshrl.u32 @!p1 s13, $0xA  }
0xa6: {  	s31 =	sadd.s32 $0x20, s31;
	s3 =	simm.s32 @!p0 $0x0;
	s17 =	smul.u32 @!p1 $0x7, s17  }
0xa7: {  	[tilespmem:s6], [sflag:s7] =	stream.linear.gather @!p0 [hbm4b:s16+s3], $0x100, $0x38;
	[tilespmem:$0x1E700] =	vst v63  }
0xa8: {  	_ =	swait.ge [sflag:s1], $0x2000  }
0xa9: {  	s0 =	sshll.u32 s0, $0x8;
	s3 =	sadd.s32 $0xD, s10;
	[sflag:s1] =	ssyncset.done $0x0  }
0xaa: {  	s6 =	sor.u32 $0x700, s28;
	s0 =	sor.u32 $0x80, s0;
	[sflag:s1] =	ssyncadd.s32 $0xFFFFE000  }
0xab: {  	[spmem:s14] =	stream.indirect.scatter.add.f32 [tilespmem:s6], [sflag:s3], $0x80, s0, s4, $0xb8;
	[tilespmem:$0x1E700] =	vst v63  }
0xac: {  	s0 =	sand.u32 @!p2 $0xFF, s5  }
0xad: {  	s2 =	smul.u32 @!p1 $0x5, s2;
	s0 =	sadd.s32 @!p2 $0xD, s0  }
0xae: {  	s1 =	ssub.s32 @!p1 s15, s17;
	_ =	swait.ge @!p2 [sflag:s0], $0x2000  }
0xaf: {  	s2 =	ssub.s32 @!p1 s15, s2;
	s1 =	sand.u32 @!p1 $0xFF, s1;
	[sflag:s0] =	ssyncset.done @!p2 $0x0  }
0xb0: {  	s2 =	sand.u32 @!p1 $0xFF, s2;
	[sflag:s0] =	ssyncadd.s32 @!p2 $0xFFFFE000;
	s0 =	sadd.s32 @!p1 $0x1, s1  }
0xb1: {  	s7 =	simm.s32 $0xD;
	s3 =	sshll.u32 @!p1 s2, $0xD;
	_ =	swait.ge @!p1 [sflag:s0], $0x100  }
0xb2: {  	s2 =	sor.u32 @!p1 $0x8, s2;
	s1 =	sshll.u32 @!p1 s1, $0x8;
	[sflag:s0] =	ssyncset.done @!p1 $0x0  }
0xb3: {  	[sflag:s0] =	ssyncadd.s32 @!p1 $0xFFFFFF00;
	s0 =	sor.u32 @!p1 $0x700, s3;
	s3 =	simm.s32 @!p1 $0x40  }
0xb4: {  	[tilespmem:s0], [sflag:s2] =	stream.indirect.gather @!p1 [hbm4b:s11+s3], $0x80, s1, s3, $0xb8;
	[tilespmem:$0x1E700] =	vst v63  }
0xb5: {  	_ =	swait.ge [sflag:s7], $0x2000  }
0xb6: {  	[sflag:s7] =	ssyncset.done $0x0  }
0xb7: {  	s10 =	simm.s32 $0xE;
	[sflag:s7] =	ssyncadd.s32 $0xFFFFE000  }
0xb8: {  	_ =	swait.ge [sflag:s10], $0x2000  }
0xb9: {  	[sflag:s10] =	ssyncset.done $0x0  }
0xba: {  	s13 =	simm.s32 $0xF;
	[sflag:s10] =	ssyncadd.s32 $0xFFFFE000  }
0xbb: {  	_ =	swait.ge [sflag:s13], $0x2000  }
0xbc: {  	[sflag:s13] =	ssyncset.done $0x0  }
0xbd: {  	s15 =	simm.s32 $0x10;
	[sflag:s13] =	ssyncadd.s32 $0xFFFFE000  }
0xbe: {  	_ =	swait.ge [sflag:s15], $0x2000  }
0xbf: {  	[sflag:s15] =	ssyncset.done $0x0  }
0xc0: {  	s16 =	simm.s32 $0x11;
	[sflag:s15] =	ssyncadd.s32 $0xFFFFE000  }
0xc1: {  	_ =	swait.ge [sflag:s16], $0x2000  }
0xc2: {  	[sflag:s16] =	ssyncset.done $0x0  }
0xc3: {  	s17 =	stileid.u32;
	[sflag:s16] =	ssyncadd.s32 $0xFFFFE000  }
0xc4: {  	s0 =	sshll.u32 s17, $0x6;
	[bflag:$0x0] =	sbarrier.arrive $0xFFFF  }
0xc5: {  	s18 =	sshrl.u32 s21, $0x3;
	s0 =	sor.u32 $0x1C12, s0;
	s19 =	rddreg [dreg:$0x4]  }
0xc6: {  	[hbm:s19], [sflag:s0] =	dma.local [spmem:s18], $0x400  }
0xc7: {  	s20 =	sshrl.u32 s22, $0x3;
	s2 =	rddreg [dreg:$0x5]  }
0xc8: {  	[hbm:s2], [sflag:s0] =	dma.local [spmem:s20], $0x400  }
0xc9: {  	s5 =	smov.u32 s21;
	s21 =	sshrl.u32 s23, $0x3;
	s2 =	rddreg [dreg:$0x6]  }
0xca: {  	[hbm:s2], [sflag:s0] =	dma.local [spmem:s21], $0x400  }
0xcb: {  	s3 =	smov.u32 s22;
	s22 =	sshrl.u32 s24, $0x3;
	s2 =	rddreg [dreg:$0x7]  }
0xcc: {  	[hbm:s2], [sflag:s0] =	dma.local [spmem:s22], $0x400  }
0xcd: {  	s6 =	smov.u32 s23;
	s23 =	sshrl.u32 s25, $0x3;
	s2 =	rddreg [dreg:$0x8]  }
0xce: {  	[hbm:s2], [sflag:s0] =	dma.local [spmem:s23], $0x400  }
0xcf: {  	s7 =	smov.u32 s24;
	s24 =	sshrl.u32 s26, $0x3;
	s2 =	rddreg [dreg:$0x9]  }
0xd0: {  	[hbm:s2], [sflag:s0] =	dma.local [spmem:s24], $0x400  }
0xd1: {  	s15 =	rddreg [dreg:$0x10]  }
0xd2: {  	s10 =	smov.u32 s25;
	s2 =	rddreg [dreg:$0xa];
	s25 =	sshrl.u32 s15, $0x3  }
0xd3: {  	[hbm:s2], [sflag:s0] =	dma.local [spmem:s25], $0x400  }
0xd4: {  	s16 =	rddreg [dreg:$0x11]  }
0xd5: {  	s13 =	smov.u32 s26;
	s2 =	rddreg [dreg:$0xb];
	s26 =	sshrl.u32 s16, $0x3  }
0xd6: {  	[hbm:s2], [sflag:s0] =	dma.local [spmem:s26], $0x400  }
0xd7: {  	s17 =	rddreg [dreg:$0x12]  }
0xd8: {  	s2 =	rddreg [dreg:$0xc];
	s28 =	sshrl.u32 s17, $0x3  }
0xd9: {  	[hbm:s2], [sflag:s0] =	dma.local [spmem:s28], $0x400  }
0xda: {  	s18 =	rddreg [dreg:$0x13]  }
0xdb: {  	s2 =	rddreg [dreg:$0xd];
	s30 =	sshrl.u32 s18, $0x3  }
0xdc: {  	[hbm:s2], [sflag:s0] =	dma.local [spmem:s30], $0x400  }
0xdd: {  	_ =	swait.ge [sflag:s9], $0x400  }
0xde: {  	[sflag:s9] =	ssyncset.done $0x0  }
0xdf: {  	[sflag:s9] =	ssyncadd.s32 $0xFFFFFC00  }
0xe0: {  	_ =	swait.ge [sflag:s9], $0x400  }
0xe1: {  	[sflag:s9] =	ssyncset.done $0x0  }
0xe2: {  	[sflag:s9] =	ssyncadd.s32 $0xFFFFFC00  }
0xe3: {  	_ =	swait.ge [sflag:s9], $0x400  }
0xe4: {  	[sflag:s9] =	ssyncset.done $0x0  }
0xe5: {  	[sflag:s9] =	ssyncadd.s32 $0xFFFFFC00  }
0xe6: {  	_ =	swait.ge [sflag:s9], $0x400  }
0xe7: {  	[sflag:s9] =	ssyncset.done $0x0  }
0xe8: {  	[sflag:s9] =	ssyncadd.s32 $0xFFFFFC00  }
0xe9: {  	_ =	swait.ge [sflag:s9], $0x400  }
0xea: {  	[sflag:s9] =	ssyncset.done $0x0  }
0xeb: {  	[sflag:s9] =	ssyncadd.s32 $0xFFFFFC00  }
0xec: {  	_ =	swait.ge [sflag:s9], $0x400  }
0xed: {  	[sflag:s9] =	ssyncset.done $0x0  }
0xee: {  	[sflag:s9] =	ssyncadd.s32 $0xFFFFFC00  }
0xef: {  	_ =	swait.ge [sflag:s9], $0x400  }
0xf0: {  	[sflag:s9] =	ssyncset.done $0x0  }
0xf1: {  	[sflag:s9] =	ssyncadd.s32 $0xFFFFFC00  }
0xf2: {  	_ =	swait.ge [sflag:s9], $0x400  }
0xf3: {  	[sflag:s9] =	ssyncset.done $0x0  }
0xf4: {  	[sflag:s9] =	ssyncadd.s32 $0xFFFFFC00  }
0xf5: {  	_ =	swait.ge [sflag:s9], $0x400  }
0xf6: {  	[sflag:s9] =	ssyncset.done $0x0  }
0xf7: {  	[sflag:s9] =	ssyncadd.s32 $0xFFFFFC00  }
0xf8: {  	_ =	swait.ge [sflag:s9], $0x400  }
0xf9: {  	s29 =	sadd.s32 $0x1, s29;
	s31 =	rddreg [dreg:$0x14]  }
0xfa: {  	p0 =	sne.s32 s29, s31  }
.Ltmp2:
0xfb: {  	_ = 	snop;
	(pc) =	sbr.rel @p0 .LBB2_1-.Ltmp2, $3  }
0xfc: {  	_ =	sdelay $0x1  }
0xfd: {  	[sflag:s9] =	ssyncset.done $0x0  }
0xfe: {  	[sflag:s9] =	ssyncadd.s32 $0xFFFFFC00  }
0xff: {  	_ =	sfence.sel $0x180000  }
0x100: {  	[bflag:$0x0] =	sbarrier.arrive $0xFFFF  }
0x101: {  	_ =	strace $0x90000047  }
0x102: {  	s0 =	stileid.u32;
	[bflag:$0x2] =	sbarrier.arrive $0xFFFF  }
0x103: {  	p0 =	sne.s32 s0, $0x0;
	s0 =	rddreg [dreg:$0x3]  }
0x104: {  	s0 =	sadd.s32 @!p0 $0x100000, s0  }
0x105: {  	[sflag:s0] =	ssyncadd.tile.s32 @!p0 $0x1;
	_ =	shalt  }
.Lfunc_end2:
_tile_overlayer_lowered:
.L_overlay_start_2:
0x106: {  	(tag) =	ssettag $0x2  }
0x107: {  	s0 =	rddreg [dreg:$0x0];
	s2 =	stileid.u32  }
0x108: {  	s1 =	rddreg [dreg:$0x1];
	p0 =	sne.s32 s2, $0x0  }
0x109: {  	s3 =	rddreg [dreg:$0x2];
	[bflag:$0x3] =	sbarrier.arrive $0xFFFF;
	s2 =	simm.s32 @!p0 $0x1C13  }
0x10a: {  	[timem:s3], [sflag:s2] =	dma.local @!p0 [hbm:s0], s1  }
0x10b: {  	s0 =	simm.s32 @!p0 $0x13  }
0x10c: {  	_ =	swait.ge @!p0 [sflag:s0], s1  }
0x10d: {  	s1 =	ssub.s32 @!p0 $0x0, s1;
	[sflag:s0] =	ssyncset.done @!p0 $0x0  }
0x10e: {  	[sflag:s0] =	ssyncadd.s32 @!p0 s1  }
0x10f: {  	[bflag:$0x3] =	sbarrier.arrive $0xFFFF  }
0x110: {  	_ =	shalt  }

</sc_bundles>
